<compile_context>
chip_gen: v7x
topology: tpu7x:2x2x1
jax: 0.10.2.dev20260603
libtpu: 0.0.44.dev20260713+nightly
codegen_flags: <defaults>
</compile_context>

<pallas_src>
import functools

import jax
import jax.numpy as jnp
from jax import lax
from jax.experimental import pallas as pl
from jax.experimental.pallas import tpu as pltpu
from jax.experimental.pallas import tpu_sc as plsc

N = 16384
B = 64
BH = B // 2
NC = 2
NT = 16
LANES = 16

STREAM = 128
NSTREAM = 8
CH = STREAM * NSTREAM
CHUNKS = 17
KT = CH * CHUNKS
K_TOTAL = KT * NT
KROWS = K_TOTAL // STREAM
ROWS_PER_TILE = N // NT


def _sc_body(x_hbm, rows_hbm, cols_hbm, w_hbm, zeros_hbm, out_hbm,
             idx_r, idx_c, w_v, gath, acc, gsem, ssem, rsem):
    c = lax.axis_index("c")
    s = lax.axis_index("s")

    pltpu.sync_copy(zeros_hbm.at[pl.ds(s * ROWS_PER_TILE, ROWS_PER_TILE)],
                    acc.at[pl.ds(s * ROWS_PER_TILE, ROWS_PER_TILE)])
    plsc.subcore_barrier()

    def chunk_body(ch, carry):
        rowbase = s * (CHUNKS * NSTREAM) + ch * NSTREAM
        pltpu.sync_copy(cols_hbm.at[pl.ds(rowbase, NSTREAM)], idx_c)
        pltpu.sync_copy(w_hbm.at[pl.ds(rowbase, NSTREAM)], w_v)
        pltpu.make_async_copy(rows_hbm.at[c, pl.ds(0, NSTREAM)], idx_r,
                              rsem).wait()

        copies = []
        for j in range(NSTREAM):
            copies.append(pltpu.async_copy(
                x_hbm.at[idx_r.at[j]],
                gath.at[pl.ds(j * STREAM, STREAM)], gsem))
        for cp in copies:
            cp.wait()

        nxtbase = s * (CHUNKS * NSTREAM) + jnp.minimum(ch + 1, CHUNKS - 1) * NSTREAM
        pltpu.async_copy(rows_hbm.at[c, pl.ds(nxtbase, NSTREAM)], idx_r,
                         rsem)

        adds = []
        for j in range(NSTREAM):
            def grp(gg, carry2, j=j):
                w16 = w_v[j, pl.ds(gg * LANES, LANES)]
                base = j * STREAM + gg * LANES
                for k in range(LANES):
                    wk = w16[k]
                    r = base + k
                    gath[r, pl.ds(0, LANES)] = gath[r, pl.ds(0, LANES)] * wk
                    gath[r, pl.ds(LANES, LANES)] = (
                        gath[r, pl.ds(LANES, LANES)] * wk)
                return carry2
            lax.fori_loop(0, STREAM // LANES, grp, 0)
            adds.append(pltpu.async_copy(
                gath.at[pl.ds(j * STREAM, STREAM)],
                acc.at[idx_c.at[j]], ssem, add=True))
        for cp in adds:
            cp.wait()
        return carry

    pltpu.async_copy(rows_hbm.at[c, pl.ds(s * (CHUNKS * NSTREAM), NSTREAM)],
                     idx_r, rsem)
    lax.fori_loop(0, CHUNKS, chunk_body, 0)
    pltpu.make_async_copy(rows_hbm.at[c, pl.ds(0, NSTREAM)], idx_r,
                          rsem).wait()

    plsc.subcore_barrier()
    pltpu.sync_copy(acc.at[pl.ds(s * ROWS_PER_TILE, ROWS_PER_TILE)],
                    out_hbm.at[c, pl.ds(s * ROWS_PER_TILE, ROWS_PER_TILE)])


@jax.jit
def _sparse_matmul(xstack, rows2, cols_r, w_r, zeros):
    mesh = plsc.VectorSubcoreMesh(core_axis_name="c", subcore_axis_name="s",
                                  num_cores=NC, num_subcores=NT)
    run = pl.kernel(
        _sc_body,
        out_type=jax.ShapeDtypeStruct((NC, N, BH), jnp.float32),
        mesh=mesh,
        scratch_types=[
            pltpu.VMEM((NSTREAM, STREAM), jnp.int32),
            pltpu.VMEM((NSTREAM, STREAM), jnp.int32),
            pltpu.VMEM((NSTREAM, STREAM), jnp.float32),
            pltpu.VMEM((CH, BH), jnp.float32),
            pltpu.VMEM_SHARED((N, BH), jnp.float32),
            pltpu.SemaphoreType.DMA,
            pltpu.SemaphoreType.DMA,
            pltpu.SemaphoreType.DMA,
        ],
        compiler_params=pltpu.CompilerParams(use_tc_tiling_on_sc=False),
    )
    return run(xstack, rows2, cols_r, w_r, zeros)


def kernel(inputs, w, indices):
    nnz = indices.shape[0]
    rows = indices[:, 0].astype(jnp.int32)
    cols = indices[:, 1].astype(jnp.int32)

    pad = K_TOTAL - nnz
    rows = jnp.pad(rows, (0, pad))
    cols = jnp.pad(cols, (0, pad))
    wp = jnp.pad(w.astype(jnp.float32), (0, pad))

    xT = inputs.astype(jnp.float32).T
    xstack = jnp.concatenate([xT[:, :BH], xT[:, BH:]], axis=0)

    rows2 = jnp.stack([rows, rows + N]).reshape(NC, KROWS, STREAM)
    cols_r = cols.reshape(KROWS, STREAM)
    w_r = wp.reshape(KROWS, STREAM)
    zeros = jnp.zeros((N, BH), jnp.float32)

    o = _sparse_matmul(xstack, rows2, cols_r, w_r, zeros)
    return jnp.concatenate([o[0], o[1]], axis=1).T

# --- scband reference (transcript-rebuilt; emitter-appended) ---
"""Pipeline reference for scband-sparse-layer-11879879543150 (READ-ONLY COPY).

The authoritative reference and input builder live on the scoring server;
editing this copy changes nothing except your own understanding.
"""

import jax, jax.numpy as jnp
import numpy as np

N = 16384
NNZ = 268435
B = 64

def setup_inputs(seed: int = 0) -> dict:
    key = jax.random.key(seed)
    k1, k2 = jax.random.split(key)
    # deterministic unique sparse coordinates (matches init indices construction)
    rng = np.random.default_rng(0)
    flat = np.unique(rng.integers(0, N * N, size=2 * NNZ, dtype=np.int64))[:NNZ]
    rows, cols = np.divmod(flat, N)
    indices = jnp.asarray(np.stack([rows, cols], axis=1), dtype=jnp.int64)
    inputs = jax.random.normal(k1, (B, N), dtype=jnp.float32)
    # learned sparse values w, shape (nnz,)
    w = jax.random.normal(k2, (NNZ,), dtype=jnp.float32) * 0.05
    return {"inputs": inputs, "w": w, "indices": indices}

def reference(inputs, w, indices):
    # Faithful translation of matmul_dense_sparse(inputs, SparseTensor(indices, w, [N, N])):
    # out = inputs @ sparse_mat, i.e. out[b, j] = sum_{k: cols[k]==j} w[k] * inputs[b, rows[k]]
    rows = indices[:, 0]
    cols = indices[:, 1]
    gathered = jnp.take(inputs, rows, axis=1)          # [B, NNZ] gather (SparseCore-friendly)
    contrib = gathered * w[None, :]                    # [B, NNZ]
    out = jax.ops.segment_sum(contrib.T, cols, num_segments=N).T  # scatter-add -> [B, N]
    return out

if __name__ == "__main__":
    import jax
    _d = setup_inputs()
    print(jax.jit(kernel)(*tuple(_d.values())))

</pallas_src>

<mosaic_0001>
#map = affine_map<(d0, d1) -> (0, 0)>
#map1 = affine_map<(d0, d1) -> (0, 0, 0)>
module attributes {stable_mosaic.version = 14 : i64} {
  func.func @_sc_body(%arg0: i32, %arg1: i32, %arg2: memref<32768x32xf32, #tpu.memory_space<hbm>>, %arg3: memref<2x2176x128xi32, #tpu.memory_space<hbm>>, %arg4: memref<2176x128xi32, #tpu.memory_space<hbm>>, %arg5: memref<2176x128xf32, #tpu.memory_space<hbm>>, %arg6: memref<16384x32xf32, #tpu.memory_space<hbm>>, %arg7: memref<2x16384x32xf32, #tpu.memory_space<hbm>>, %arg8: memref<8x128xi32, #tpu.memory_space<vmem>>, %arg9: memref<8x128xi32, #tpu.memory_space<vmem>>, %arg10: memref<8x128xf32, #tpu.memory_space<vmem>>, %arg11: memref<1024x32xf32, #tpu.memory_space<vmem>>, %arg12: memref<16384x32xf32, #tpu.memory_space<vmem_shared>>, %arg13: memref<!tpu.dma_semaphore, #tpu.memory_space<semaphore_mem>>, %arg14: memref<!tpu.dma_semaphore, #tpu.memory_space<semaphore_mem>>, %arg15: memref<!tpu.dma_semaphore, #tpu.memory_space<semaphore_mem>>) attributes {dimension_semantics = [#tpu.dimension_semantics<core_parallel>, #tpu.dimension_semantics<subcore_parallel>], iteration_bounds = array<i64: 2, 16>, scalar_prefetch = 0 : i64, scratch_operands = 8 : i64, tpu.core_type = #tpu.core_type<sc_vector_subcore>, window_params = [{transform_indices = #map}, {transform_indices = #map1}, {transform_indices = #map}, {transform_indices = #map}, {transform_indices = #map}, {transform_indices = #map1}]} {
    %mul3A = arith.constant 1024 : i32
    %mul3A_0 = arith.muli %arg1, %mul3A : i32
    %mul3A_1 = arith.constant 1024 : i32
    %mul3A_2 = arith.muli %arg1, %mul3A_1 : i32
    "tpu.region"() ({
      %run_scoped3A = tpu.sem_alloc : memref<!tpu.dma_semaphore, #tpu.memory_space<semaphore_mem>>
      %dma_start3A_27 = arith.constant 0 : i32
      %dma_start3A_28 = tpu.memref_slice %arg12[%mul3A_2, %dma_start3A_27] : memref<16384x32xf32, #tpu.memory_space<vmem_shared>> -> memref<1024x32xf32, #tpu.memory_space<vmem_shared>>
      %dma_start3A_29 = arith.constant 0 : i32
      %dma_start3A_30 = tpu.memref_slice %arg6[%mul3A_0, %dma_start3A_29] : memref<16384x32xf32, #tpu.memory_space<hbm>> -> memref<1024x32xf32, #tpu.memory_space<hbm>>
      tpu.enqueue_dma source(%dma_start3A_30 : memref<1024x32xf32, #tpu.memory_space<hbm>>) target(%dma_start3A_28 : memref<1024x32xf32, #tpu.memory_space<vmem_shared>>) target_semaphore(%run_scoped3A : memref<!tpu.dma_semaphore, #tpu.memory_space<semaphore_mem>>)
      %dma_wait3A_31 = arith.constant 0 : i32
      %dma_wait3A_32 = tpu.memref_slice %arg12[%mul3A_2, %dma_wait3A_31] : memref<16384x32xf32, #tpu.memory_space<vmem_shared>> -> memref<1024x32xf32, #tpu.memory_space<vmem_shared>>
      %dma_wait3A_33 = arith.constant 0 : i32
      %dma_wait3A_34 = tpu.memref_slice %arg6[%mul3A_0, %dma_wait3A_33] : memref<16384x32xf32, #tpu.memory_space<hbm>> -> memref<1024x32xf32, #tpu.memory_space<hbm>>
      tpu.wait_dma2 semaphore(%run_scoped3A : memref<!tpu.dma_semaphore, #tpu.memory_space<semaphore_mem>>) src(%dma_wait3A_34 : memref<1024x32xf32, #tpu.memory_space<hbm>>) dst(%dma_wait3A_32 : memref<1024x32xf32, #tpu.memory_space<vmem_shared>>)
      tpu.yield
    }) : () -> ()
    %barrier3A = arith.constant 0 : index
    tpu.barrier barrier_id(%barrier3A)
    %mul3A_3 = arith.constant 136 : i32
    %mul3A_4 = arith.muli %arg1, %mul3A_3 : i32
    %dma_start3A = arith.constant 0 : i32
    %dma_start3A_5 = tpu.memref_slice %arg3[%arg0, %mul3A_4, %dma_start3A] : memref<2x2176x128xi32, #tpu.memory_space<hbm>> -> memref<1x8x128xi32, #tpu.memory_space<hbm>>
    %dma_start3A_6 = tpu.memref_squeeze %dma_start3A_5 : memref<1x8x128xi32, #tpu.memory_space<hbm>> -> memref<8x128xi32, #tpu.memory_space<hbm>>
    %dma_start3A_7 = arith.constant 0 : i32
    %dma_start3A_8 = tpu.memref_slice %arg3[%arg0, %mul3A_4, %dma_start3A_7] : memref<2x2176x128xi32, #tpu.memory_space<hbm>> -> memref<1x8x128xi32, #tpu.memory_space<hbm>>
    %dma_start3A_9 = tpu.memref_squeeze %dma_start3A_8 : memref<1x8x128xi32, #tpu.memory_space<hbm>> -> memref<8x128xi32, #tpu.memory_space<hbm>>
    tpu.enqueue_dma source(%dma_start3A_9 : memref<8x128xi32, #tpu.memory_space<hbm>>) target(%arg8 : memref<8x128xi32, #tpu.memory_space<vmem>>) target_semaphore(%arg15 : memref<!tpu.dma_semaphore, #tpu.memory_space<semaphore_mem>>)
    %scan3A = arith.constant 0 : i32
    %scan3A_10 = arith.constant 0 : i32
    %scan3A_11 = arith.constant 17 : i32
    %scan3A_12 = arith.addi %scan3A_10, %scan3A_11 : i32
    %scan3A_13 = arith.constant 1 : i32
    scf.for %scan3A_27 = %scan3A_10 to %scan3A_12 step %scan3A_13  : i32 {
      %mul3A_28 = arith.constant 136 : i32
      %mul3A_29 = arith.muli %arg1, %mul3A_28 : i32
      %mul3A_30 = arith.constant 8 : i32
      %mul3A_31 = arith.muli %scan3A_27, %mul3A_30 : i32
      %add3A = arith.addi %mul3A_29, %mul3A_31 : i32
      "tpu.region"() ({
        %run_scoped3A = tpu.sem_alloc : memref<!tpu.dma_semaphore, #tpu.memory_space<semaphore_mem>>
        %dma_start3A_422 = arith.constant 0 : i32
        %dma_start3A_423 = tpu.memref_slice %arg4[%add3A, %dma_start3A_422] : memref<2176x128xi32, #tpu.memory_space<hbm>> -> memref<8x128xi32, #tpu.memory_space<hbm>>
        %dma_start3A_424 = arith.constant 0 : i32
        %dma_start3A_425 = tpu.memref_slice %arg4[%add3A, %dma_start3A_424] : memref<2176x128xi32, #tpu.memory_space<hbm>> -> memref<8x128xi32, #tpu.memory_space<hbm>>
        tpu.enqueue_dma source(%dma_start3A_425 : memref<8x128xi32, #tpu.memory_space<hbm>>) target(%arg9 : memref<8x128xi32, #tpu.memory_space<vmem>>) target_semaphore(%run_scoped3A : memref<!tpu.dma_semaphore, #tpu.memory_space<semaphore_mem>>)
        %dma_wait3A_426 = arith.constant 0 : i32
        %dma_wait3A_427 = tpu.memref_slice %arg4[%add3A, %dma_wait3A_426] : memref<2176x128xi32, #tpu.memory_space<hbm>> -> memref<8x128xi32, #tpu.memory_space<hbm>>
        %dma_wait3A_428 = arith.constant 0 : i32
        %dma_wait3A_429 = tpu.memref_slice %arg4[%add3A, %dma_wait3A_428] : memref<2176x128xi32, #tpu.memory_space<hbm>> -> memref<8x128xi32, #tpu.memory_space<hbm>>
        tpu.wait_dma2 semaphore(%run_scoped3A : memref<!tpu.dma_semaphore, #tpu.memory_space<semaphore_mem>>) src(%dma_wait3A_429 : memref<8x128xi32, #tpu.memory_space<hbm>>) dst(%arg9 : memref<8x128xi32, #tpu.memory_space<vmem>>)
        tpu.yield
      }) : () -> ()
      "tpu.region"() ({
        %run_scoped3A = tpu.sem_alloc : memref<!tpu.dma_semaphore, #tpu.memory_space<semaphore_mem>>
        %dma_start3A_422 = arith.constant 0 : i32
        %dma_start3A_423 = tpu.memref_slice %arg5[%add3A, %dma_start3A_422] : memref<2176x128xf32, #tpu.memory_space<hbm>> -> memref<8x128xf32, #tpu.memory_space<hbm>>
        %dma_start3A_424 = arith.constant 0 : i32
        %dma_start3A_425 = tpu.memref_slice %arg5[%add3A, %dma_start3A_424] : memref<2176x128xf32, #tpu.memory_space<hbm>> -> memref<8x128xf32, #tpu.memory_space<hbm>>
        tpu.enqueue_dma source(%dma_start3A_425 : memref<8x128xf32, #tpu.memory_space<hbm>>) target(%arg10 : memref<8x128xf32, #tpu.memory_space<vmem>>) target_semaphore(%run_scoped3A : memref<!tpu.dma_semaphore, #tpu.memory_space<semaphore_mem>>)
        %dma_wait3A_426 = arith.constant 0 : i32
        %dma_wait3A_427 = tpu.memref_slice %arg5[%add3A, %dma_wait3A_426] : memref<2176x128xf32, #tpu.memory_space<hbm>> -> memref<8x128xf32, #tpu.memory_space<hbm>>
        %dma_wait3A_428 = arith.constant 0 : i32
        %dma_wait3A_429 = tpu.memref_slice %arg5[%add3A, %dma_wait3A_428] : memref<2176x128xf32, #tpu.memory_space<hbm>> -> memref<8x128xf32, #tpu.memory_space<hbm>>
        tpu.wait_dma2 semaphore(%run_scoped3A : memref<!tpu.dma_semaphore, #tpu.memory_space<semaphore_mem>>) src(%dma_wait3A_429 : memref<8x128xf32, #tpu.memory_space<hbm>>) dst(%arg10 : memref<8x128xf32, #tpu.memory_space<vmem>>)
        tpu.yield
      }) : () -> ()
      %dma_wait3A_32 = arith.constant 0 : i32
      %dma_wait3A_33 = arith.constant 0 : i32
      %dma_wait3A_34 = tpu.memref_slice %arg3[%arg0, %dma_wait3A_32, %dma_wait3A_33] : memref<2x2176x128xi32, #tpu.memory_space<hbm>> -> memref<1x8x128xi32, #tpu.memory_space<hbm>>
      %dma_wait3A_35 = tpu.memref_squeeze %dma_wait3A_34 : memref<1x8x128xi32, #tpu.memory_space<hbm>> -> memref<8x128xi32, #tpu.memory_space<hbm>>
      %dma_wait3A_36 = arith.constant 0 : i32
      %dma_wait3A_37 = arith.constant 0 : i32
      %dma_wait3A_38 = tpu.memref_slice %arg3[%arg0, %dma_wait3A_36, %dma_wait3A_37] : memref<2x2176x128xi32, #tpu.memory_space<hbm>> -> memref<1x8x128xi32, #tpu.memory_space<hbm>>
      %dma_wait3A_39 = tpu.memref_squeeze %dma_wait3A_38 : memref<1x8x128xi32, #tpu.memory_space<hbm>> -> memref<8x128xi32, #tpu.memory_space<hbm>>
      tpu.wait_dma2 semaphore(%arg15 : memref<!tpu.dma_semaphore, #tpu.memory_space<semaphore_mem>>) src(%dma_wait3A_39 : memref<8x128xi32, #tpu.memory_space<hbm>>) dst(%arg8 : memref<8x128xi32, #tpu.memory_space<vmem>>)
      %dma_start3A_40 = arith.constant 0 : i32
      %dma_start3A_41 = arith.constant 0 : i32
      %dma_start3A_42 = arith.constant 0 : i32
      %dma_start3A_43 = tpu.memref_slice %arg11[%dma_start3A_41, %dma_start3A_42] : memref<1024x32xf32, #tpu.memory_space<vmem>> -> memref<128x32xf32, #tpu.memory_space<vmem>>
      %dma_start3A_44 = arith.constant 0 : i32
      %dma_start3A_45 = tpu.memref_slice %arg8[%dma_start3A_40, %dma_start3A_44] : memref<8x128xi32, #tpu.memory_space<vmem>> -> memref<1x128xi32, #tpu.memory_space<vmem>>
      %dma_start3A_46 = tpu.memref_squeeze %dma_start3A_45 : memref<1x128xi32, #tpu.memory_space<vmem>> -> memref<128xi32, #tpu.memory_space<vmem>>
      %dma_start3A_47 = arith.constant 0 : i32
      %dma_start3A_48 = arith.constant 0 : i32
      %dma_start3A_49 = tpu.memref_slice %arg2[%dma_start3A_47, %dma_start3A_48] : memref<32768x32xf32, #tpu.memory_space<hbm>> -> memref<32768x32xf32, #tpu.memory_space<hbm>>
      tpu.enqueue_indirect_dma source(%dma_start3A_49 : memref<32768x32xf32, #tpu.memory_space<hbm>>) target(%dma_start3A_43 : memref<128x32xf32, #tpu.memory_space<vmem>>) offsets(%dma_start3A_46 : memref<128xi32, #tpu.memory_space<vmem>>) semaphore(%arg13 : memref<!tpu.dma_semaphore, #tpu.memory_space<semaphore_mem>>)
      %dma_start3A_50 = arith.constant 1 : i32
      %dma_start3A_51 = arith.constant 128 : i32
      %dma_start3A_52 = arith.constant 0 : i32
      %dma_start3A_53 = tpu.memref_slice %arg11[%dma_start3A_51, %dma_start3A_52] : memref<1024x32xf32, #tpu.memory_space<vmem>> -> memref<128x32xf32, #tpu.memory_space<vmem>>
      %dma_start3A_54 = arith.constant 0 : i32
      %dma_start3A_55 = tpu.memref_slice %arg8[%dma_start3A_50, %dma_start3A_54] : memref<8x128xi32, #tpu.memory_space<vmem>> -> memref<1x128xi32, #tpu.memory_space<vmem>>
      %dma_start3A_56 = tpu.memref_squeeze %dma_start3A_55 : memref<1x128xi32, #tpu.memory_space<vmem>> -> memref<128xi32, #tpu.memory_space<vmem>>
      %dma_start3A_57 = arith.constant 0 : i32
      %dma_start3A_58 = arith.constant 0 : i32
      %dma_start3A_59 = tpu.memref_slice %arg2[%dma_start3A_57, %dma_start3A_58] : memref<32768x32xf32, #tpu.memory_space<hbm>> -> memref<32768x32xf32, #tpu.memory_space<hbm>>
      tpu.enqueue_indirect_dma source(%dma_start3A_59 : memref<32768x32xf32, #tpu.memory_space<hbm>>) target(%dma_start3A_53 : memref<128x32xf32, #tpu.memory_space<vmem>>) offsets(%dma_start3A_56 : memref<128xi32, #tpu.memory_space<vmem>>) semaphore(%arg13 : memref<!tpu.dma_semaphore, #tpu.memory_space<semaphore_mem>>)
      %dma_start3A_60 = arith.constant 2 : i32
      %dma_start3A_61 = arith.constant 256 : i32
      %dma_start3A_62 = arith.constant 0 : i32
      %dma_start3A_63 = tpu.memref_slice %arg11[%dma_start3A_61, %dma_start3A_62] : memref<1024x32xf32, #tpu.memory_space<vmem>> -> memref<128x32xf32, #tpu.memory_space<vmem>>
      %dma_start3A_64 = arith.constant 0 : i32
      %dma_start3A_65 = tpu.memref_slice %arg8[%dma_start3A_60, %dma_start3A_64] : memref<8x128xi32, #tpu.memory_space<vmem>> -> memref<1x128xi32, #tpu.memory_space<vmem>>
      %dma_start3A_66 = tpu.memref_squeeze %dma_start3A_65 : memref<1x128xi32, #tpu.memory_space<vmem>> -> memref<128xi32, #tpu.memory_space<vmem>>
      %dma_start3A_67 = arith.constant 0 : i32
      %dma_start3A_68 = arith.constant 0 : i32
      %dma_start3A_69 = tpu.memref_slice %arg2[%dma_start3A_67, %dma_start3A_68] : memref<32768x32xf32, #tpu.memory_space<hbm>> -> memref<32768x32xf32, #tpu.memory_space<hbm>>
      tpu.enqueue_indirect_dma source(%dma_start3A_69 : memref<32768x32xf32, #tpu.memory_space<hbm>>) target(%dma_start3A_63 : memref<128x32xf32, #tpu.memory_space<vmem>>) offsets(%dma_start3A_66 : memref<128xi32, #tpu.memory_space<vmem>>) semaphore(%arg13 : memref<!tpu.dma_semaphore, #tpu.memory_space<semaphore_mem>>)
      %dma_start3A_70 = arith.constant 3 : i32
      %dma_start3A_71 = arith.constant 384 : i32
      %dma_start3A_72 = arith.constant 0 : i32
      %dma_start3A_73 = tpu.memref_slice %arg11[%dma_start3A_71, %dma_start3A_72] : memref<1024x32xf32, #tpu.memory_space<vmem>> -> memref<128x32xf32, #tpu.memory_space<vmem>>
      %dma_start3A_74 = arith.constant 0 : i32
      %dma_start3A_75 = tpu.memref_slice %arg8[%dma_start3A_70, %dma_start3A_74] : memref<8x128xi32, #tpu.memory_space<vmem>> -> memref<1x128xi32, #tpu.memory_space<vmem>>
      %dma_start3A_76 = tpu.memref_squeeze %dma_start3A_75 : memref<1x128xi32, #tpu.memory_space<vmem>> -> memref<128xi32, #tpu.memory_space<vmem>>
      %dma_start3A_77 = arith.constant 0 : i32
      %dma_start3A_78 = arith.constant 0 : i32
      %dma_start3A_79 = tpu.memref_slice %arg2[%dma_start3A_77, %dma_start3A_78] : memref<32768x32xf32, #tpu.memory_space<hbm>> -> memref<32768x32xf32, #tpu.memory_space<hbm>>
      tpu.enqueue_indirect_dma source(%dma_start3A_79 : memref<32768x32xf32, #tpu.memory_space<hbm>>) target(%dma_start3A_73 : memref<128x32xf32, #tpu.memory_space<vmem>>) offsets(%dma_start3A_76 : memref<128xi32, #tpu.memory_space<vmem>>) semaphore(%arg13 : memref<!tpu.dma_semaphore, #tpu.memory_space<semaphore_mem>>)
      %dma_start3A_80 = arith.constant 4 : i32
      %dma_start3A_81 = arith.constant 512 : i32
      %dma_start3A_82 = arith.constant 0 : i32
      %dma_start3A_83 = tpu.memref_slice %arg11[%dma_start3A_81, %dma_start3A_82] : memref<1024x32xf32, #tpu.memory_space<vmem>> -> memref<128x32xf32, #tpu.memory_space<vmem>>
      %dma_start3A_84 = arith.constant 0 : i32
      %dma_start3A_85 = tpu.memref_slice %arg8[%dma_start3A_80, %dma_start3A_84] : memref<8x128xi32, #tpu.memory_space<vmem>> -> memref<1x128xi32, #tpu.memory_space<vmem>>
      %dma_start3A_86 = tpu.memref_squeeze %dma_start3A_85 : memref<1x128xi32, #tpu.memory_space<vmem>> -> memref<128xi32, #tpu.memory_space<vmem>>
      %dma_start3A_87 = arith.constant 0 : i32
      %dma_start3A_88 = arith.constant 0 : i32
      %dma_start3A_89 = tpu.memref_slice %arg2[%dma_start3A_87, %dma_start3A_88] : memref<32768x32xf32, #tpu.memory_space<hbm>> -> memref<32768x32xf32, #tpu.memory_space<hbm>>
      tpu.enqueue_indirect_dma source(%dma_start3A_89 : memref<32768x32xf32, #tpu.memory_space<hbm>>) target(%dma_start3A_83 : memref<128x32xf32, #tpu.memory_space<vmem>>) offsets(%dma_start3A_86 : memref<128xi32, #tpu.memory_space<vmem>>) semaphore(%arg13 : memref<!tpu.dma_semaphore, #tpu.memory_space<semaphore_mem>>)
      %dma_start3A_90 = arith.constant 5 : i32
      %dma_start3A_91 = arith.constant 640 : i32
      %dma_start3A_92 = arith.constant 0 : i32
      %dma_start3A_93 = tpu.memref_slice %arg11[%dma_start3A_91, %dma_start3A_92] : memref<1024x32xf32, #tpu.memory_space<vmem>> -> memref<128x32xf32, #tpu.memory_space<vmem>>
      %dma_start3A_94 = arith.constant 0 : i32
      %dma_start3A_95 = tpu.memref_slice %arg8[%dma_start3A_90, %dma_start3A_94] : memref<8x128xi32, #tpu.memory_space<vmem>> -> memref<1x128xi32, #tpu.memory_space<vmem>>
      %dma_start3A_96 = tpu.memref_squeeze %dma_start3A_95 : memref<1x128xi32, #tpu.memory_space<vmem>> -> memref<128xi32, #tpu.memory_space<vmem>>
      %dma_start3A_97 = arith.constant 0 : i32
      %dma_start3A_98 = arith.constant 0 : i32
      %dma_start3A_99 = tpu.memref_slice %arg2[%dma_start3A_97, %dma_start3A_98] : memref<32768x32xf32, #tpu.memory_space<hbm>> -> memref<32768x32xf32, #tpu.memory_space<hbm>>
      tpu.enqueue_indirect_dma source(%dma_start3A_99 : memref<32768x32xf32, #tpu.memory_space<hbm>>) target(%dma_start3A_93 : memref<128x32xf32, #tpu.memory_space<vmem>>) offsets(%dma_start3A_96 : memref<128xi32, #tpu.memory_space<vmem>>) semaphore(%arg13 : memref<!tpu.dma_semaphore, #tpu.memory_space<semaphore_mem>>)
      %dma_start3A_100 = arith.constant 6 : i32
      %dma_start3A_101 = arith.constant 768 : i32
      %dma_start3A_102 = arith.constant 0 : i32
      %dma_start3A_103 = tpu.memref_slice %arg11[%dma_start3A_101, %dma_start3A_102] : memref<1024x32xf32, #tpu.memory_space<vmem>> -> memref<128x32xf32, #tpu.memory_space<vmem>>
      %dma_start3A_104 = arith.constant 0 : i32
      %dma_start3A_105 = tpu.memref_slice %arg8[%dma_start3A_100, %dma_start3A_104] : memref<8x128xi32, #tpu.memory_space<vmem>> -> memref<1x128xi32, #tpu.memory_space<vmem>>
      %dma_start3A_106 = tpu.memref_squeeze %dma_start3A_105 : memref<1x128xi32, #tpu.memory_space<vmem>> -> memref<128xi32, #tpu.memory_space<vmem>>
      %dma_start3A_107 = arith.constant 0 : i32
      %dma_start3A_108 = arith.constant 0 : i32
      %dma_start3A_109 = tpu.memref_slice %arg2[%dma_start3A_107, %dma_start3A_108] : memref<32768x32xf32, #tpu.memory_space<hbm>> -> memref<32768x32xf32, #tpu.memory_space<hbm>>
      tpu.enqueue_indirect_dma source(%dma_start3A_109 : memref<32768x32xf32, #tpu.memory_space<hbm>>) target(%dma_start3A_103 : memref<128x32xf32, #tpu.memory_space<vmem>>) offsets(%dma_start3A_106 : memref<128xi32, #tpu.memory_space<vmem>>) semaphore(%arg13 : memref<!tpu.dma_semaphore, #tpu.memory_space<semaphore_mem>>)
      %dma_start3A_110 = arith.constant 7 : i32
      %dma_start3A_111 = arith.constant 896 : i32
      %dma_start3A_112 = arith.constant 0 : i32
      %dma_start3A_113 = tpu.memref_slice %arg11[%dma_start3A_111, %dma_start3A_112] : memref<1024x32xf32, #tpu.memory_space<vmem>> -> memref<128x32xf32, #tpu.memory_space<vmem>>
      %dma_start3A_114 = arith.constant 0 : i32
      %dma_start3A_115 = tpu.memref_slice %arg8[%dma_start3A_110, %dma_start3A_114] : memref<8x128xi32, #tpu.memory_space<vmem>> -> memref<1x128xi32, #tpu.memory_space<vmem>>
      %dma_start3A_116 = tpu.memref_squeeze %dma_start3A_115 : memref<1x128xi32, #tpu.memory_space<vmem>> -> memref<128xi32, #tpu.memory_space<vmem>>
      %dma_start3A_117 = arith.constant 0 : i32
      %dma_start3A_118 = arith.constant 0 : i32
      %dma_start3A_119 = tpu.memref_slice %arg2[%dma_start3A_117, %dma_start3A_118] : memref<32768x32xf32, #tpu.memory_space<hbm>> -> memref<32768x32xf32, #tpu.memory_space<hbm>>
      tpu.enqueue_indirect_dma source(%dma_start3A_119 : memref<32768x32xf32, #tpu.memory_space<hbm>>) target(%dma_start3A_113 : memref<128x32xf32, #tpu.memory_space<vmem>>) offsets(%dma_start3A_116 : memref<128xi32, #tpu.memory_space<vmem>>) semaphore(%arg13 : memref<!tpu.dma_semaphore, #tpu.memory_space<semaphore_mem>>)
      %dma_wait3A_120 = arith.constant 0 : i32
      %dma_wait3A_121 = arith.constant 0 : i32
      %dma_wait3A_122 = arith.constant 0 : i32
      %dma_wait3A_123 = tpu.memref_slice %arg11[%dma_wait3A_121, %dma_wait3A_122] : memref<1024x32xf32, #tpu.memory_space<vmem>> -> memref<128x32xf32, #tpu.memory_space<vmem>>
      %dma_wait3A_124 = arith.constant 0 : i32
      %dma_wait3A_125 = tpu.memref_slice %arg8[%dma_wait3A_120, %dma_wait3A_124] : memref<8x128xi32, #tpu.memory_space<vmem>> -> memref<1x128xi32, #tpu.memory_space<vmem>>
      %dma_wait3A_126 = tpu.memref_squeeze %dma_wait3A_125 : memref<1x128xi32, #tpu.memory_space<vmem>> -> memref<128xi32, #tpu.memory_space<vmem>>
      %dma_wait3A_127 = arith.constant 0 : i32
      %dma_wait3A_128 = arith.constant 0 : i32
      %dma_wait3A_129 = tpu.memref_slice %arg2[%dma_wait3A_127, %dma_wait3A_128] : memref<32768x32xf32, #tpu.memory_space<hbm>> -> memref<32768x32xf32, #tpu.memory_space<hbm>>
      tpu.wait_indirect_dma semaphore(%arg13 : memref<!tpu.dma_semaphore, #tpu.memory_space<semaphore_mem>>) src(%dma_wait3A_129 : memref<32768x32xf32, #tpu.memory_space<hbm>>) dst(%dma_wait3A_123 : memref<128x32xf32, #tpu.memory_space<vmem>>)
      %dma_wait3A_130 = arith.constant 1 : i32
      %dma_wait3A_131 = arith.constant 128 : i32
      %dma_wait3A_132 = arith.constant 0 : i32
      %dma_wait3A_133 = tpu.memref_slice %arg11[%dma_wait3A_131, %dma_wait3A_132] : memref<1024x32xf32, #tpu.memory_space<vmem>> -> memref<128x32xf32, #tpu.memory_space<vmem>>
      %dma_wait3A_134 = arith.constant 0 : i32
      %dma_wait3A_135 = tpu.memref_slice %arg8[%dma_wait3A_130, %dma_wait3A_134] : memref<8x128xi32, #tpu.memory_space<vmem>> -> memref<1x128xi32, #tpu.memory_space<vmem>>
      %dma_wait3A_136 = tpu.memref_squeeze %dma_wait3A_135 : memref<1x128xi32, #tpu.memory_space<vmem>> -> memref<128xi32, #tpu.memory_space<vmem>>
      %dma_wait3A_137 = arith.constant 0 : i32
      %dma_wait3A_138 = arith.constant 0 : i32
      %dma_wait3A_139 = tpu.memref_slice %arg2[%dma_wait3A_137, %dma_wait3A_138] : memref<32768x32xf32, #tpu.memory_space<hbm>> -> memref<32768x32xf32, #tpu.memory_space<hbm>>
      tpu.wait_indirect_dma semaphore(%arg13 : memref<!tpu.dma_semaphore, #tpu.memory_space<semaphore_mem>>) src(%dma_wait3A_139 : memref<32768x32xf32, #tpu.memory_space<hbm>>) dst(%dma_wait3A_133 : memref<128x32xf32, #tpu.memory_space<vmem>>)
      %dma_wait3A_140 = arith.constant 2 : i32
      %dma_wait3A_141 = arith.constant 256 : i32
      %dma_wait3A_142 = arith.constant 0 : i32
      %dma_wait3A_143 = tpu.memref_slice %arg11[%dma_wait3A_141, %dma_wait3A_142] : memref<1024x32xf32, #tpu.memory_space<vmem>> -> memref<128x32xf32, #tpu.memory_space<vmem>>
      %dma_wait3A_144 = arith.constant 0 : i32
      %dma_wait3A_145 = tpu.memref_slice %arg8[%dma_wait3A_140, %dma_wait3A_144] : memref<8x128xi32, #tpu.memory_space<vmem>> -> memref<1x128xi32, #tpu.memory_space<vmem>>
      %dma_wait3A_146 = tpu.memref_squeeze %dma_wait3A_145 : memref<1x128xi32, #tpu.memory_space<vmem>> -> memref<128xi32, #tpu.memory_space<vmem>>
      %dma_wait3A_147 = arith.constant 0 : i32
      %dma_wait3A_148 = arith.constant 0 : i32
      %dma_wait3A_149 = tpu.memref_slice %arg2[%dma_wait3A_147, %dma_wait3A_148] : memref<32768x32xf32, #tpu.memory_space<hbm>> -> memref<32768x32xf32, #tpu.memory_space<hbm>>
      tpu.wait_indirect_dma semaphore(%arg13 : memref<!tpu.dma_semaphore, #tpu.memory_space<semaphore_mem>>) src(%dma_wait3A_149 : memref<32768x32xf32, #tpu.memory_space<hbm>>) dst(%dma_wait3A_143 : memref<128x32xf32, #tpu.memory_space<vmem>>)
      %dma_wait3A_150 = arith.constant 3 : i32
      %dma_wait3A_151 = arith.constant 384 : i32
      %dma_wait3A_152 = arith.constant 0 : i32
      %dma_wait3A_153 = tpu.memref_slice %arg11[%dma_wait3A_151, %dma_wait3A_152] : memref<1024x32xf32, #tpu.memory_space<vmem>> -> memref<128x32xf32, #tpu.memory_space<vmem>>
      %dma_wait3A_154 = arith.constant 0 : i32
      %dma_wait3A_155 = tpu.memref_slice %arg8[%dma_wait3A_150, %dma_wait3A_154] : memref<8x128xi32, #tpu.memory_space<vmem>> -> memref<1x128xi32, #tpu.memory_space<vmem>>
      %dma_wait3A_156 = tpu.memref_squeeze %dma_wait3A_155 : memref<1x128xi32, #tpu.memory_space<vmem>> -> memref<128xi32, #tpu.memory_space<vmem>>
      %dma_wait3A_157 = arith.constant 0 : i32
      %dma_wait3A_158 = arith.constant 0 : i32
      %dma_wait3A_159 = tpu.memref_slice %arg2[%dma_wait3A_157, %dma_wait3A_158] : memref<32768x32xf32, #tpu.memory_space<hbm>> -> memref<32768x32xf32, #tpu.memory_space<hbm>>
      tpu.wait_indirect_dma semaphore(%arg13 : memref<!tpu.dma_semaphore, #tpu.memory_space<semaphore_mem>>) src(%dma_wait3A_159 : memref<32768x32xf32, #tpu.memory_space<hbm>>) dst(%dma_wait3A_153 : memref<128x32xf32, #tpu.memory_space<vmem>>)
      %dma_wait3A_160 = arith.constant 4 : i32
      %dma_wait3A_161 = arith.constant 512 : i32
      %dma_wait3A_162 = arith.constant 0 : i32
      %dma_wait3A_163 = tpu.memref_slice %arg11[%dma_wait3A_161, %dma_wait3A_162] : memref<1024x32xf32, #tpu.memory_space<vmem>> -> memref<128x32xf32, #tpu.memory_space<vmem>>
      %dma_wait3A_164 = arith.constant 0 : i32
      %dma_wait3A_165 = tpu.memref_slice %arg8[%dma_wait3A_160, %dma_wait3A_164] : memref<8x128xi32, #tpu.memory_space<vmem>> -> memref<1x128xi32, #tpu.memory_space<vmem>>
      %dma_wait3A_166 = tpu.memref_squeeze %dma_wait3A_165 : memref<1x128xi32, #tpu.memory_space<vmem>> -> memref<128xi32, #tpu.memory_space<vmem>>
      %dma_wait3A_167 = arith.constant 0 : i32
      %dma_wait3A_168 = arith.constant 0 : i32
      %dma_wait3A_169 = tpu.memref_slice %arg2[%dma_wait3A_167, %dma_wait3A_168] : memref<32768x32xf32, #tpu.memory_space<hbm>> -> memref<32768x32xf32, #tpu.memory_space<hbm>>
      tpu.wait_indirect_dma semaphore(%arg13 : memref<!tpu.dma_semaphore, #tpu.memory_space<semaphore_mem>>) src(%dma_wait3A_169 : memref<32768x32xf32, #tpu.memory_space<hbm>>) dst(%dma_wait3A_163 : memref<128x32xf32, #tpu.memory_space<vmem>>)
      %dma_wait3A_170 = arith.constant 5 : i32
      %dma_wait3A_171 = arith.constant 640 : i32
      %dma_wait3A_172 = arith.constant 0 : i32
      %dma_wait3A_173 = tpu.memref_slice %arg11[%dma_wait3A_171, %dma_wait3A_172] : memref<1024x32xf32, #tpu.memory_space<vmem>> -> memref<128x32xf32, #tpu.memory_space<vmem>>
      %dma_wait3A_174 = arith.constant 0 : i32
      %dma_wait3A_175 = tpu.memref_slice %arg8[%dma_wait3A_170, %dma_wait3A_174] : memref<8x128xi32, #tpu.memory_space<vmem>> -> memref<1x128xi32, #tpu.memory_space<vmem>>
      %dma_wait3A_176 = tpu.memref_squeeze %dma_wait3A_175 : memref<1x128xi32, #tpu.memory_space<vmem>> -> memref<128xi32, #tpu.memory_space<vmem>>
      %dma_wait3A_177 = arith.constant 0 : i32
      %dma_wait3A_178 = arith.constant 0 : i32
      %dma_wait3A_179 = tpu.memref_slice %arg2[%dma_wait3A_177, %dma_wait3A_178] : memref<32768x32xf32, #tpu.memory_space<hbm>> -> memref<32768x32xf32, #tpu.memory_space<hbm>>
      tpu.wait_indirect_dma semaphore(%arg13 : memref<!tpu.dma_semaphore, #tpu.memory_space<semaphore_mem>>) src(%dma_wait3A_179 : memref<32768x32xf32, #tpu.memory_space<hbm>>) dst(%dma_wait3A_173 : memref<128x32xf32, #tpu.memory_space<vmem>>)
      %dma_wait3A_180 = arith.constant 6 : i32
      %dma_wait3A_181 = arith.constant 768 : i32
      %dma_wait3A_182 = arith.constant 0 : i32
      %dma_wait3A_183 = tpu.memref_slice %arg11[%dma_wait3A_181, %dma_wait3A_182] : memref<1024x32xf32, #tpu.memory_space<vmem>> -> memref<128x32xf32, #tpu.memory_space<vmem>>
      %dma_wait3A_184 = arith.constant 0 : i32
      %dma_wait3A_185 = tpu.memref_slice %arg8[%dma_wait3A_180, %dma_wait3A_184] : memref<8x128xi32, #tpu.memory_space<vmem>> -> memref<1x128xi32, #tpu.memory_space<vmem>>
      %dma_wait3A_186 = tpu.memref_squeeze %dma_wait3A_185 : memref<1x128xi32, #tpu.memory_space<vmem>> -> memref<128xi32, #tpu.memory_space<vmem>>
      %dma_wait3A_187 = arith.constant 0 : i32
      %dma_wait3A_188 = arith.constant 0 : i32
      %dma_wait3A_189 = tpu.memref_slice %arg2[%dma_wait3A_187, %dma_wait3A_188] : memref<32768x32xf32, #tpu.memory_space<hbm>> -> memref<32768x32xf32, #tpu.memory_space<hbm>>
      tpu.wait_indirect_dma semaphore(%arg13 : memref<!tpu.dma_semaphore, #tpu.memory_space<semaphore_mem>>) src(%dma_wait3A_189 : memref<32768x32xf32, #tpu.memory_space<hbm>>) dst(%dma_wait3A_183 : memref<128x32xf32, #tpu.memory_space<vmem>>)
      %dma_wait3A_190 = arith.constant 7 : i32
      %dma_wait3A_191 = arith.constant 896 : i32
      %dma_wait3A_192 = arith.constant 0 : i32
      %dma_wait3A_193 = tpu.memref_slice %arg11[%dma_wait3A_191, %dma_wait3A_192] : memref<1024x32xf32, #tpu.memory_space<vmem>> -> memref<128x32xf32, #tpu.memory_space<vmem>>
      %dma_wait3A_194 = arith.constant 0 : i32
      %dma_wait3A_195 = tpu.memref_slice %arg8[%dma_wait3A_190, %dma_wait3A_194] : memref<8x128xi32, #tpu.memory_space<vmem>> -> memref<1x128xi32, #tpu.memory_space<vmem>>
      %dma_wait3A_196 = tpu.memref_squeeze %dma_wait3A_195 : memref<1x128xi32, #tpu.memory_space<vmem>> -> memref<128xi32, #tpu.memory_space<vmem>>
      %dma_wait3A_197 = arith.constant 0 : i32
      %dma_wait3A_198 = arith.constant 0 : i32
      %dma_wait3A_199 = tpu.memref_slice %arg2[%dma_wait3A_197, %dma_wait3A_198] : memref<32768x32xf32, #tpu.memory_space<hbm>> -> memref<32768x32xf32, #tpu.memory_space<hbm>>
      tpu.wait_indirect_dma semaphore(%arg13 : memref<!tpu.dma_semaphore, #tpu.memory_space<semaphore_mem>>) src(%dma_wait3A_199 : memref<32768x32xf32, #tpu.memory_space<hbm>>) dst(%dma_wait3A_193 : memref<128x32xf32, #tpu.memory_space<vmem>>)
      %mul3A_200 = arith.constant 136 : i32
      %mul3A_201 = arith.muli %arg1, %mul3A_200 : i32
      %add3A_202 = arith.constant 1 : i32
      %add3A_203 = arith.addi %scan3A_27, %add3A_202 : i32
      %min3A = arith.constant 16 : i32
      %min3A_204 = arith.minsi %add3A_203, %min3A : i32
      %mul3A_205 = arith.constant 8 : i32
      %mul3A_206 = arith.muli %min3A_204, %mul3A_205 : i32
      %add3A_207 = arith.addi %mul3A_201, %mul3A_206 : i32
      %dma_start3A_208 = arith.constant 0 : i32
      %dma_start3A_209 = tpu.memref_slice %arg3[%arg0, %add3A_207, %dma_start3A_208] : memref<2x2176x128xi32, #tpu.memory_space<hbm>> -> memref<1x8x128xi32, #tpu.memory_space<hbm>>
      %dma_start3A_210 = tpu.memref_squeeze %dma_start3A_209 : memref<1x8x128xi32, #tpu.memory_space<hbm>> -> memref<8x128xi32, #tpu.memory_space<hbm>>
      %dma_start3A_211 = arith.constant 0 : i32
      %dma_start3A_212 = tpu.memref_slice %arg3[%arg0, %add3A_207, %dma_start3A_211] : memref<2x2176x128xi32, #tpu.memory_space<hbm>> -> memref<1x8x128xi32, #tpu.memory_space<hbm>>
      %dma_start3A_213 = tpu.memref_squeeze %dma_start3A_212 : memref<1x8x128xi32, #tpu.memory_space<hbm>> -> memref<8x128xi32, #tpu.memory_space<hbm>>
      tpu.enqueue_dma source(%dma_start3A_213 : memref<8x128xi32, #tpu.memory_space<hbm>>) target(%arg8 : memref<8x128xi32, #tpu.memory_space<vmem>>) target_semaphore(%arg15 : memref<!tpu.dma_semaphore, #tpu.memory_space<semaphore_mem>>)
      %scan3A_214 = arith.constant 0 : i32
      %scan3A_215 = arith.constant 0 : i32
      %scan3A_216 = arith.constant 8 : i32
      %scan3A_217 = arith.addi %scan3A_215, %scan3A_216 : i32
      %scan3A_218 = arith.constant 1 : i32
      scf.for %scan3A_422 = %scan3A_215 to %scan3A_217 step %scan3A_218  : i32 {
        %mul3A_423 = arith.constant 16 : i32
        %mul3A_424 = arith.muli %scan3A_422, %mul3A_423 : i32
        %get3A = arith.constant 0 : i32
        %get3A_425 = arith.index_cast %get3A : i32 to index
        %get3A_426 = arith.index_cast %mul3A_424 : i32 to index
        %get3A_427 = tpu.vector_load %arg10[%get3A_425, %get3A_426] {strides = array<i32>} : memref<8x128xf32, #tpu.memory_space<vmem>>, vector<1x16xf32>,
        %get3A_428 = vector.shape_cast %get3A_427 : vector<1x16xf32> to vector<16xf32>
        %mul3A_429 = arith.constant 16 : i32
        %mul3A_430 = arith.muli %scan3A_422, %mul3A_429 : i32
        %add3A_431 = arith.constant 0 : i32
        %add3A_432 = arith.addi %add3A_431, %mul3A_430 : i32
        %slice3A = vector.extract_strided_slice %get3A_428 {offsets = [0], sizes = [1], strides = [1]} : vector<16xf32> to vector<1xf32>
        %squeeze3A = vector.extract %slice3A[0] : f32 from vector<1xf32>
        %add3A_433 = arith.constant 0 : i32
        %add3A_434 = arith.addi %add3A_432, %add3A_433 : i32
        %get3A_435 = arith.index_cast %add3A_434 : i32 to index
        %get3A_436 = arith.constant 0 : index
        %get3A_437 = tpu.vector_load %arg11[%get3A_435, %get3A_436] {strides = array<i32>} : memref<1024x32xf32, #tpu.memory_space<vmem>>, vector<1x16xf32>,
        %get3A_438 = vector.shape_cast %get3A_437 : vector<1x16xf32> to vector<16xf32>
        %mul3A_439 = vector.broadcast %squeeze3A : f32 to vector<16xf32>
        %mul3A_440 = arith.mulf %get3A_438, %mul3A_439 : vector<16xf32>
        %swap3A = arith.index_cast %add3A_434 : i32 to index
        %swap3A_441 = arith.constant 0 : index
        %swap3A_442 = tpu.vector_load %arg11[%swap3A, %swap3A_441] {strides = array<i32>} : memref<1024x32xf32, #tpu.memory_space<vmem>>, vector<1x16xf32>,
        %swap3A_443 = vector.shape_cast %swap3A_442 : vector<1x16xf32> to vector<16xf32>
        %swap3A_444 = vector.shape_cast %mul3A_440 : vector<16xf32> to vector<1x16xf32>
        tpu.vector_store %arg11[%swap3A, %swap3A_441], %swap3A_444 {strides = array<i32>} : memref<1024x32xf32, #tpu.memory_space<vmem>>, vector<1x16xf32>,
        %get3A_445 = arith.index_cast %add3A_434 : i32 to index
        %get3A_446 = arith.constant 16 : index
        %get3A_447 = tpu.vector_load %arg11[%get3A_445, %get3A_446] {strides = array<i32>} : memref<1024x32xf32, #tpu.memory_space<vmem>>, vector<1x16xf32>,
        %get3A_448 = vector.shape_cast %get3A_447 : vector<1x16xf32> to vector<16xf32>
        %mul3A_449 = vector.broadcast %squeeze3A : f32 to vector<16xf32>
        %mul3A_450 = arith.mulf %get3A_448, %mul3A_449 : vector<16xf32>
        %swap3A_451 = arith.index_cast %add3A_434 : i32 to index
        %swap3A_452 = arith.constant 16 : index
        %swap3A_453 = tpu.vector_load %arg11[%swap3A_451, %swap3A_452] {strides = array<i32>} : memref<1024x32xf32, #tpu.memory_space<vmem>>, vector<1x16xf32>,
        %swap3A_454 = vector.shape_cast %swap3A_453 : vector<1x16xf32> to vector<16xf32>
        %swap3A_455 = vector.shape_cast %mul3A_450 : vector<16xf32> to vector<1x16xf32>
        tpu.vector_store %arg11[%swap3A_451, %swap3A_452], %swap3A_455 {strides = array<i32>} : memref<1024x32xf32, #tpu.memory_space<vmem>>, vector<1x16xf32>,
        %slice3A_456 = vector.extract_strided_slice %get3A_428 {offsets = [1], sizes = [1], strides = [1]} : vector<16xf32> to vector<1xf32>
        %squeeze3A_457 = vector.extract %slice3A_456[0] : f32 from vector<1xf32>
        %add3A_458 = arith.constant 1 : i32
        %add3A_459 = arith.addi %add3A_432, %add3A_458 : i32
        %get3A_460 = arith.index_cast %add3A_459 : i32 to index
        %get3A_461 = arith.constant 0 : index
        %get3A_462 = tpu.vector_load %arg11[%get3A_460, %get3A_461] {strides = array<i32>} : memref<1024x32xf32, #tpu.memory_space<vmem>>, vector<1x16xf32>,
        %get3A_463 = vector.shape_cast %get3A_462 : vector<1x16xf32> to vector<16xf32>
        %mul3A_464 = vector.broadcast %squeeze3A_457 : f32 to vector<16xf32>
        %mul3A_465 = arith.mulf %get3A_463, %mul3A_464 : vector<16xf32>
        %swap3A_466 = arith.index_cast %add3A_459 : i32 to index
        %swap3A_467 = arith.constant 0 : index
        %swap3A_468 = tpu.vector_load %arg11[%swap3A_466, %swap3A_467] {strides = array<i32>} : memref<1024x32xf32, #tpu.memory_space<vmem>>, vector<1x16xf32>,
        %swap3A_469 = vector.shape_cast %swap3A_468 : vector<1x16xf32> to vector<16xf32>
        %swap3A_470 = vector.shape_cast %mul3A_465 : vector<16xf32> to vector<1x16xf32>
        tpu.vector_store %arg11[%swap3A_466, %swap3A_467], %swap3A_470 {strides = array<i32>} : memref<1024x32xf32, #tpu.memory_space<vmem>>, vector<1x16xf32>,
        %get3A_471 = arith.index_cast %add3A_459 : i32 to index
        %get3A_472 = arith.constant 16 : index
        %get3A_473 = tpu.vector_load %arg11[%get3A_471, %get3A_472] {strides = array<i32>} : memref<1024x32xf32, #tpu.memory_space<vmem>>, vector<1x16xf32>,
        %get3A_474 = vector.shape_cast %get3A_473 : vector<1x16xf32> to vector<16xf32>
        %mul3A_475 = vector.broadcast %squeeze3A_457 : f32 to vector<16xf32>
        %mul3A_476 = arith.mulf %get3A_474, %mul3A_475 : vector<16xf32>
        %swap3A_477 = arith.index_cast %add3A_459 : i32 to index
        %swap3A_478 = arith.constant 16 : index
        %swap3A_479 = tpu.vector_load %arg11[%swap3A_477, %swap3A_478] {strides = array<i32>} : memref<1024x32xf32, #tpu.memory_space<vmem>>, vector<1x16xf32>,
        %swap3A_480 = vector.shape_cast %swap3A_479 : vector<1x16xf32> to vector<16xf32>
        %swap3A_481 = vector.shape_cast %mul3A_476 : vector<16xf32> to vector<1x16xf32>
        tpu.vector_store %arg11[%swap3A_477, %swap3A_478], %swap3A_481 {strides = array<i32>} : memref<1024x32xf32, #tpu.memory_space<vmem>>, vector<1x16xf32>,
        %slice3A_482 = vector.extract_strided_slice %get3A_428 {offsets = [2], sizes = [1], strides = [1]} : vector<16xf32> to vector<1xf32>
        %squeeze3A_483 = vector.extract %slice3A_482[0] : f32 from vector<1xf32>
        %add3A_484 = arith.constant 2 : i32
        %add3A_485 = arith.addi %add3A_432, %add3A_484 : i32
        %get3A_486 = arith.index_cast %add3A_485 : i32 to index
        %get3A_487 = arith.constant 0 : index
        %get3A_488 = tpu.vector_load %arg11[%get3A_486, %get3A_487] {strides = array<i32>} : memref<1024x32xf32, #tpu.memory_space<vmem>>, vector<1x16xf32>,
        %get3A_489 = vector.shape_cast %get3A_488 : vector<1x16xf32> to vector<16xf32>
        %mul3A_490 = vector.broadcast %squeeze3A_483 : f32 to vector<16xf32>
        %mul3A_491 = arith.mulf %get3A_489, %mul3A_490 : vector<16xf32>
        %swap3A_492 = arith.index_cast %add3A_485 : i32 to index
        %swap3A_493 = arith.constant 0 : index
        %swap3A_494 = tpu.vector_load %arg11[%swap3A_492, %swap3A_493] {strides = array<i32>} : memref<1024x32xf32, #tpu.memory_space<vmem>>, vector<1x16xf32>,
        %swap3A_495 = vector.shape_cast %swap3A_494 : vector<1x16xf32> to vector<16xf32>
        %swap3A_496 = vector.shape_cast %mul3A_491 : vector<16xf32> to vector<1x16xf32>
        tpu.vector_store %arg11[%swap3A_492, %swap3A_493], %swap3A_496 {strides = array<i32>} : memref<1024x32xf32, #tpu.memory_space<vmem>>, vector<1x16xf32>,
        %get3A_497 = arith.index_cast %add3A_485 : i32 to index
        %get3A_498 = arith.constant 16 : index
        %get3A_499 = tpu.vector_load %arg11[%get3A_497, %get3A_498] {strides = array<i32>} : memref<1024x32xf32, #tpu.memory_space<vmem>>, vector<1x16xf32>,
        %get3A_500 = vector.shape_cast %get3A_499 : vector<1x16xf32> to vector<16xf32>
        %mul3A_501 = vector.broadcast %squeeze3A_483 : f32 to vector<16xf32>
        %mul3A_502 = arith.mulf %get3A_500, %mul3A_501 : vector<16xf32>
        %swap3A_503 = arith.index_cast %add3A_485 : i32 to index
        %swap3A_504 = arith.constant 16 : index
        %swap3A_505 = tpu.vector_load %arg11[%swap3A_503, %swap3A_504] {strides = array<i32>} : memref<1024x32xf32, #tpu.memory_space<vmem>>, vector<1x16xf32>,
        %swap3A_506 = vector.shape_cast %swap3A_505 : vector<1x16xf32> to vector<16xf32>
        %swap3A_507 = vector.shape_cast %mul3A_502 : vector<16xf32> to vector<1x16xf32>
        tpu.vector_store %arg11[%swap3A_503, %swap3A_504], %swap3A_507 {strides = array<i32>} : memref<1024x32xf32, #tpu.memory_space<vmem>>, vector<1x16xf32>,
        %slice3A_508 = vector.extract_strided_slice %get3A_428 {offsets = [3], sizes = [1], strides = [1]} : vector<16xf32> to vector<1xf32>
        %squeeze3A_509 = vector.extract %slice3A_508[0] : f32 from vector<1xf32>
        %add3A_510 = arith.constant 3 : i32
        %add3A_511 = arith.addi %add3A_432, %add3A_510 : i32
        %get3A_512 = arith.index_cast %add3A_511 : i32 to index
        %get3A_513 = arith.constant 0 : index
        %get3A_514 = tpu.vector_load %arg11[%get3A_512, %get3A_513] {strides = array<i32>} : memref<1024x32xf32, #tpu.memory_space<vmem>>, vector<1x16xf32>,
        %get3A_515 = vector.shape_cast %get3A_514 : vector<1x16xf32> to vector<16xf32>
        %mul3A_516 = vector.broadcast %squeeze3A_509 : f32 to vector<16xf32>
        %mul3A_517 = arith.mulf %get3A_515, %mul3A_516 : vector<16xf32>
        %swap3A_518 = arith.index_cast %add3A_511 : i32 to index
        %swap3A_519 = arith.constant 0 : index
        %swap3A_520 = tpu.vector_load %arg11[%swap3A_518, %swap3A_519] {strides = array<i32>} : memref<1024x32xf32, #tpu.memory_space<vmem>>, vector<1x16xf32>,
        %swap3A_521 = vector.shape_cast %swap3A_520 : vector<1x16xf32> to vector<16xf32>
        %swap3A_522 = vector.shape_cast %mul3A_517 : vector<16xf32> to vector<1x16xf32>
        tpu.vector_store %arg11[%swap3A_518, %swap3A_519], %swap3A_522 {strides = array<i32>} : memref<1024x32xf32, #tpu.memory_space<vmem>>, vector<1x16xf32>,
        %get3A_523 = arith.index_cast %add3A_511 : i32 to index
        %get3A_524 = arith.constant 16 : index
        %get3A_525 = tpu.vector_load %arg11[%get3A_523, %get3A_524] {strides = array<i32>} : memref<1024x32xf32, #tpu.memory_space<vmem>>, vector<1x16xf32>,
        %get3A_526 = vector.shape_cast %get3A_525 : vector<1x16xf32> to vector<16xf32>
        %mul3A_527 = vector.broadcast %squeeze3A_509 : f32 to vector<16xf32>
        %mul3A_528 = arith.mulf %get3A_526, %mul3A_527 : vector<16xf32>
        %swap3A_529 = arith.index_cast %add3A_511 : i32 to index
        %swap3A_530 = arith.constant 16 : index
        %swap3A_531 = tpu.vector_load %arg11[%swap3A_529, %swap3A_530] {strides = array<i32>} : memref<1024x32xf32, #tpu.memory_space<vmem>>, vector<1x16xf32>,
        %swap3A_532 = vector.shape_cast %swap3A_531 : vector<1x16xf32> to vector<16xf32>
        %swap3A_533 = vector.shape_cast %mul3A_528 : vector<16xf32> to vector<1x16xf32>
        tpu.vector_store %arg11[%swap3A_529, %swap3A_530], %swap3A_533 {strides = array<i32>} : memref<1024x32xf32, #tpu.memory_space<vmem>>, vector<1x16xf32>,
        %slice3A_534 = vector.extract_strided_slice %get3A_428 {offsets = [4], sizes = [1], strides = [1]} : vector<16xf32> to vector<1xf32>
        %squeeze3A_535 = vector.extract %slice3A_534[0] : f32 from vector<1xf32>
        %add3A_536 = arith.constant 4 : i32
        %add3A_537 = arith.addi %add3A_432, %add3A_536 : i32
        %get3A_538 = arith.index_cast %add3A_537 : i32 to index
        %get3A_539 = arith.constant 0 : index
        %get3A_540 = tpu.vector_load %arg11[%get3A_538, %get3A_539] {strides = array<i32>} : memref<1024x32xf32, #tpu.memory_space<vmem>>, vector<1x16xf32>,
        %get3A_541 = vector.shape_cast %get3A_540 : vector<1x16xf32> to vector<16xf32>
        %mul3A_542 = vector.broadcast %squeeze3A_535 : f32 to vector<16xf32>
        %mul3A_543 = arith.mulf %get3A_541, %mul3A_542 : vector<16xf32>
        %swap3A_544 = arith.index_cast %add3A_537 : i32 to index
        %swap3A_545 = arith.constant 0 : index
        %swap3A_546 = tpu.vector_load %arg11[%swap3A_544, %swap3A_545] {strides = array<i32>} : memref<1024x32xf32, #tpu.memory_space<vmem>>, vector<1x16xf32>,
        %swap3A_547 = vector.shape_cast %swap3A_546 : vector<1x16xf32> to vector<16xf32>
        %swap3A_548 = vector.shape_cast %mul3A_543 : vector<16xf32> to vector<1x16xf32>
        tpu.vector_store %arg11[%swap3A_544, %swap3A_545], %swap3A_548 {strides = array<i32>} : memref<1024x32xf32, #tpu.memory_space<vmem>>, vector<1x16xf32>,
        %get3A_549 = arith.index_cast %add3A_537 : i32 to index
        %get3A_550 = arith.constant 16 : index
        %get3A_551 = tpu.vector_load %arg11[%get3A_549, %get3A_550] {strides = array<i32>} : memref<1024x32xf32, #tpu.memory_space<vmem>>, vector<1x16xf32>,
        %get3A_552 = vector.shape_cast %get3A_551 : vector<1x16xf32> to vector<16xf32>
        %mul3A_553 = vector.broadcast %squeeze3A_535 : f32 to vector<16xf32>
        %mul3A_554 = arith.mulf %get3A_552, %mul3A_553 : vector<16xf32>
        %swap3A_555 = arith.index_cast %add3A_537 : i32 to index
        %swap3A_556 = arith.constant 16 : index
        %swap3A_557 = tpu.vector_load %arg11[%swap3A_555, %swap3A_556] {strides = array<i32>} : memref<1024x32xf32, #tpu.memory_space<vmem>>, vector<1x16xf32>,
        %swap3A_558 = vector.shape_cast %swap3A_557 : vector<1x16xf32> to vector<16xf32>
        %swap3A_559 = vector.shape_cast %mul3A_554 : vector<16xf32> to vector<1x16xf32>
        tpu.vector_store %arg11[%swap3A_555, %swap3A_556], %swap3A_559 {strides = array<i32>} : memref<1024x32xf32, #tpu.memory_space<vmem>>, vector<1x16xf32>,
        %slice3A_560 = vector.extract_strided_slice %get3A_428 {offsets = [5], sizes = [1], strides = [1]} : vector<16xf32> to vector<1xf32>
        %squeeze3A_561 = vector.extract %slice3A_560[0] : f32 from vector<1xf32>
        %add3A_562 = arith.constant 5 : i32
        %add3A_563 = arith.addi %add3A_432, %add3A_562 : i32
        %get3A_564 = arith.index_cast %add3A_563 : i32 to index
        %get3A_565 = arith.constant 0 : index
        %get3A_566 = tpu.vector_load %arg11[%get3A_564, %get3A_565] {strides = array<i32>} : memref<1024x32xf32, #tpu.memory_space<vmem>>, vector<1x16xf32>,
        %get3A_567 = vector.shape_cast %get3A_566 : vector<1x16xf32> to vector<16xf32>
        %mul3A_568 = vector.broadcast %squeeze3A_561 : f32 to vector<16xf32>
        %mul3A_569 = arith.mulf %get3A_567, %mul3A_568 : vector<16xf32>
        %swap3A_570 = arith.index_cast %add3A_563 : i32 to index
        %swap3A_571 = arith.constant 0 : index
        %swap3A_572 = tpu.vector_load %arg11[%swap3A_570, %swap3A_571] {strides = array<i32>} : memref<1024x32xf32, #tpu.memory_space<vmem>>, vector<1x16xf32>,
        %swap3A_573 = vector.shape_cast %swap3A_572 : vector<1x16xf32> to vector<16xf32>
        %swap3A_574 = vector.shape_cast %mul3A_569 : vector<16xf32> to vector<1x16xf32>
        tpu.vector_store %arg11[%swap3A_570, %swap3A_571], %swap3A_574 {strides = array<i32>} : memref<1024x32xf32, #tpu.memory_space<vmem>>, vector<1x16xf32>,
        %get3A_575 = arith.index_cast %add3A_563 : i32 to index
        %get3A_576 = arith.constant 16 : index
        %get3A_577 = tpu.vector_load %arg11[%get3A_575, %get3A_576] {strides = array<i32>} : memref<1024x32xf32, #tpu.memory_space<vmem>>, vector<1x16xf32>,
        %get3A_578 = vector.shape_cast %get3A_577 : vector<1x16xf32> to vector<16xf32>
        %mul3A_579 = vector.broadcast %squeeze3A_561 : f32 to vector<16xf32>
        %mul3A_580 = arith.mulf %get3A_578, %mul3A_579 : vector<16xf32>
        %swap3A_581 = arith.index_cast %add3A_563 : i32 to index
        %swap3A_582 = arith.constant 16 : index
        %swap3A_583 = tpu.vector_load %arg11[%swap3A_581, %swap3A_582] {strides = array<i32>} : memref<1024x32xf32, #tpu.memory_space<vmem>>, vector<1x16xf32>,
        %swap3A_584 = vector.shape_cast %swap3A_583 : vector<1x16xf32> to vector<16xf32>
        %swap3A_585 = vector.shape_cast %mul3A_580 : vector<16xf32> to vector<1x16xf32>
        tpu.vector_store %arg11[%swap3A_581, %swap3A_582], %swap3A_585 {strides = array<i32>} : memref<1024x32xf32, #tpu.memory_space<vmem>>, vector<1x16xf32>,
        %slice3A_586 = vector.extract_strided_slice %get3A_428 {offsets = [6], sizes = [1], strides = [1]} : vector<16xf32> to vector<1xf32>
        %squeeze3A_587 = vector.extract %slice3A_586[0] : f32 from vector<1xf32>
        %add3A_588 = arith.constant 6 : i32
        %add3A_589 = arith.addi %add3A_432, %add3A_588 : i32
        %get3A_590 = arith.index_cast %add3A_589 : i32 to index
        %get3A_591 = arith.constant 0 : index
        %get3A_592 = tpu.vector_load %arg11[%get3A_590, %get3A_591] {strides = array<i32>} : memref<1024x32xf32, #tpu.memory_space<vmem>>, vector<1x16xf32>,
        %get3A_593 = vector.shape_cast %get3A_592 : vector<1x16xf32> to vector<16xf32>
        %mul3A_594 = vector.broadcast %squeeze3A_587 : f32 to vector<16xf32>
        %mul3A_595 = arith.mulf %get3A_593, %mul3A_594 : vector<16xf32>
        %swap3A_596 = arith.index_cast %add3A_589 : i32 to index
        %swap3A_597 = arith.constant 0 : index
        %swap3A_598 = tpu.vector_load %arg11[%swap3A_596, %swap3A_597] {strides = array<i32>} : memref<1024x32xf32, #tpu.memory_space<vmem>>, vector<1x16xf32>,
        %swap3A_599 = vector.shape_cast %swap3A_598 : vector<1x16xf32> to vector<16xf32>
        %swap3A_600 = vector.shape_cast %mul3A_595 : vector<16xf32> to vector<1x16xf32>
        tpu.vector_store %arg11[%swap3A_596, %swap3A_597], %swap3A_600 {strides = array<i32>} : memref<1024x32xf32, #tpu.memory_space<vmem>>, vector<1x16xf32>,
        %get3A_601 = arith.index_cast %add3A_589 : i32 to index
        %get3A_602 = arith.constant 16 : index
        %get3A_603 = tpu.vector_load %arg11[%get3A_601, %get3A_602] {strides = array<i32>} : memref<1024x32xf32, #tpu.memory_space<vmem>>, vector<1x16xf32>,
        %get3A_604 = vector.shape_cast %get3A_603 : vector<1x16xf32> to vector<16xf32>
        %mul3A_605 = vector.broadcast %squeeze3A_587 : f32 to vector<16xf32>
        %mul3A_606 = arith.mulf %get3A_604, %mul3A_605 : vector<16xf32>
        %swap3A_607 = arith.index_cast %add3A_589 : i32 to index
        %swap3A_608 = arith.constant 16 : index
        %swap3A_609 = tpu.vector_load %arg11[%swap3A_607, %swap3A_608] {strides = array<i32>} : memref<1024x32xf32, #tpu.memory_space<vmem>>, vector<1x16xf32>,
        %swap3A_610 = vector.shape_cast %swap3A_609 : vector<1x16xf32> to vector<16xf32>
        %swap3A_611 = vector.shape_cast %mul3A_606 : vector<16xf32> to vector<1x16xf32>
        tpu.vector_store %arg11[%swap3A_607, %swap3A_608], %swap3A_611 {strides = array<i32>} : memref<1024x32xf32, #tpu.memory_space<vmem>>, vector<1x16xf32>,
        %slice3A_612 = vector.extract_strided_slice %get3A_428 {offsets = [7], sizes = [1], strides = [1]} : vector<16xf32> to vector<1xf32>
        %squeeze3A_613 = vector.extract %slice3A_612[0] : f32 from vector<1xf32>
        %add3A_614 = arith.constant 7 : i32
        %add3A_615 = arith.addi %add3A_432, %add3A_614 : i32
        %get3A_616 = arith.index_cast %add3A_615 : i32 to index
        %get3A_617 = arith.constant 0 : index
        %get3A_618 = tpu.vector_load %arg11[%get3A_616, %get3A_617] {strides = array<i32>} : memref<1024x32xf32, #tpu.memory_space<vmem>>, vector<1x16xf32>,
        %get3A_619 = vector.shape_cast %get3A_618 : vector<1x16xf32> to vector<16xf32>
        %mul3A_620 = vector.broadcast %squeeze3A_613 : f32 to vector<16xf32>
        %mul3A_621 = arith.mulf %get3A_619, %mul3A_620 : vector<16xf32>
        %swap3A_622 = arith.index_cast %add3A_615 : i32 to index
        %swap3A_623 = arith.constant 0 : index
        %swap3A_624 = tpu.vector_load %arg11[%swap3A_622, %swap3A_623] {strides = array<i32>} : memref<1024x32xf32, #tpu.memory_space<vmem>>, vector<1x16xf32>,
        %swap3A_625 = vector.shape_cast %swap3A_624 : vector<1x16xf32> to vector<16xf32>
        %swap3A_626 = vector.shape_cast %mul3A_621 : vector<16xf32> to vector<1x16xf32>
        tpu.vector_store %arg11[%swap3A_622, %swap3A_623], %swap3A_626 {strides = array<i32>} : memref<1024x32xf32, #tpu.memory_space<vmem>>, vector<1x16xf32>,
        %get3A_627 = arith.index_cast %add3A_615 : i32 to index
        %get3A_628 = arith.constant 16 : index
        %get3A_629 = tpu.vector_load %arg11[%get3A_627, %get3A_628] {strides = array<i32>} : memref<1024x32xf32, #tpu.memory_space<vmem>>, vector<1x16xf32>,
        %get3A_630 = vector.shape_cast %get3A_629 : vector<1x16xf32> to vector<16xf32>
        %mul3A_631 = vector.broadcast %squeeze3A_613 : f32 to vector<16xf32>
        %mul3A_632 = arith.mulf %get3A_630, %mul3A_631 : vector<16xf32>
        %swap3A_633 = arith.index_cast %add3A_615 : i32 to index
        %swap3A_634 = arith.constant 16 : index
        %swap3A_635 = tpu.vector_load %arg11[%swap3A_633, %swap3A_634] {strides = array<i32>} : memref<1024x32xf32, #tpu.memory_space<vmem>>, vector<1x16xf32>,
        %swap3A_636 = vector.shape_cast %swap3A_635 : vector<1x16xf32> to vector<16xf32>
        %swap3A_637 = vector.shape_cast %mul3A_632 : vector<16xf32> to vector<1x16xf32>
        tpu.vector_store %arg11[%swap3A_633, %swap3A_634], %swap3A_637 {strides = array<i32>} : memref<1024x32xf32, #tpu.memory_space<vmem>>, vector<1x16xf32>,
        %slice3A_638 = vector.extract_strided_slice %get3A_428 {offsets = [8], sizes = [1], strides = [1]} : vector<16xf32> to vector<1xf32>
        %squeeze3A_639 = vector.extract %slice3A_638[0] : f32 from vector<1xf32>
        %add3A_640 = arith.constant 8 : i32
        %add3A_641 = arith.addi %add3A_432, %add3A_640 : i32
        %get3A_642 = arith.index_cast %add3A_641 : i32 to index
        %get3A_643 = arith.constant 0 : index
        %get3A_644 = tpu.vector_load %arg11[%get3A_642, %get3A_643] {strides = array<i32>} : memref<1024x32xf32, #tpu.memory_space<vmem>>, vector<1x16xf32>,
        %get3A_645 = vector.shape_cast %get3A_644 : vector<1x16xf32> to vector<16xf32>
        %mul3A_646 = vector.broadcast %squeeze3A_639 : f32 to vector<16xf32>
        %mul3A_647 = arith.mulf %get3A_645, %mul3A_646 : vector<16xf32>
        %swap3A_648 = arith.index_cast %add3A_641 : i32 to index
        %swap3A_649 = arith.constant 0 : index
        %swap3A_650 = tpu.vector_load %arg11[%swap3A_648, %swap3A_649] {strides = array<i32>} : memref<1024x32xf32, #tpu.memory_space<vmem>>, vector<1x16xf32>,
        %swap3A_651 = vector.shape_cast %swap3A_650 : vector<1x16xf32> to vector<16xf32>
        %swap3A_652 = vector.shape_cast %mul3A_647 : vector<16xf32> to vector<1x16xf32>
        tpu.vector_store %arg11[%swap3A_648, %swap3A_649], %swap3A_652 {strides = array<i32>} : memref<1024x32xf32, #tpu.memory_space<vmem>>, vector<1x16xf32>,
        %get3A_653 = arith.index_cast %add3A_641 : i32 to index
        %get3A_654 = arith.constant 16 : index
        %get3A_655 = tpu.vector_load %arg11[%get3A_653, %get3A_654] {strides = array<i32>} : memref<1024x32xf32, #tpu.memory_space<vmem>>, vector<1x16xf32>,
        %get3A_656 = vector.shape_cast %get3A_655 : vector<1x16xf32> to vector<16xf32>
        %mul3A_657 = vector.broadcast %squeeze3A_639 : f32 to vector<16xf32>
        %mul3A_658 = arith.mulf %get3A_656, %mul3A_657 : vector<16xf32>
        %swap3A_659 = arith.index_cast %add3A_641 : i32 to index
        %swap3A_660 = arith.constant 16 : index
        %swap3A_661 = tpu.vector_load %arg11[%swap3A_659, %swap3A_660] {strides = array<i32>} : memref<1024x32xf32, #tpu.memory_space<vmem>>, vector<1x16xf32>,
        %swap3A_662 = vector.shape_cast %swap3A_661 : vector<1x16xf32> to vector<16xf32>
        %swap3A_663 = vector.shape_cast %mul3A_658 : vector<16xf32> to vector<1x16xf32>
        tpu.vector_store %arg11[%swap3A_659, %swap3A_660], %swap3A_663 {strides = array<i32>} : memref<1024x32xf32, #tpu.memory_space<vmem>>, vector<1x16xf32>,
        %slice3A_664 = vector.extract_strided_slice %get3A_428 {offsets = [9], sizes = [1], strides = [1]} : vector<16xf32> to vector<1xf32>
        %squeeze3A_665 = vector.extract %slice3A_664[0] : f32 from vector<1xf32>
        %add3A_666 = arith.constant 9 : i32
        %add3A_667 = arith.addi %add3A_432, %add3A_666 : i32
        %get3A_668 = arith.index_cast %add3A_667 : i32 to index
        %get3A_669 = arith.constant 0 : index
        %get3A_670 = tpu.vector_load %arg11[%get3A_668, %get3A_669] {strides = array<i32>} : memref<1024x32xf32, #tpu.memory_space<vmem>>, vector<1x16xf32>,
        %get3A_671 = vector.shape_cast %get3A_670 : vector<1x16xf32> to vector<16xf32>
        %mul3A_672 = vector.broadcast %squeeze3A_665 : f32 to vector<16xf32>
        %mul3A_673 = arith.mulf %get3A_671, %mul3A_672 : vector<16xf32>
        %swap3A_674 = arith.index_cast %add3A_667 : i32 to index
        %swap3A_675 = arith.constant 0 : index
        %swap3A_676 = tpu.vector_load %arg11[%swap3A_674, %swap3A_675] {strides = array<i32>} : memref<1024x32xf32, #tpu.memory_space<vmem>>, vector<1x16xf32>,
        %swap3A_677 = vector.shape_cast %swap3A_676 : vector<1x16xf32> to vector<16xf32>
        %swap3A_678 = vector.shape_cast %mul3A_673 : vector<16xf32> to vector<1x16xf32>
        tpu.vector_store %arg11[%swap3A_674, %swap3A_675], %swap3A_678 {strides = array<i32>} : memref<1024x32xf32, #tpu.memory_space<vmem>>, vector<1x16xf32>,
        %get3A_679 = arith.index_cast %add3A_667 : i32 to index
        %get3A_680 = arith.constant 16 : index
        %get3A_681 = tpu.vector_load %arg11[%get3A_679, %get3A_680] {strides = array<i32>} : memref<1024x32xf32, #tpu.memory_space<vmem>>, vector<1x16xf32>,
        %get3A_682 = vector.shape_cast %get3A_681 : vector<1x16xf32> to vector<16xf32>
        %mul3A_683 = vector.broadcast %squeeze3A_665 : f32 to vector<16xf32>
        %mul3A_684 = arith.mulf %get3A_682, %mul3A_683 : vector<16xf32>
        %swap3A_685 = arith.index_cast %add3A_667 : i32 to index
        %swap3A_686 = arith.constant 16 : index
        %swap3A_687 = tpu.vector_load %arg11[%swap3A_685, %swap3A_686] {strides = array<i32>} : memref<1024x32xf32, #tpu.memory_space<vmem>>, vector<1x16xf32>,
        %swap3A_688 = vector.shape_cast %swap3A_687 : vector<1x16xf32> to vector<16xf32>
        %swap3A_689 = vector.shape_cast %mul3A_684 : vector<16xf32> to vector<1x16xf32>
        tpu.vector_store %arg11[%swap3A_685, %swap3A_686], %swap3A_689 {strides = array<i32>} : memref<1024x32xf32, #tpu.memory_space<vmem>>, vector<1x16xf32>,
        %slice3A_690 = vector.extract_strided_slice %get3A_428 {offsets = [10], sizes = [1], strides = [1]} : vector<16xf32> to vector<1xf32>
        %squeeze3A_691 = vector.extract %slice3A_690[0] : f32 from vector<1xf32>
        %add3A_692 = arith.constant 10 : i32
        %add3A_693 = arith.addi %add3A_432, %add3A_692 : i32
        %get3A_694 = arith.index_cast %add3A_693 : i32 to index
        %get3A_695 = arith.constant 0 : index
        %get3A_696 = tpu.vector_load %arg11[%get3A_694, %get3A_695] {strides = array<i32>} : memref<1024x32xf32, #tpu.memory_space<vmem>>, vector<1x16xf32>,
        %get3A_697 = vector.shape_cast %get3A_696 : vector<1x16xf32> to vector<16xf32>
        %mul3A_698 = vector.broadcast %squeeze3A_691 : f32 to vector<16xf32>
        %mul3A_699 = arith.mulf %get3A_697, %mul3A_698 : vector<16xf32>
        %swap3A_700 = arith.index_cast %add3A_693 : i32 to index
        %swap3A_701 = arith.constant 0 : index
        %swap3A_702 = tpu.vector_load %arg11[%swap3A_700, %swap3A_701] {strides = array<i32>} : memref<1024x32xf32, #tpu.memory_space<vmem>>, vector<1x16xf32>,
        %swap3A_703 = vector.shape_cast %swap3A_702 : vector<1x16xf32> to vector<16xf32>
        %swap3A_704 = vector.shape_cast %mul3A_699 : vector<16xf32> to vector<1x16xf32>
        tpu.vector_store %arg11[%swap3A_700, %swap3A_701], %swap3A_704 {strides = array<i32>} : memref<1024x32xf32, #tpu.memory_space<vmem>>, vector<1x16xf32>,
        %get3A_705 = arith.index_cast %add3A_693 : i32 to index
        %get3A_706 = arith.constant 16 : index
        %get3A_707 = tpu.vector_load %arg11[%get3A_705, %get3A_706] {strides = array<i32>} : memref<1024x32xf32, #tpu.memory_space<vmem>>, vector<1x16xf32>,
        %get3A_708 = vector.shape_cast %get3A_707 : vector<1x16xf32> to vector<16xf32>
        %mul3A_709 = vector.broadcast %squeeze3A_691 : f32 to vector<16xf32>
        %mul3A_710 = arith.mulf %get3A_708, %mul3A_709 : vector<16xf32>
        %swap3A_711 = arith.index_cast %add3A_693 : i32 to index
        %swap3A_712 = arith.constant 16 : index
        %swap3A_713 = tpu.vector_load %arg11[%swap3A_711, %swap3A_712] {strides = array<i32>} : memref<1024x32xf32, #tpu.memory_space<vmem>>, vector<1x16xf32>,
        %swap3A_714 = vector.shape_cast %swap3A_713 : vector<1x16xf32> to vector<16xf32>
        %swap3A_715 = vector.shape_cast %mul3A_710 : vector<16xf32> to vector<1x16xf32>
        tpu.vector_store %arg11[%swap3A_711, %swap3A_712], %swap3A_715 {strides = array<i32>} : memref<1024x32xf32, #tpu.memory_space<vmem>>, vector<1x16xf32>,
        %slice3A_716 = vector.extract_strided_slice %get3A_428 {offsets = [11], sizes = [1], strides = [1]} : vector<16xf32> to vector<1xf32>
        %squeeze3A_717 = vector.extract %slice3A_716[0] : f32 from vector<1xf32>
        %add3A_718 = arith.constant 11 : i32
        %add3A_719 = arith.addi %add3A_432, %add3A_718 : i32
        %get3A_720 = arith.index_cast %add3A_719 : i32 to index
        %get3A_721 = arith.constant 0 : index
        %get3A_722 = tpu.vector_load %arg11[%get3A_720, %get3A_721] {strides = array<i32>} : memref<1024x32xf32, #tpu.memory_space<vmem>>, vector<1x16xf32>,
        %get3A_723 = vector.shape_cast %get3A_722 : vector<1x16xf32> to vector<16xf32>
        %mul3A_724 = vector.broadcast %squeeze3A_717 : f32 to vector<16xf32>
        %mul3A_725 = arith.mulf %get3A_723, %mul3A_724 : vector<16xf32>
        %swap3A_726 = arith.index_cast %add3A_719 : i32 to index
        %swap3A_727 = arith.constant 0 : index
        %swap3A_728 = tpu.vector_load %arg11[%swap3A_726, %swap3A_727] {strides = array<i32>} : memref<1024x32xf32, #tpu.memory_space<vmem>>, vector<1x16xf32>,
        %swap3A_729 = vector.shape_cast %swap3A_728 : vector<1x16xf32> to vector<16xf32>
        %swap3A_730 = vector.shape_cast %mul3A_725 : vector<16xf32> to vector<1x16xf32>
        tpu.vector_store %arg11[%swap3A_726, %swap3A_727], %swap3A_730 {strides = array<i32>} : memref<1024x32xf32, #tpu.memory_space<vmem>>, vector<1x16xf32>,
        %get3A_731 = arith.index_cast %add3A_719 : i32 to index
        %get3A_732 = arith.constant 16 : index
        %get3A_733 = tpu.vector_load %arg11[%get3A_731, %get3A_732] {strides = array<i32>} : memref<1024x32xf32, #tpu.memory_space<vmem>>, vector<1x16xf32>,
        %get3A_734 = vector.shape_cast %get3A_733 : vector<1x16xf32> to vector<16xf32>
        %mul3A_735 = vector.broadcast %squeeze3A_717 : f32 to vector<16xf32>
        %mul3A_736 = arith.mulf %get3A_734, %mul3A_735 : vector<16xf32>
        %swap3A_737 = arith.index_cast %add3A_719 : i32 to index
        %swap3A_738 = arith.constant 16 : index
        %swap3A_739 = tpu.vector_load %arg11[%swap3A_737, %swap3A_738] {strides = array<i32>} : memref<1024x32xf32, #tpu.memory_space<vmem>>, vector<1x16xf32>,
        %swap3A_740 = vector.shape_cast %swap3A_739 : vector<1x16xf32> to vector<16xf32>
        %swap3A_741 = vector.shape_cast %mul3A_736 : vector<16xf32> to vector<1x16xf32>
        tpu.vector_store %arg11[%swap3A_737, %swap3A_738], %swap3A_741 {strides = array<i32>} : memref<1024x32xf32, #tpu.memory_space<vmem>>, vector<1x16xf32>,
        %slice3A_742 = vector.extract_strided_slice %get3A_428 {offsets = [12], sizes = [1], strides = [1]} : vector<16xf32> to vector<1xf32>
        %squeeze3A_743 = vector.extract %slice3A_742[0] : f32 from vector<1xf32>
        %add3A_744 = arith.constant 12 : i32
        %add3A_745 = arith.addi %add3A_432, %add3A_744 : i32
        %get3A_746 = arith.index_cast %add3A_745 : i32 to index
        %get3A_747 = arith.constant 0 : index
        %get3A_748 = tpu.vector_load %arg11[%get3A_746, %get3A_747] {strides = array<i32>} : memref<1024x32xf32, #tpu.memory_space<vmem>>, vector<1x16xf32>,
        %get3A_749 = vector.shape_cast %get3A_748 : vector<1x16xf32> to vector<16xf32>
        %mul3A_750 = vector.broadcast %squeeze3A_743 : f32 to vector<16xf32>
        %mul3A_751 = arith.mulf %get3A_749, %mul3A_750 : vector<16xf32>
        %swap3A_752 = arith.index_cast %add3A_745 : i32 to index
        %swap3A_753 = arith.constant 0 : index
        %swap3A_754 = tpu.vector_load %arg11[%swap3A_752, %swap3A_753] {strides = array<i32>} : memref<1024x32xf32, #tpu.memory_space<vmem>>, vector<1x16xf32>,
        %swap3A_755 = vector.shape_cast %swap3A_754 : vector<1x16xf32> to vector<16xf32>
        %swap3A_756 = vector.shape_cast %mul3A_751 : vector<16xf32> to vector<1x16xf32>
        tpu.vector_store %arg11[%swap3A_752, %swap3A_753], %swap3A_756 {strides = array<i32>} : memref<1024x32xf32, #tpu.memory_space<vmem>>, vector<1x16xf32>,
        %get3A_757 = arith.index_cast %add3A_745 : i32 to index
        %get3A_758 = arith.constant 16 : index
        %get3A_759 = tpu.vector_load %arg11[%get3A_757, %get3A_758] {strides = array<i32>} : memref<1024x32xf32, #tpu.memory_space<vmem>>, vector<1x16xf32>,
        %get3A_760 = vector.shape_cast %get3A_759 : vector<1x16xf32> to vector<16xf32>
        %mul3A_761 = vector.broadcast %squeeze3A_743 : f32 to vector<16xf32>
        %mul3A_762 = arith.mulf %get3A_760, %mul3A_761 : vector<16xf32>
        %swap3A_763 = arith.index_cast %add3A_745 : i32 to index
        %swap3A_764 = arith.constant 16 : index
        %swap3A_765 = tpu.vector_load %arg11[%swap3A_763, %swap3A_764] {strides = array<i32>} : memref<1024x32xf32, #tpu.memory_space<vmem>>, vector<1x16xf32>,
        %swap3A_766 = vector.shape_cast %swap3A_765 : vector<1x16xf32> to vector<16xf32>
        %swap3A_767 = vector.shape_cast %mul3A_762 : vector<16xf32> to vector<1x16xf32>
        tpu.vector_store %arg11[%swap3A_763, %swap3A_764], %swap3A_767 {strides = array<i32>} : memref<1024x32xf32, #tpu.memory_space<vmem>>, vector<1x16xf32>,
        %slice3A_768 = vector.extract_strided_slice %get3A_428 {offsets = [13], sizes = [1], strides = [1]} : vector<16xf32> to vector<1xf32>
        %squeeze3A_769 = vector.extract %slice3A_768[0] : f32 from vector<1xf32>
        %add3A_770 = arith.constant 13 : i32
        %add3A_771 = arith.addi %add3A_432, %add3A_770 : i32
        %get3A_772 = arith.index_cast %add3A_771 : i32 to index
        %get3A_773 = arith.constant 0 : index
        %get3A_774 = tpu.vector_load %arg11[%get3A_772, %get3A_773] {strides = array<i32>} : memref<1024x32xf32, #tpu.memory_space<vmem>>, vector<1x16xf32>,
        %get3A_775 = vector.shape_cast %get3A_774 : vector<1x16xf32> to vector<16xf32>
        %mul3A_776 = vector.broadcast %squeeze3A_769 : f32 to vector<16xf32>
        %mul3A_777 = arith.mulf %get3A_775, %mul3A_776 : vector<16xf32>
        %swap3A_778 = arith.index_cast %add3A_771 : i32 to index
        %swap3A_779 = arith.constant 0 : index
        %swap3A_780 = tpu.vector_load %arg11[%swap3A_778, %swap3A_779] {strides = array<i32>} : memref<1024x32xf32, #tpu.memory_space<vmem>>, vector<1x16xf32>,
        %swap3A_781 = vector.shape_cast %swap3A_780 : vector<1x16xf32> to vector<16xf32>
        %swap3A_782 = vector.shape_cast %mul3A_777 : vector<16xf32> to vector<1x16xf32>
        tpu.vector_store %arg11[%swap3A_778, %swap3A_779], %swap3A_782 {strides = array<i32>} : memref<1024x32xf32, #tpu.memory_space<vmem>>, vector<1x16xf32>,
        %get3A_783 = arith.index_cast %add3A_771 : i32 to index
        %get3A_784 = arith.constant 16 : index
        %get3A_785 = tpu.vector_load %arg11[%get3A_783, %get3A_784] {strides = array<i32>} : memref<1024x32xf32, #tpu.memory_space<vmem>>, vector<1x16xf32>,
        %get3A_786 = vector.shape_cast %get3A_785 : vector<1x16xf32> to vector<16xf32>
        %mul3A_787 = vector.broadcast %squeeze3A_769 : f32 to vector<16xf32>
        %mul3A_788 = arith.mulf %get3A_786, %mul3A_787 : vector<16xf32>
        %swap3A_789 = arith.index_cast %add3A_771 : i32 to index
        %swap3A_790 = arith.constant 16 : index
        %swap3A_791 = tpu.vector_load %arg11[%swap3A_789, %swap3A_790] {strides = array<i32>} : memref<1024x32xf32, #tpu.memory_space<vmem>>, vector<1x16xf32>,
        %swap3A_792 = vector.shape_cast %swap3A_791 : vector<1x16xf32> to vector<16xf32>
        %swap3A_793 = vector.shape_cast %mul3A_788 : vector<16xf32> to vector<1x16xf32>
        tpu.vector_store %arg11[%swap3A_789, %swap3A_790], %swap3A_793 {strides = array<i32>} : memref<1024x32xf32, #tpu.memory_space<vmem>>, vector<1x16xf32>,
        %slice3A_794 = vector.extract_strided_slice %get3A_428 {offsets = [14], sizes = [1], strides = [1]} : vector<16xf32> to vector<1xf32>
        %squeeze3A_795 = vector.extract %slice3A_794[0] : f32 from vector<1xf32>
        %add3A_796 = arith.constant 14 : i32
        %add3A_797 = arith.addi %add3A_432, %add3A_796 : i32
        %get3A_798 = arith.index_cast %add3A_797 : i32 to index
        %get3A_799 = arith.constant 0 : index
        %get3A_800 = tpu.vector_load %arg11[%get3A_798, %get3A_799] {strides = array<i32>} : memref<1024x32xf32, #tpu.memory_space<vmem>>, vector<1x16xf32>,
        %get3A_801 = vector.shape_cast %get3A_800 : vector<1x16xf32> to vector<16xf32>
        %mul3A_802 = vector.broadcast %squeeze3A_795 : f32 to vector<16xf32>
        %mul3A_803 = arith.mulf %get3A_801, %mul3A_802 : vector<16xf32>
        %swap3A_804 = arith.index_cast %add3A_797 : i32 to index
        %swap3A_805 = arith.constant 0 : index
        %swap3A_806 = tpu.vector_load %arg11[%swap3A_804, %swap3A_805] {strides = array<i32>} : memref<1024x32xf32, #tpu.memory_space<vmem>>, vector<1x16xf32>,
        %swap3A_807 = vector.shape_cast %swap3A_806 : vector<1x16xf32> to vector<16xf32>
        %swap3A_808 = vector.shape_cast %mul3A_803 : vector<16xf32> to vector<1x16xf32>
        tpu.vector_store %arg11[%swap3A_804, %swap3A_805], %swap3A_808 {strides = array<i32>} : memref<1024x32xf32, #tpu.memory_space<vmem>>, vector<1x16xf32>,
        %get3A_809 = arith.index_cast %add3A_797 : i32 to index
        %get3A_810 = arith.constant 16 : index
        %get3A_811 = tpu.vector_load %arg11[%get3A_809, %get3A_810] {strides = array<i32>} : memref<1024x32xf32, #tpu.memory_space<vmem>>, vector<1x16xf32>,
        %get3A_812 = vector.shape_cast %get3A_811 : vector<1x16xf32> to vector<16xf32>
        %mul3A_813 = vector.broadcast %squeeze3A_795 : f32 to vector<16xf32>
        %mul3A_814 = arith.mulf %get3A_812, %mul3A_813 : vector<16xf32>
        %swap3A_815 = arith.index_cast %add3A_797 : i32 to index
        %swap3A_816 = arith.constant 16 : index
        %swap3A_817 = tpu.vector_load %arg11[%swap3A_815, %swap3A_816] {strides = array<i32>} : memref<1024x32xf32, #tpu.memory_space<vmem>>, vector<1x16xf32>,
        %swap3A_818 = vector.shape_cast %swap3A_817 : vector<1x16xf32> to vector<16xf32>
        %swap3A_819 = vector.shape_cast %mul3A_814 : vector<16xf32> to vector<1x16xf32>
        tpu.vector_store %arg11[%swap3A_815, %swap3A_816], %swap3A_819 {strides = array<i32>} : memref<1024x32xf32, #tpu.memory_space<vmem>>, vector<1x16xf32>,
        %slice3A_820 = vector.extract_strided_slice %get3A_428 {offsets = [15], sizes = [1], strides = [1]} : vector<16xf32> to vector<1xf32>
        %squeeze3A_821 = vector.extract %slice3A_820[0] : f32 from vector<1xf32>
        %add3A_822 = arith.constant 15 : i32
        %add3A_823 = arith.addi %add3A_432, %add3A_822 : i32
        %get3A_824 = arith.index_cast %add3A_823 : i32 to index
        %get3A_825 = arith.constant 0 : index
        %get3A_826 = tpu.vector_load %arg11[%get3A_824, %get3A_825] {strides = array<i32>} : memref<1024x32xf32, #tpu.memory_space<vmem>>, vector<1x16xf32>,
        %get3A_827 = vector.shape_cast %get3A_826 : vector<1x16xf32> to vector<16xf32>
        %mul3A_828 = vector.broadcast %squeeze3A_821 : f32 to vector<16xf32>
        %mul3A_829 = arith.mulf %get3A_827, %mul3A_828 : vector<16xf32>
        %swap3A_830 = arith.index_cast %add3A_823 : i32 to index
        %swap3A_831 = arith.constant 0 : index
        %swap3A_832 = tpu.vector_load %arg11[%swap3A_830, %swap3A_831] {strides = array<i32>} : memref<1024x32xf32, #tpu.memory_space<vmem>>, vector<1x16xf32>,
        %swap3A_833 = vector.shape_cast %swap3A_832 : vector<1x16xf32> to vector<16xf32>
        %swap3A_834 = vector.shape_cast %mul3A_829 : vector<16xf32> to vector<1x16xf32>
        tpu.vector_store %arg11[%swap3A_830, %swap3A_831], %swap3A_834 {strides = array<i32>} : memref<1024x32xf32, #tpu.memory_space<vmem>>, vector<1x16xf32>,
        %get3A_835 = arith.index_cast %add3A_823 : i32 to index
        %get3A_836 = arith.constant 16 : index
        %get3A_837 = tpu.vector_load %arg11[%get3A_835, %get3A_836] {strides = array<i32>} : memref<1024x32xf32, #tpu.memory_space<vmem>>, vector<1x16xf32>,
        %get3A_838 = vector.shape_cast %get3A_837 : vector<1x16xf32> to vector<16xf32>
        %mul3A_839 = vector.broadcast %squeeze3A_821 : f32 to vector<16xf32>
        %mul3A_840 = arith.mulf %get3A_838, %mul3A_839 : vector<16xf32>
        %swap3A_841 = arith.index_cast %add3A_823 : i32 to index
        %swap3A_842 = arith.constant 16 : index
        %swap3A_843 = tpu.vector_load %arg11[%swap3A_841, %swap3A_842] {strides = array<i32>} : memref<1024x32xf32, #tpu.memory_space<vmem>>, vector<1x16xf32>,
        %swap3A_844 = vector.shape_cast %swap3A_843 : vector<1x16xf32> to vector<16xf32>
        %swap3A_845 = vector.shape_cast %mul3A_840 : vector<16xf32> to vector<1x16xf32>
        tpu.vector_store %arg11[%swap3A_841, %swap3A_842], %swap3A_845 {strides = array<i32>} : memref<1024x32xf32, #tpu.memory_space<vmem>>, vector<1x16xf32>,
      }
      %scan3A_219 = arith.constant 8 : i32
      %dma_start3A_220 = arith.constant 0 : i32
      %dma_start3A_221 = arith.constant 0 : i32
      %dma_start3A_222 = arith.constant 0 : i32
      %dma_start3A_223 = tpu.memref_slice %arg11[%dma_start3A_221, %dma_start3A_222] : memref<1024x32xf32, #tpu.memory_space<vmem>> -> memref<128x32xf32, #tpu.memory_space<vmem>>
      %dma_start3A_224 = arith.constant 0 : i32
      %dma_start3A_225 = tpu.memref_slice %arg9[%dma_start3A_220, %dma_start3A_224] : memref<8x128xi32, #tpu.memory_space<vmem>> -> memref<1x128xi32, #tpu.memory_space<vmem>>
      %dma_start3A_226 = tpu.memref_squeeze %dma_start3A_225 : memref<1x128xi32, #tpu.memory_space<vmem>> -> memref<128xi32, #tpu.memory_space<vmem>>
      %dma_start3A_227 = arith.constant 0 : i32
      %dma_start3A_228 = arith.constant 0 : i32
      %dma_start3A_229 = tpu.memref_slice %arg12[%dma_start3A_227, %dma_start3A_228] : memref<16384x32xf32, #tpu.memory_space<vmem_shared>> -> memref<16384x32xf32, #tpu.memory_space<vmem_shared>>
      tpu.enqueue_indirect_dma source(%dma_start3A_223 : memref<128x32xf32, #tpu.memory_space<vmem>>) target(%dma_start3A_229 : memref<16384x32xf32, #tpu.memory_space<vmem_shared>>) offsets(%dma_start3A_226 : memref<128xi32, #tpu.memory_space<vmem>>) semaphore(%arg14 : memref<!tpu.dma_semaphore, #tpu.memory_space<semaphore_mem>>) {add = true}
      %scan3A_230 = arith.constant 0 : i32
      %scan3A_231 = arith.constant 0 : i32
      %scan3A_232 = arith.constant 8 : i32
      %scan3A_233 = arith.addi %scan3A_231, %scan3A_232 : i32
      %scan3A_234 = arith.constant 1 : i32
      scf.for %scan3A_422 = %scan3A_231 to %scan3A_233 step %scan3A_234  : i32 {
        %mul3A_423 = arith.constant 16 : i32
        %mul3A_424 = arith.muli %scan3A_422, %mul3A_423 : i32
        %get3A = arith.constant 1 : i32
        %get3A_425 = arith.index_cast %get3A : i32 to index
        %get3A_426 = arith.index_cast %mul3A_424 : i32 to index
        %get3A_427 = tpu.vector_load %arg10[%get3A_425, %get3A_426] {strides = array<i32>} : memref<8x128xf32, #tpu.memory_space<vmem>>, vector<1x16xf32>,
        %get3A_428 = vector.shape_cast %get3A_427 : vector<1x16xf32> to vector<16xf32>
        %mul3A_429 = arith.constant 16 : i32
        %mul3A_430 = arith.muli %scan3A_422, %mul3A_429 : i32
        %add3A_431 = arith.constant 128 : i32
        %add3A_432 = arith.addi %add3A_431, %mul3A_430 : i32
        %slice3A = vector.extract_strided_slice %get3A_428 {offsets = [0], sizes = [1], strides = [1]} : vector<16xf32> to vector<1xf32>
        %squeeze3A = vector.extract %slice3A[0] : f32 from vector<1xf32>
        %add3A_433 = arith.constant 0 : i32
        %add3A_434 = arith.addi %add3A_432, %add3A_433 : i32
        %get3A_435 = arith.index_cast %add3A_434 : i32 to index
        %get3A_436 = arith.constant 0 : index
        %get3A_437 = tpu.vector_load %arg11[%get3A_435, %get3A_436] {strides = array<i32>} : memref<1024x32xf32, #tpu.memory_space<vmem>>, vector<1x16xf32>,
        %get3A_438 = vector.shape_cast %get3A_437 : vector<1x16xf32> to vector<16xf32>
        %mul3A_439 = vector.broadcast %squeeze3A : f32 to vector<16xf32>
        %mul3A_440 = arith.mulf %get3A_438, %mul3A_439 : vector<16xf32>
        %swap3A = arith.index_cast %add3A_434 : i32 to index
        %swap3A_441 = arith.constant 0 : index
        %swap3A_442 = tpu.vector_load %arg11[%swap3A, %swap3A_441] {strides = array<i32>} : memref<1024x32xf32, #tpu.memory_space<vmem>>, vector<1x16xf32>,
        %swap3A_443 = vector.shape_cast %swap3A_442 : vector<1x16xf32> to vector<16xf32>
        %swap3A_444 = vector.shape_cast %mul3A_440 : vector<16xf32> to vector<1x16xf32>
        tpu.vector_store %arg11[%swap3A, %swap3A_441], %swap3A_444 {strides = array<i32>} : memref<1024x32xf32, #tpu.memory_space<vmem>>, vector<1x16xf32>,
        %get3A_445 = arith.index_cast %add3A_434 : i32 to index
        %get3A_446 = arith.constant 16 : index
        %get3A_447 = tpu.vector_load %arg11[%get3A_445, %get3A_446] {strides = array<i32>} : memref<1024x32xf32, #tpu.memory_space<vmem>>, vector<1x16xf32>,
        %get3A_448 = vector.shape_cast %get3A_447 : vector<1x16xf32> to vector<16xf32>
        %mul3A_449 = vector.broadcast %squeeze3A : f32 to vector<16xf32>
        %mul3A_450 = arith.mulf %get3A_448, %mul3A_449 : vector<16xf32>
        %swap3A_451 = arith.index_cast %add3A_434 : i32 to index
        %swap3A_452 = arith.constant 16 : index
        %swap3A_453 = tpu.vector_load %arg11[%swap3A_451, %swap3A_452] {strides = array<i32>} : memref<1024x32xf32, #tpu.memory_space<vmem>>, vector<1x16xf32>,
        %swap3A_454 = vector.shape_cast %swap3A_453 : vector<1x16xf32> to vector<16xf32>
        %swap3A_455 = vector.shape_cast %mul3A_450 : vector<16xf32> to vector<1x16xf32>
        tpu.vector_store %arg11[%swap3A_451, %swap3A_452], %swap3A_455 {strides = array<i32>} : memref<1024x32xf32, #tpu.memory_space<vmem>>, vector<1x16xf32>,
        %slice3A_456 = vector.extract_strided_slice %get3A_428 {offsets = [1], sizes = [1], strides = [1]} : vector<16xf32> to vector<1xf32>
        %squeeze3A_457 = vector.extract %slice3A_456[0] : f32 from vector<1xf32>
        %add3A_458 = arith.constant 1 : i32
        %add3A_459 = arith.addi %add3A_432, %add3A_458 : i32
        %get3A_460 = arith.index_cast %add3A_459 : i32 to index
        %get3A_461 = arith.constant 0 : index
        %get3A_462 = tpu.vector_load %arg11[%get3A_460, %get3A_461] {strides = array<i32>} : memref<1024x32xf32, #tpu.memory_space<vmem>>, vector<1x16xf32>,
        %get3A_463 = vector.shape_cast %get3A_462 : vector<1x16xf32> to vector<16xf32>
        %mul3A_464 = vector.broadcast %squeeze3A_457 : f32 to vector<16xf32>
        %mul3A_465 = arith.mulf %get3A_463, %mul3A_464 : vector<16xf32>
        %swap3A_466 = arith.index_cast %add3A_459 : i32 to index
        %swap3A_467 = arith.constant 0 : index
        %swap3A_468 = tpu.vector_load %arg11[%swap3A_466, %swap3A_467] {strides = array<i32>} : memref<1024x32xf32, #tpu.memory_space<vmem>>, vector<1x16xf32>,
        %swap3A_469 = vector.shape_cast %swap3A_468 : vector<1x16xf32> to vector<16xf32>
        %swap3A_470 = vector.shape_cast %mul3A_465 : vector<16xf32> to vector<1x16xf32>
        tpu.vector_store %arg11[%swap3A_466, %swap3A_467], %swap3A_470 {strides = array<i32>} : memref<1024x32xf32, #tpu.memory_space<vmem>>, vector<1x16xf32>,
        %get3A_471 = arith.index_cast %add3A_459 : i32 to index
        %get3A_472 = arith.constant 16 : index
        %get3A_473 = tpu.vector_load %arg11[%get3A_471, %get3A_472] {strides = array<i32>} : memref<1024x32xf32, #tpu.memory_space<vmem>>, vector<1x16xf32>,
        %get3A_474 = vector.shape_cast %get3A_473 : vector<1x16xf32> to vector<16xf32>
        %mul3A_475 = vector.broadcast %squeeze3A_457 : f32 to vector<16xf32>
        %mul3A_476 = arith.mulf %get3A_474, %mul3A_475 : vector<16xf32>
        %swap3A_477 = arith.index_cast %add3A_459 : i32 to index
        %swap3A_478 = arith.constant 16 : index
        %swap3A_479 = tpu.vector_load %arg11[%swap3A_477, %swap3A_478] {strides = array<i32>} : memref<1024x32xf32, #tpu.memory_space<vmem>>, vector<1x16xf32>,
        %swap3A_480 = vector.shape_cast %swap3A_479 : vector<1x16xf32> to vector<16xf32>
        %swap3A_481 = vector.shape_cast %mul3A_476 : vector<16xf32> to vector<1x16xf32>
        tpu.vector_store %arg11[%swap3A_477, %swap3A_478], %swap3A_481 {strides = array<i32>} : memref<1024x32xf32, #tpu.memory_space<vmem>>, vector<1x16xf32>,
        %slice3A_482 = vector.extract_strided_slice %get3A_428 {offsets = [2], sizes = [1], strides = [1]} : vector<16xf32> to vector<1xf32>
        %squeeze3A_483 = vector.extract %slice3A_482[0] : f32 from vector<1xf32>
        %add3A_484 = arith.constant 2 : i32
        %add3A_485 = arith.addi %add3A_432, %add3A_484 : i32
        %get3A_486 = arith.index_cast %add3A_485 : i32 to index
        %get3A_487 = arith.constant 0 : index
        %get3A_488 = tpu.vector_load %arg11[%get3A_486, %get3A_487] {strides = array<i32>} : memref<1024x32xf32, #tpu.memory_space<vmem>>, vector<1x16xf32>,
        %get3A_489 = vector.shape_cast %get3A_488 : vector<1x16xf32> to vector<16xf32>
        %mul3A_490 = vector.broadcast %squeeze3A_483 : f32 to vector<16xf32>
        %mul3A_491 = arith.mulf %get3A_489, %mul3A_490 : vector<16xf32>
        %swap3A_492 = arith.index_cast %add3A_485 : i32 to index
        %swap3A_493 = arith.constant 0 : index
        %swap3A_494 = tpu.vector_load %arg11[%swap3A_492, %swap3A_493] {strides = array<i32>} : memref<1024x32xf32, #tpu.memory_space<vmem>>, vector<1x16xf32>,
        %swap3A_495 = vector.shape_cast %swap3A_494 : vector<1x16xf32> to vector<16xf32>
        %swap3A_496 = vector.shape_cast %mul3A_491 : vector<16xf32> to vector<1x16xf32>
        tpu.vector_store %arg11[%swap3A_492, %swap3A_493], %swap3A_496 {strides = array<i32>} : memref<1024x32xf32, #tpu.memory_space<vmem>>, vector<1x16xf32>,
        %get3A_497 = arith.index_cast %add3A_485 : i32 to index
        %get3A_498 = arith.constant 16 : index
        %get3A_499 = tpu.vector_load %arg11[%get3A_497, %get3A_498] {strides = array<i32>} : memref<1024x32xf32, #tpu.memory_space<vmem>>, vector<1x16xf32>,
        %get3A_500 = vector.shape_cast %get3A_499 : vector<1x16xf32> to vector<16xf32>
        %mul3A_501 = vector.broadcast %squeeze3A_483 : f32 to vector<16xf32>
        %mul3A_502 = arith.mulf %get3A_500, %mul3A_501 : vector<16xf32>
        %swap3A_503 = arith.index_cast %add3A_485 : i32 to index
        %swap3A_504 = arith.constant 16 : index
        %swap3A_505 = tpu.vector_load %arg11[%swap3A_503, %swap3A_504] {strides = array<i32>} : memref<1024x32xf32, #tpu.memory_space<vmem>>, vector<1x16xf32>,
        %swap3A_506 = vector.shape_cast %swap3A_505 : vector<1x16xf32> to vector<16xf32>
        %swap3A_507 = vector.shape_cast %mul3A_502 : vector<16xf32> to vector<1x16xf32>
        tpu.vector_store %arg11[%swap3A_503, %swap3A_504], %swap3A_507 {strides = array<i32>} : memref<1024x32xf32, #tpu.memory_space<vmem>>, vector<1x16xf32>,
        %slice3A_508 = vector.extract_strided_slice %get3A_428 {offsets = [3], sizes = [1], strides = [1]} : vector<16xf32> to vector<1xf32>
        %squeeze3A_509 = vector.extract %slice3A_508[0] : f32 from vector<1xf32>
        %add3A_510 = arith.constant 3 : i32
        %add3A_511 = arith.addi %add3A_432, %add3A_510 : i32
        %get3A_512 = arith.index_cast %add3A_511 : i32 to index
        %get3A_513 = arith.constant 0 : index
        %get3A_514 = tpu.vector_load %arg11[%get3A_512, %get3A_513] {strides = array<i32>} : memref<1024x32xf32, #tpu.memory_space<vmem>>, vector<1x16xf32>,
        %get3A_515 = vector.shape_cast %get3A_514 : vector<1x16xf32> to vector<16xf32>
        %mul3A_516 = vector.broadcast %squeeze3A_509 : f32 to vector<16xf32>
        %mul3A_517 = arith.mulf %get3A_515, %mul3A_516 : vector<16xf32>
        %swap3A_518 = arith.index_cast %add3A_511 : i32 to index
        %swap3A_519 = arith.constant 0 : index
        %swap3A_520 = tpu.vector_load %arg11[%swap3A_518, %swap3A_519] {strides = array<i32>} : memref<1024x32xf32, #tpu.memory_space<vmem>>, vector<1x16xf32>,
        %swap3A_521 = vector.shape_cast %swap3A_520 : vector<1x16xf32> to vector<16xf32>
        %swap3A_522 = vector.shape_cast %mul3A_517 : vector<16xf32> to vector<1x16xf32>
        tpu.vector_store %arg11[%swap3A_518, %swap3A_519], %swap3A_522 {strides = array<i32>} : memref<1024x32xf32, #tpu.memory_space<vmem>>, vector<1x16xf32>,
        %get3A_523 = arith.index_cast %add3A_511 : i32 to index
        %get3A_524 = arith.constant 16 : index
        %get3A_525 = tpu.vector_load %arg11[%get3A_523, %get3A_524] {strides = array<i32>} : memref<1024x32xf32, #tpu.memory_space<vmem>>, vector<1x16xf32>,
        %get3A_526 = vector.shape_cast %get3A_525 : vector<1x16xf32> to vector<16xf32>
        %mul3A_527 = vector.broadcast %squeeze3A_509 : f32 to vector<16xf32>
        %mul3A_528 = arith.mulf %get3A_526, %mul3A_527 : vector<16xf32>
        %swap3A_529 = arith.index_cast %add3A_511 : i32 to index
        %swap3A_530 = arith.constant 16 : index
        %swap3A_531 = tpu.vector_load %arg11[%swap3A_529, %swap3A_530] {strides = array<i32>} : memref<1024x32xf32, #tpu.memory_space<vmem>>, vector<1x16xf32>,
        %swap3A_532 = vector.shape_cast %swap3A_531 : vector<1x16xf32> to vector<16xf32>
        %swap3A_533 = vector.shape_cast %mul3A_528 : vector<16xf32> to vector<1x16xf32>
        tpu.vector_store %arg11[%swap3A_529, %swap3A_530], %swap3A_533 {strides = array<i32>} : memref<1024x32xf32, #tpu.memory_space<vmem>>, vector<1x16xf32>,
        %slice3A_534 = vector.extract_strided_slice %get3A_428 {offsets = [4], sizes = [1], strides = [1]} : vector<16xf32> to vector<1xf32>
        %squeeze3A_535 = vector.extract %slice3A_534[0] : f32 from vector<1xf32>
        %add3A_536 = arith.constant 4 : i32
        %add3A_537 = arith.addi %add3A_432, %add3A_536 : i32
        %get3A_538 = arith.index_cast %add3A_537 : i32 to index
        %get3A_539 = arith.constant 0 : index
        %get3A_540 = tpu.vector_load %arg11[%get3A_538, %get3A_539] {strides = array<i32>} : memref<1024x32xf32, #tpu.memory_space<vmem>>, vector<1x16xf32>,
        %get3A_541 = vector.shape_cast %get3A_540 : vector<1x16xf32> to vector<16xf32>
        %mul3A_542 = vector.broadcast %squeeze3A_535 : f32 to vector<16xf32>
        %mul3A_543 = arith.mulf %get3A_541, %mul3A_542 : vector<16xf32>
        %swap3A_544 = arith.index_cast %add3A_537 : i32 to index
        %swap3A_545 = arith.constant 0 : index
        %swap3A_546 = tpu.vector_load %arg11[%swap3A_544, %swap3A_545] {strides = array<i32>} : memref<1024x32xf32, #tpu.memory_space<vmem>>, vector<1x16xf32>,
        %swap3A_547 = vector.shape_cast %swap3A_546 : vector<1x16xf32> to vector<16xf32>
        %swap3A_548 = vector.shape_cast %mul3A_543 : vector<16xf32> to vector<1x16xf32>
        tpu.vector_store %arg11[%swap3A_544, %swap3A_545], %swap3A_548 {strides = array<i32>} : memref<1024x32xf32, #tpu.memory_space<vmem>>, vector<1x16xf32>,
        %get3A_549 = arith.index_cast %add3A_537 : i32 to index
        %get3A_550 = arith.constant 16 : index
        %get3A_551 = tpu.vector_load %arg11[%get3A_549, %get3A_550] {strides = array<i32>} : memref<1024x32xf32, #tpu.memory_space<vmem>>, vector<1x16xf32>,
        %get3A_552 = vector.shape_cast %get3A_551 : vector<1x16xf32> to vector<16xf32>
        %mul3A_553 = vector.broadcast %squeeze3A_535 : f32 to vector<16xf32>
        %mul3A_554 = arith.mulf %get3A_552, %mul3A_553 : vector<16xf32>
        %swap3A_555 = arith.index_cast %add3A_537 : i32 to index
        %swap3A_556 = arith.constant 16 : index
        %swap3A_557 = tpu.vector_load %arg11[%swap3A_555, %swap3A_556] {strides = array<i32>} : memref<1024x32xf32, #tpu.memory_space<vmem>>, vector<1x16xf32>,
        %swap3A_558 = vector.shape_cast %swap3A_557 : vector<1x16xf32> to vector<16xf32>
        %swap3A_559 = vector.shape_cast %mul3A_554 : vector<16xf32> to vector<1x16xf32>
        tpu.vector_store %arg11[%swap3A_555, %swap3A_556], %swap3A_559 {strides = array<i32>} : memref<1024x32xf32, #tpu.memory_space<vmem>>, vector<1x16xf32>,
        %slice3A_560 = vector.extract_strided_slice %get3A_428 {offsets = [5], sizes = [1], strides = [1]} : vector<16xf32> to vector<1xf32>
        %squeeze3A_561 = vector.extract %slice3A_560[0] : f32 from vector<1xf32>
        %add3A_562 = arith.constant 5 : i32
        %add3A_563 = arith.addi %add3A_432, %add3A_562 : i32
        %get3A_564 = arith.index_cast %add3A_563 : i32 to index
        %get3A_565 = arith.constant 0 : index
        %get3A_566 = tpu.vector_load %arg11[%get3A_564, %get3A_565] {strides = array<i32>} : memref<1024x32xf32, #tpu.memory_space<vmem>>, vector<1x16xf32>,
        %get3A_567 = vector.shape_cast %get3A_566 : vector<1x16xf32> to vector<16xf32>
        %mul3A_568 = vector.broadcast %squeeze3A_561 : f32 to vector<16xf32>
        %mul3A_569 = arith.mulf %get3A_567, %mul3A_568 : vector<16xf32>
        %swap3A_570 = arith.index_cast %add3A_563 : i32 to index
        %swap3A_571 = arith.constant 0 : index
        %swap3A_572 = tpu.vector_load %arg11[%swap3A_570, %swap3A_571] {strides = array<i32>} : memref<1024x32xf32, #tpu.memory_space<vmem>>, vector<1x16xf32>,
        %swap3A_573 = vector.shape_cast %swap3A_572 : vector<1x16xf32> to vector<16xf32>
        %swap3A_574 = vector.shape_cast %mul3A_569 : vector<16xf32> to vector<1x16xf32>
        tpu.vector_store %arg11[%swap3A_570, %swap3A_571], %swap3A_574 {strides = array<i32>} : memref<1024x32xf32, #tpu.memory_space<vmem>>, vector<1x16xf32>,
        %get3A_575 = arith.index_cast %add3A_563 : i32 to index
        %get3A_576 = arith.constant 16 : index
        %get3A_577 = tpu.vector_load %arg11[%get3A_575, %get3A_576] {strides = array<i32>} : memref<1024x32xf32, #tpu.memory_space<vmem>>, vector<1x16xf32>,
        %get3A_578 = vector.shape_cast %get3A_577 : vector<1x16xf32> to vector<16xf32>
        %mul3A_579 = vector.broadcast %squeeze3A_561 : f32 to vector<16xf32>
        %mul3A_580 = arith.mulf %get3A_578, %mul3A_579 : vector<16xf32>
        %swap3A_581 = arith.index_cast %add3A_563 : i32 to index
        %swap3A_582 = arith.constant 16 : index
        %swap3A_583 = tpu.vector_load %arg11[%swap3A_581, %swap3A_582] {strides = array<i32>} : memref<1024x32xf32, #tpu.memory_space<vmem>>, vector<1x16xf32>,
        %swap3A_584 = vector.shape_cast %swap3A_583 : vector<1x16xf32> to vector<16xf32>
        %swap3A_585 = vector.shape_cast %mul3A_580 : vector<16xf32> to vector<1x16xf32>
        tpu.vector_store %arg11[%swap3A_581, %swap3A_582], %swap3A_585 {strides = array<i32>} : memref<1024x32xf32, #tpu.memory_space<vmem>>, vector<1x16xf32>,
        %slice3A_586 = vector.extract_strided_slice %get3A_428 {offsets = [6], sizes = [1], strides = [1]} : vector<16xf32> to vector<1xf32>
        %squeeze3A_587 = vector.extract %slice3A_586[0] : f32 from vector<1xf32>
        %add3A_588 = arith.constant 6 : i32
        %add3A_589 = arith.addi %add3A_432, %add3A_588 : i32
        %get3A_590 = arith.index_cast %add3A_589 : i32 to index
        %get3A_591 = arith.constant 0 : index
        %get3A_592 = tpu.vector_load %arg11[%get3A_590, %get3A_591] {strides = array<i32>} : memref<1024x32xf32, #tpu.memory_space<vmem>>, vector<1x16xf32>,
        %get3A_593 = vector.shape_cast %get3A_592 : vector<1x16xf32> to vector<16xf32>
        %mul3A_594 = vector.broadcast %squeeze3A_587 : f32 to vector<16xf32>
        %mul3A_595 = arith.mulf %get3A_593, %mul3A_594 : vector<16xf32>
        %swap3A_596 = arith.index_cast %add3A_589 : i32 to index
        %swap3A_597 = arith.constant 0 : index
        %swap3A_598 = tpu.vector_load %arg11[%swap3A_596, %swap3A_597] {strides = array<i32>} : memref<1024x32xf32, #tpu.memory_space<vmem>>, vector<1x16xf32>,
        %swap3A_599 = vector.shape_cast %swap3A_598 : vector<1x16xf32> to vector<16xf32>
        %swap3A_600 = vector.shape_cast %mul3A_595 : vector<16xf32> to vector<1x16xf32>
        tpu.vector_store %arg11[%swap3A_596, %swap3A_597], %swap3A_600 {strides = array<i32>} : memref<1024x32xf32, #tpu.memory_space<vmem>>, vector<1x16xf32>,
        %get3A_601 = arith.index_cast %add3A_589 : i32 to index
        %get3A_602 = arith.constant 16 : index
        %get3A_603 = tpu.vector_load %arg11[%get3A_601, %get3A_602] {strides = array<i32>} : memref<1024x32xf32, #tpu.memory_space<vmem>>, vector<1x16xf32>,
        %get3A_604 = vector.shape_cast %get3A_603 : vector<1x16xf32> to vector<16xf32>
        %mul3A_605 = vector.broadcast %squeeze3A_587 : f32 to vector<16xf32>
        %mul3A_606 = arith.mulf %get3A_604, %mul3A_605 : vector<16xf32>
        %swap3A_607 = arith.index_cast %add3A_589 : i32 to index
        %swap3A_608 = arith.constant 16 : index
        %swap3A_609 = tpu.vector_load %arg11[%swap3A_607, %swap3A_608] {strides = array<i32>} : memref<1024x32xf32, #tpu.memory_space<vmem>>, vector<1x16xf32>,
        %swap3A_610 = vector.shape_cast %swap3A_609 : vector<1x16xf32> to vector<16xf32>
        %swap3A_611 = vector.shape_cast %mul3A_606 : vector<16xf32> to vector<1x16xf32>
        tpu.vector_store %arg11[%swap3A_607, %swap3A_608], %swap3A_611 {strides = array<i32>} : memref<1024x32xf32, #tpu.memory_space<vmem>>, vector<1x16xf32>,
        %slice3A_612 = vector.extract_strided_slice %get3A_428 {offsets = [7], sizes = [1], strides = [1]} : vector<16xf32> to vector<1xf32>
        %squeeze3A_613 = vector.extract %slice3A_612[0] : f32 from vector<1xf32>
        %add3A_614 = arith.constant 7 : i32
        %add3A_615 = arith.addi %add3A_432, %add3A_614 : i32
        %get3A_616 = arith.index_cast %add3A_615 : i32 to index
        %get3A_617 = arith.constant 0 : index
        %get3A_618 = tpu.vector_load %arg11[%get3A_616, %get3A_617] {strides = array<i32>} : memref<1024x32xf32, #tpu.memory_space<vmem>>, vector<1x16xf32>,
        %get3A_619 = vector.shape_cast %get3A_618 : vector<1x16xf32> to vector<16xf32>
        %mul3A_620 = vector.broadcast %squeeze3A_613 : f32 to vector<16xf32>
        %mul3A_621 = arith.mulf %get3A_619, %mul3A_620 : vector<16xf32>
        %swap3A_622 = arith.index_cast %add3A_615 : i32 to index
        %swap3A_623 = arith.constant 0 : index
        %swap3A_624 = tpu.vector_load %arg11[%swap3A_622, %swap3A_623] {strides = array<i32>} : memref<1024x32xf32, #tpu.memory_space<vmem>>, vector<1x16xf32>,
        %swap3A_625 = vector.shape_cast %swap3A_624 : vector<1x16xf32> to vector<16xf32>
        %swap3A_626 = vector.shape_cast %mul3A_621 : vector<16xf32> to vector<1x16xf32>
        tpu.vector_store %arg11[%swap3A_622, %swap3A_623], %swap3A_626 {strides = array<i32>} : memref<1024x32xf32, #tpu.memory_space<vmem>>, vector<1x16xf32>,
        %get3A_627 = arith.index_cast %add3A_615 : i32 to index
        %get3A_628 = arith.constant 16 : index
        %get3A_629 = tpu.vector_load %arg11[%get3A_627, %get3A_628] {strides = array<i32>} : memref<1024x32xf32, #tpu.memory_space<vmem>>, vector<1x16xf32>,
        %get3A_630 = vector.shape_cast %get3A_629 : vector<1x16xf32> to vector<16xf32>
        %mul3A_631 = vector.broadcast %squeeze3A_613 : f32 to vector<16xf32>
        %mul3A_632 = arith.mulf %get3A_630, %mul3A_631 : vector<16xf32>
        %swap3A_633 = arith.index_cast %add3A_615 : i32 to index
        %swap3A_634 = arith.constant 16 : index
        %swap3A_635 = tpu.vector_load %arg11[%swap3A_633, %swap3A_634] {strides = array<i32>} : memref<1024x32xf32, #tpu.memory_space<vmem>>, vector<1x16xf32>,
        %swap3A_636 = vector.shape_cast %swap3A_635 : vector<1x16xf32> to vector<16xf32>
        %swap3A_637 = vector.shape_cast %mul3A_632 : vector<16xf32> to vector<1x16xf32>
        tpu.vector_store %arg11[%swap3A_633, %swap3A_634], %swap3A_637 {strides = array<i32>} : memref<1024x32xf32, #tpu.memory_space<vmem>>, vector<1x16xf32>,
        %slice3A_638 = vector.extract_strided_slice %get3A_428 {offsets = [8], sizes = [1], strides = [1]} : vector<16xf32> to vector<1xf32>
        %squeeze3A_639 = vector.extract %slice3A_638[0] : f32 from vector<1xf32>
        %add3A_640 = arith.constant 8 : i32
        %add3A_641 = arith.addi %add3A_432, %add3A_640 : i32
        %get3A_642 = arith.index_cast %add3A_641 : i32 to index
        %get3A_643 = arith.constant 0 : index
        %get3A_644 = tpu.vector_load %arg11[%get3A_642, %get3A_643] {strides = array<i32>} : memref<1024x32xf32, #tpu.memory_space<vmem>>, vector<1x16xf32>,
        %get3A_645 = vector.shape_cast %get3A_644 : vector<1x16xf32> to vector<16xf32>
        %mul3A_646 = vector.broadcast %squeeze3A_639 : f32 to vector<16xf32>
        %mul3A_647 = arith.mulf %get3A_645, %mul3A_646 : vector<16xf32>
        %swap3A_648 = arith.index_cast %add3A_641 : i32 to index
        %swap3A_649 = arith.constant 0 : index
        %swap3A_650 = tpu.vector_load %arg11[%swap3A_648, %swap3A_649] {strides = array<i32>} : memref<1024x32xf32, #tpu.memory_space<vmem>>, vector<1x16xf32>,
        %swap3A_651 = vector.shape_cast %swap3A_650 : vector<1x16xf32> to vector<16xf32>
        %swap3A_652 = vector.shape_cast %mul3A_647 : vector<16xf32> to vector<1x16xf32>
        tpu.vector_store %arg11[%swap3A_648, %swap3A_649], %swap3A_652 {strides = array<i32>} : memref<1024x32xf32, #tpu.memory_space<vmem>>, vector<1x16xf32>,
        %get3A_653 = arith.index_cast %add3A_641 : i32 to index
        %get3A_654 = arith.constant 16 : index
        %get3A_655 = tpu.vector_load %arg11[%get3A_653, %get3A_654] {strides = array<i32>} : memref<1024x32xf32, #tpu.memory_space<vmem>>, vector<1x16xf32>,
        %get3A_656 = vector.shape_cast %get3A_655 : vector<1x16xf32> to vector<16xf32>
        %mul3A_657 = vector.broadcast %squeeze3A_639 : f32 to vector<16xf32>
        %mul3A_658 = arith.mulf %get3A_656, %mul3A_657 : vector<16xf32>
        %swap3A_659 = arith.index_cast %add3A_641 : i32 to index
        %swap3A_660 = arith.constant 16 : index
        %swap3A_661 = tpu.vector_load %arg11[%swap3A_659, %swap3A_660] {strides = array<i32>} : memref<1024x32xf32, #tpu.memory_space<vmem>>, vector<1x16xf32>,
        %swap3A_662 = vector.shape_cast %swap3A_661 : vector<1x16xf32> to vector<16xf32>
        %swap3A_663 = vector.shape_cast %mul3A_658 : vector<16xf32> to vector<1x16xf32>
        tpu.vector_store %arg11[%swap3A_659, %swap3A_660], %swap3A_663 {strides = array<i32>} : memref<1024x32xf32, #tpu.memory_space<vmem>>, vector<1x16xf32>,
        %slice3A_664 = vector.extract_strided_slice %get3A_428 {offsets = [9], sizes = [1], strides = [1]} : vector<16xf32> to vector<1xf32>
        %squeeze3A_665 = vector.extract %slice3A_664[0] : f32 from vector<1xf32>
        %add3A_666 = arith.constant 9 : i32
        %add3A_667 = arith.addi %add3A_432, %add3A_666 : i32
        %get3A_668 = arith.index_cast %add3A_667 : i32 to index
        %get3A_669 = arith.constant 0 : index
        %get3A_670 = tpu.vector_load %arg11[%get3A_668, %get3A_669] {strides = array<i32>} : memref<1024x32xf32, #tpu.memory_space<vmem>>, vector<1x16xf32>,
        %get3A_671 = vector.shape_cast %get3A_670 : vector<1x16xf32> to vector<16xf32>
        %mul3A_672 = vector.broadcast %squeeze3A_665 : f32 to vector<16xf32>
        %mul3A_673 = arith.mulf %get3A_671, %mul3A_672 : vector<16xf32>
        %swap3A_674 = arith.index_cast %add3A_667 : i32 to index
        %swap3A_675 = arith.constant 0 : index
        %swap3A_676 = tpu.vector_load %arg11[%swap3A_674, %swap3A_675] {strides = array<i32>} : memref<1024x32xf32, #tpu.memory_space<vmem>>, vector<1x16xf32>,
        %swap3A_677 = vector.shape_cast %swap3A_676 : vector<1x16xf32> to vector<16xf32>
        %swap3A_678 = vector.shape_cast %mul3A_673 : vector<16xf32> to vector<1x16xf32>
        tpu.vector_store %arg11[%swap3A_674, %swap3A_675], %swap3A_678 {strides = array<i32>} : memref<1024x32xf32, #tpu.memory_space<vmem>>, vector<1x16xf32>,
        %get3A_679 = arith.index_cast %add3A_667 : i32 to index
        %get3A_680 = arith.constant 16 : index
        %get3A_681 = tpu.vector_load %arg11[%get3A_679, %get3A_680] {strides = array<i32>} : memref<1024x32xf32, #tpu.memory_space<vmem>>, vector<1x16xf32>,
        %get3A_682 = vector.shape_cast %get3A_681 : vector<1x16xf32> to vector<16xf32>
        %mul3A_683 = vector.broadcast %squeeze3A_665 : f32 to vector<16xf32>
        %mul3A_684 = arith.mulf %get3A_682, %mul3A_683 : vector<16xf32>
        %swap3A_685 = arith.index_cast %add3A_667 : i32 to index
        %swap3A_686 = arith.constant 16 : index
        %swap3A_687 = tpu.vector_load %arg11[%swap3A_685, %swap3A_686] {strides = array<i32>} : memref<1024x32xf32, #tpu.memory_space<vmem>>, vector<1x16xf32>,
        %swap3A_688 = vector.shape_cast %swap3A_687 : vector<1x16xf32> to vector<16xf32>
        %swap3A_689 = vector.shape_cast %mul3A_684 : vector<16xf32> to vector<1x16xf32>
        tpu.vector_store %arg11[%swap3A_685, %swap3A_686], %swap3A_689 {strides = array<i32>} : memref<1024x32xf32, #tpu.memory_space<vmem>>, vector<1x16xf32>,
        %slice3A_690 = vector.extract_strided_slice %get3A_428 {offsets = [10], sizes = [1], strides = [1]} : vector<16xf32> to vector<1xf32>
        %squeeze3A_691 = vector.extract %slice3A_690[0] : f32 from vector<1xf32>
        %add3A_692 = arith.constant 10 : i32
        %add3A_693 = arith.addi %add3A_432, %add3A_692 : i32
        %get3A_694 = arith.index_cast %add3A_693 : i32 to index
        %get3A_695 = arith.constant 0 : index
        %get3A_696 = tpu.vector_load %arg11[%get3A_694, %get3A_695] {strides = array<i32>} : memref<1024x32xf32, #tpu.memory_space<vmem>>, vector<1x16xf32>,
        %get3A_697 = vector.shape_cast %get3A_696 : vector<1x16xf32> to vector<16xf32>
        %mul3A_698 = vector.broadcast %squeeze3A_691 : f32 to vector<16xf32>
        %mul3A_699 = arith.mulf %get3A_697, %mul3A_698 : vector<16xf32>
        %swap3A_700 = arith.index_cast %add3A_693 : i32 to index
        %swap3A_701 = arith.constant 0 : index
        %swap3A_702 = tpu.vector_load %arg11[%swap3A_700, %swap3A_701] {strides = array<i32>} : memref<1024x32xf32, #tpu.memory_space<vmem>>, vector<1x16xf32>,
        %swap3A_703 = vector.shape_cast %swap3A_702 : vector<1x16xf32> to vector<16xf32>
        %swap3A_704 = vector.shape_cast %mul3A_699 : vector<16xf32> to vector<1x16xf32>
        tpu.vector_store %arg11[%swap3A_700, %swap3A_701], %swap3A_704 {strides = array<i32>} : memref<1024x32xf32, #tpu.memory_space<vmem>>, vector<1x16xf32>,
        %get3A_705 = arith.index_cast %add3A_693 : i32 to index
        %get3A_706 = arith.constant 16 : index
        %get3A_707 = tpu.vector_load %arg11[%get3A_705, %get3A_706] {strides = array<i32>} : memref<1024x32xf32, #tpu.memory_space<vmem>>, vector<1x16xf32>,
        %get3A_708 = vector.shape_cast %get3A_707 : vector<1x16xf32> to vector<16xf32>
        %mul3A_709 = vector.broadcast %squeeze3A_691 : f32 to vector<16xf32>
        %mul3A_710 = arith.mulf %get3A_708, %mul3A_709 : vector<16xf32>
        %swap3A_711 = arith.index_cast %add3A_693 : i32 to index
        %swap3A_712 = arith.constant 16 : index
        %swap3A_713 = tpu.vector_load %arg11[%swap3A_711, %swap3A_712] {strides = array<i32>} : memref<1024x32xf32, #tpu.memory_space<vmem>>, vector<1x16xf32>,
        %swap3A_714 = vector.shape_cast %swap3A_713 : vector<1x16xf32> to vector<16xf32>
        %swap3A_715 = vector.shape_cast %mul3A_710 : vector<16xf32> to vector<1x16xf32>
        tpu.vector_store %arg11[%swap3A_711, %swap3A_712], %swap3A_715 {strides = array<i32>} : memref<1024x32xf32, #tpu.memory_space<vmem>>, vector<1x16xf32>,
        %slice3A_716 = vector.extract_strided_slice %get3A_428 {offsets = [11], sizes = [1], strides = [1]} : vector<16xf32> to vector<1xf32>
        %squeeze3A_717 = vector.extract %slice3A_716[0] : f32 from vector<1xf32>
        %add3A_718 = arith.constant 11 : i32
        %add3A_719 = arith.addi %add3A_432, %add3A_718 : i32
        %get3A_720 = arith.index_cast %add3A_719 : i32 to index
        %get3A_721 = arith.constant 0 : index
        %get3A_722 = tpu.vector_load %arg11[%get3A_720, %get3A_721] {strides = array<i32>} : memref<1024x32xf32, #tpu.memory_space<vmem>>, vector<1x16xf32>,
        %get3A_723 = vector.shape_cast %get3A_722 : vector<1x16xf32> to vector<16xf32>
        %mul3A_724 = vector.broadcast %squeeze3A_717 : f32 to vector<16xf32>
        %mul3A_725 = arith.mulf %get3A_723, %mul3A_724 : vector<16xf32>
        %swap3A_726 = arith.index_cast %add3A_719 : i32 to index
        %swap3A_727 = arith.constant 0 : index
        %swap3A_728 = tpu.vector_load %arg11[%swap3A_726, %swap3A_727] {strides = array<i32>} : memref<1024x32xf32, #tpu.memory_space<vmem>>, vector<1x16xf32>,
        %swap3A_729 = vector.shape_cast %swap3A_728 : vector<1x16xf32> to vector<16xf32>
        %swap3A_730 = vector.shape_cast %mul3A_725 : vector<16xf32> to vector<1x16xf32>
        tpu.vector_store %arg11[%swap3A_726, %swap3A_727], %swap3A_730 {strides = array<i32>} : memref<1024x32xf32, #tpu.memory_space<vmem>>, vector<1x16xf32>,
        %get3A_731 = arith.index_cast %add3A_719 : i32 to index
        %get3A_732 = arith.constant 16 : index
        %get3A_733 = tpu.vector_load %arg11[%get3A_731, %get3A_732] {strides = array<i32>} : memref<1024x32xf32, #tpu.memory_space<vmem>>, vector<1x16xf32>,
        %get3A_734 = vector.shape_cast %get3A_733 : vector<1x16xf32> to vector<16xf32>
        %mul3A_735 = vector.broadcast %squeeze3A_717 : f32 to vector<16xf32>
        %mul3A_736 = arith.mulf %get3A_734, %mul3A_735 : vector<16xf32>
        %swap3A_737 = arith.index_cast %add3A_719 : i32 to index
        %swap3A_738 = arith.constant 16 : index
        %swap3A_739 = tpu.vector_load %arg11[%swap3A_737, %swap3A_738] {strides = array<i32>} : memref<1024x32xf32, #tpu.memory_space<vmem>>, vector<1x16xf32>,
        %swap3A_740 = vector.shape_cast %swap3A_739 : vector<1x16xf32> to vector<16xf32>
        %swap3A_741 = vector.shape_cast %mul3A_736 : vector<16xf32> to vector<1x16xf32>
        tpu.vector_store %arg11[%swap3A_737, %swap3A_738], %swap3A_741 {strides = array<i32>} : memref<1024x32xf32, #tpu.memory_space<vmem>>, vector<1x16xf32>,
        %slice3A_742 = vector.extract_strided_slice %get3A_428 {offsets = [12], sizes = [1], strides = [1]} : vector<16xf32> to vector<1xf32>
        %squeeze3A_743 = vector.extract %slice3A_742[0] : f32 from vector<1xf32>
        %add3A_744 = arith.constant 12 : i32
        %add3A_745 = arith.addi %add3A_432, %add3A_744 : i32
        %get3A_746 = arith.index_cast %add3A_745 : i32 to index
        %get3A_747 = arith.constant 0 : index
        %get3A_748 = tpu.vector_load %arg11[%get3A_746, %get3A_747] {strides = array<i32>} : memref<1024x32xf32, #tpu.memory_space<vmem>>, vector<1x16xf32>,
        %get3A_749 = vector.shape_cast %get3A_748 : vector<1x16xf32> to vector<16xf32>
        %mul3A_750 = vector.broadcast %squeeze3A_743 : f32 to vector<16xf32>
        %mul3A_751 = arith.mulf %get3A_749, %mul3A_750 : vector<16xf32>
        %swap3A_752 = arith.index_cast %add3A_745 : i32 to index
        %swap3A_753 = arith.constant 0 : index
        %swap3A_754 = tpu.vector_load %arg11[%swap3A_752, %swap3A_753] {strides = array<i32>} : memref<1024x32xf32, #tpu.memory_space<vmem>>, vector<1x16xf32>,
        %swap3A_755 = vector.shape_cast %swap3A_754 : vector<1x16xf32> to vector<16xf32>
        %swap3A_756 = vector.shape_cast %mul3A_751 : vector<16xf32> to vector<1x16xf32>
        tpu.vector_store %arg11[%swap3A_752, %swap3A_753], %swap3A_756 {strides = array<i32>} : memref<1024x32xf32, #tpu.memory_space<vmem>>, vector<1x16xf32>,
        %get3A_757 = arith.index_cast %add3A_745 : i32 to index
        %get3A_758 = arith.constant 16 : index
        %get3A_759 = tpu.vector_load %arg11[%get3A_757, %get3A_758] {strides = array<i32>} : memref<1024x32xf32, #tpu.memory_space<vmem>>, vector<1x16xf32>,
        %get3A_760 = vector.shape_cast %get3A_759 : vector<1x16xf32> to vector<16xf32>
        %mul3A_761 = vector.broadcast %squeeze3A_743 : f32 to vector<16xf32>
        %mul3A_762 = arith.mulf %get3A_760, %mul3A_761 : vector<16xf32>
        %swap3A_763 = arith.index_cast %add3A_745 : i32 to index
        %swap3A_764 = arith.constant 16 : index
        %swap3A_765 = tpu.vector_load %arg11[%swap3A_763, %swap3A_764] {strides = array<i32>} : memref<1024x32xf32, #tpu.memory_space<vmem>>, vector<1x16xf32>,
        %swap3A_766 = vector.shape_cast %swap3A_765 : vector<1x16xf32> to vector<16xf32>
        %swap3A_767 = vector.shape_cast %mul3A_762 : vector<16xf32> to vector<1x16xf32>
        tpu.vector_store %arg11[%swap3A_763, %swap3A_764], %swap3A_767 {strides = array<i32>} : memref<1024x32xf32, #tpu.memory_space<vmem>>, vector<1x16xf32>,
        %slice3A_768 = vector.extract_strided_slice %get3A_428 {offsets = [13], sizes = [1], strides = [1]} : vector<16xf32> to vector<1xf32>
        %squeeze3A_769 = vector.extract %slice3A_768[0] : f32 from vector<1xf32>
        %add3A_770 = arith.constant 13 : i32
        %add3A_771 = arith.addi %add3A_432, %add3A_770 : i32
        %get3A_772 = arith.index_cast %add3A_771 : i32 to index
        %get3A_773 = arith.constant 0 : index
        %get3A_774 = tpu.vector_load %arg11[%get3A_772, %get3A_773] {strides = array<i32>} : memref<1024x32xf32, #tpu.memory_space<vmem>>, vector<1x16xf32>,
        %get3A_775 = vector.shape_cast %get3A_774 : vector<1x16xf32> to vector<16xf32>
        %mul3A_776 = vector.broadcast %squeeze3A_769 : f32 to vector<16xf32>
        %mul3A_777 = arith.mulf %get3A_775, %mul3A_776 : vector<16xf32>
        %swap3A_778 = arith.index_cast %add3A_771 : i32 to index
        %swap3A_779 = arith.constant 0 : index
        %swap3A_780 = tpu.vector_load %arg11[%swap3A_778, %swap3A_779] {strides = array<i32>} : memref<1024x32xf32, #tpu.memory_space<vmem>>, vector<1x16xf32>,
        %swap3A_781 = vector.shape_cast %swap3A_780 : vector<1x16xf32> to vector<16xf32>
        %swap3A_782 = vector.shape_cast %mul3A_777 : vector<16xf32> to vector<1x16xf32>
        tpu.vector_store %arg11[%swap3A_778, %swap3A_779], %swap3A_782 {strides = array<i32>} : memref<1024x32xf32, #tpu.memory_space<vmem>>, vector<1x16xf32>,
        %get3A_783 = arith.index_cast %add3A_771 : i32 to index
        %get3A_784 = arith.constant 16 : index
        %get3A_785 = tpu.vector_load %arg11[%get3A_783, %get3A_784] {strides = array<i32>} : memref<1024x32xf32, #tpu.memory_space<vmem>>, vector<1x16xf32>,
        %get3A_786 = vector.shape_cast %get3A_785 : vector<1x16xf32> to vector<16xf32>
        %mul3A_787 = vector.broadcast %squeeze3A_769 : f32 to vector<16xf32>
        %mul3A_788 = arith.mulf %get3A_786, %mul3A_787 : vector<16xf32>
        %swap3A_789 = arith.index_cast %add3A_771 : i32 to index
        %swap3A_790 = arith.constant 16 : index
        %swap3A_791 = tpu.vector_load %arg11[%swap3A_789, %swap3A_790] {strides = array<i32>} : memref<1024x32xf32, #tpu.memory_space<vmem>>, vector<1x16xf32>,
        %swap3A_792 = vector.shape_cast %swap3A_791 : vector<1x16xf32> to vector<16xf32>
        %swap3A_793 = vector.shape_cast %mul3A_788 : vector<16xf32> to vector<1x16xf32>
        tpu.vector_store %arg11[%swap3A_789, %swap3A_790], %swap3A_793 {strides = array<i32>} : memref<1024x32xf32, #tpu.memory_space<vmem>>, vector<1x16xf32>,
        %slice3A_794 = vector.extract_strided_slice %get3A_428 {offsets = [14], sizes = [1], strides = [1]} : vector<16xf32> to vector<1xf32>
        %squeeze3A_795 = vector.extract %slice3A_794[0] : f32 from vector<1xf32>
        %add3A_796 = arith.constant 14 : i32
        %add3A_797 = arith.addi %add3A_432, %add3A_796 : i32
        %get3A_798 = arith.index_cast %add3A_797 : i32 to index
        %get3A_799 = arith.constant 0 : index
        %get3A_800 = tpu.vector_load %arg11[%get3A_798, %get3A_799] {strides = array<i32>} : memref<1024x32xf32, #tpu.memory_space<vmem>>, vector<1x16xf32>,
        %get3A_801 = vector.shape_cast %get3A_800 : vector<1x16xf32> to vector<16xf32>
        %mul3A_802 = vector.broadcast %squeeze3A_795 : f32 to vector<16xf32>
        %mul3A_803 = arith.mulf %get3A_801, %mul3A_802 : vector<16xf32>
        %swap3A_804 = arith.index_cast %add3A_797 : i32 to index
        %swap3A_805 = arith.constant 0 : index
        %swap3A_806 = tpu.vector_load %arg11[%swap3A_804, %swap3A_805] {strides = array<i32>} : memref<1024x32xf32, #tpu.memory_space<vmem>>, vector<1x16xf32>,
        %swap3A_807 = vector.shape_cast %swap3A_806 : vector<1x16xf32> to vector<16xf32>
        %swap3A_808 = vector.shape_cast %mul3A_803 : vector<16xf32> to vector<1x16xf32>
        tpu.vector_store %arg11[%swap3A_804, %swap3A_805], %swap3A_808 {strides = array<i32>} : memref<1024x32xf32, #tpu.memory_space<vmem>>, vector<1x16xf32>,
        %get3A_809 = arith.index_cast %add3A_797 : i32 to index
        %get3A_810 = arith.constant 16 : index
        %get3A_811 = tpu.vector_load %arg11[%get3A_809, %get3A_810] {strides = array<i32>} : memref<1024x32xf32, #tpu.memory_space<vmem>>, vector<1x16xf32>,
        %get3A_812 = vector.shape_cast %get3A_811 : vector<1x16xf32> to vector<16xf32>
        %mul3A_813 = vector.broadcast %squeeze3A_795 : f32 to vector<16xf32>
        %mul3A_814 = arith.mulf %get3A_812, %mul3A_813 : vector<16xf32>
        %swap3A_815 = arith.index_cast %add3A_797 : i32 to index
        %swap3A_816 = arith.constant 16 : index
        %swap3A_817 = tpu.vector_load %arg11[%swap3A_815, %swap3A_816] {strides = array<i32>} : memref<1024x32xf32, #tpu.memory_space<vmem>>, vector<1x16xf32>,
        %swap3A_818 = vector.shape_cast %swap3A_817 : vector<1x16xf32> to vector<16xf32>
        %swap3A_819 = vector.shape_cast %mul3A_814 : vector<16xf32> to vector<1x16xf32>
        tpu.vector_store %arg11[%swap3A_815, %swap3A_816], %swap3A_819 {strides = array<i32>} : memref<1024x32xf32, #tpu.memory_space<vmem>>, vector<1x16xf32>,
        %slice3A_820 = vector.extract_strided_slice %get3A_428 {offsets = [15], sizes = [1], strides = [1]} : vector<16xf32> to vector<1xf32>
        %squeeze3A_821 = vector.extract %slice3A_820[0] : f32 from vector<1xf32>
        %add3A_822 = arith.constant 15 : i32
        %add3A_823 = arith.addi %add3A_432, %add3A_822 : i32
        %get3A_824 = arith.index_cast %add3A_823 : i32 to index
        %get3A_825 = arith.constant 0 : index
        %get3A_826 = tpu.vector_load %arg11[%get3A_824, %get3A_825] {strides = array<i32>} : memref<1024x32xf32, #tpu.memory_space<vmem>>, vector<1x16xf32>,
        %get3A_827 = vector.shape_cast %get3A_826 : vector<1x16xf32> to vector<16xf32>
        %mul3A_828 = vector.broadcast %squeeze3A_821 : f32 to vector<16xf32>
        %mul3A_829 = arith.mulf %get3A_827, %mul3A_828 : vector<16xf32>
        %swap3A_830 = arith.index_cast %add3A_823 : i32 to index
        %swap3A_831 = arith.constant 0 : index
        %swap3A_832 = tpu.vector_load %arg11[%swap3A_830, %swap3A_831] {strides = array<i32>} : memref<1024x32xf32, #tpu.memory_space<vmem>>, vector<1x16xf32>,
        %swap3A_833 = vector.shape_cast %swap3A_832 : vector<1x16xf32> to vector<16xf32>
        %swap3A_834 = vector.shape_cast %mul3A_829 : vector<16xf32> to vector<1x16xf32>
        tpu.vector_store %arg11[%swap3A_830, %swap3A_831], %swap3A_834 {strides = array<i32>} : memref<1024x32xf32, #tpu.memory_space<vmem>>, vector<1x16xf32>,
        %get3A_835 = arith.index_cast %add3A_823 : i32 to index
        %get3A_836 = arith.constant 16 : index
        %get3A_837 = tpu.vector_load %arg11[%get3A_835, %get3A_836] {strides = array<i32>} : memref<1024x32xf32, #tpu.memory_space<vmem>>, vector<1x16xf32>,
        %get3A_838 = vector.shape_cast %get3A_837 : vector<1x16xf32> to vector<16xf32>
        %mul3A_839 = vector.broadcast %squeeze3A_821 : f32 to vector<16xf32>
        %mul3A_840 = arith.mulf %get3A_838, %mul3A_839 : vector<16xf32>
        %swap3A_841 = arith.index_cast %add3A_823 : i32 to index
        %swap3A_842 = arith.constant 16 : index
        %swap3A_843 = tpu.vector_load %arg11[%swap3A_841, %swap3A_842] {strides = array<i32>} : memref<1024x32xf32, #tpu.memory_space<vmem>>, vector<1x16xf32>,
        %swap3A_844 = vector.shape_cast %swap3A_843 : vector<1x16xf32> to vector<16xf32>
        %swap3A_845 = vector.shape_cast %mul3A_840 : vector<16xf32> to vector<1x16xf32>
        tpu.vector_store %arg11[%swap3A_841, %swap3A_842], %swap3A_845 {strides = array<i32>} : memref<1024x32xf32, #tpu.memory_space<vmem>>, vector<1x16xf32>,
      }
      %scan3A_235 = arith.constant 8 : i32
      %dma_start3A_236 = arith.constant 1 : i32
      %dma_start3A_237 = arith.constant 128 : i32
      %dma_start3A_238 = arith.constant 0 : i32
      %dma_start3A_239 = tpu.memref_slice %arg11[%dma_start3A_237, %dma_start3A_238] : memref<1024x32xf32, #tpu.memory_space<vmem>> -> memref<128x32xf32, #tpu.memory_space<vmem>>
      %dma_start3A_240 = arith.constant 0 : i32
      %dma_start3A_241 = tpu.memref_slice %arg9[%dma_start3A_236, %dma_start3A_240] : memref<8x128xi32, #tpu.memory_space<vmem>> -> memref<1x128xi32, #tpu.memory_space<vmem>>
      %dma_start3A_242 = tpu.memref_squeeze %dma_start3A_241 : memref<1x128xi32, #tpu.memory_space<vmem>> -> memref<128xi32, #tpu.memory_space<vmem>>
      %dma_start3A_243 = arith.constant 0 : i32
      %dma_start3A_244 = arith.constant 0 : i32
      %dma_start3A_245 = tpu.memref_slice %arg12[%dma_start3A_243, %dma_start3A_244] : memref<16384x32xf32, #tpu.memory_space<vmem_shared>> -> memref<16384x32xf32, #tpu.memory_space<vmem_shared>>
      tpu.enqueue_indirect_dma source(%dma_start3A_239 : memref<128x32xf32, #tpu.memory_space<vmem>>) target(%dma_start3A_245 : memref<16384x32xf32, #tpu.memory_space<vmem_shared>>) offsets(%dma_start3A_242 : memref<128xi32, #tpu.memory_space<vmem>>) semaphore(%arg14 : memref<!tpu.dma_semaphore, #tpu.memory_space<semaphore_mem>>) {add = true}
      %scan3A_246 = arith.constant 0 : i32
      %scan3A_247 = arith.constant 0 : i32
      %scan3A_248 = arith.constant 8 : i32
      %scan3A_249 = arith.addi %scan3A_247, %scan3A_248 : i32
      %scan3A_250 = arith.constant 1 : i32
      scf.for %scan3A_422 = %scan3A_247 to %scan3A_249 step %scan3A_250  : i32 {
        %mul3A_423 = arith.constant 16 : i32
        %mul3A_424 = arith.muli %scan3A_422, %mul3A_423 : i32
        %get3A = arith.constant 2 : i32
        %get3A_425 = arith.index_cast %get3A : i32 to index
        %get3A_426 = arith.index_cast %mul3A_424 : i32 to index
        %get3A_427 = tpu.vector_load %arg10[%get3A_425, %get3A_426] {strides = array<i32>} : memref<8x128xf32, #tpu.memory_space<vmem>>, vector<1x16xf32>,
        %get3A_428 = vector.shape_cast %get3A_427 : vector<1x16xf32> to vector<16xf32>
        %mul3A_429 = arith.constant 16 : i32
        %mul3A_430 = arith.muli %scan3A_422, %mul3A_429 : i32
        %add3A_431 = arith.constant 256 : i32
        %add3A_432 = arith.addi %add3A_431, %mul3A_430 : i32
        %slice3A = vector.extract_strided_slice %get3A_428 {offsets = [0], sizes = [1], strides = [1]} : vector<16xf32> to vector<1xf32>
        %squeeze3A = vector.extract %slice3A[0] : f32 from vector<1xf32>
        %add3A_433 = arith.constant 0 : i32
        %add3A_434 = arith.addi %add3A_432, %add3A_433 : i32
        %get3A_435 = arith.index_cast %add3A_434 : i32 to index
        %get3A_436 = arith.constant 0 : index
        %get3A_437 = tpu.vector_load %arg11[%get3A_435, %get3A_436] {strides = array<i32>} : memref<1024x32xf32, #tpu.memory_space<vmem>>, vector<1x16xf32>,
        %get3A_438 = vector.shape_cast %get3A_437 : vector<1x16xf32> to vector<16xf32>
        %mul3A_439 = vector.broadcast %squeeze3A : f32 to vector<16xf32>
        %mul3A_440 = arith.mulf %get3A_438, %mul3A_439 : vector<16xf32>
        %swap3A = arith.index_cast %add3A_434 : i32 to index
        %swap3A_441 = arith.constant 0 : index
        %swap3A_442 = tpu.vector_load %arg11[%swap3A, %swap3A_441] {strides = array<i32>} : memref<1024x32xf32, #tpu.memory_space<vmem>>, vector<1x16xf32>,
        %swap3A_443 = vector.shape_cast %swap3A_442 : vector<1x16xf32> to vector<16xf32>
        %swap3A_444 = vector.shape_cast %mul3A_440 : vector<16xf32> to vector<1x16xf32>
        tpu.vector_store %arg11[%swap3A, %swap3A_441], %swap3A_444 {strides = array<i32>} : memref<1024x32xf32, #tpu.memory_space<vmem>>, vector<1x16xf32>,
        %get3A_445 = arith.index_cast %add3A_434 : i32 to index
        %get3A_446 = arith.constant 16 : index
        %get3A_447 = tpu.vector_load %arg11[%get3A_445, %get3A_446] {strides = array<i32>} : memref<1024x32xf32, #tpu.memory_space<vmem>>, vector<1x16xf32>,
        %get3A_448 = vector.shape_cast %get3A_447 : vector<1x16xf32> to vector<16xf32>
        %mul3A_449 = vector.broadcast %squeeze3A : f32 to vector<16xf32>
        %mul3A_450 = arith.mulf %get3A_448, %mul3A_449 : vector<16xf32>
        %swap3A_451 = arith.index_cast %add3A_434 : i32 to index
        %swap3A_452 = arith.constant 16 : index
        %swap3A_453 = tpu.vector_load %arg11[%swap3A_451, %swap3A_452] {strides = array<i32>} : memref<1024x32xf32, #tpu.memory_space<vmem>>, vector<1x16xf32>,
        %swap3A_454 = vector.shape_cast %swap3A_453 : vector<1x16xf32> to vector<16xf32>
        %swap3A_455 = vector.shape_cast %mul3A_450 : vector<16xf32> to vector<1x16xf32>
        tpu.vector_store %arg11[%swap3A_451, %swap3A_452], %swap3A_455 {strides = array<i32>} : memref<1024x32xf32, #tpu.memory_space<vmem>>, vector<1x16xf32>,
        %slice3A_456 = vector.extract_strided_slice %get3A_428 {offsets = [1], sizes = [1], strides = [1]} : vector<16xf32> to vector<1xf32>
        %squeeze3A_457 = vector.extract %slice3A_456[0] : f32 from vector<1xf32>
        %add3A_458 = arith.constant 1 : i32
        %add3A_459 = arith.addi %add3A_432, %add3A_458 : i32
        %get3A_460 = arith.index_cast %add3A_459 : i32 to index
        %get3A_461 = arith.constant 0 : index
        %get3A_462 = tpu.vector_load %arg11[%get3A_460, %get3A_461] {strides = array<i32>} : memref<1024x32xf32, #tpu.memory_space<vmem>>, vector<1x16xf32>,
        %get3A_463 = vector.shape_cast %get3A_462 : vector<1x16xf32> to vector<16xf32>
        %mul3A_464 = vector.broadcast %squeeze3A_457 : f32 to vector<16xf32>
        %mul3A_465 = arith.mulf %get3A_463, %mul3A_464 : vector<16xf32>
        %swap3A_466 = arith.index_cast %add3A_459 : i32 to index
        %swap3A_467 = arith.constant 0 : index
        %swap3A_468 = tpu.vector_load %arg11[%swap3A_466, %swap3A_467] {strides = array<i32>} : memref<1024x32xf32, #tpu.memory_space<vmem>>, vector<1x16xf32>,
        %swap3A_469 = vector.shape_cast %swap3A_468 : vector<1x16xf32> to vector<16xf32>
        %swap3A_470 = vector.shape_cast %mul3A_465 : vector<16xf32> to vector<1x16xf32>
        tpu.vector_store %arg11[%swap3A_466, %swap3A_467], %swap3A_470 {strides = array<i32>} : memref<1024x32xf32, #tpu.memory_space<vmem>>, vector<1x16xf32>,
        %get3A_471 = arith.index_cast %add3A_459 : i32 to index
        %get3A_472 = arith.constant 16 : index
        %get3A_473 = tpu.vector_load %arg11[%get3A_471, %get3A_472] {strides = array<i32>} : memref<1024x32xf32, #tpu.memory_space<vmem>>, vector<1x16xf32>,
        %get3A_474 = vector.shape_cast %get3A_473 : vector<1x16xf32> to vector<16xf32>
        %mul3A_475 = vector.broadcast %squeeze3A_457 : f32 to vector<16xf32>
        %mul3A_476 = arith.mulf %get3A_474, %mul3A_475 : vector<16xf32>
        %swap3A_477 = arith.index_cast %add3A_459 : i32 to index
        %swap3A_478 = arith.constant 16 : index
        %swap3A_479 = tpu.vector_load %arg11[%swap3A_477, %swap3A_478] {strides = array<i32>} : memref<1024x32xf32, #tpu.memory_space<vmem>>, vector<1x16xf32>,
        %swap3A_480 = vector.shape_cast %swap3A_479 : vector<1x16xf32> to vector<16xf32>
        %swap3A_481 = vector.shape_cast %mul3A_476 : vector<16xf32> to vector<1x16xf32>
        tpu.vector_store %arg11[%swap3A_477, %swap3A_478], %swap3A_481 {strides = array<i32>} : memref<1024x32xf32, #tpu.memory_space<vmem>>, vector<1x16xf32>,
        %slice3A_482 = vector.extract_strided_slice %get3A_428 {offsets = [2], sizes = [1], strides = [1]} : vector<16xf32> to vector<1xf32>
        %squeeze3A_483 = vector.extract %slice3A_482[0] : f32 from vector<1xf32>
        %add3A_484 = arith.constant 2 : i32
        %add3A_485 = arith.addi %add3A_432, %add3A_484 : i32
        %get3A_486 = arith.index_cast %add3A_485 : i32 to index
        %get3A_487 = arith.constant 0 : index
        %get3A_488 = tpu.vector_load %arg11[%get3A_486, %get3A_487] {strides = array<i32>} : memref<1024x32xf32, #tpu.memory_space<vmem>>, vector<1x16xf32>,
        %get3A_489 = vector.shape_cast %get3A_488 : vector<1x16xf32> to vector<16xf32>
        %mul3A_490 = vector.broadcast %squeeze3A_483 : f32 to vector<16xf32>
        %mul3A_491 = arith.mulf %get3A_489, %mul3A_490 : vector<16xf32>
        %swap3A_492 = arith.index_cast %add3A_485 : i32 to index
        %swap3A_493 = arith.constant 0 : index
        %swap3A_494 = tpu.vector_load %arg11[%swap3A_492, %swap3A_493] {strides = array<i32>} : memref<1024x32xf32, #tpu.memory_space<vmem>>, vector<1x16xf32>,
        %swap3A_495 = vector.shape_cast %swap3A_494 : vector<1x16xf32> to vector<16xf32>
        %swap3A_496 = vector.shape_cast %mul3A_491 : vector<16xf32> to vector<1x16xf32>
        tpu.vector_store %arg11[%swap3A_492, %swap3A_493], %swap3A_496 {strides = array<i32>} : memref<1024x32xf32, #tpu.memory_space<vmem>>, vector<1x16xf32>,
        %get3A_497 = arith.index_cast %add3A_485 : i32 to index
        %get3A_498 = arith.constant 16 : index
        %get3A_499 = tpu.vector_load %arg11[%get3A_497, %get3A_498] {strides = array<i32>} : memref<1024x32xf32, #tpu.memory_space<vmem>>, vector<1x16xf32>,
        %get3A_500 = vector.shape_cast %get3A_499 : vector<1x16xf32> to vector<16xf32>
        %mul3A_501 = vector.broadcast %squeeze3A_483 : f32 to vector<16xf32>
        %mul3A_502 = arith.mulf %get3A_500, %mul3A_501 : vector<16xf32>
        %swap3A_503 = arith.index_cast %add3A_485 : i32 to index
        %swap3A_504 = arith.constant 16 : index
        %swap3A_505 = tpu.vector_load %arg11[%swap3A_503, %swap3A_504] {strides = array<i32>} : memref<1024x32xf32, #tpu.memory_space<vmem>>, vector<1x16xf32>,
        %swap3A_506 = vector.shape_cast %swap3A_505 : vector<1x16xf32> to vector<16xf32>
        %swap3A_507 = vector.shape_cast %mul3A_502 : vector<16xf32> to vector<1x16xf32>
        tpu.vector_store %arg11[%swap3A_503, %swap3A_504], %swap3A_507 {strides = array<i32>} : memref<1024x32xf32, #tpu.memory_space<vmem>>, vector<1x16xf32>,
        %slice3A_508 = vector.extract_strided_slice %get3A_428 {offsets = [3], sizes = [1], strides = [1]} : vector<16xf32> to vector<1xf32>
        %squeeze3A_509 = vector.extract %slice3A_508[0] : f32 from vector<1xf32>
        %add3A_510 = arith.constant 3 : i32
        %add3A_511 = arith.addi %add3A_432, %add3A_510 : i32
        %get3A_512 = arith.index_cast %add3A_511 : i32 to index
        %get3A_513 = arith.constant 0 : index
        %get3A_514 = tpu.vector_load %arg11[%get3A_512, %get3A_513] {strides = array<i32>} : memref<1024x32xf32, #tpu.memory_space<vmem>>, vector<1x16xf32>,
        %get3A_515 = vector.shape_cast %get3A_514 : vector<1x16xf32> to vector<16xf32>
        %mul3A_516 = vector.broadcast %squeeze3A_509 : f32 to vector<16xf32>
        %mul3A_517 = arith.mulf %get3A_515, %mul3A_516 : vector<16xf32>
        %swap3A_518 = arith.index_cast %add3A_511 : i32 to index
        %swap3A_519 = arith.constant 0 : index
        %swap3A_520 = tpu.vector_load %arg11[%swap3A_518, %swap3A_519] {strides = array<i32>} : memref<1024x32xf32, #tpu.memory_space<vmem>>, vector<1x16xf32>,
        %swap3A_521 = vector.shape_cast %swap3A_520 : vector<1x16xf32> to vector<16xf32>
        %swap3A_522 = vector.shape_cast %mul3A_517 : vector<16xf32> to vector<1x16xf32>
        tpu.vector_store %arg11[%swap3A_518, %swap3A_519], %swap3A_522 {strides = array<i32>} : memref<1024x32xf32, #tpu.memory_space<vmem>>, vector<1x16xf32>,
        %get3A_523 = arith.index_cast %add3A_511 : i32 to index
        %get3A_524 = arith.constant 16 : index
        %get3A_525 = tpu.vector_load %arg11[%get3A_523, %get3A_524] {strides = array<i32>} : memref<1024x32xf32, #tpu.memory_space<vmem>>, vector<1x16xf32>,
        %get3A_526 = vector.shape_cast %get3A_525 : vector<1x16xf32> to vector<16xf32>
        %mul3A_527 = vector.broadcast %squeeze3A_509 : f32 to vector<16xf32>
        %mul3A_528 = arith.mulf %get3A_526, %mul3A_527 : vector<16xf32>
        %swap3A_529 = arith.index_cast %add3A_511 : i32 to index
        %swap3A_530 = arith.constant 16 : index
        %swap3A_531 = tpu.vector_load %arg11[%swap3A_529, %swap3A_530] {strides = array<i32>} : memref<1024x32xf32, #tpu.memory_space<vmem>>, vector<1x16xf32>,
        %swap3A_532 = vector.shape_cast %swap3A_531 : vector<1x16xf32> to vector<16xf32>
        %swap3A_533 = vector.shape_cast %mul3A_528 : vector<16xf32> to vector<1x16xf32>
        tpu.vector_store %arg11[%swap3A_529, %swap3A_530], %swap3A_533 {strides = array<i32>} : memref<1024x32xf32, #tpu.memory_space<vmem>>, vector<1x16xf32>,
        %slice3A_534 = vector.extract_strided_slice %get3A_428 {offsets = [4], sizes = [1], strides = [1]} : vector<16xf32> to vector<1xf32>
        %squeeze3A_535 = vector.extract %slice3A_534[0] : f32 from vector<1xf32>
        %add3A_536 = arith.constant 4 : i32
        %add3A_537 = arith.addi %add3A_432, %add3A_536 : i32
        %get3A_538 = arith.index_cast %add3A_537 : i32 to index
        %get3A_539 = arith.constant 0 : index
        %get3A_540 = tpu.vector_load %arg11[%get3A_538, %get3A_539] {strides = array<i32>} : memref<1024x32xf32, #tpu.memory_space<vmem>>, vector<1x16xf32>,
        %get3A_541 = vector.shape_cast %get3A_540 : vector<1x16xf32> to vector<16xf32>
        %mul3A_542 = vector.broadcast %squeeze3A_535 : f32 to vector<16xf32>
        %mul3A_543 = arith.mulf %get3A_541, %mul3A_542 : vector<16xf32>
        %swap3A_544 = arith.index_cast %add3A_537 : i32 to index
        %swap3A_545 = arith.constant 0 : index
        %swap3A_546 = tpu.vector_load %arg11[%swap3A_544, %swap3A_545] {strides = array<i32>} : memref<1024x32xf32, #tpu.memory_space<vmem>>, vector<1x16xf32>,
        %swap3A_547 = vector.shape_cast %swap3A_546 : vector<1x16xf32> to vector<16xf32>
        %swap3A_548 = vector.shape_cast %mul3A_543 : vector<16xf32> to vector<1x16xf32>
        tpu.vector_store %arg11[%swap3A_544, %swap3A_545], %swap3A_548 {strides = array<i32>} : memref<1024x32xf32, #tpu.memory_space<vmem>>, vector<1x16xf32>,
        %get3A_549 = arith.index_cast %add3A_537 : i32 to index
        %get3A_550 = arith.constant 16 : index
        %get3A_551 = tpu.vector_load %arg11[%get3A_549, %get3A_550] {strides = array<i32>} : memref<1024x32xf32, #tpu.memory_space<vmem>>, vector<1x16xf32>,
        %get3A_552 = vector.shape_cast %get3A_551 : vector<1x16xf32> to vector<16xf32>
        %mul3A_553 = vector.broadcast %squeeze3A_535 : f32 to vector<16xf32>
        %mul3A_554 = arith.mulf %get3A_552, %mul3A_553 : vector<16xf32>
        %swap3A_555 = arith.index_cast %add3A_537 : i32 to index
        %swap3A_556 = arith.constant 16 : index
        %swap3A_557 = tpu.vector_load %arg11[%swap3A_555, %swap3A_556] {strides = array<i32>} : memref<1024x32xf32, #tpu.memory_space<vmem>>, vector<1x16xf32>,
        %swap3A_558 = vector.shape_cast %swap3A_557 : vector<1x16xf32> to vector<16xf32>
        %swap3A_559 = vector.shape_cast %mul3A_554 : vector<16xf32> to vector<1x16xf32>
        tpu.vector_store %arg11[%swap3A_555, %swap3A_556], %swap3A_559 {strides = array<i32>} : memref<1024x32xf32, #tpu.memory_space<vmem>>, vector<1x16xf32>,
        %slice3A_560 = vector.extract_strided_slice %get3A_428 {offsets = [5], sizes = [1], strides = [1]} : vector<16xf32> to vector<1xf32>
        %squeeze3A_561 = vector.extract %slice3A_560[0] : f32 from vector<1xf32>
        %add3A_562 = arith.constant 5 : i32
        %add3A_563 = arith.addi %add3A_432, %add3A_562 : i32
        %get3A_564 = arith.index_cast %add3A_563 : i32 to index
        %get3A_565 = arith.constant 0 : index
        %get3A_566 = tpu.vector_load %arg11[%get3A_564, %get3A_565] {strides = array<i32>} : memref<1024x32xf32, #tpu.memory_space<vmem>>, vector<1x16xf32>,
        %get3A_567 = vector.shape_cast %get3A_566 : vector<1x16xf32> to vector<16xf32>
        %mul3A_568 = vector.broadcast %squeeze3A_561 : f32 to vector<16xf32>
        %mul3A_569 = arith.mulf %get3A_567, %mul3A_568 : vector<16xf32>
        %swap3A_570 = arith.index_cast %add3A_563 : i32 to index
        %swap3A_571 = arith.constant 0 : index
        %swap3A_572 = tpu.vector_load %arg11[%swap3A_570, %swap3A_571] {strides = array<i32>} : memref<1024x32xf32, #tpu.memory_space<vmem>>, vector<1x16xf32>,
        %swap3A_573 = vector.shape_cast %swap3A_572 : vector<1x16xf32> to vector<16xf32>
        %swap3A_574 = vector.shape_cast %mul3A_569 : vector<16xf32> to vector<1x16xf32>
        tpu.vector_store %arg11[%swap3A_570, %swap3A_571], %swap3A_574 {strides = array<i32>} : memref<1024x32xf32, #tpu.memory_space<vmem>>, vector<1x16xf32>,
        %get3A_575 = arith.index_cast %add3A_563 : i32 to index
        %get3A_576 = arith.constant 16 : index
        %get3A_577 = tpu.vector_load %arg11[%get3A_575, %get3A_576] {strides = array<i32>} : memref<1024x32xf32, #tpu.memory_space<vmem>>, vector<1x16xf32>,
        %get3A_578 = vector.shape_cast %get3A_577 : vector<1x16xf32> to vector<16xf32>
        %mul3A_579 = vector.broadcast %squeeze3A_561 : f32 to vector<16xf32>
        %mul3A_580 = arith.mulf %get3A_578, %mul3A_579 : vector<16xf32>
        %swap3A_581 = arith.index_cast %add3A_563 : i32 to index
        %swap3A_582 = arith.constant 16 : index
        %swap3A_583 = tpu.vector_load %arg11[%swap3A_581, %swap3A_582] {strides = array<i32>} : memref<1024x32xf32, #tpu.memory_space<vmem>>, vector<1x16xf32>,
        %swap3A_584 = vector.shape_cast %swap3A_583 : vector<1x16xf32> to vector<16xf32>
        %swap3A_585 = vector.shape_cast %mul3A_580 : vector<16xf32> to vector<1x16xf32>
        tpu.vector_store %arg11[%swap3A_581, %swap3A_582], %swap3A_585 {strides = array<i32>} : memref<1024x32xf32, #tpu.memory_space<vmem>>, vector<1x16xf32>,
        %slice3A_586 = vector.extract_strided_slice %get3A_428 {offsets = [6], sizes = [1], strides = [1]} : vector<16xf32> to vector<1xf32>
        %squeeze3A_587 = vector.extract %slice3A_586[0] : f32 from vector<1xf32>
        %add3A_588 = arith.constant 6 : i32
        %add3A_589 = arith.addi %add3A_432, %add3A_588 : i32
        %get3A_590 = arith.index_cast %add3A_589 : i32 to index
        %get3A_591 = arith.constant 0 : index
        %get3A_592 = tpu.vector_load %arg11[%get3A_590, %get3A_591] {strides = array<i32>} : memref<1024x32xf32, #tpu.memory_space<vmem>>, vector<1x16xf32>,
        %get3A_593 = vector.shape_cast %get3A_592 : vector<1x16xf32> to vector<16xf32>
        %mul3A_594 = vector.broadcast %squeeze3A_587 : f32 to vector<16xf32>
        %mul3A_595 = arith.mulf %get3A_593, %mul3A_594 : vector<16xf32>
        %swap3A_596 = arith.index_cast %add3A_589 : i32 to index
        %swap3A_597 = arith.constant 0 : index
        %swap3A_598 = tpu.vector_load %arg11[%swap3A_596, %swap3A_597] {strides = array<i32>} : memref<1024x32xf32, #tpu.memory_space<vmem>>, vector<1x16xf32>,
        %swap3A_599 = vector.shape_cast %swap3A_598 : vector<1x16xf32> to vector<16xf32>
        %swap3A_600 = vector.shape_cast %mul3A_595 : vector<16xf32> to vector<1x16xf32>
        tpu.vector_store %arg11[%swap3A_596, %swap3A_597], %swap3A_600 {strides = array<i32>} : memref<1024x32xf32, #tpu.memory_space<vmem>>, vector<1x16xf32>,
        %get3A_601 = arith.index_cast %add3A_589 : i32 to index
        %get3A_602 = arith.constant 16 : index
        %get3A_603 = tpu.vector_load %arg11[%get3A_601, %get3A_602] {strides = array<i32>} : memref<1024x32xf32, #tpu.memory_space<vmem>>, vector<1x16xf32>,
        %get3A_604 = vector.shape_cast %get3A_603 : vector<1x16xf32> to vector<16xf32>
        %mul3A_605 = vector.broadcast %squeeze3A_587 : f32 to vector<16xf32>
        %mul3A_606 = arith.mulf %get3A_604, %mul3A_605 : vector<16xf32>
        %swap3A_607 = arith.index_cast %add3A_589 : i32 to index
        %swap3A_608 = arith.constant 16 : index
        %swap3A_609 = tpu.vector_load %arg11[%swap3A_607, %swap3A_608] {strides = array<i32>} : memref<1024x32xf32, #tpu.memory_space<vmem>>, vector<1x16xf32>,
        %swap3A_610 = vector.shape_cast %swap3A_609 : vector<1x16xf32> to vector<16xf32>
        %swap3A_611 = vector.shape_cast %mul3A_606 : vector<16xf32> to vector<1x16xf32>
        tpu.vector_store %arg11[%swap3A_607, %swap3A_608], %swap3A_611 {strides = array<i32>} : memref<1024x32xf32, #tpu.memory_space<vmem>>, vector<1x16xf32>,
        %slice3A_612 = vector.extract_strided_slice %get3A_428 {offsets = [7], sizes = [1], strides = [1]} : vector<16xf32> to vector<1xf32>
        %squeeze3A_613 = vector.extract %slice3A_612[0] : f32 from vector<1xf32>
        %add3A_614 = arith.constant 7 : i32
        %add3A_615 = arith.addi %add3A_432, %add3A_614 : i32
        %get3A_616 = arith.index_cast %add3A_615 : i32 to index
        %get3A_617 = arith.constant 0 : index
        %get3A_618 = tpu.vector_load %arg11[%get3A_616, %get3A_617] {strides = array<i32>} : memref<1024x32xf32, #tpu.memory_space<vmem>>, vector<1x16xf32>,
        %get3A_619 = vector.shape_cast %get3A_618 : vector<1x16xf32> to vector<16xf32>
        %mul3A_620 = vector.broadcast %squeeze3A_613 : f32 to vector<16xf32>
        %mul3A_621 = arith.mulf %get3A_619, %mul3A_620 : vector<16xf32>
        %swap3A_622 = arith.index_cast %add3A_615 : i32 to index
        %swap3A_623 = arith.constant 0 : index
        %swap3A_624 = tpu.vector_load %arg11[%swap3A_622, %swap3A_623] {strides = array<i32>} : memref<1024x32xf32, #tpu.memory_space<vmem>>, vector<1x16xf32>,
        %swap3A_625 = vector.shape_cast %swap3A_624 : vector<1x16xf32> to vector<16xf32>
        %swap3A_626 = vector.shape_cast %mul3A_621 : vector<16xf32> to vector<1x16xf32>
        tpu.vector_store %arg11[%swap3A_622, %swap3A_623], %swap3A_626 {strides = array<i32>} : memref<1024x32xf32, #tpu.memory_space<vmem>>, vector<1x16xf32>,
        %get3A_627 = arith.index_cast %add3A_615 : i32 to index
        %get3A_628 = arith.constant 16 : index
        %get3A_629 = tpu.vector_load %arg11[%get3A_627, %get3A_628] {strides = array<i32>} : memref<1024x32xf32, #tpu.memory_space<vmem>>, vector<1x16xf32>,
        %get3A_630 = vector.shape_cast %get3A_629 : vector<1x16xf32> to vector<16xf32>
        %mul3A_631 = vector.broadcast %squeeze3A_613 : f32 to vector<16xf32>
        %mul3A_632 = arith.mulf %get3A_630, %mul3A_631 : vector<16xf32>
        %swap3A_633 = arith.index_cast %add3A_615 : i32 to index
        %swap3A_634 = arith.constant 16 : index
        %swap3A_635 = tpu.vector_load %arg11[%swap3A_633, %swap3A_634] {strides = array<i32>} : memref<1024x32xf32, #tpu.memory_space<vmem>>, vector<1x16xf32>,
        %swap3A_636 = vector.shape_cast %swap3A_635 : vector<1x16xf32> to vector<16xf32>
        %swap3A_637 = vector.shape_cast %mul3A_632 : vector<16xf32> to vector<1x16xf32>
        tpu.vector_store %arg11[%swap3A_633, %swap3A_634], %swap3A_637 {strides = array<i32>} : memref<1024x32xf32, #tpu.memory_space<vmem>>, vector<1x16xf32>,
        %slice3A_638 = vector.extract_strided_slice %get3A_428 {offsets = [8], sizes = [1], strides = [1]} : vector<16xf32> to vector<1xf32>
        %squeeze3A_639 = vector.extract %slice3A_638[0] : f32 from vector<1xf32>
        %add3A_640 = arith.constant 8 : i32
        %add3A_641 = arith.addi %add3A_432, %add3A_640 : i32
        %get3A_642 = arith.index_cast %add3A_641 : i32 to index
        %get3A_643 = arith.constant 0 : index
        %get3A_644 = tpu.vector_load %arg11[%get3A_642, %get3A_643] {strides = array<i32>} : memref<1024x32xf32, #tpu.memory_space<vmem>>, vector<1x16xf32>,
        %get3A_645 = vector.shape_cast %get3A_644 : vector<1x16xf32> to vector<16xf32>
        %mul3A_646 = vector.broadcast %squeeze3A_639 : f32 to vector<16xf32>
        %mul3A_647 = arith.mulf %get3A_645, %mul3A_646 : vector<16xf32>
        %swap3A_648 = arith.index_cast %add3A_641 : i32 to index
        %swap3A_649 = arith.constant 0 : index
        %swap3A_650 = tpu.vector_load %arg11[%swap3A_648, %swap3A_649] {strides = array<i32>} : memref<1024x32xf32, #tpu.memory_space<vmem>>, vector<1x16xf32>,
        %swap3A_651 = vector.shape_cast %swap3A_650 : vector<1x16xf32> to vector<16xf32>
        %swap3A_652 = vector.shape_cast %mul3A_647 : vector<16xf32> to vector<1x16xf32>
        tpu.vector_store %arg11[%swap3A_648, %swap3A_649], %swap3A_652 {strides = array<i32>} : memref<1024x32xf32, #tpu.memory_space<vmem>>, vector<1x16xf32>,
        %get3A_653 = arith.index_cast %add3A_641 : i32 to index
        %get3A_654 = arith.constant 16 : index
        %get3A_655 = tpu.vector_load %arg11[%get3A_653, %get3A_654] {strides = array<i32>} : memref<1024x32xf32, #tpu.memory_space<vmem>>, vector<1x16xf32>,
        %get3A_656 = vector.shape_cast %get3A_655 : vector<1x16xf32> to vector<16xf32>
        %mul3A_657 = vector.broadcast %squeeze3A_639 : f32 to vector<16xf32>
        %mul3A_658 = arith.mulf %get3A_656, %mul3A_657 : vector<16xf32>
        %swap3A_659 = arith.index_cast %add3A_641 : i32 to index
        %swap3A_660 = arith.constant 16 : index
        %swap3A_661 = tpu.vector_load %arg11[%swap3A_659, %swap3A_660] {strides = array<i32>} : memref<1024x32xf32, #tpu.memory_space<vmem>>, vector<1x16xf32>,
        %swap3A_662 = vector.shape_cast %swap3A_661 : vector<1x16xf32> to vector<16xf32>
        %swap3A_663 = vector.shape_cast %mul3A_658 : vector<16xf32> to vector<1x16xf32>
        tpu.vector_store %arg11[%swap3A_659, %swap3A_660], %swap3A_663 {strides = array<i32>} : memref<1024x32xf32, #tpu.memory_space<vmem>>, vector<1x16xf32>,
        %slice3A_664 = vector.extract_strided_slice %get3A_428 {offsets = [9], sizes = [1], strides = [1]} : vector<16xf32> to vector<1xf32>
        %squeeze3A_665 = vector.extract %slice3A_664[0] : f32 from vector<1xf32>
        %add3A_666 = arith.constant 9 : i32
        %add3A_667 = arith.addi %add3A_432, %add3A_666 : i32
        %get3A_668 = arith.index_cast %add3A_667 : i32 to index
        %get3A_669 = arith.constant 0 : index
        %get3A_670 = tpu.vector_load %arg11[%get3A_668, %get3A_669] {strides = array<i32>} : memref<1024x32xf32, #tpu.memory_space<vmem>>, vector<1x16xf32>,
        %get3A_671 = vector.shape_cast %get3A_670 : vector<1x16xf32> to vector<16xf32>
        %mul3A_672 = vector.broadcast %squeeze3A_665 : f32 to vector<16xf32>
        %mul3A_673 = arith.mulf %get3A_671, %mul3A_672 : vector<16xf32>
        %swap3A_674 = arith.index_cast %add3A_667 : i32 to index
        %swap3A_675 = arith.constant 0 : index
        %swap3A_676 = tpu.vector_load %arg11[%swap3A_674, %swap3A_675] {strides = array<i32>} : memref<1024x32xf32, #tpu.memory_space<vmem>>, vector<1x16xf32>,
        %swap3A_677 = vector.shape_cast %swap3A_676 : vector<1x16xf32> to vector<16xf32>
        %swap3A_678 = vector.shape_cast %mul3A_673 : vector<16xf32> to vector<1x16xf32>
        tpu.vector_store %arg11[%swap3A_674, %swap3A_675], %swap3A_678 {strides = array<i32>} : memref<1024x32xf32, #tpu.memory_space<vmem>>, vector<1x16xf32>,
        %get3A_679 = arith.index_cast %add3A_667 : i32 to index
        %get3A_680 = arith.constant 16 : index
        %get3A_681 = tpu.vector_load %arg11[%get3A_679, %get3A_680] {strides = array<i32>} : memref<1024x32xf32, #tpu.memory_space<vmem>>, vector<1x16xf32>,
        %get3A_682 = vector.shape_cast %get3A_681 : vector<1x16xf32> to vector<16xf32>
        %mul3A_683 = vector.broadcast %squeeze3A_665 : f32 to vector<16xf32>
        %mul3A_684 = arith.mulf %get3A_682, %mul3A_683 : vector<16xf32>
        %swap3A_685 = arith.index_cast %add3A_667 : i32 to index
        %swap3A_686 = arith.constant 16 : index
        %swap3A_687 = tpu.vector_load %arg11[%swap3A_685, %swap3A_686] {strides = array<i32>} : memref<1024x32xf32, #tpu.memory_space<vmem>>, vector<1x16xf32>,
        %swap3A_688 = vector.shape_cast %swap3A_687 : vector<1x16xf32> to vector<16xf32>
        %swap3A_689 = vector.shape_cast %mul3A_684 : vector<16xf32> to vector<1x16xf32>
        tpu.vector_store %arg11[%swap3A_685, %swap3A_686], %swap3A_689 {strides = array<i32>} : memref<1024x32xf32, #tpu.memory_space<vmem>>, vector<1x16xf32>,
        %slice3A_690 = vector.extract_strided_slice %get3A_428 {offsets = [10], sizes = [1], strides = [1]} : vector<16xf32> to vector<1xf32>
        %squeeze3A_691 = vector.extract %slice3A_690[0] : f32 from vector<1xf32>
        %add3A_692 = arith.constant 10 : i32
        %add3A_693 = arith.addi %add3A_432, %add3A_692 : i32
        %get3A_694 = arith.index_cast %add3A_693 : i32 to index
        %get3A_695 = arith.constant 0 : index
        %get3A_696 = tpu.vector_load %arg11[%get3A_694, %get3A_695] {strides = array<i32>} : memref<1024x32xf32, #tpu.memory_space<vmem>>, vector<1x16xf32>,
        %get3A_697 = vector.shape_cast %get3A_696 : vector<1x16xf32> to vector<16xf32>
        %mul3A_698 = vector.broadcast %squeeze3A_691 : f32 to vector<16xf32>
        %mul3A_699 = arith.mulf %get3A_697, %mul3A_698 : vector<16xf32>
        %swap3A_700 = arith.index_cast %add3A_693 : i32 to index
        %swap3A_701 = arith.constant 0 : index
        %swap3A_702 = tpu.vector_load %arg11[%swap3A_700, %swap3A_701] {strides = array<i32>} : memref<1024x32xf32, #tpu.memory_space<vmem>>, vector<1x16xf32>,
        %swap3A_703 = vector.shape_cast %swap3A_702 : vector<1x16xf32> to vector<16xf32>
        %swap3A_704 = vector.shape_cast %mul3A_699 : vector<16xf32> to vector<1x16xf32>
        tpu.vector_store %arg11[%swap3A_700, %swap3A_701], %swap3A_704 {strides = array<i32>} : memref<1024x32xf32, #tpu.memory_space<vmem>>, vector<1x16xf32>,
        %get3A_705 = arith.index_cast %add3A_693 : i32 to index
        %get3A_706 = arith.constant 16 : index
        %get3A_707 = tpu.vector_load %arg11[%get3A_705, %get3A_706] {strides = array<i32>} : memref<1024x32xf32, #tpu.memory_space<vmem>>, vector<1x16xf32>,
        %get3A_708 = vector.shape_cast %get3A_707 : vector<1x16xf32> to vector<16xf32>
        %mul3A_709 = vector.broadcast %squeeze3A_691 : f32 to vector<16xf32>
        %mul3A_710 = arith.mulf %get3A_708, %mul3A_709 : vector<16xf32>
        %swap3A_711 = arith.index_cast %add3A_693 : i32 to index
        %swap3A_712 = arith.constant 16 : index
        %swap3A_713 = tpu.vector_load %arg11[%swap3A_711, %swap3A_712] {strides = array<i32>} : memref<1024x32xf32, #tpu.memory_space<vmem>>, vector<1x16xf32>,
        %swap3A_714 = vector.shape_cast %swap3A_713 : vector<1x16xf32> to vector<16xf32>
        %swap3A_715 = vector.shape_cast %mul3A_710 : vector<16xf32> to vector<1x16xf32>
        tpu.vector_store %arg11[%swap3A_711, %swap3A_712], %swap3A_715 {strides = array<i32>} : memref<1024x32xf32, #tpu.memory_space<vmem>>, vector<1x16xf32>,
        %slice3A_716 = vector.extract_strided_slice %get3A_428 {offsets = [11], sizes = [1], strides = [1]} : vector<16xf32> to vector<1xf32>
        %squeeze3A_717 = vector.extract %slice3A_716[0] : f32 from vector<1xf32>
        %add3A_718 = arith.constant 11 : i32
        %add3A_719 = arith.addi %add3A_432, %add3A_718 : i32
        %get3A_720 = arith.index_cast %add3A_719 : i32 to index
        %get3A_721 = arith.constant 0 : index
        %get3A_722 = tpu.vector_load %arg11[%get3A_720, %get3A_721] {strides = array<i32>} : memref<1024x32xf32, #tpu.memory_space<vmem>>, vector<1x16xf32>,
        %get3A_723 = vector.shape_cast %get3A_722 : vector<1x16xf32> to vector<16xf32>
        %mul3A_724 = vector.broadcast %squeeze3A_717 : f32 to vector<16xf32>
        %mul3A_725 = arith.mulf %get3A_723, %mul3A_724 : vector<16xf32>
        %swap3A_726 = arith.index_cast %add3A_719 : i32 to index
        %swap3A_727 = arith.constant 0 : index
        %swap3A_728 = tpu.vector_load %arg11[%swap3A_726, %swap3A_727] {strides = array<i32>} : memref<1024x32xf32, #tpu.memory_space<vmem>>, vector<1x16xf32>,
        %swap3A_729 = vector.shape_cast %swap3A_728 : vector<1x16xf32> to vector<16xf32>
        %swap3A_730 = vector.shape_cast %mul3A_725 : vector<16xf32> to vector<1x16xf32>
        tpu.vector_store %arg11[%swap3A_726, %swap3A_727], %swap3A_730 {strides = array<i32>} : memref<1024x32xf32, #tpu.memory_space<vmem>>, vector<1x16xf32>,
        %get3A_731 = arith.index_cast %add3A_719 : i32 to index
        %get3A_732 = arith.constant 16 : index
        %get3A_733 = tpu.vector_load %arg11[%get3A_731, %get3A_732] {strides = array<i32>} : memref<1024x32xf32, #tpu.memory_space<vmem>>, vector<1x16xf32>,
        %get3A_734 = vector.shape_cast %get3A_733 : vector<1x16xf32> to vector<16xf32>
        %mul3A_735 = vector.broadcast %squeeze3A_717 : f32 to vector<16xf32>
        %mul3A_736 = arith.mulf %get3A_734, %mul3A_735 : vector<16xf32>
        %swap3A_737 = arith.index_cast %add3A_719 : i32 to index
        %swap3A_738 = arith.constant 16 : index
        %swap3A_739 = tpu.vector_load %arg11[%swap3A_737, %swap3A_738] {strides = array<i32>} : memref<1024x32xf32, #tpu.memory_space<vmem>>, vector<1x16xf32>,
        %swap3A_740 = vector.shape_cast %swap3A_739 : vector<1x16xf32> to vector<16xf32>
        %swap3A_741 = vector.shape_cast %mul3A_736 : vector<16xf32> to vector<1x16xf32>
        tpu.vector_store %arg11[%swap3A_737, %swap3A_738], %swap3A_741 {strides = array<i32>} : memref<1024x32xf32, #tpu.memory_space<vmem>>, vector<1x16xf32>,
        %slice3A_742 = vector.extract_strided_slice %get3A_428 {offsets = [12], sizes = [1], strides = [1]} : vector<16xf32> to vector<1xf32>
        %squeeze3A_743 = vector.extract %slice3A_742[0] : f32 from vector<1xf32>
        %add3A_744 = arith.constant 12 : i32
        %add3A_745 = arith.addi %add3A_432, %add3A_744 : i32
        %get3A_746 = arith.index_cast %add3A_745 : i32 to index
        %get3A_747 = arith.constant 0 : index
        %get3A_748 = tpu.vector_load %arg11[%get3A_746, %get3A_747] {strides = array<i32>} : memref<1024x32xf32, #tpu.memory_space<vmem>>, vector<1x16xf32>,
        %get3A_749 = vector.shape_cast %get3A_748 : vector<1x16xf32> to vector<16xf32>
        %mul3A_750 = vector.broadcast %squeeze3A_743 : f32 to vector<16xf32>
        %mul3A_751 = arith.mulf %get3A_749, %mul3A_750 : vector<16xf32>
        %swap3A_752 = arith.index_cast %add3A_745 : i32 to index
        %swap3A_753 = arith.constant 0 : index
        %swap3A_754 = tpu.vector_load %arg11[%swap3A_752, %swap3A_753] {strides = array<i32>} : memref<1024x32xf32, #tpu.memory_space<vmem>>, vector<1x16xf32>,
        %swap3A_755 = vector.shape_cast %swap3A_754 : vector<1x16xf32> to vector<16xf32>
        %swap3A_756 = vector.shape_cast %mul3A_751 : vector<16xf32> to vector<1x16xf32>
        tpu.vector_store %arg11[%swap3A_752, %swap3A_753], %swap3A_756 {strides = array<i32>} : memref<1024x32xf32, #tpu.memory_space<vmem>>, vector<1x16xf32>,
        %get3A_757 = arith.index_cast %add3A_745 : i32 to index
        %get3A_758 = arith.constant 16 : index
        %get3A_759 = tpu.vector_load %arg11[%get3A_757, %get3A_758] {strides = array<i32>} : memref<1024x32xf32, #tpu.memory_space<vmem>>, vector<1x16xf32>,
        %get3A_760 = vector.shape_cast %get3A_759 : vector<1x16xf32> to vector<16xf32>
        %mul3A_761 = vector.broadcast %squeeze3A_743 : f32 to vector<16xf32>
        %mul3A_762 = arith.mulf %get3A_760, %mul3A_761 : vector<16xf32>
        %swap3A_763 = arith.index_cast %add3A_745 : i32 to index
        %swap3A_764 = arith.constant 16 : index
        %swap3A_765 = tpu.vector_load %arg11[%swap3A_763, %swap3A_764] {strides = array<i32>} : memref<1024x32xf32, #tpu.memory_space<vmem>>, vector<1x16xf32>,
        %swap3A_766 = vector.shape_cast %swap3A_765 : vector<1x16xf32> to vector<16xf32>
        %swap3A_767 = vector.shape_cast %mul3A_762 : vector<16xf32> to vector<1x16xf32>
        tpu.vector_store %arg11[%swap3A_763, %swap3A_764], %swap3A_767 {strides = array<i32>} : memref<1024x32xf32, #tpu.memory_space<vmem>>, vector<1x16xf32>,
        %slice3A_768 = vector.extract_strided_slice %get3A_428 {offsets = [13], sizes = [1], strides = [1]} : vector<16xf32> to vector<1xf32>
        %squeeze3A_769 = vector.extract %slice3A_768[0] : f32 from vector<1xf32>
        %add3A_770 = arith.constant 13 : i32
        %add3A_771 = arith.addi %add3A_432, %add3A_770 : i32
        %get3A_772 = arith.index_cast %add3A_771 : i32 to index
        %get3A_773 = arith.constant 0 : index
        %get3A_774 = tpu.vector_load %arg11[%get3A_772, %get3A_773] {strides = array<i32>} : memref<1024x32xf32, #tpu.memory_space<vmem>>, vector<1x16xf32>,
        %get3A_775 = vector.shape_cast %get3A_774 : vector<1x16xf32> to vector<16xf32>
        %mul3A_776 = vector.broadcast %squeeze3A_769 : f32 to vector<16xf32>
        %mul3A_777 = arith.mulf %get3A_775, %mul3A_776 : vector<16xf32>
        %swap3A_778 = arith.index_cast %add3A_771 : i32 to index
        %swap3A_779 = arith.constant 0 : index
        %swap3A_780 = tpu.vector_load %arg11[%swap3A_778, %swap3A_779] {strides = array<i32>} : memref<1024x32xf32, #tpu.memory_space<vmem>>, vector<1x16xf32>,
        %swap3A_781 = vector.shape_cast %swap3A_780 : vector<1x16xf32> to vector<16xf32>
        %swap3A_782 = vector.shape_cast %mul3A_777 : vector<16xf32> to vector<1x16xf32>
        tpu.vector_store %arg11[%swap3A_778, %swap3A_779], %swap3A_782 {strides = array<i32>} : memref<1024x32xf32, #tpu.memory_space<vmem>>, vector<1x16xf32>,
        %get3A_783 = arith.index_cast %add3A_771 : i32 to index
        %get3A_784 = arith.constant 16 : index
        %get3A_785 = tpu.vector_load %arg11[%get3A_783, %get3A_784] {strides = array<i32>} : memref<1024x32xf32, #tpu.memory_space<vmem>>, vector<1x16xf32>,
        %get3A_786 = vector.shape_cast %get3A_785 : vector<1x16xf32> to vector<16xf32>
        %mul3A_787 = vector.broadcast %squeeze3A_769 : f32 to vector<16xf32>
        %mul3A_788 = arith.mulf %get3A_786, %mul3A_787 : vector<16xf32>
        %swap3A_789 = arith.index_cast %add3A_771 : i32 to index
        %swap3A_790 = arith.constant 16 : index
        %swap3A_791 = tpu.vector_load %arg11[%swap3A_789, %swap3A_790] {strides = array<i32>} : memref<1024x32xf32, #tpu.memory_space<vmem>>, vector<1x16xf32>,
        %swap3A_792 = vector.shape_cast %swap3A_791 : vector<1x16xf32> to vector<16xf32>
        %swap3A_793 = vector.shape_cast %mul3A_788 : vector<16xf32> to vector<1x16xf32>
        tpu.vector_store %arg11[%swap3A_789, %swap3A_790], %swap3A_793 {strides = array<i32>} : memref<1024x32xf32, #tpu.memory_space<vmem>>, vector<1x16xf32>,
        %slice3A_794 = vector.extract_strided_slice %get3A_428 {offsets = [14], sizes = [1], strides = [1]} : vector<16xf32> to vector<1xf32>
        %squeeze3A_795 = vector.extract %slice3A_794[0] : f32 from vector<1xf32>
        %add3A_796 = arith.constant 14 : i32
        %add3A_797 = arith.addi %add3A_432, %add3A_796 : i32
        %get3A_798 = arith.index_cast %add3A_797 : i32 to index
        %get3A_799 = arith.constant 0 : index
        %get3A_800 = tpu.vector_load %arg11[%get3A_798, %get3A_799] {strides = array<i32>} : memref<1024x32xf32, #tpu.memory_space<vmem>>, vector<1x16xf32>,
        %get3A_801 = vector.shape_cast %get3A_800 : vector<1x16xf32> to vector<16xf32>
        %mul3A_802 = vector.broadcast %squeeze3A_795 : f32 to vector<16xf32>
        %mul3A_803 = arith.mulf %get3A_801, %mul3A_802 : vector<16xf32>
        %swap3A_804 = arith.index_cast %add3A_797 : i32 to index
        %swap3A_805 = arith.constant 0 : index
        %swap3A_806 = tpu.vector_load %arg11[%swap3A_804, %swap3A_805] {strides = array<i32>} : memref<1024x32xf32, #tpu.memory_space<vmem>>, vector<1x16xf32>,
        %swap3A_807 = vector.shape_cast %swap3A_806 : vector<1x16xf32> to vector<16xf32>
        %swap3A_808 = vector.shape_cast %mul3A_803 : vector<16xf32> to vector<1x16xf32>
        tpu.vector_store %arg11[%swap3A_804, %swap3A_805], %swap3A_808 {strides = array<i32>} : memref<1024x32xf32, #tpu.memory_space<vmem>>, vector<1x16xf32>,
        %get3A_809 = arith.index_cast %add3A_797 : i32 to index
        %get3A_810 = arith.constant 16 : index
        %get3A_811 = tpu.vector_load %arg11[%get3A_809, %get3A_810] {strides = array<i32>} : memref<1024x32xf32, #tpu.memory_space<vmem>>, vector<1x16xf32>,
        %get3A_812 = vector.shape_cast %get3A_811 : vector<1x16xf32> to vector<16xf32>
        %mul3A_813 = vector.broadcast %squeeze3A_795 : f32 to vector<16xf32>
        %mul3A_814 = arith.mulf %get3A_812, %mul3A_813 : vector<16xf32>
        %swap3A_815 = arith.index_cast %add3A_797 : i32 to index
        %swap3A_816 = arith.constant 16 : index
        %swap3A_817 = tpu.vector_load %arg11[%swap3A_815, %swap3A_816] {strides = array<i32>} : memref<1024x32xf32, #tpu.memory_space<vmem>>, vector<1x16xf32>,
        %swap3A_818 = vector.shape_cast %swap3A_817 : vector<1x16xf32> to vector<16xf32>
        %swap3A_819 = vector.shape_cast %mul3A_814 : vector<16xf32> to vector<1x16xf32>
        tpu.vector_store %arg11[%swap3A_815, %swap3A_816], %swap3A_819 {strides = array<i32>} : memref<1024x32xf32, #tpu.memory_space<vmem>>, vector<1x16xf32>,
        %slice3A_820 = vector.extract_strided_slice %get3A_428 {offsets = [15], sizes = [1], strides = [1]} : vector<16xf32> to vector<1xf32>
        %squeeze3A_821 = vector.extract %slice3A_820[0] : f32 from vector<1xf32>
        %add3A_822 = arith.constant 15 : i32
        %add3A_823 = arith.addi %add3A_432, %add3A_822 : i32
        %get3A_824 = arith.index_cast %add3A_823 : i32 to index
        %get3A_825 = arith.constant 0 : index
        %get3A_826 = tpu.vector_load %arg11[%get3A_824, %get3A_825] {strides = array<i32>} : memref<1024x32xf32, #tpu.memory_space<vmem>>, vector<1x16xf32>,
        %get3A_827 = vector.shape_cast %get3A_826 : vector<1x16xf32> to vector<16xf32>
        %mul3A_828 = vector.broadcast %squeeze3A_821 : f32 to vector<16xf32>
        %mul3A_829 = arith.mulf %get3A_827, %mul3A_828 : vector<16xf32>
        %swap3A_830 = arith.index_cast %add3A_823 : i32 to index
        %swap3A_831 = arith.constant 0 : index
        %swap3A_832 = tpu.vector_load %arg11[%swap3A_830, %swap3A_831] {strides = array<i32>} : memref<1024x32xf32, #tpu.memory_space<vmem>>, vector<1x16xf32>,
        %swap3A_833 = vector.shape_cast %swap3A_832 : vector<1x16xf32> to vector<16xf32>
        %swap3A_834 = vector.shape_cast %mul3A_829 : vector<16xf32> to vector<1x16xf32>
        tpu.vector_store %arg11[%swap3A_830, %swap3A_831], %swap3A_834 {strides = array<i32>} : memref<1024x32xf32, #tpu.memory_space<vmem>>, vector<1x16xf32>,
        %get3A_835 = arith.index_cast %add3A_823 : i32 to index
        %get3A_836 = arith.constant 16 : index
        %get3A_837 = tpu.vector_load %arg11[%get3A_835, %get3A_836] {strides = array<i32>} : memref<1024x32xf32, #tpu.memory_space<vmem>>, vector<1x16xf32>,
        %get3A_838 = vector.shape_cast %get3A_837 : vector<1x16xf32> to vector<16xf32>
        %mul3A_839 = vector.broadcast %squeeze3A_821 : f32 to vector<16xf32>
        %mul3A_840 = arith.mulf %get3A_838, %mul3A_839 : vector<16xf32>
        %swap3A_841 = arith.index_cast %add3A_823 : i32 to index
        %swap3A_842 = arith.constant 16 : index
        %swap3A_843 = tpu.vector_load %arg11[%swap3A_841, %swap3A_842] {strides = array<i32>} : memref<1024x32xf32, #tpu.memory_space<vmem>>, vector<1x16xf32>,
        %swap3A_844 = vector.shape_cast %swap3A_843 : vector<1x16xf32> to vector<16xf32>
        %swap3A_845 = vector.shape_cast %mul3A_840 : vector<16xf32> to vector<1x16xf32>
        tpu.vector_store %arg11[%swap3A_841, %swap3A_842], %swap3A_845 {strides = array<i32>} : memref<1024x32xf32, #tpu.memory_space<vmem>>, vector<1x16xf32>,
      }
      %scan3A_251 = arith.constant 8 : i32
      %dma_start3A_252 = arith.constant 2 : i32
      %dma_start3A_253 = arith.constant 256 : i32
      %dma_start3A_254 = arith.constant 0 : i32
      %dma_start3A_255 = tpu.memref_slice %arg11[%dma_start3A_253, %dma_start3A_254] : memref<1024x32xf32, #tpu.memory_space<vmem>> -> memref<128x32xf32, #tpu.memory_space<vmem>>
      %dma_start3A_256 = arith.constant 0 : i32
      %dma_start3A_257 = tpu.memref_slice %arg9[%dma_start3A_252, %dma_start3A_256] : memref<8x128xi32, #tpu.memory_space<vmem>> -> memref<1x128xi32, #tpu.memory_space<vmem>>
      %dma_start3A_258 = tpu.memref_squeeze %dma_start3A_257 : memref<1x128xi32, #tpu.memory_space<vmem>> -> memref<128xi32, #tpu.memory_space<vmem>>
      %dma_start3A_259 = arith.constant 0 : i32
      %dma_start3A_260 = arith.constant 0 : i32
      %dma_start3A_261 = tpu.memref_slice %arg12[%dma_start3A_259, %dma_start3A_260] : memref<16384x32xf32, #tpu.memory_space<vmem_shared>> -> memref<16384x32xf32, #tpu.memory_space<vmem_shared>>
      tpu.enqueue_indirect_dma source(%dma_start3A_255 : memref<128x32xf32, #tpu.memory_space<vmem>>) target(%dma_start3A_261 : memref<16384x32xf32, #tpu.memory_space<vmem_shared>>) offsets(%dma_start3A_258 : memref<128xi32, #tpu.memory_space<vmem>>) semaphore(%arg14 : memref<!tpu.dma_semaphore, #tpu.memory_space<semaphore_mem>>) {add = true}
      %scan3A_262 = arith.constant 0 : i32
      %scan3A_263 = arith.constant 0 : i32
      %scan3A_264 = arith.constant 8 : i32
      %scan3A_265 = arith.addi %scan3A_263, %scan3A_264 : i32
      %scan3A_266 = arith.constant 1 : i32
      scf.for %scan3A_422 = %scan3A_263 to %scan3A_265 step %scan3A_266  : i32 {
        %mul3A_423 = arith.constant 16 : i32
        %mul3A_424 = arith.muli %scan3A_422, %mul3A_423 : i32
        %get3A = arith.constant 3 : i32
        %get3A_425 = arith.index_cast %get3A : i32 to index
        %get3A_426 = arith.index_cast %mul3A_424 : i32 to index
        %get3A_427 = tpu.vector_load %arg10[%get3A_425, %get3A_426] {strides = array<i32>} : memref<8x128xf32, #tpu.memory_space<vmem>>, vector<1x16xf32>,
        %get3A_428 = vector.shape_cast %get3A_427 : vector<1x16xf32> to vector<16xf32>
        %mul3A_429 = arith.constant 16 : i32
        %mul3A_430 = arith.muli %scan3A_422, %mul3A_429 : i32
        %add3A_431 = arith.constant 384 : i32
        %add3A_432 = arith.addi %add3A_431, %mul3A_430 : i32
        %slice3A = vector.extract_strided_slice %get3A_428 {offsets = [0], sizes = [1], strides = [1]} : vector<16xf32> to vector<1xf32>
        %squeeze3A = vector.extract %slice3A[0] : f32 from vector<1xf32>
        %add3A_433 = arith.constant 0 : i32
        %add3A_434 = arith.addi %add3A_432, %add3A_433 : i32
        %get3A_435 = arith.index_cast %add3A_434 : i32 to index
        %get3A_436 = arith.constant 0 : index
        %get3A_437 = tpu.vector_load %arg11[%get3A_435, %get3A_436] {strides = array<i32>} : memref<1024x32xf32, #tpu.memory_space<vmem>>, vector<1x16xf32>,
        %get3A_438 = vector.shape_cast %get3A_437 : vector<1x16xf32> to vector<16xf32>
        %mul3A_439 = vector.broadcast %squeeze3A : f32 to vector<16xf32>
        %mul3A_440 = arith.mulf %get3A_438, %mul3A_439 : vector<16xf32>
        %swap3A = arith.index_cast %add3A_434 : i32 to index
        %swap3A_441 = arith.constant 0 : index
        %swap3A_442 = tpu.vector_load %arg11[%swap3A, %swap3A_441] {strides = array<i32>} : memref<1024x32xf32, #tpu.memory_space<vmem>>, vector<1x16xf32>,
        %swap3A_443 = vector.shape_cast %swap3A_442 : vector<1x16xf32> to vector<16xf32>
        %swap3A_444 = vector.shape_cast %mul3A_440 : vector<16xf32> to vector<1x16xf32>
        tpu.vector_store %arg11[%swap3A, %swap3A_441], %swap3A_444 {strides = array<i32>} : memref<1024x32xf32, #tpu.memory_space<vmem>>, vector<1x16xf32>,
        %get3A_445 = arith.index_cast %add3A_434 : i32 to index
        %get3A_446 = arith.constant 16 : index
        %get3A_447 = tpu.vector_load %arg11[%get3A_445, %get3A_446] {strides = array<i32>} : memref<1024x32xf32, #tpu.memory_space<vmem>>, vector<1x16xf32>,
        %get3A_448 = vector.shape_cast %get3A_447 : vector<1x16xf32> to vector<16xf32>
        %mul3A_449 = vector.broadcast %squeeze3A : f32 to vector<16xf32>
        %mul3A_450 = arith.mulf %get3A_448, %mul3A_449 : vector<16xf32>
        %swap3A_451 = arith.index_cast %add3A_434 : i32 to index
        %swap3A_452 = arith.constant 16 : index
        %swap3A_453 = tpu.vector_load %arg11[%swap3A_451, %swap3A_452] {strides = array<i32>} : memref<1024x32xf32, #tpu.memory_space<vmem>>, vector<1x16xf32>,
        %swap3A_454 = vector.shape_cast %swap3A_453 : vector<1x16xf32> to vector<16xf32>
        %swap3A_455 = vector.shape_cast %mul3A_450 : vector<16xf32> to vector<1x16xf32>
        tpu.vector_store %arg11[%swap3A_451, %swap3A_452], %swap3A_455 {strides = array<i32>} : memref<1024x32xf32, #tpu.memory_space<vmem>>, vector<1x16xf32>,
        %slice3A_456 = vector.extract_strided_slice %get3A_428 {offsets = [1], sizes = [1], strides = [1]} : vector<16xf32> to vector<1xf32>
        %squeeze3A_457 = vector.extract %slice3A_456[0] : f32 from vector<1xf32>
        %add3A_458 = arith.constant 1 : i32
        %add3A_459 = arith.addi %add3A_432, %add3A_458 : i32
        %get3A_460 = arith.index_cast %add3A_459 : i32 to index
        %get3A_461 = arith.constant 0 : index
        %get3A_462 = tpu.vector_load %arg11[%get3A_460, %get3A_461] {strides = array<i32>} : memref<1024x32xf32, #tpu.memory_space<vmem>>, vector<1x16xf32>,
        %get3A_463 = vector.shape_cast %get3A_462 : vector<1x16xf32> to vector<16xf32>
        %mul3A_464 = vector.broadcast %squeeze3A_457 : f32 to vector<16xf32>
        %mul3A_465 = arith.mulf %get3A_463, %mul3A_464 : vector<16xf32>
        %swap3A_466 = arith.index_cast %add3A_459 : i32 to index
        %swap3A_467 = arith.constant 0 : index
        %swap3A_468 = tpu.vector_load %arg11[%swap3A_466, %swap3A_467] {strides = array<i32>} : memref<1024x32xf32, #tpu.memory_space<vmem>>, vector<1x16xf32>,
        %swap3A_469 = vector.shape_cast %swap3A_468 : vector<1x16xf32> to vector<16xf32>
        %swap3A_470 = vector.shape_cast %mul3A_465 : vector<16xf32> to vector<1x16xf32>
        tpu.vector_store %arg11[%swap3A_466, %swap3A_467], %swap3A_470 {strides = array<i32>} : memref<1024x32xf32, #tpu.memory_space<vmem>>, vector<1x16xf32>,
        %get3A_471 = arith.index_cast %add3A_459 : i32 to index
        %get3A_472 = arith.constant 16 : index
        %get3A_473 = tpu.vector_load %arg11[%get3A_471, %get3A_472] {strides = array<i32>} : memref<1024x32xf32, #tpu.memory_space<vmem>>, vector<1x16xf32>,
        %get3A_474 = vector.shape_cast %get3A_473 : vector<1x16xf32> to vector<16xf32>
        %mul3A_475 = vector.broadcast %squeeze3A_457 : f32 to vector<16xf32>
        %mul3A_476 = arith.mulf %get3A_474, %mul3A_475 : vector<16xf32>
        %swap3A_477 = arith.index_cast %add3A_459 : i32 to index
        %swap3A_478 = arith.constant 16 : index
        %swap3A_479 = tpu.vector_load %arg11[%swap3A_477, %swap3A_478] {strides = array<i32>} : memref<1024x32xf32, #tpu.memory_space<vmem>>, vector<1x16xf32>,
        %swap3A_480 = vector.shape_cast %swap3A_479 : vector<1x16xf32> to vector<16xf32>
        %swap3A_481 = vector.shape_cast %mul3A_476 : vector<16xf32> to vector<1x16xf32>
        tpu.vector_store %arg11[%swap3A_477, %swap3A_478], %swap3A_481 {strides = array<i32>} : memref<1024x32xf32, #tpu.memory_space<vmem>>, vector<1x16xf32>,
        %slice3A_482 = vector.extract_strided_slice %get3A_428 {offsets = [2], sizes = [1], strides = [1]} : vector<16xf32> to vector<1xf32>
        %squeeze3A_483 = vector.extract %slice3A_482[0] : f32 from vector<1xf32>
        %add3A_484 = arith.constant 2 : i32
        %add3A_485 = arith.addi %add3A_432, %add3A_484 : i32
        %get3A_486 = arith.index_cast %add3A_485 : i32 to index
        %get3A_487 = arith.constant 0 : index
        %get3A_488 = tpu.vector_load %arg11[%get3A_486, %get3A_487] {strides = array<i32>} : memref<1024x32xf32, #tpu.memory_space<vmem>>, vector<1x16xf32>,
        %get3A_489 = vector.shape_cast %get3A_488 : vector<1x16xf32> to vector<16xf32>
        %mul3A_490 = vector.broadcast %squeeze3A_483 : f32 to vector<16xf32>
        %mul3A_491 = arith.mulf %get3A_489, %mul3A_490 : vector<16xf32>
        %swap3A_492 = arith.index_cast %add3A_485 : i32 to index
        %swap3A_493 = arith.constant 0 : index
        %swap3A_494 = tpu.vector_load %arg11[%swap3A_492, %swap3A_493] {strides = array<i32>} : memref<1024x32xf32, #tpu.memory_space<vmem>>, vector<1x16xf32>,
        %swap3A_495 = vector.shape_cast %swap3A_494 : vector<1x16xf32> to vector<16xf32>
        %swap3A_496 = vector.shape_cast %mul3A_491 : vector<16xf32> to vector<1x16xf32>
        tpu.vector_store %arg11[%swap3A_492, %swap3A_493], %swap3A_496 {strides = array<i32>} : memref<1024x32xf32, #tpu.memory_space<vmem>>, vector<1x16xf32>,
        %get3A_497 = arith.index_cast %add3A_485 : i32 to index
        %get3A_498 = arith.constant 16 : index
        %get3A_499 = tpu.vector_load %arg11[%get3A_497, %get3A_498] {strides = array<i32>} : memref<1024x32xf32, #tpu.memory_space<vmem>>, vector<1x16xf32>,
        %get3A_500 = vector.shape_cast %get3A_499 : vector<1x16xf32> to vector<16xf32>
        %mul3A_501 = vector.broadcast %squeeze3A_483 : f32 to vector<16xf32>
        %mul3A_502 = arith.mulf %get3A_500, %mul3A_501 : vector<16xf32>
        %swap3A_503 = arith.index_cast %add3A_485 : i32 to index
        %swap3A_504 = arith.constant 16 : index
        %swap3A_505 = tpu.vector_load %arg11[%swap3A_503, %swap3A_504] {strides = array<i32>} : memref<1024x32xf32, #tpu.memory_space<vmem>>, vector<1x16xf32>,
        %swap3A_506 = vector.shape_cast %swap3A_505 : vector<1x16xf32> to vector<16xf32>
        %swap3A_507 = vector.shape_cast %mul3A_502 : vector<16xf32> to vector<1x16xf32>
        tpu.vector_store %arg11[%swap3A_503, %swap3A_504], %swap3A_507 {strides = array<i32>} : memref<1024x32xf32, #tpu.memory_space<vmem>>, vector<1x16xf32>,
        %slice3A_508 = vector.extract_strided_slice %get3A_428 {offsets = [3], sizes = [1], strides = [1]} : vector<16xf32> to vector<1xf32>
        %squeeze3A_509 = vector.extract %slice3A_508[0] : f32 from vector<1xf32>
        %add3A_510 = arith.constant 3 : i32
        %add3A_511 = arith.addi %add3A_432, %add3A_510 : i32
        %get3A_512 = arith.index_cast %add3A_511 : i32 to index
        %get3A_513 = arith.constant 0 : index
        %get3A_514 = tpu.vector_load %arg11[%get3A_512, %get3A_513] {strides = array<i32>} : memref<1024x32xf32, #tpu.memory_space<vmem>>, vector<1x16xf32>,
        %get3A_515 = vector.shape_cast %get3A_514 : vector<1x16xf32> to vector<16xf32>
        %mul3A_516 = vector.broadcast %squeeze3A_509 : f32 to vector<16xf32>
        %mul3A_517 = arith.mulf %get3A_515, %mul3A_516 : vector<16xf32>
        %swap3A_518 = arith.index_cast %add3A_511 : i32 to index
        %swap3A_519 = arith.constant 0 : index
        %swap3A_520 = tpu.vector_load %arg11[%swap3A_518, %swap3A_519] {strides = array<i32>} : memref<1024x32xf32, #tpu.memory_space<vmem>>, vector<1x16xf32>,
        %swap3A_521 = vector.shape_cast %swap3A_520 : vector<1x16xf32> to vector<16xf32>
        %swap3A_522 = vector.shape_cast %mul3A_517 : vector<16xf32> to vector<1x16xf32>
        tpu.vector_store %arg11[%swap3A_518, %swap3A_519], %swap3A_522 {strides = array<i32>} : memref<1024x32xf32, #tpu.memory_space<vmem>>, vector<1x16xf32>,
        %get3A_523 = arith.index_cast %add3A_511 : i32 to index
        %get3A_524 = arith.constant 16 : index
        %get3A_525 = tpu.vector_load %arg11[%get3A_523, %get3A_524] {strides = array<i32>} : memref<1024x32xf32, #tpu.memory_space<vmem>>, vector<1x16xf32>,
        %get3A_526 = vector.shape_cast %get3A_525 : vector<1x16xf32> to vector<16xf32>
        %mul3A_527 = vector.broadcast %squeeze3A_509 : f32 to vector<16xf32>
        %mul3A_528 = arith.mulf %get3A_526, %mul3A_527 : vector<16xf32>
        %swap3A_529 = arith.index_cast %add3A_511 : i32 to index
        %swap3A_530 = arith.constant 16 : index
        %swap3A_531 = tpu.vector_load %arg11[%swap3A_529, %swap3A_530] {strides = array<i32>} : memref<1024x32xf32, #tpu.memory_space<vmem>>, vector<1x16xf32>,
        %swap3A_532 = vector.shape_cast %swap3A_531 : vector<1x16xf32> to vector<16xf32>
        %swap3A_533 = vector.shape_cast %mul3A_528 : vector<16xf32> to vector<1x16xf32>
        tpu.vector_store %arg11[%swap3A_529, %swap3A_530], %swap3A_533 {strides = array<i32>} : memref<1024x32xf32, #tpu.memory_space<vmem>>, vector<1x16xf32>,
        %slice3A_534 = vector.extract_strided_slice %get3A_428 {offsets = [4], sizes = [1], strides = [1]} : vector<16xf32> to vector<1xf32>
        %squeeze3A_535 = vector.extract %slice3A_534[0] : f32 from vector<1xf32>
        %add3A_536 = arith.constant 4 : i32
        %add3A_537 = arith.addi %add3A_432, %add3A_536 : i32
        %get3A_538 = arith.index_cast %add3A_537 : i32 to index
        %get3A_539 = arith.constant 0 : index
        %get3A_540 = tpu.vector_load %arg11[%get3A_538, %get3A_539] {strides = array<i32>} : memref<1024x32xf32, #tpu.memory_space<vmem>>, vector<1x16xf32>,
        %get3A_541 = vector.shape_cast %get3A_540 : vector<1x16xf32> to vector<16xf32>
        %mul3A_542 = vector.broadcast %squeeze3A_535 : f32 to vector<16xf32>
        %mul3A_543 = arith.mulf %get3A_541, %mul3A_542 : vector<16xf32>
        %swap3A_544 = arith.index_cast %add3A_537 : i32 to index
        %swap3A_545 = arith.constant 0 : index
        %swap3A_546 = tpu.vector_load %arg11[%swap3A_544, %swap3A_545] {strides = array<i32>} : memref<1024x32xf32, #tpu.memory_space<vmem>>, vector<1x16xf32>,
        %swap3A_547 = vector.shape_cast %swap3A_546 : vector<1x16xf32> to vector<16xf32>
        %swap3A_548 = vector.shape_cast %mul3A_543 : vector<16xf32> to vector<1x16xf32>
        tpu.vector_store %arg11[%swap3A_544, %swap3A_545], %swap3A_548 {strides = array<i32>} : memref<1024x32xf32, #tpu.memory_space<vmem>>, vector<1x16xf32>,
        %get3A_549 = arith.index_cast %add3A_537 : i32 to index
        %get3A_550 = arith.constant 16 : index
        %get3A_551 = tpu.vector_load %arg11[%get3A_549, %get3A_550] {strides = array<i32>} : memref<1024x32xf32, #tpu.memory_space<vmem>>, vector<1x16xf32>,
        %get3A_552 = vector.shape_cast %get3A_551 : vector<1x16xf32> to vector<16xf32>
        %mul3A_553 = vector.broadcast %squeeze3A_535 : f32 to vector<16xf32>
        %mul3A_554 = arith.mulf %get3A_552, %mul3A_553 : vector<16xf32>
        %swap3A_555 = arith.index_cast %add3A_537 : i32 to index
        %swap3A_556 = arith.constant 16 : index
        %swap3A_557 = tpu.vector_load %arg11[%swap3A_555, %swap3A_556] {strides = array<i32>} : memref<1024x32xf32, #tpu.memory_space<vmem>>, vector<1x16xf32>,
        %swap3A_558 = vector.shape_cast %swap3A_557 : vector<1x16xf32> to vector<16xf32>
        %swap3A_559 = vector.shape_cast %mul3A_554 : vector<16xf32> to vector<1x16xf32>
        tpu.vector_store %arg11[%swap3A_555, %swap3A_556], %swap3A_559 {strides = array<i32>} : memref<1024x32xf32, #tpu.memory_space<vmem>>, vector<1x16xf32>,
        %slice3A_560 = vector.extract_strided_slice %get3A_428 {offsets = [5], sizes = [1], strides = [1]} : vector<16xf32> to vector<1xf32>
        %squeeze3A_561 = vector.extract %slice3A_560[0] : f32 from vector<1xf32>
        %add3A_562 = arith.constant 5 : i32
        %add3A_563 = arith.addi %add3A_432, %add3A_562 : i32
        %get3A_564 = arith.index_cast %add3A_563 : i32 to index
        %get3A_565 = arith.constant 0 : index
        %get3A_566 = tpu.vector_load %arg11[%get3A_564, %get3A_565] {strides = array<i32>} : memref<1024x32xf32, #tpu.memory_space<vmem>>, vector<1x16xf32>,
        %get3A_567 = vector.shape_cast %get3A_566 : vector<1x16xf32> to vector<16xf32>
        %mul3A_568 = vector.broadcast %squeeze3A_561 : f32 to vector<16xf32>
        %mul3A_569 = arith.mulf %get3A_567, %mul3A_568 : vector<16xf32>
        %swap3A_570 = arith.index_cast %add3A_563 : i32 to index
        %swap3A_571 = arith.constant 0 : index
        %swap3A_572 = tpu.vector_load %arg11[%swap3A_570, %swap3A_571] {strides = array<i32>} : memref<1024x32xf32, #tpu.memory_space<vmem>>, vector<1x16xf32>,
        %swap3A_573 = vector.shape_cast %swap3A_572 : vector<1x16xf32> to vector<16xf32>
        %swap3A_574 = vector.shape_cast %mul3A_569 : vector<16xf32> to vector<1x16xf32>
        tpu.vector_store %arg11[%swap3A_570, %swap3A_571], %swap3A_574 {strides = array<i32>} : memref<1024x32xf32, #tpu.memory_space<vmem>>, vector<1x16xf32>,
        %get3A_575 = arith.index_cast %add3A_563 : i32 to index
        %get3A_576 = arith.constant 16 : index
        %get3A_577 = tpu.vector_load %arg11[%get3A_575, %get3A_576] {strides = array<i32>} : memref<1024x32xf32, #tpu.memory_space<vmem>>, vector<1x16xf32>,
        %get3A_578 = vector.shape_cast %get3A_577 : vector<1x16xf32> to vector<16xf32>
        %mul3A_579 = vector.broadcast %squeeze3A_561 : f32 to vector<16xf32>
        %mul3A_580 = arith.mulf %get3A_578, %mul3A_579 : vector<16xf32>
        %swap3A_581 = arith.index_cast %add3A_563 : i32 to index
        %swap3A_582 = arith.constant 16 : index
        %swap3A_583 = tpu.vector_load %arg11[%swap3A_581, %swap3A_582] {strides = array<i32>} : memref<1024x32xf32, #tpu.memory_space<vmem>>, vector<1x16xf32>,
        %swap3A_584 = vector.shape_cast %swap3A_583 : vector<1x16xf32> to vector<16xf32>
        %swap3A_585 = vector.shape_cast %mul3A_580 : vector<16xf32> to vector<1x16xf32>
        tpu.vector_store %arg11[%swap3A_581, %swap3A_582], %swap3A_585 {strides = array<i32>} : memref<1024x32xf32, #tpu.memory_space<vmem>>, vector<1x16xf32>,
        %slice3A_586 = vector.extract_strided_slice %get3A_428 {offsets = [6], sizes = [1], strides = [1]} : vector<16xf32> to vector<1xf32>
        %squeeze3A_587 = vector.extract %slice3A_586[0] : f32 from vector<1xf32>
        %add3A_588 = arith.constant 6 : i32
        %add3A_589 = arith.addi %add3A_432, %add3A_588 : i32
        %get3A_590 = arith.index_cast %add3A_589 : i32 to index
        %get3A_591 = arith.constant 0 : index
        %get3A_592 = tpu.vector_load %arg11[%get3A_590, %get3A_591] {strides = array<i32>} : memref<1024x32xf32, #tpu.memory_space<vmem>>, vector<1x16xf32>,
        %get3A_593 = vector.shape_cast %get3A_592 : vector<1x16xf32> to vector<16xf32>
        %mul3A_594 = vector.broadcast %squeeze3A_587 : f32 to vector<16xf32>
        %mul3A_595 = arith.mulf %get3A_593, %mul3A_594 : vector<16xf32>
        %swap3A_596 = arith.index_cast %add3A_589 : i32 to index
        %swap3A_597 = arith.constant 0 : index
        %swap3A_598 = tpu.vector_load %arg11[%swap3A_596, %swap3A_597] {strides = array<i32>} : memref<1024x32xf32, #tpu.memory_space<vmem>>, vector<1x16xf32>,
        %swap3A_599 = vector.shape_cast %swap3A_598 : vector<1x16xf32> to vector<16xf32>
        %swap3A_600 = vector.shape_cast %mul3A_595 : vector<16xf32> to vector<1x16xf32>
        tpu.vector_store %arg11[%swap3A_596, %swap3A_597], %swap3A_600 {strides = array<i32>} : memref<1024x32xf32, #tpu.memory_space<vmem>>, vector<1x16xf32>,
        %get3A_601 = arith.index_cast %add3A_589 : i32 to index
        %get3A_602 = arith.constant 16 : index
        %get3A_603 = tpu.vector_load %arg11[%get3A_601, %get3A_602] {strides = array<i32>} : memref<1024x32xf32, #tpu.memory_space<vmem>>, vector<1x16xf32>,
        %get3A_604 = vector.shape_cast %get3A_603 : vector<1x16xf32> to vector<16xf32>
        %mul3A_605 = vector.broadcast %squeeze3A_587 : f32 to vector<16xf32>
        %mul3A_606 = arith.mulf %get3A_604, %mul3A_605 : vector<16xf32>
        %swap3A_607 = arith.index_cast %add3A_589 : i32 to index
        %swap3A_608 = arith.constant 16 : index
        %swap3A_609 = tpu.vector_load %arg11[%swap3A_607, %swap3A_608] {strides = array<i32>} : memref<1024x32xf32, #tpu.memory_space<vmem>>, vector<1x16xf32>,
        %swap3A_610 = vector.shape_cast %swap3A_609 : vector<1x16xf32> to vector<16xf32>
        %swap3A_611 = vector.shape_cast %mul3A_606 : vector<16xf32> to vector<1x16xf32>
        tpu.vector_store %arg11[%swap3A_607, %swap3A_608], %swap3A_611 {strides = array<i32>} : memref<1024x32xf32, #tpu.memory_space<vmem>>, vector<1x16xf32>,
        %slice3A_612 = vector.extract_strided_slice %get3A_428 {offsets = [7], sizes = [1], strides = [1]} : vector<16xf32> to vector<1xf32>
        %squeeze3A_613 = vector.extract %slice3A_612[0] : f32 from vector<1xf32>
        %add3A_614 = arith.constant 7 : i32
        %add3A_615 = arith.addi %add3A_432, %add3A_614 : i32
        %get3A_616 = arith.index_cast %add3A_615 : i32 to index
        %get3A_617 = arith.constant 0 : index
        %get3A_618 = tpu.vector_load %arg11[%get3A_616, %get3A_617] {strides = array<i32>} : memref<1024x32xf32, #tpu.memory_space<vmem>>, vector<1x16xf32>,
        %get3A_619 = vector.shape_cast %get3A_618 : vector<1x16xf32> to vector<16xf32>
        %mul3A_620 = vector.broadcast %squeeze3A_613 : f32 to vector<16xf32>
        %mul3A_621 = arith.mulf %get3A_619, %mul3A_620 : vector<16xf32>
        %swap3A_622 = arith.index_cast %add3A_615 : i32 to index
        %swap3A_623 = arith.constant 0 : index
        %swap3A_624 = tpu.vector_load %arg11[%swap3A_622, %swap3A_623] {strides = array<i32>} : memref<1024x32xf32, #tpu.memory_space<vmem>>, vector<1x16xf32>,
        %swap3A_625 = vector.shape_cast %swap3A_624 : vector<1x16xf32> to vector<16xf32>
        %swap3A_626 = vector.shape_cast %mul3A_621 : vector<16xf32> to vector<1x16xf32>
        tpu.vector_store %arg11[%swap3A_622, %swap3A_623], %swap3A_626 {strides = array<i32>} : memref<1024x32xf32, #tpu.memory_space<vmem>>, vector<1x16xf32>,
        %get3A_627 = arith.index_cast %add3A_615 : i32 to index
        %get3A_628 = arith.constant 16 : index
        %get3A_629 = tpu.vector_load %arg11[%get3A_627, %get3A_628] {strides = array<i32>} : memref<1024x32xf32, #tpu.memory_space<vmem>>, vector<1x16xf32>,
        %get3A_630 = vector.shape_cast %get3A_629 : vector<1x16xf32> to vector<16xf32>
        %mul3A_631 = vector.broadcast %squeeze3A_613 : f32 to vector<16xf32>
        %mul3A_632 = arith.mulf %get3A_630, %mul3A_631 : vector<16xf32>
        %swap3A_633 = arith.index_cast %add3A_615 : i32 to index
        %swap3A_634 = arith.constant 16 : index
        %swap3A_635 = tpu.vector_load %arg11[%swap3A_633, %swap3A_634] {strides = array<i32>} : memref<1024x32xf32, #tpu.memory_space<vmem>>, vector<1x16xf32>,
        %swap3A_636 = vector.shape_cast %swap3A_635 : vector<1x16xf32> to vector<16xf32>
        %swap3A_637 = vector.shape_cast %mul3A_632 : vector<16xf32> to vector<1x16xf32>
        tpu.vector_store %arg11[%swap3A_633, %swap3A_634], %swap3A_637 {strides = array<i32>} : memref<1024x32xf32, #tpu.memory_space<vmem>>, vector<1x16xf32>,
        %slice3A_638 = vector.extract_strided_slice %get3A_428 {offsets = [8], sizes = [1], strides = [1]} : vector<16xf32> to vector<1xf32>
        %squeeze3A_639 = vector.extract %slice3A_638[0] : f32 from vector<1xf32>
        %add3A_640 = arith.constant 8 : i32
        %add3A_641 = arith.addi %add3A_432, %add3A_640 : i32
        %get3A_642 = arith.index_cast %add3A_641 : i32 to index
        %get3A_643 = arith.constant 0 : index
        %get3A_644 = tpu.vector_load %arg11[%get3A_642, %get3A_643] {strides = array<i32>} : memref<1024x32xf32, #tpu.memory_space<vmem>>, vector<1x16xf32>,
        %get3A_645 = vector.shape_cast %get3A_644 : vector<1x16xf32> to vector<16xf32>
        %mul3A_646 = vector.broadcast %squeeze3A_639 : f32 to vector<16xf32>
        %mul3A_647 = arith.mulf %get3A_645, %mul3A_646 : vector<16xf32>
        %swap3A_648 = arith.index_cast %add3A_641 : i32 to index
        %swap3A_649 = arith.constant 0 : index
        %swap3A_650 = tpu.vector_load %arg11[%swap3A_648, %swap3A_649] {strides = array<i32>} : memref<1024x32xf32, #tpu.memory_space<vmem>>, vector<1x16xf32>,
        %swap3A_651 = vector.shape_cast %swap3A_650 : vector<1x16xf32> to vector<16xf32>
        %swap3A_652 = vector.shape_cast %mul3A_647 : vector<16xf32> to vector<1x16xf32>
        tpu.vector_store %arg11[%swap3A_648, %swap3A_649], %swap3A_652 {strides = array<i32>} : memref<1024x32xf32, #tpu.memory_space<vmem>>, vector<1x16xf32>,
        %get3A_653 = arith.index_cast %add3A_641 : i32 to index
        %get3A_654 = arith.constant 16 : index
        %get3A_655 = tpu.vector_load %arg11[%get3A_653, %get3A_654] {strides = array<i32>} : memref<1024x32xf32, #tpu.memory_space<vmem>>, vector<1x16xf32>,
        %get3A_656 = vector.shape_cast %get3A_655 : vector<1x16xf32> to vector<16xf32>
        %mul3A_657 = vector.broadcast %squeeze3A_639 : f32 to vector<16xf32>
        %mul3A_658 = arith.mulf %get3A_656, %mul3A_657 : vector<16xf32>
        %swap3A_659 = arith.index_cast %add3A_641 : i32 to index
        %swap3A_660 = arith.constant 16 : index
        %swap3A_661 = tpu.vector_load %arg11[%swap3A_659, %swap3A_660] {strides = array<i32>} : memref<1024x32xf32, #tpu.memory_space<vmem>>, vector<1x16xf32>,
        %swap3A_662 = vector.shape_cast %swap3A_661 : vector<1x16xf32> to vector<16xf32>
        %swap3A_663 = vector.shape_cast %mul3A_658 : vector<16xf32> to vector<1x16xf32>
        tpu.vector_store %arg11[%swap3A_659, %swap3A_660], %swap3A_663 {strides = array<i32>} : memref<1024x32xf32, #tpu.memory_space<vmem>>, vector<1x16xf32>,
        %slice3A_664 = vector.extract_strided_slice %get3A_428 {offsets = [9], sizes = [1], strides = [1]} : vector<16xf32> to vector<1xf32>
        %squeeze3A_665 = vector.extract %slice3A_664[0] : f32 from vector<1xf32>
        %add3A_666 = arith.constant 9 : i32
        %add3A_667 = arith.addi %add3A_432, %add3A_666 : i32
        %get3A_668 = arith.index_cast %add3A_667 : i32 to index
        %get3A_669 = arith.constant 0 : index
        %get3A_670 = tpu.vector_load %arg11[%get3A_668, %get3A_669] {strides = array<i32>} : memref<1024x32xf32, #tpu.memory_space<vmem>>, vector<1x16xf32>,
        %get3A_671 = vector.shape_cast %get3A_670 : vector<1x16xf32> to vector<16xf32>
        %mul3A_672 = vector.broadcast %squeeze3A_665 : f32 to vector<16xf32>
        %mul3A_673 = arith.mulf %get3A_671, %mul3A_672 : vector<16xf32>
        %swap3A_674 = arith.index_cast %add3A_667 : i32 to index
        %swap3A_675 = arith.constant 0 : index
        %swap3A_676 = tpu.vector_load %arg11[%swap3A_674, %swap3A_675] {strides = array<i32>} : memref<1024x32xf32, #tpu.memory_space<vmem>>, vector<1x16xf32>,
        %swap3A_677 = vector.shape_cast %swap3A_676 : vector<1x16xf32> to vector<16xf32>
        %swap3A_678 = vector.shape_cast %mul3A_673 : vector<16xf32> to vector<1x16xf32>
        tpu.vector_store %arg11[%swap3A_674, %swap3A_675], %swap3A_678 {strides = array<i32>} : memref<1024x32xf32, #tpu.memory_space<vmem>>, vector<1x16xf32>,
        %get3A_679 = arith.index_cast %add3A_667 : i32 to index
        %get3A_680 = arith.constant 16 : index
        %get3A_681 = tpu.vector_load %arg11[%get3A_679, %get3A_680] {strides = array<i32>} : memref<1024x32xf32, #tpu.memory_space<vmem>>, vector<1x16xf32>,
        %get3A_682 = vector.shape_cast %get3A_681 : vector<1x16xf32> to vector<16xf32>
        %mul3A_683 = vector.broadcast %squeeze3A_665 : f32 to vector<16xf32>
        %mul3A_684 = arith.mulf %get3A_682, %mul3A_683 : vector<16xf32>
        %swap3A_685 = arith.index_cast %add3A_667 : i32 to index
        %swap3A_686 = arith.constant 16 : index
        %swap3A_687 = tpu.vector_load %arg11[%swap3A_685, %swap3A_686] {strides = array<i32>} : memref<1024x32xf32, #tpu.memory_space<vmem>>, vector<1x16xf32>,
        %swap3A_688 = vector.shape_cast %swap3A_687 : vector<1x16xf32> to vector<16xf32>
        %swap3A_689 = vector.shape_cast %mul3A_684 : vector<16xf32> to vector<1x16xf32>
        tpu.vector_store %arg11[%swap3A_685, %swap3A_686], %swap3A_689 {strides = array<i32>} : memref<1024x32xf32, #tpu.memory_space<vmem>>, vector<1x16xf32>,
        %slice3A_690 = vector.extract_strided_slice %get3A_428 {offsets = [10], sizes = [1], strides = [1]} : vector<16xf32> to vector<1xf32>
        %squeeze3A_691 = vector.extract %slice3A_690[0] : f32 from vector<1xf32>
        %add3A_692 = arith.constant 10 : i32
        %add3A_693 = arith.addi %add3A_432, %add3A_692 : i32
        %get3A_694 = arith.index_cast %add3A_693 : i32 to index
        %get3A_695 = arith.constant 0 : index
        %get3A_696 = tpu.vector_load %arg11[%get3A_694, %get3A_695] {strides = array<i32>} : memref<1024x32xf32, #tpu.memory_space<vmem>>, vector<1x16xf32>,
        %get3A_697 = vector.shape_cast %get3A_696 : vector<1x16xf32> to vector<16xf32>
        %mul3A_698 = vector.broadcast %squeeze3A_691 : f32 to vector<16xf32>
        %mul3A_699 = arith.mulf %get3A_697, %mul3A_698 : vector<16xf32>
        %swap3A_700 = arith.index_cast %add3A_693 : i32 to index
        %swap3A_701 = arith.constant 0 : index
        %swap3A_702 = tpu.vector_load %arg11[%swap3A_700, %swap3A_701] {strides = array<i32>} : memref<1024x32xf32, #tpu.memory_space<vmem>>, vector<1x16xf32>,
        %swap3A_703 = vector.shape_cast %swap3A_702 : vector<1x16xf32> to vector<16xf32>
        %swap3A_704 = vector.shape_cast %mul3A_699 : vector<16xf32> to vector<1x16xf32>
        tpu.vector_store %arg11[%swap3A_700, %swap3A_701], %swap3A_704 {strides = array<i32>} : memref<1024x32xf32, #tpu.memory_space<vmem>>, vector<1x16xf32>,
        %get3A_705 = arith.index_cast %add3A_693 : i32 to index
        %get3A_706 = arith.constant 16 : index
        %get3A_707 = tpu.vector_load %arg11[%get3A_705, %get3A_706] {strides = array<i32>} : memref<1024x32xf32, #tpu.memory_space<vmem>>, vector<1x16xf32>,
        %get3A_708 = vector.shape_cast %get3A_707 : vector<1x16xf32> to vector<16xf32>
        %mul3A_709 = vector.broadcast %squeeze3A_691 : f32 to vector<16xf32>
        %mul3A_710 = arith.mulf %get3A_708, %mul3A_709 : vector<16xf32>
        %swap3A_711 = arith.index_cast %add3A_693 : i32 to index
        %swap3A_712 = arith.constant 16 : index
        %swap3A_713 = tpu.vector_load %arg11[%swap3A_711, %swap3A_712] {strides = array<i32>} : memref<1024x32xf32, #tpu.memory_space<vmem>>, vector<1x16xf32>,
        %swap3A_714 = vector.shape_cast %swap3A_713 : vector<1x16xf32> to vector<16xf32>
        %swap3A_715 = vector.shape_cast %mul3A_710 : vector<16xf32> to vector<1x16xf32>
        tpu.vector_store %arg11[%swap3A_711, %swap3A_712], %swap3A_715 {strides = array<i32>} : memref<1024x32xf32, #tpu.memory_space<vmem>>, vector<1x16xf32>,
        %slice3A_716 = vector.extract_strided_slice %get3A_428 {offsets = [11], sizes = [1], strides = [1]} : vector<16xf32> to vector<1xf32>
        %squeeze3A_717 = vector.extract %slice3A_716[0] : f32 from vector<1xf32>
        %add3A_718 = arith.constant 11 : i32
        %add3A_719 = arith.addi %add3A_432, %add3A_718 : i32
        %get3A_720 = arith.index_cast %add3A_719 : i32 to index
        %get3A_721 = arith.constant 0 : index
        %get3A_722 = tpu.vector_load %arg11[%get3A_720, %get3A_721] {strides = array<i32>} : memref<1024x32xf32, #tpu.memory_space<vmem>>, vector<1x16xf32>,
        %get3A_723 = vector.shape_cast %get3A_722 : vector<1x16xf32> to vector<16xf32>
        %mul3A_724 = vector.broadcast %squeeze3A_717 : f32 to vector<16xf32>
        %mul3A_725 = arith.mulf %get3A_723, %mul3A_724 : vector<16xf32>
        %swap3A_726 = arith.index_cast %add3A_719 : i32 to index
        %swap3A_727 = arith.constant 0 : index
        %swap3A_728 = tpu.vector_load %arg11[%swap3A_726, %swap3A_727] {strides = array<i32>} : memref<1024x32xf32, #tpu.memory_space<vmem>>, vector<1x16xf32>,
        %swap3A_729 = vector.shape_cast %swap3A_728 : vector<1x16xf32> to vector<16xf32>
        %swap3A_730 = vector.shape_cast %mul3A_725 : vector<16xf32> to vector<1x16xf32>
        tpu.vector_store %arg11[%swap3A_726, %swap3A_727], %swap3A_730 {strides = array<i32>} : memref<1024x32xf32, #tpu.memory_space<vmem>>, vector<1x16xf32>,
        %get3A_731 = arith.index_cast %add3A_719 : i32 to index
        %get3A_732 = arith.constant 16 : index
        %get3A_733 = tpu.vector_load %arg11[%get3A_731, %get3A_732] {strides = array<i32>} : memref<1024x32xf32, #tpu.memory_space<vmem>>, vector<1x16xf32>,
        %get3A_734 = vector.shape_cast %get3A_733 : vector<1x16xf32> to vector<16xf32>
        %mul3A_735 = vector.broadcast %squeeze3A_717 : f32 to vector<16xf32>
        %mul3A_736 = arith.mulf %get3A_734, %mul3A_735 : vector<16xf32>
        %swap3A_737 = arith.index_cast %add3A_719 : i32 to index
        %swap3A_738 = arith.constant 16 : index
        %swap3A_739 = tpu.vector_load %arg11[%swap3A_737, %swap3A_738] {strides = array<i32>} : memref<1024x32xf32, #tpu.memory_space<vmem>>, vector<1x16xf32>,
        %swap3A_740 = vector.shape_cast %swap3A_739 : vector<1x16xf32> to vector<16xf32>
        %swap3A_741 = vector.shape_cast %mul3A_736 : vector<16xf32> to vector<1x16xf32>
        tpu.vector_store %arg11[%swap3A_737, %swap3A_738], %swap3A_741 {strides = array<i32>} : memref<1024x32xf32, #tpu.memory_space<vmem>>, vector<1x16xf32>,
        %slice3A_742 = vector.extract_strided_slice %get3A_428 {offsets = [12], sizes = [1], strides = [1]} : vector<16xf32> to vector<1xf32>
        %squeeze3A_743 = vector.extract %slice3A_742[0] : f32 from vector<1xf32>
        %add3A_744 = arith.constant 12 : i32
        %add3A_745 = arith.addi %add3A_432, %add3A_744 : i32
        %get3A_746 = arith.index_cast %add3A_745 : i32 to index
        %get3A_747 = arith.constant 0 : index
        %get3A_748 = tpu.vector_load %arg11[%get3A_746, %get3A_747] {strides = array<i32>} : memref<1024x32xf32, #tpu.memory_space<vmem>>, vector<1x16xf32>,
        %get3A_749 = vector.shape_cast %get3A_748 : vector<1x16xf32> to vector<16xf32>
        %mul3A_750 = vector.broadcast %squeeze3A_743 : f32 to vector<16xf32>
        %mul3A_751 = arith.mulf %get3A_749, %mul3A_750 : vector<16xf32>
        %swap3A_752 = arith.index_cast %add3A_745 : i32 to index
        %swap3A_753 = arith.constant 0 : index
        %swap3A_754 = tpu.vector_load %arg11[%swap3A_752, %swap3A_753] {strides = array<i32>} : memref<1024x32xf32, #tpu.memory_space<vmem>>, vector<1x16xf32>,
        %swap3A_755 = vector.shape_cast %swap3A_754 : vector<1x16xf32> to vector<16xf32>
        %swap3A_756 = vector.shape_cast %mul3A_751 : vector<16xf32> to vector<1x16xf32>
        tpu.vector_store %arg11[%swap3A_752, %swap3A_753], %swap3A_756 {strides = array<i32>} : memref<1024x32xf32, #tpu.memory_space<vmem>>, vector<1x16xf32>,
        %get3A_757 = arith.index_cast %add3A_745 : i32 to index
        %get3A_758 = arith.constant 16 : index
        %get3A_759 = tpu.vector_load %arg11[%get3A_757, %get3A_758] {strides = array<i32>} : memref<1024x32xf32, #tpu.memory_space<vmem>>, vector<1x16xf32>,
        %get3A_760 = vector.shape_cast %get3A_759 : vector<1x16xf32> to vector<16xf32>
        %mul3A_761 = vector.broadcast %squeeze3A_743 : f32 to vector<16xf32>
        %mul3A_762 = arith.mulf %get3A_760, %mul3A_761 : vector<16xf32>
        %swap3A_763 = arith.index_cast %add3A_745 : i32 to index
        %swap3A_764 = arith.constant 16 : index
        %swap3A_765 = tpu.vector_load %arg11[%swap3A_763, %swap3A_764] {strides = array<i32>} : memref<1024x32xf32, #tpu.memory_space<vmem>>, vector<1x16xf32>,
        %swap3A_766 = vector.shape_cast %swap3A_765 : vector<1x16xf32> to vector<16xf32>
        %swap3A_767 = vector.shape_cast %mul3A_762 : vector<16xf32> to vector<1x16xf32>
        tpu.vector_store %arg11[%swap3A_763, %swap3A_764], %swap3A_767 {strides = array<i32>} : memref<1024x32xf32, #tpu.memory_space<vmem>>, vector<1x16xf32>,
        %slice3A_768 = vector.extract_strided_slice %get3A_428 {offsets = [13], sizes = [1], strides = [1]} : vector<16xf32> to vector<1xf32>
        %squeeze3A_769 = vector.extract %slice3A_768[0] : f32 from vector<1xf32>
        %add3A_770 = arith.constant 13 : i32
        %add3A_771 = arith.addi %add3A_432, %add3A_770 : i32
        %get3A_772 = arith.index_cast %add3A_771 : i32 to index
        %get3A_773 = arith.constant 0 : index
        %get3A_774 = tpu.vector_load %arg11[%get3A_772, %get3A_773] {strides = array<i32>} : memref<1024x32xf32, #tpu.memory_space<vmem>>, vector<1x16xf32>,
        %get3A_775 = vector.shape_cast %get3A_774 : vector<1x16xf32> to vector<16xf32>
        %mul3A_776 = vector.broadcast %squeeze3A_769 : f32 to vector<16xf32>
        %mul3A_777 = arith.mulf %get3A_775, %mul3A_776 : vector<16xf32>
        %swap3A_778 = arith.index_cast %add3A_771 : i32 to index
        %swap3A_779 = arith.constant 0 : index
        %swap3A_780 = tpu.vector_load %arg11[%swap3A_778, %swap3A_779] {strides = array<i32>} : memref<1024x32xf32, #tpu.memory_space<vmem>>, vector<1x16xf32>,
        %swap3A_781 = vector.shape_cast %swap3A_780 : vector<1x16xf32> to vector<16xf32>
        %swap3A_782 = vector.shape_cast %mul3A_777 : vector<16xf32> to vector<1x16xf32>
        tpu.vector_store %arg11[%swap3A_778, %swap3A_779], %swap3A_782 {strides = array<i32>} : memref<1024x32xf32, #tpu.memory_space<vmem>>, vector<1x16xf32>,
        %get3A_783 = arith.index_cast %add3A_771 : i32 to index
        %get3A_784 = arith.constant 16 : index
        %get3A_785 = tpu.vector_load %arg11[%get3A_783, %get3A_784] {strides = array<i32>} : memref<1024x32xf32, #tpu.memory_space<vmem>>, vector<1x16xf32>,
        %get3A_786 = vector.shape_cast %get3A_785 : vector<1x16xf32> to vector<16xf32>
        %mul3A_787 = vector.broadcast %squeeze3A_769 : f32 to vector<16xf32>
        %mul3A_788 = arith.mulf %get3A_786, %mul3A_787 : vector<16xf32>
        %swap3A_789 = arith.index_cast %add3A_771 : i32 to index
        %swap3A_790 = arith.constant 16 : index
        %swap3A_791 = tpu.vector_load %arg11[%swap3A_789, %swap3A_790] {strides = array<i32>} : memref<1024x32xf32, #tpu.memory_space<vmem>>, vector<1x16xf32>,
        %swap3A_792 = vector.shape_cast %swap3A_791 : vector<1x16xf32> to vector<16xf32>
        %swap3A_793 = vector.shape_cast %mul3A_788 : vector<16xf32> to vector<1x16xf32>
        tpu.vector_store %arg11[%swap3A_789, %swap3A_790], %swap3A_793 {strides = array<i32>} : memref<1024x32xf32, #tpu.memory_space<vmem>>, vector<1x16xf32>,
        %slice3A_794 = vector.extract_strided_slice %get3A_428 {offsets = [14], sizes = [1], strides = [1]} : vector<16xf32> to vector<1xf32>
        %squeeze3A_795 = vector.extract %slice3A_794[0] : f32 from vector<1xf32>
        %add3A_796 = arith.constant 14 : i32
        %add3A_797 = arith.addi %add3A_432, %add3A_796 : i32
        %get3A_798 = arith.index_cast %add3A_797 : i32 to index
        %get3A_799 = arith.constant 0 : index
        %get3A_800 = tpu.vector_load %arg11[%get3A_798, %get3A_799] {strides = array<i32>} : memref<1024x32xf32, #tpu.memory_space<vmem>>, vector<1x16xf32>,
        %get3A_801 = vector.shape_cast %get3A_800 : vector<1x16xf32> to vector<16xf32>
        %mul3A_802 = vector.broadcast %squeeze3A_795 : f32 to vector<16xf32>
        %mul3A_803 = arith.mulf %get3A_801, %mul3A_802 : vector<16xf32>
        %swap3A_804 = arith.index_cast %add3A_797 : i32 to index
        %swap3A_805 = arith.constant 0 : index
        %swap3A_806 = tpu.vector_load %arg11[%swap3A_804, %swap3A_805] {strides = array<i32>} : memref<1024x32xf32, #tpu.memory_space<vmem>>, vector<1x16xf32>,
        %swap3A_807 = vector.shape_cast %swap3A_806 : vector<1x16xf32> to vector<16xf32>
        %swap3A_808 = vector.shape_cast %mul3A_803 : vector<16xf32> to vector<1x16xf32>
        tpu.vector_store %arg11[%swap3A_804, %swap3A_805], %swap3A_808 {strides = array<i32>} : memref<1024x32xf32, #tpu.memory_space<vmem>>, vector<1x16xf32>,
        %get3A_809 = arith.index_cast %add3A_797 : i32 to index
        %get3A_810 = arith.constant 16 : index
        %get3A_811 = tpu.vector_load %arg11[%get3A_809, %get3A_810] {strides = array<i32>} : memref<1024x32xf32, #tpu.memory_space<vmem>>, vector<1x16xf32>,
        %get3A_812 = vector.shape_cast %get3A_811 : vector<1x16xf32> to vector<16xf32>
        %mul3A_813 = vector.broadcast %squeeze3A_795 : f32 to vector<16xf32>
        %mul3A_814 = arith.mulf %get3A_812, %mul3A_813 : vector<16xf32>
        %swap3A_815 = arith.index_cast %add3A_797 : i32 to index
        %swap3A_816 = arith.constant 16 : index
        %swap3A_817 = tpu.vector_load %arg11[%swap3A_815, %swap3A_816] {strides = array<i32>} : memref<1024x32xf32, #tpu.memory_space<vmem>>, vector<1x16xf32>,
        %swap3A_818 = vector.shape_cast %swap3A_817 : vector<1x16xf32> to vector<16xf32>
        %swap3A_819 = vector.shape_cast %mul3A_814 : vector<16xf32> to vector<1x16xf32>
        tpu.vector_store %arg11[%swap3A_815, %swap3A_816], %swap3A_819 {strides = array<i32>} : memref<1024x32xf32, #tpu.memory_space<vmem>>, vector<1x16xf32>,
        %slice3A_820 = vector.extract_strided_slice %get3A_428 {offsets = [15], sizes = [1], strides = [1]} : vector<16xf32> to vector<1xf32>
        %squeeze3A_821 = vector.extract %slice3A_820[0] : f32 from vector<1xf32>
        %add3A_822 = arith.constant 15 : i32
        %add3A_823 = arith.addi %add3A_432, %add3A_822 : i32
        %get3A_824 = arith.index_cast %add3A_823 : i32 to index
        %get3A_825 = arith.constant 0 : index
        %get3A_826 = tpu.vector_load %arg11[%get3A_824, %get3A_825] {strides = array<i32>} : memref<1024x32xf32, #tpu.memory_space<vmem>>, vector<1x16xf32>,
        %get3A_827 = vector.shape_cast %get3A_826 : vector<1x16xf32> to vector<16xf32>
        %mul3A_828 = vector.broadcast %squeeze3A_821 : f32 to vector<16xf32>
        %mul3A_829 = arith.mulf %get3A_827, %mul3A_828 : vector<16xf32>
        %swap3A_830 = arith.index_cast %add3A_823 : i32 to index
        %swap3A_831 = arith.constant 0 : index
        %swap3A_832 = tpu.vector_load %arg11[%swap3A_830, %swap3A_831] {strides = array<i32>} : memref<1024x32xf32, #tpu.memory_space<vmem>>, vector<1x16xf32>,
        %swap3A_833 = vector.shape_cast %swap3A_832 : vector<1x16xf32> to vector<16xf32>
        %swap3A_834 = vector.shape_cast %mul3A_829 : vector<16xf32> to vector<1x16xf32>
        tpu.vector_store %arg11[%swap3A_830, %swap3A_831], %swap3A_834 {strides = array<i32>} : memref<1024x32xf32, #tpu.memory_space<vmem>>, vector<1x16xf32>,
        %get3A_835 = arith.index_cast %add3A_823 : i32 to index
        %get3A_836 = arith.constant 16 : index
        %get3A_837 = tpu.vector_load %arg11[%get3A_835, %get3A_836] {strides = array<i32>} : memref<1024x32xf32, #tpu.memory_space<vmem>>, vector<1x16xf32>,
        %get3A_838 = vector.shape_cast %get3A_837 : vector<1x16xf32> to vector<16xf32>
        %mul3A_839 = vector.broadcast %squeeze3A_821 : f32 to vector<16xf32>
        %mul3A_840 = arith.mulf %get3A_838, %mul3A_839 : vector<16xf32>
        %swap3A_841 = arith.index_cast %add3A_823 : i32 to index
        %swap3A_842 = arith.constant 16 : index
        %swap3A_843 = tpu.vector_load %arg11[%swap3A_841, %swap3A_842] {strides = array<i32>} : memref<1024x32xf32, #tpu.memory_space<vmem>>, vector<1x16xf32>,
        %swap3A_844 = vector.shape_cast %swap3A_843 : vector<1x16xf32> to vector<16xf32>
        %swap3A_845 = vector.shape_cast %mul3A_840 : vector<16xf32> to vector<1x16xf32>
        tpu.vector_store %arg11[%swap3A_841, %swap3A_842], %swap3A_845 {strides = array<i32>} : memref<1024x32xf32, #tpu.memory_space<vmem>>, vector<1x16xf32>,
      }
      %scan3A_267 = arith.constant 8 : i32
      %dma_start3A_268 = arith.constant 3 : i32
      %dma_start3A_269 = arith.constant 384 : i32
      %dma_start3A_270 = arith.constant 0 : i32
      %dma_start3A_271 = tpu.memref_slice %arg11[%dma_start3A_269, %dma_start3A_270] : memref<1024x32xf32, #tpu.memory_space<vmem>> -> memref<128x32xf32, #tpu.memory_space<vmem>>
      %dma_start3A_272 = arith.constant 0 : i32
      %dma_start3A_273 = tpu.memref_slice %arg9[%dma_start3A_268, %dma_start3A_272] : memref<8x128xi32, #tpu.memory_space<vmem>> -> memref<1x128xi32, #tpu.memory_space<vmem>>
      %dma_start3A_274 = tpu.memref_squeeze %dma_start3A_273 : memref<1x128xi32, #tpu.memory_space<vmem>> -> memref<128xi32, #tpu.memory_space<vmem>>
      %dma_start3A_275 = arith.constant 0 : i32
      %dma_start3A_276 = arith.constant 0 : i32
      %dma_start3A_277 = tpu.memref_slice %arg12[%dma_start3A_275, %dma_start3A_276] : memref<16384x32xf32, #tpu.memory_space<vmem_shared>> -> memref<16384x32xf32, #tpu.memory_space<vmem_shared>>
      tpu.enqueue_indirect_dma source(%dma_start3A_271 : memref<128x32xf32, #tpu.memory_space<vmem>>) target(%dma_start3A_277 : memref<16384x32xf32, #tpu.memory_space<vmem_shared>>) offsets(%dma_start3A_274 : memref<128xi32, #tpu.memory_space<vmem>>) semaphore(%arg14 : memref<!tpu.dma_semaphore, #tpu.memory_space<semaphore_mem>>) {add = true}
      %scan3A_278 = arith.constant 0 : i32
      %scan3A_279 = arith.constant 0 : i32
      %scan3A_280 = arith.constant 8 : i32
      %scan3A_281 = arith.addi %scan3A_279, %scan3A_280 : i32
      %scan3A_282 = arith.constant 1 : i32
      scf.for %scan3A_422 = %scan3A_279 to %scan3A_281 step %scan3A_282  : i32 {
        %mul3A_423 = arith.constant 16 : i32
        %mul3A_424 = arith.muli %scan3A_422, %mul3A_423 : i32
        %get3A = arith.constant 4 : i32
        %get3A_425 = arith.index_cast %get3A : i32 to index
        %get3A_426 = arith.index_cast %mul3A_424 : i32 to index
        %get3A_427 = tpu.vector_load %arg10[%get3A_425, %get3A_426] {strides = array<i32>} : memref<8x128xf32, #tpu.memory_space<vmem>>, vector<1x16xf32>,
        %get3A_428 = vector.shape_cast %get3A_427 : vector<1x16xf32> to vector<16xf32>
        %mul3A_429 = arith.constant 16 : i32
        %mul3A_430 = arith.muli %scan3A_422, %mul3A_429 : i32
        %add3A_431 = arith.constant 512 : i32
        %add3A_432 = arith.addi %add3A_431, %mul3A_430 : i32
        %slice3A = vector.extract_strided_slice %get3A_428 {offsets = [0], sizes = [1], strides = [1]} : vector<16xf32> to vector<1xf32>
        %squeeze3A = vector.extract %slice3A[0] : f32 from vector<1xf32>
        %add3A_433 = arith.constant 0 : i32
        %add3A_434 = arith.addi %add3A_432, %add3A_433 : i32
        %get3A_435 = arith.index_cast %add3A_434 : i32 to index
        %get3A_436 = arith.constant 0 : index
        %get3A_437 = tpu.vector_load %arg11[%get3A_435, %get3A_436] {strides = array<i32>} : memref<1024x32xf32, #tpu.memory_space<vmem>>, vector<1x16xf32>,
        %get3A_438 = vector.shape_cast %get3A_437 : vector<1x16xf32> to vector<16xf32>
        %mul3A_439 = vector.broadcast %squeeze3A : f32 to vector<16xf32>
        %mul3A_440 = arith.mulf %get3A_438, %mul3A_439 : vector<16xf32>
        %swap3A = arith.index_cast %add3A_434 : i32 to index
        %swap3A_441 = arith.constant 0 : index
        %swap3A_442 = tpu.vector_load %arg11[%swap3A, %swap3A_441] {strides = array<i32>} : memref<1024x32xf32, #tpu.memory_space<vmem>>, vector<1x16xf32>,
        %swap3A_443 = vector.shape_cast %swap3A_442 : vector<1x16xf32> to vector<16xf32>
        %swap3A_444 = vector.shape_cast %mul3A_440 : vector<16xf32> to vector<1x16xf32>
        tpu.vector_store %arg11[%swap3A, %swap3A_441], %swap3A_444 {strides = array<i32>} : memref<1024x32xf32, #tpu.memory_space<vmem>>, vector<1x16xf32>,
        %get3A_445 = arith.index_cast %add3A_434 : i32 to index
        %get3A_446 = arith.constant 16 : index
        %get3A_447 = tpu.vector_load %arg11[%get3A_445, %get3A_446] {strides = array<i32>} : memref<1024x32xf32, #tpu.memory_space<vmem>>, vector<1x16xf32>,
        %get3A_448 = vector.shape_cast %get3A_447 : vector<1x16xf32> to vector<16xf32>
        %mul3A_449 = vector.broadcast %squeeze3A : f32 to vector<16xf32>
        %mul3A_450 = arith.mulf %get3A_448, %mul3A_449 : vector<16xf32>
        %swap3A_451 = arith.index_cast %add3A_434 : i32 to index
        %swap3A_452 = arith.constant 16 : index
        %swap3A_453 = tpu.vector_load %arg11[%swap3A_451, %swap3A_452] {strides = array<i32>} : memref<1024x32xf32, #tpu.memory_space<vmem>>, vector<1x16xf32>,
        %swap3A_454 = vector.shape_cast %swap3A_453 : vector<1x16xf32> to vector<16xf32>
        %swap3A_455 = vector.shape_cast %mul3A_450 : vector<16xf32> to vector<1x16xf32>
        tpu.vector_store %arg11[%swap3A_451, %swap3A_452], %swap3A_455 {strides = array<i32>} : memref<1024x32xf32, #tpu.memory_space<vmem>>, vector<1x16xf32>,
        %slice3A_456 = vector.extract_strided_slice %get3A_428 {offsets = [1], sizes = [1], strides = [1]} : vector<16xf32> to vector<1xf32>
        %squeeze3A_457 = vector.extract %slice3A_456[0] : f32 from vector<1xf32>
        %add3A_458 = arith.constant 1 : i32
        %add3A_459 = arith.addi %add3A_432, %add3A_458 : i32
        %get3A_460 = arith.index_cast %add3A_459 : i32 to index
        %get3A_461 = arith.constant 0 : index
        %get3A_462 = tpu.vector_load %arg11[%get3A_460, %get3A_461] {strides = array<i32>} : memref<1024x32xf32, #tpu.memory_space<vmem>>, vector<1x16xf32>,
        %get3A_463 = vector.shape_cast %get3A_462 : vector<1x16xf32> to vector<16xf32>
        %mul3A_464 = vector.broadcast %squeeze3A_457 : f32 to vector<16xf32>
        %mul3A_465 = arith.mulf %get3A_463, %mul3A_464 : vector<16xf32>
        %swap3A_466 = arith.index_cast %add3A_459 : i32 to index
        %swap3A_467 = arith.constant 0 : index
        %swap3A_468 = tpu.vector_load %arg11[%swap3A_466, %swap3A_467] {strides = array<i32>} : memref<1024x32xf32, #tpu.memory_space<vmem>>, vector<1x16xf32>,
        %swap3A_469 = vector.shape_cast %swap3A_468 : vector<1x16xf32> to vector<16xf32>
        %swap3A_470 = vector.shape_cast %mul3A_465 : vector<16xf32> to vector<1x16xf32>
        tpu.vector_store %arg11[%swap3A_466, %swap3A_467], %swap3A_470 {strides = array<i32>} : memref<1024x32xf32, #tpu.memory_space<vmem>>, vector<1x16xf32>,
        %get3A_471 = arith.index_cast %add3A_459 : i32 to index
        %get3A_472 = arith.constant 16 : index
        %get3A_473 = tpu.vector_load %arg11[%get3A_471, %get3A_472] {strides = array<i32>} : memref<1024x32xf32, #tpu.memory_space<vmem>>, vector<1x16xf32>,
        %get3A_474 = vector.shape_cast %get3A_473 : vector<1x16xf32> to vector<16xf32>
        %mul3A_475 = vector.broadcast %squeeze3A_457 : f32 to vector<16xf32>
        %mul3A_476 = arith.mulf %get3A_474, %mul3A_475 : vector<16xf32>
        %swap3A_477 = arith.index_cast %add3A_459 : i32 to index
        %swap3A_478 = arith.constant 16 : index
        %swap3A_479 = tpu.vector_load %arg11[%swap3A_477, %swap3A_478] {strides = array<i32>} : memref<1024x32xf32, #tpu.memory_space<vmem>>, vector<1x16xf32>,
        %swap3A_480 = vector.shape_cast %swap3A_479 : vector<1x16xf32> to vector<16xf32>
        %swap3A_481 = vector.shape_cast %mul3A_476 : vector<16xf32> to vector<1x16xf32>
        tpu.vector_store %arg11[%swap3A_477, %swap3A_478], %swap3A_481 {strides = array<i32>} : memref<1024x32xf32, #tpu.memory_space<vmem>>, vector<1x16xf32>,
        %slice3A_482 = vector.extract_strided_slice %get3A_428 {offsets = [2], sizes = [1], strides = [1]} : vector<16xf32> to vector<1xf32>
        %squeeze3A_483 = vector.extract %slice3A_482[0] : f32 from vector<1xf32>
        %add3A_484 = arith.constant 2 : i32
        %add3A_485 = arith.addi %add3A_432, %add3A_484 : i32
        %get3A_486 = arith.index_cast %add3A_485 : i32 to index
        %get3A_487 = arith.constant 0 : index
        %get3A_488 = tpu.vector_load %arg11[%get3A_486, %get3A_487] {strides = array<i32>} : memref<1024x32xf32, #tpu.memory_space<vmem>>, vector<1x16xf32>,
        %get3A_489 = vector.shape_cast %get3A_488 : vector<1x16xf32> to vector<16xf32>
        %mul3A_490 = vector.broadcast %squeeze3A_483 : f32 to vector<16xf32>
        %mul3A_491 = arith.mulf %get3A_489, %mul3A_490 : vector<16xf32>
        %swap3A_492 = arith.index_cast %add3A_485 : i32 to index
        %swap3A_493 = arith.constant 0 : index
        %swap3A_494 = tpu.vector_load %arg11[%swap3A_492, %swap3A_493] {strides = array<i32>} : memref<1024x32xf32, #tpu.memory_space<vmem>>, vector<1x16xf32>,
        %swap3A_495 = vector.shape_cast %swap3A_494 : vector<1x16xf32> to vector<16xf32>
        %swap3A_496 = vector.shape_cast %mul3A_491 : vector<16xf32> to vector<1x16xf32>
        tpu.vector_store %arg11[%swap3A_492, %swap3A_493], %swap3A_496 {strides = array<i32>} : memref<1024x32xf32, #tpu.memory_space<vmem>>, vector<1x16xf32>,
        %get3A_497 = arith.index_cast %add3A_485 : i32 to index
        %get3A_498 = arith.constant 16 : index
        %get3A_499 = tpu.vector_load %arg11[%get3A_497, %get3A_498] {strides = array<i32>} : memref<1024x32xf32, #tpu.memory_space<vmem>>, vector<1x16xf32>,
        %get3A_500 = vector.shape_cast %get3A_499 : vector<1x16xf32> to vector<16xf32>
        %mul3A_501 = vector.broadcast %squeeze3A_483 : f32 to vector<16xf32>
        %mul3A_502 = arith.mulf %get3A_500, %mul3A_501 : vector<16xf32>
        %swap3A_503 = arith.index_cast %add3A_485 : i32 to index
        %swap3A_504 = arith.constant 16 : index
        %swap3A_505 = tpu.vector_load %arg11[%swap3A_503, %swap3A_504] {strides = array<i32>} : memref<1024x32xf32, #tpu.memory_space<vmem>>, vector<1x16xf32>,
        %swap3A_506 = vector.shape_cast %swap3A_505 : vector<1x16xf32> to vector<16xf32>
        %swap3A_507 = vector.shape_cast %mul3A_502 : vector<16xf32> to vector<1x16xf32>
        tpu.vector_store %arg11[%swap3A_503, %swap3A_504], %swap3A_507 {strides = array<i32>} : memref<1024x32xf32, #tpu.memory_space<vmem>>, vector<1x16xf32>,
        %slice3A_508 = vector.extract_strided_slice %get3A_428 {offsets = [3], sizes = [1], strides = [1]} : vector<16xf32> to vector<1xf32>
        %squeeze3A_509 = vector.extract %slice3A_508[0] : f32 from vector<1xf32>
        %add3A_510 = arith.constant 3 : i32
        %add3A_511 = arith.addi %add3A_432, %add3A_510 : i32
        %get3A_512 = arith.index_cast %add3A_511 : i32 to index
        %get3A_513 = arith.constant 0 : index
        %get3A_514 = tpu.vector_load %arg11[%get3A_512, %get3A_513] {strides = array<i32>} : memref<1024x32xf32, #tpu.memory_space<vmem>>, vector<1x16xf32>,
        %get3A_515 = vector.shape_cast %get3A_514 : vector<1x16xf32> to vector<16xf32>
        %mul3A_516 = vector.broadcast %squeeze3A_509 : f32 to vector<16xf32>
        %mul3A_517 = arith.mulf %get3A_515, %mul3A_516 : vector<16xf32>
        %swap3A_518 = arith.index_cast %add3A_511 : i32 to index
        %swap3A_519 = arith.constant 0 : index
        %swap3A_520 = tpu.vector_load %arg11[%swap3A_518, %swap3A_519] {strides = array<i32>} : memref<1024x32xf32, #tpu.memory_space<vmem>>, vector<1x16xf32>,
        %swap3A_521 = vector.shape_cast %swap3A_520 : vector<1x16xf32> to vector<16xf32>
        %swap3A_522 = vector.shape_cast %mul3A_517 : vector<16xf32> to vector<1x16xf32>
        tpu.vector_store %arg11[%swap3A_518, %swap3A_519], %swap3A_522 {strides = array<i32>} : memref<1024x32xf32, #tpu.memory_space<vmem>>, vector<1x16xf32>,
        %get3A_523 = arith.index_cast %add3A_511 : i32 to index
        %get3A_524 = arith.constant 16 : index
        %get3A_525 = tpu.vector_load %arg11[%get3A_523, %get3A_524] {strides = array<i32>} : memref<1024x32xf32, #tpu.memory_space<vmem>>, vector<1x16xf32>,
        %get3A_526 = vector.shape_cast %get3A_525 : vector<1x16xf32> to vector<16xf32>
        %mul3A_527 = vector.broadcast %squeeze3A_509 : f32 to vector<16xf32>
        %mul3A_528 = arith.mulf %get3A_526, %mul3A_527 : vector<16xf32>
        %swap3A_529 = arith.index_cast %add3A_511 : i32 to index
        %swap3A_530 = arith.constant 16 : index
        %swap3A_531 = tpu.vector_load %arg11[%swap3A_529, %swap3A_530] {strides = array<i32>} : memref<1024x32xf32, #tpu.memory_space<vmem>>, vector<1x16xf32>,
        %swap3A_532 = vector.shape_cast %swap3A_531 : vector<1x16xf32> to vector<16xf32>
        %swap3A_533 = vector.shape_cast %mul3A_528 : vector<16xf32> to vector<1x16xf32>
        tpu.vector_store %arg11[%swap3A_529, %swap3A_530], %swap3A_533 {strides = array<i32>} : memref<1024x32xf32, #tpu.memory_space<vmem>>, vector<1x16xf32>,
        %slice3A_534 = vector.extract_strided_slice %get3A_428 {offsets = [4], sizes = [1], strides = [1]} : vector<16xf32> to vector<1xf32>
        %squeeze3A_535 = vector.extract %slice3A_534[0] : f32 from vector<1xf32>
        %add3A_536 = arith.constant 4 : i32
        %add3A_537 = arith.addi %add3A_432, %add3A_536 : i32
        %get3A_538 = arith.index_cast %add3A_537 : i32 to index
        %get3A_539 = arith.constant 0 : index
        %get3A_540 = tpu.vector_load %arg11[%get3A_538, %get3A_539] {strides = array<i32>} : memref<1024x32xf32, #tpu.memory_space<vmem>>, vector<1x16xf32>,
        %get3A_541 = vector.shape_cast %get3A_540 : vector<1x16xf32> to vector<16xf32>
        %mul3A_542 = vector.broadcast %squeeze3A_535 : f32 to vector<16xf32>
        %mul3A_543 = arith.mulf %get3A_541, %mul3A_542 : vector<16xf32>
        %swap3A_544 = arith.index_cast %add3A_537 : i32 to index
        %swap3A_545 = arith.constant 0 : index
        %swap3A_546 = tpu.vector_load %arg11[%swap3A_544, %swap3A_545] {strides = array<i32>} : memref<1024x32xf32, #tpu.memory_space<vmem>>, vector<1x16xf32>,
        %swap3A_547 = vector.shape_cast %swap3A_546 : vector<1x16xf32> to vector<16xf32>
        %swap3A_548 = vector.shape_cast %mul3A_543 : vector<16xf32> to vector<1x16xf32>
        tpu.vector_store %arg11[%swap3A_544, %swap3A_545], %swap3A_548 {strides = array<i32>} : memref<1024x32xf32, #tpu.memory_space<vmem>>, vector<1x16xf32>,
        %get3A_549 = arith.index_cast %add3A_537 : i32 to index
        %get3A_550 = arith.constant 16 : index
        %get3A_551 = tpu.vector_load %arg11[%get3A_549, %get3A_550] {strides = array<i32>} : memref<1024x32xf32, #tpu.memory_space<vmem>>, vector<1x16xf32>,
        %get3A_552 = vector.shape_cast %get3A_551 : vector<1x16xf32> to vector<16xf32>
        %mul3A_553 = vector.broadcast %squeeze3A_535 : f32 to vector<16xf32>
        %mul3A_554 = arith.mulf %get3A_552, %mul3A_553 : vector<16xf32>
        %swap3A_555 = arith.index_cast %add3A_537 : i32 to index
        %swap3A_556 = arith.constant 16 : index
        %swap3A_557 = tpu.vector_load %arg11[%swap3A_555, %swap3A_556] {strides = array<i32>} : memref<1024x32xf32, #tpu.memory_space<vmem>>, vector<1x16xf32>,
        %swap3A_558 = vector.shape_cast %swap3A_557 : vector<1x16xf32> to vector<16xf32>
        %swap3A_559 = vector.shape_cast %mul3A_554 : vector<16xf32> to vector<1x16xf32>
        tpu.vector_store %arg11[%swap3A_555, %swap3A_556], %swap3A_559 {strides = array<i32>} : memref<1024x32xf32, #tpu.memory_space<vmem>>, vector<1x16xf32>,
        %slice3A_560 = vector.extract_strided_slice %get3A_428 {offsets = [5], sizes = [1], strides = [1]} : vector<16xf32> to vector<1xf32>
        %squeeze3A_561 = vector.extract %slice3A_560[0] : f32 from vector<1xf32>
        %add3A_562 = arith.constant 5 : i32
        %add3A_563 = arith.addi %add3A_432, %add3A_562 : i32
        %get3A_564 = arith.index_cast %add3A_563 : i32 to index
        %get3A_565 = arith.constant 0 : index
        %get3A_566 = tpu.vector_load %arg11[%get3A_564, %get3A_565] {strides = array<i32>} : memref<1024x32xf32, #tpu.memory_space<vmem>>, vector<1x16xf32>,
        %get3A_567 = vector.shape_cast %get3A_566 : vector<1x16xf32> to vector<16xf32>
        %mul3A_568 = vector.broadcast %squeeze3A_561 : f32 to vector<16xf32>
        %mul3A_569 = arith.mulf %get3A_567, %mul3A_568 : vector<16xf32>
        %swap3A_570 = arith.index_cast %add3A_563 : i32 to index
        %swap3A_571 = arith.constant 0 : index
        %swap3A_572 = tpu.vector_load %arg11[%swap3A_570, %swap3A_571] {strides = array<i32>} : memref<1024x32xf32, #tpu.memory_space<vmem>>, vector<1x16xf32>,
        %swap3A_573 = vector.shape_cast %swap3A_572 : vector<1x16xf32> to vector<16xf32>
        %swap3A_574 = vector.shape_cast %mul3A_569 : vector<16xf32> to vector<1x16xf32>
        tpu.vector_store %arg11[%swap3A_570, %swap3A_571], %swap3A_574 {strides = array<i32>} : memref<1024x32xf32, #tpu.memory_space<vmem>>, vector<1x16xf32>,
        %get3A_575 = arith.index_cast %add3A_563 : i32 to index
        %get3A_576 = arith.constant 16 : index
        %get3A_577 = tpu.vector_load %arg11[%get3A_575, %get3A_576] {strides = array<i32>} : memref<1024x32xf32, #tpu.memory_space<vmem>>, vector<1x16xf32>,
        %get3A_578 = vector.shape_cast %get3A_577 : vector<1x16xf32> to vector<16xf32>
        %mul3A_579 = vector.broadcast %squeeze3A_561 : f32 to vector<16xf32>
        %mul3A_580 = arith.mulf %get3A_578, %mul3A_579 : vector<16xf32>
        %swap3A_581 = arith.index_cast %add3A_563 : i32 to index
        %swap3A_582 = arith.constant 16 : index
        %swap3A_583 = tpu.vector_load %arg11[%swap3A_581, %swap3A_582] {strides = array<i32>} : memref<1024x32xf32, #tpu.memory_space<vmem>>, vector<1x16xf32>,
        %swap3A_584 = vector.shape_cast %swap3A_583 : vector<1x16xf32> to vector<16xf32>
        %swap3A_585 = vector.shape_cast %mul3A_580 : vector<16xf32> to vector<1x16xf32>
        tpu.vector_store %arg11[%swap3A_581, %swap3A_582], %swap3A_585 {strides = array<i32>} : memref<1024x32xf32, #tpu.memory_space<vmem>>, vector<1x16xf32>,
        %slice3A_586 = vector.extract_strided_slice %get3A_428 {offsets = [6], sizes = [1], strides = [1]} : vector<16xf32> to vector<1xf32>
        %squeeze3A_587 = vector.extract %slice3A_586[0] : f32 from vector<1xf32>
        %add3A_588 = arith.constant 6 : i32
        %add3A_589 = arith.addi %add3A_432, %add3A_588 : i32
        %get3A_590 = arith.index_cast %add3A_589 : i32 to index
        %get3A_591 = arith.constant 0 : index
        %get3A_592 = tpu.vector_load %arg11[%get3A_590, %get3A_591] {strides = array<i32>} : memref<1024x32xf32, #tpu.memory_space<vmem>>, vector<1x16xf32>,
        %get3A_593 = vector.shape_cast %get3A_592 : vector<1x16xf32> to vector<16xf32>
        %mul3A_594 = vector.broadcast %squeeze3A_587 : f32 to vector<16xf32>
        %mul3A_595 = arith.mulf %get3A_593, %mul3A_594 : vector<16xf32>
        %swap3A_596 = arith.index_cast %add3A_589 : i32 to index
        %swap3A_597 = arith.constant 0 : index
        %swap3A_598 = tpu.vector_load %arg11[%swap3A_596, %swap3A_597] {strides = array<i32>} : memref<1024x32xf32, #tpu.memory_space<vmem>>, vector<1x16xf32>,
        %swap3A_599 = vector.shape_cast %swap3A_598 : vector<1x16xf32> to vector<16xf32>
        %swap3A_600 = vector.shape_cast %mul3A_595 : vector<16xf32> to vector<1x16xf32>
        tpu.vector_store %arg11[%swap3A_596, %swap3A_597], %swap3A_600 {strides = array<i32>} : memref<1024x32xf32, #tpu.memory_space<vmem>>, vector<1x16xf32>,
        %get3A_601 = arith.index_cast %add3A_589 : i32 to index
        %get3A_602 = arith.constant 16 : index
        %get3A_603 = tpu.vector_load %arg11[%get3A_601, %get3A_602] {strides = array<i32>} : memref<1024x32xf32, #tpu.memory_space<vmem>>, vector<1x16xf32>,
        %get3A_604 = vector.shape_cast %get3A_603 : vector<1x16xf32> to vector<16xf32>
        %mul3A_605 = vector.broadcast %squeeze3A_587 : f32 to vector<16xf32>
        %mul3A_606 = arith.mulf %get3A_604, %mul3A_605 : vector<16xf32>
        %swap3A_607 = arith.index_cast %add3A_589 : i32 to index
        %swap3A_608 = arith.constant 16 : index
        %swap3A_609 = tpu.vector_load %arg11[%swap3A_607, %swap3A_608] {strides = array<i32>} : memref<1024x32xf32, #tpu.memory_space<vmem>>, vector<1x16xf32>,
        %swap3A_610 = vector.shape_cast %swap3A_609 : vector<1x16xf32> to vector<16xf32>
        %swap3A_611 = vector.shape_cast %mul3A_606 : vector<16xf32> to vector<1x16xf32>
        tpu.vector_store %arg11[%swap3A_607, %swap3A_608], %swap3A_611 {strides = array<i32>} : memref<1024x32xf32, #tpu.memory_space<vmem>>, vector<1x16xf32>,
        %slice3A_612 = vector.extract_strided_slice %get3A_428 {offsets = [7], sizes = [1], strides = [1]} : vector<16xf32> to vector<1xf32>
        %squeeze3A_613 = vector.extract %slice3A_612[0] : f32 from vector<1xf32>
        %add3A_614 = arith.constant 7 : i32
        %add3A_615 = arith.addi %add3A_432, %add3A_614 : i32
        %get3A_616 = arith.index_cast %add3A_615 : i32 to index
        %get3A_617 = arith.constant 0 : index
        %get3A_618 = tpu.vector_load %arg11[%get3A_616, %get3A_617] {strides = array<i32>} : memref<1024x32xf32, #tpu.memory_space<vmem>>, vector<1x16xf32>,
        %get3A_619 = vector.shape_cast %get3A_618 : vector<1x16xf32> to vector<16xf32>
        %mul3A_620 = vector.broadcast %squeeze3A_613 : f32 to vector<16xf32>
        %mul3A_621 = arith.mulf %get3A_619, %mul3A_620 : vector<16xf32>
        %swap3A_622 = arith.index_cast %add3A_615 : i32 to index
        %swap3A_623 = arith.constant 0 : index
        %swap3A_624 = tpu.vector_load %arg11[%swap3A_622, %swap3A_623] {strides = array<i32>} : memref<1024x32xf32, #tpu.memory_space<vmem>>, vector<1x16xf32>,
        %swap3A_625 = vector.shape_cast %swap3A_624 : vector<1x16xf32> to vector<16xf32>
        %swap3A_626 = vector.shape_cast %mul3A_621 : vector<16xf32> to vector<1x16xf32>
        tpu.vector_store %arg11[%swap3A_622, %swap3A_623], %swap3A_626 {strides = array<i32>} : memref<1024x32xf32, #tpu.memory_space<vmem>>, vector<1x16xf32>,
        %get3A_627 = arith.index_cast %add3A_615 : i32 to index
        %get3A_628 = arith.constant 16 : index
        %get3A_629 = tpu.vector_load %arg11[%get3A_627, %get3A_628] {strides = array<i32>} : memref<1024x32xf32, #tpu.memory_space<vmem>>, vector<1x16xf32>,
        %get3A_630 = vector.shape_cast %get3A_629 : vector<1x16xf32> to vector<16xf32>
        %mul3A_631 = vector.broadcast %squeeze3A_613 : f32 to vector<16xf32>
        %mul3A_632 = arith.mulf %get3A_630, %mul3A_631 : vector<16xf32>
        %swap3A_633 = arith.index_cast %add3A_615 : i32 to index
        %swap3A_634 = arith.constant 16 : index
        %swap3A_635 = tpu.vector_load %arg11[%swap3A_633, %swap3A_634] {strides = array<i32>} : memref<1024x32xf32, #tpu.memory_space<vmem>>, vector<1x16xf32>,
        %swap3A_636 = vector.shape_cast %swap3A_635 : vector<1x16xf32> to vector<16xf32>
        %swap3A_637 = vector.shape_cast %mul3A_632 : vector<16xf32> to vector<1x16xf32>
        tpu.vector_store %arg11[%swap3A_633, %swap3A_634], %swap3A_637 {strides = array<i32>} : memref<1024x32xf32, #tpu.memory_space<vmem>>, vector<1x16xf32>,
        %slice3A_638 = vector.extract_strided_slice %get3A_428 {offsets = [8], sizes = [1], strides = [1]} : vector<16xf32> to vector<1xf32>
        %squeeze3A_639 = vector.extract %slice3A_638[0] : f32 from vector<1xf32>
        %add3A_640 = arith.constant 8 : i32
        %add3A_641 = arith.addi %add3A_432, %add3A_640 : i32
        %get3A_642 = arith.index_cast %add3A_641 : i32 to index
        %get3A_643 = arith.constant 0 : index
        %get3A_644 = tpu.vector_load %arg11[%get3A_642, %get3A_643] {strides = array<i32>} : memref<1024x32xf32, #tpu.memory_space<vmem>>, vector<1x16xf32>,
        %get3A_645 = vector.shape_cast %get3A_644 : vector<1x16xf32> to vector<16xf32>
        %mul3A_646 = vector.broadcast %squeeze3A_639 : f32 to vector<16xf32>
        %mul3A_647 = arith.mulf %get3A_645, %mul3A_646 : vector<16xf32>
        %swap3A_648 = arith.index_cast %add3A_641 : i32 to index
        %swap3A_649 = arith.constant 0 : index
        %swap3A_650 = tpu.vector_load %arg11[%swap3A_648, %swap3A_649] {strides = array<i32>} : memref<1024x32xf32, #tpu.memory_space<vmem>>, vector<1x16xf32>,
        %swap3A_651 = vector.shape_cast %swap3A_650 : vector<1x16xf32> to vector<16xf32>
        %swap3A_652 = vector.shape_cast %mul3A_647 : vector<16xf32> to vector<1x16xf32>
        tpu.vector_store %arg11[%swap3A_648, %swap3A_649], %swap3A_652 {strides = array<i32>} : memref<1024x32xf32, #tpu.memory_space<vmem>>, vector<1x16xf32>,
        %get3A_653 = arith.index_cast %add3A_641 : i32 to index
        %get3A_654 = arith.constant 16 : index
        %get3A_655 = tpu.vector_load %arg11[%get3A_653, %get3A_654] {strides = array<i32>} : memref<1024x32xf32, #tpu.memory_space<vmem>>, vector<1x16xf32>,
        %get3A_656 = vector.shape_cast %get3A_655 : vector<1x16xf32> to vector<16xf32>
        %mul3A_657 = vector.broadcast %squeeze3A_639 : f32 to vector<16xf32>
        %mul3A_658 = arith.mulf %get3A_656, %mul3A_657 : vector<16xf32>
        %swap3A_659 = arith.index_cast %add3A_641 : i32 to index
        %swap3A_660 = arith.constant 16 : index
        %swap3A_661 = tpu.vector_load %arg11[%swap3A_659, %swap3A_660] {strides = array<i32>} : memref<1024x32xf32, #tpu.memory_space<vmem>>, vector<1x16xf32>,
        %swap3A_662 = vector.shape_cast %swap3A_661 : vector<1x16xf32> to vector<16xf32>
        %swap3A_663 = vector.shape_cast %mul3A_658 : vector<16xf32> to vector<1x16xf32>
        tpu.vector_store %arg11[%swap3A_659, %swap3A_660], %swap3A_663 {strides = array<i32>} : memref<1024x32xf32, #tpu.memory_space<vmem>>, vector<1x16xf32>,
        %slice3A_664 = vector.extract_strided_slice %get3A_428 {offsets = [9], sizes = [1], strides = [1]} : vector<16xf32> to vector<1xf32>
        %squeeze3A_665 = vector.extract %slice3A_664[0] : f32 from vector<1xf32>
        %add3A_666 = arith.constant 9 : i32
        %add3A_667 = arith.addi %add3A_432, %add3A_666 : i32
        %get3A_668 = arith.index_cast %add3A_667 : i32 to index
        %get3A_669 = arith.constant 0 : index
        %get3A_670 = tpu.vector_load %arg11[%get3A_668, %get3A_669] {strides = array<i32>} : memref<1024x32xf32, #tpu.memory_space<vmem>>, vector<1x16xf32>,
        %get3A_671 = vector.shape_cast %get3A_670 : vector<1x16xf32> to vector<16xf32>
        %mul3A_672 = vector.broadcast %squeeze3A_665 : f32 to vector<16xf32>
        %mul3A_673 = arith.mulf %get3A_671, %mul3A_672 : vector<16xf32>
        %swap3A_674 = arith.index_cast %add3A_667 : i32 to index
        %swap3A_675 = arith.constant 0 : index
        %swap3A_676 = tpu.vector_load %arg11[%swap3A_674, %swap3A_675] {strides = array<i32>} : memref<1024x32xf32, #tpu.memory_space<vmem>>, vector<1x16xf32>,
        %swap3A_677 = vector.shape_cast %swap3A_676 : vector<1x16xf32> to vector<16xf32>
        %swap3A_678 = vector.shape_cast %mul3A_673 : vector<16xf32> to vector<1x16xf32>
        tpu.vector_store %arg11[%swap3A_674, %swap3A_675], %swap3A_678 {strides = array<i32>} : memref<1024x32xf32, #tpu.memory_space<vmem>>, vector<1x16xf32>,
        %get3A_679 = arith.index_cast %add3A_667 : i32 to index
        %get3A_680 = arith.constant 16 : index
        %get3A_681 = tpu.vector_load %arg11[%get3A_679, %get3A_680] {strides = array<i32>} : memref<1024x32xf32, #tpu.memory_space<vmem>>, vector<1x16xf32>,
        %get3A_682 = vector.shape_cast %get3A_681 : vector<1x16xf32> to vector<16xf32>
        %mul3A_683 = vector.broadcast %squeeze3A_665 : f32 to vector<16xf32>
        %mul3A_684 = arith.mulf %get3A_682, %mul3A_683 : vector<16xf32>
        %swap3A_685 = arith.index_cast %add3A_667 : i32 to index
        %swap3A_686 = arith.constant 16 : index
        %swap3A_687 = tpu.vector_load %arg11[%swap3A_685, %swap3A_686] {strides = array<i32>} : memref<1024x32xf32, #tpu.memory_space<vmem>>, vector<1x16xf32>,
        %swap3A_688 = vector.shape_cast %swap3A_687 : vector<1x16xf32> to vector<16xf32>
        %swap3A_689 = vector.shape_cast %mul3A_684 : vector<16xf32> to vector<1x16xf32>
        tpu.vector_store %arg11[%swap3A_685, %swap3A_686], %swap3A_689 {strides = array<i32>} : memref<1024x32xf32, #tpu.memory_space<vmem>>, vector<1x16xf32>,
        %slice3A_690 = vector.extract_strided_slice %get3A_428 {offsets = [10], sizes = [1], strides = [1]} : vector<16xf32> to vector<1xf32>
        %squeeze3A_691 = vector.extract %slice3A_690[0] : f32 from vector<1xf32>
        %add3A_692 = arith.constant 10 : i32
        %add3A_693 = arith.addi %add3A_432, %add3A_692 : i32
        %get3A_694 = arith.index_cast %add3A_693 : i32 to index
        %get3A_695 = arith.constant 0 : index
        %get3A_696 = tpu.vector_load %arg11[%get3A_694, %get3A_695] {strides = array<i32>} : memref<1024x32xf32, #tpu.memory_space<vmem>>, vector<1x16xf32>,
        %get3A_697 = vector.shape_cast %get3A_696 : vector<1x16xf32> to vector<16xf32>
        %mul3A_698 = vector.broadcast %squeeze3A_691 : f32 to vector<16xf32>
        %mul3A_699 = arith.mulf %get3A_697, %mul3A_698 : vector<16xf32>
        %swap3A_700 = arith.index_cast %add3A_693 : i32 to index
        %swap3A_701 = arith.constant 0 : index
        %swap3A_702 = tpu.vector_load %arg11[%swap3A_700, %swap3A_701] {strides = array<i32>} : memref<1024x32xf32, #tpu.memory_space<vmem>>, vector<1x16xf32>,
        %swap3A_703 = vector.shape_cast %swap3A_702 : vector<1x16xf32> to vector<16xf32>
        %swap3A_704 = vector.shape_cast %mul3A_699 : vector<16xf32> to vector<1x16xf32>
        tpu.vector_store %arg11[%swap3A_700, %swap3A_701], %swap3A_704 {strides = array<i32>} : memref<1024x32xf32, #tpu.memory_space<vmem>>, vector<1x16xf32>,
        %get3A_705 = arith.index_cast %add3A_693 : i32 to index
        %get3A_706 = arith.constant 16 : index
        %get3A_707 = tpu.vector_load %arg11[%get3A_705, %get3A_706] {strides = array<i32>} : memref<1024x32xf32, #tpu.memory_space<vmem>>, vector<1x16xf32>,
        %get3A_708 = vector.shape_cast %get3A_707 : vector<1x16xf32> to vector<16xf32>
        %mul3A_709 = vector.broadcast %squeeze3A_691 : f32 to vector<16xf32>
        %mul3A_710 = arith.mulf %get3A_708, %mul3A_709 : vector<16xf32>
        %swap3A_711 = arith.index_cast %add3A_693 : i32 to index
        %swap3A_712 = arith.constant 16 : index
        %swap3A_713 = tpu.vector_load %arg11[%swap3A_711, %swap3A_712] {strides = array<i32>} : memref<1024x32xf32, #tpu.memory_space<vmem>>, vector<1x16xf32>,
        %swap3A_714 = vector.shape_cast %swap3A_713 : vector<1x16xf32> to vector<16xf32>
        %swap3A_715 = vector.shape_cast %mul3A_710 : vector<16xf32> to vector<1x16xf32>
        tpu.vector_store %arg11[%swap3A_711, %swap3A_712], %swap3A_715 {strides = array<i32>} : memref<1024x32xf32, #tpu.memory_space<vmem>>, vector<1x16xf32>,
        %slice3A_716 = vector.extract_strided_slice %get3A_428 {offsets = [11], sizes = [1], strides = [1]} : vector<16xf32> to vector<1xf32>
        %squeeze3A_717 = vector.extract %slice3A_716[0] : f32 from vector<1xf32>
        %add3A_718 = arith.constant 11 : i32
        %add3A_719 = arith.addi %add3A_432, %add3A_718 : i32
        %get3A_720 = arith.index_cast %add3A_719 : i32 to index
        %get3A_721 = arith.constant 0 : index
        %get3A_722 = tpu.vector_load %arg11[%get3A_720, %get3A_721] {strides = array<i32>} : memref<1024x32xf32, #tpu.memory_space<vmem>>, vector<1x16xf32>,
        %get3A_723 = vector.shape_cast %get3A_722 : vector<1x16xf32> to vector<16xf32>
        %mul3A_724 = vector.broadcast %squeeze3A_717 : f32 to vector<16xf32>
        %mul3A_725 = arith.mulf %get3A_723, %mul3A_724 : vector<16xf32>
        %swap3A_726 = arith.index_cast %add3A_719 : i32 to index
        %swap3A_727 = arith.constant 0 : index
        %swap3A_728 = tpu.vector_load %arg11[%swap3A_726, %swap3A_727] {strides = array<i32>} : memref<1024x32xf32, #tpu.memory_space<vmem>>, vector<1x16xf32>,
        %swap3A_729 = vector.shape_cast %swap3A_728 : vector<1x16xf32> to vector<16xf32>
        %swap3A_730 = vector.shape_cast %mul3A_725 : vector<16xf32> to vector<1x16xf32>
        tpu.vector_store %arg11[%swap3A_726, %swap3A_727], %swap3A_730 {strides = array<i32>} : memref<1024x32xf32, #tpu.memory_space<vmem>>, vector<1x16xf32>,
        %get3A_731 = arith.index_cast %add3A_719 : i32 to index
        %get3A_732 = arith.constant 16 : index
        %get3A_733 = tpu.vector_load %arg11[%get3A_731, %get3A_732] {strides = array<i32>} : memref<1024x32xf32, #tpu.memory_space<vmem>>, vector<1x16xf32>,
        %get3A_734 = vector.shape_cast %get3A_733 : vector<1x16xf32> to vector<16xf32>
        %mul3A_735 = vector.broadcast %squeeze3A_717 : f32 to vector<16xf32>
        %mul3A_736 = arith.mulf %get3A_734, %mul3A_735 : vector<16xf32>
        %swap3A_737 = arith.index_cast %add3A_719 : i32 to index
        %swap3A_738 = arith.constant 16 : index
        %swap3A_739 = tpu.vector_load %arg11[%swap3A_737, %swap3A_738] {strides = array<i32>} : memref<1024x32xf32, #tpu.memory_space<vmem>>, vector<1x16xf32>,
        %swap3A_740 = vector.shape_cast %swap3A_739 : vector<1x16xf32> to vector<16xf32>
        %swap3A_741 = vector.shape_cast %mul3A_736 : vector<16xf32> to vector<1x16xf32>
        tpu.vector_store %arg11[%swap3A_737, %swap3A_738], %swap3A_741 {strides = array<i32>} : memref<1024x32xf32, #tpu.memory_space<vmem>>, vector<1x16xf32>,
        %slice3A_742 = vector.extract_strided_slice %get3A_428 {offsets = [12], sizes = [1], strides = [1]} : vector<16xf32> to vector<1xf32>
        %squeeze3A_743 = vector.extract %slice3A_742[0] : f32 from vector<1xf32>
        %add3A_744 = arith.constant 12 : i32
        %add3A_745 = arith.addi %add3A_432, %add3A_744 : i32
        %get3A_746 = arith.index_cast %add3A_745 : i32 to index
        %get3A_747 = arith.constant 0 : index
        %get3A_748 = tpu.vector_load %arg11[%get3A_746, %get3A_747] {strides = array<i32>} : memref<1024x32xf32, #tpu.memory_space<vmem>>, vector<1x16xf32>,
        %get3A_749 = vector.shape_cast %get3A_748 : vector<1x16xf32> to vector<16xf32>
        %mul3A_750 = vector.broadcast %squeeze3A_743 : f32 to vector<16xf32>
        %mul3A_751 = arith.mulf %get3A_749, %mul3A_750 : vector<16xf32>
        %swap3A_752 = arith.index_cast %add3A_745 : i32 to index
        %swap3A_753 = arith.constant 0 : index
        %swap3A_754 = tpu.vector_load %arg11[%swap3A_752, %swap3A_753] {strides = array<i32>} : memref<1024x32xf32, #tpu.memory_space<vmem>>, vector<1x16xf32>,
        %swap3A_755 = vector.shape_cast %swap3A_754 : vector<1x16xf32> to vector<16xf32>
        %swap3A_756 = vector.shape_cast %mul3A_751 : vector<16xf32> to vector<1x16xf32>
        tpu.vector_store %arg11[%swap3A_752, %swap3A_753], %swap3A_756 {strides = array<i32>} : memref<1024x32xf32, #tpu.memory_space<vmem>>, vector<1x16xf32>,
        %get3A_757 = arith.index_cast %add3A_745 : i32 to index
        %get3A_758 = arith.constant 16 : index
        %get3A_759 = tpu.vector_load %arg11[%get3A_757, %get3A_758] {strides = array<i32>} : memref<1024x32xf32, #tpu.memory_space<vmem>>, vector<1x16xf32>,
        %get3A_760 = vector.shape_cast %get3A_759 : vector<1x16xf32> to vector<16xf32>
        %mul3A_761 = vector.broadcast %squeeze3A_743 : f32 to vector<16xf32>
        %mul3A_762 = arith.mulf %get3A_760, %mul3A_761 : vector<16xf32>
        %swap3A_763 = arith.index_cast %add3A_745 : i32 to index
        %swap3A_764 = arith.constant 16 : index
        %swap3A_765 = tpu.vector_load %arg11[%swap3A_763, %swap3A_764] {strides = array<i32>} : memref<1024x32xf32, #tpu.memory_space<vmem>>, vector<1x16xf32>,
        %swap3A_766 = vector.shape_cast %swap3A_765 : vector<1x16xf32> to vector<16xf32>
        %swap3A_767 = vector.shape_cast %mul3A_762 : vector<16xf32> to vector<1x16xf32>
        tpu.vector_store %arg11[%swap3A_763, %swap3A_764], %swap3A_767 {strides = array<i32>} : memref<1024x32xf32, #tpu.memory_space<vmem>>, vector<1x16xf32>,
        %slice3A_768 = vector.extract_strided_slice %get3A_428 {offsets = [13], sizes = [1], strides = [1]} : vector<16xf32> to vector<1xf32>
        %squeeze3A_769 = vector.extract %slice3A_768[0] : f32 from vector<1xf32>
        %add3A_770 = arith.constant 13 : i32
        %add3A_771 = arith.addi %add3A_432, %add3A_770 : i32
        %get3A_772 = arith.index_cast %add3A_771 : i32 to index
        %get3A_773 = arith.constant 0 : index
        %get3A_774 = tpu.vector_load %arg11[%get3A_772, %get3A_773] {strides = array<i32>} : memref<1024x32xf32, #tpu.memory_space<vmem>>, vector<1x16xf32>,
        %get3A_775 = vector.shape_cast %get3A_774 : vector<1x16xf32> to vector<16xf32>
        %mul3A_776 = vector.broadcast %squeeze3A_769 : f32 to vector<16xf32>
        %mul3A_777 = arith.mulf %get3A_775, %mul3A_776 : vector<16xf32>
        %swap3A_778 = arith.index_cast %add3A_771 : i32 to index
        %swap3A_779 = arith.constant 0 : index
        %swap3A_780 = tpu.vector_load %arg11[%swap3A_778, %swap3A_779] {strides = array<i32>} : memref<1024x32xf32, #tpu.memory_space<vmem>>, vector<1x16xf32>,
        %swap3A_781 = vector.shape_cast %swap3A_780 : vector<1x16xf32> to vector<16xf32>
        %swap3A_782 = vector.shape_cast %mul3A_777 : vector<16xf32> to vector<1x16xf32>
        tpu.vector_store %arg11[%swap3A_778, %swap3A_779], %swap3A_782 {strides = array<i32>} : memref<1024x32xf32, #tpu.memory_space<vmem>>, vector<1x16xf32>,
        %get3A_783 = arith.index_cast %add3A_771 : i32 to index
        %get3A_784 = arith.constant 16 : index
        %get3A_785 = tpu.vector_load %arg11[%get3A_783, %get3A_784] {strides = array<i32>} : memref<1024x32xf32, #tpu.memory_space<vmem>>, vector<1x16xf32>,
        %get3A_786 = vector.shape_cast %get3A_785 : vector<1x16xf32> to vector<16xf32>
        %mul3A_787 = vector.broadcast %squeeze3A_769 : f32 to vector<16xf32>
        %mul3A_788 = arith.mulf %get3A_786, %mul3A_787 : vector<16xf32>
        %swap3A_789 = arith.index_cast %add3A_771 : i32 to index
        %swap3A_790 = arith.constant 16 : index
        %swap3A_791 = tpu.vector_load %arg11[%swap3A_789, %swap3A_790] {strides = array<i32>} : memref<1024x32xf32, #tpu.memory_space<vmem>>, vector<1x16xf32>,
        %swap3A_792 = vector.shape_cast %swap3A_791 : vector<1x16xf32> to vector<16xf32>
        %swap3A_793 = vector.shape_cast %mul3A_788 : vector<16xf32> to vector<1x16xf32>
        tpu.vector_store %arg11[%swap3A_789, %swap3A_790], %swap3A_793 {strides = array<i32>} : memref<1024x32xf32, #tpu.memory_space<vmem>>, vector<1x16xf32>,
        %slice3A_794 = vector.extract_strided_slice %get3A_428 {offsets = [14], sizes = [1], strides = [1]} : vector<16xf32> to vector<1xf32>
        %squeeze3A_795 = vector.extract %slice3A_794[0] : f32 from vector<1xf32>
        %add3A_796 = arith.constant 14 : i32
        %add3A_797 = arith.addi %add3A_432, %add3A_796 : i32
        %get3A_798 = arith.index_cast %add3A_797 : i32 to index
        %get3A_799 = arith.constant 0 : index
        %get3A_800 = tpu.vector_load %arg11[%get3A_798, %get3A_799] {strides = array<i32>} : memref<1024x32xf32, #tpu.memory_space<vmem>>, vector<1x16xf32>,
        %get3A_801 = vector.shape_cast %get3A_800 : vector<1x16xf32> to vector<16xf32>
        %mul3A_802 = vector.broadcast %squeeze3A_795 : f32 to vector<16xf32>
        %mul3A_803 = arith.mulf %get3A_801, %mul3A_802 : vector<16xf32>
        %swap3A_804 = arith.index_cast %add3A_797 : i32 to index
        %swap3A_805 = arith.constant 0 : index
        %swap3A_806 = tpu.vector_load %arg11[%swap3A_804, %swap3A_805] {strides = array<i32>} : memref<1024x32xf32, #tpu.memory_space<vmem>>, vector<1x16xf32>,
        %swap3A_807 = vector.shape_cast %swap3A_806 : vector<1x16xf32> to vector<16xf32>
        %swap3A_808 = vector.shape_cast %mul3A_803 : vector<16xf32> to vector<1x16xf32>
        tpu.vector_store %arg11[%swap3A_804, %swap3A_805], %swap3A_808 {strides = array<i32>} : memref<1024x32xf32, #tpu.memory_space<vmem>>, vector<1x16xf32>,
        %get3A_809 = arith.index_cast %add3A_797 : i32 to index
        %get3A_810 = arith.constant 16 : index
        %get3A_811 = tpu.vector_load %arg11[%get3A_809, %get3A_810] {strides = array<i32>} : memref<1024x32xf32, #tpu.memory_space<vmem>>, vector<1x16xf32>,
        %get3A_812 = vector.shape_cast %get3A_811 : vector<1x16xf32> to vector<16xf32>
        %mul3A_813 = vector.broadcast %squeeze3A_795 : f32 to vector<16xf32>
        %mul3A_814 = arith.mulf %get3A_812, %mul3A_813 : vector<16xf32>
        %swap3A_815 = arith.index_cast %add3A_797 : i32 to index
        %swap3A_816 = arith.constant 16 : index
        %swap3A_817 = tpu.vector_load %arg11[%swap3A_815, %swap3A_816] {strides = array<i32>} : memref<1024x32xf32, #tpu.memory_space<vmem>>, vector<1x16xf32>,
        %swap3A_818 = vector.shape_cast %swap3A_817 : vector<1x16xf32> to vector<16xf32>
        %swap3A_819 = vector.shape_cast %mul3A_814 : vector<16xf32> to vector<1x16xf32>
        tpu.vector_store %arg11[%swap3A_815, %swap3A_816], %swap3A_819 {strides = array<i32>} : memref<1024x32xf32, #tpu.memory_space<vmem>>, vector<1x16xf32>,
        %slice3A_820 = vector.extract_strided_slice %get3A_428 {offsets = [15], sizes = [1], strides = [1]} : vector<16xf32> to vector<1xf32>
        %squeeze3A_821 = vector.extract %slice3A_820[0] : f32 from vector<1xf32>
        %add3A_822 = arith.constant 15 : i32
        %add3A_823 = arith.addi %add3A_432, %add3A_822 : i32
        %get3A_824 = arith.index_cast %add3A_823 : i32 to index
        %get3A_825 = arith.constant 0 : index
        %get3A_826 = tpu.vector_load %arg11[%get3A_824, %get3A_825] {strides = array<i32>} : memref<1024x32xf32, #tpu.memory_space<vmem>>, vector<1x16xf32>,
        %get3A_827 = vector.shape_cast %get3A_826 : vector<1x16xf32> to vector<16xf32>
        %mul3A_828 = vector.broadcast %squeeze3A_821 : f32 to vector<16xf32>
        %mul3A_829 = arith.mulf %get3A_827, %mul3A_828 : vector<16xf32>
        %swap3A_830 = arith.index_cast %add3A_823 : i32 to index
        %swap3A_831 = arith.constant 0 : index
        %swap3A_832 = tpu.vector_load %arg11[%swap3A_830, %swap3A_831] {strides = array<i32>} : memref<1024x32xf32, #tpu.memory_space<vmem>>, vector<1x16xf32>,
        %swap3A_833 = vector.shape_cast %swap3A_832 : vector<1x16xf32> to vector<16xf32>
        %swap3A_834 = vector.shape_cast %mul3A_829 : vector<16xf32> to vector<1x16xf32>
        tpu.vector_store %arg11[%swap3A_830, %swap3A_831], %swap3A_834 {strides = array<i32>} : memref<1024x32xf32, #tpu.memory_space<vmem>>, vector<1x16xf32>,
        %get3A_835 = arith.index_cast %add3A_823 : i32 to index
        %get3A_836 = arith.constant 16 : index
        %get3A_837 = tpu.vector_load %arg11[%get3A_835, %get3A_836] {strides = array<i32>} : memref<1024x32xf32, #tpu.memory_space<vmem>>, vector<1x16xf32>,
        %get3A_838 = vector.shape_cast %get3A_837 : vector<1x16xf32> to vector<16xf32>
        %mul3A_839 = vector.broadcast %squeeze3A_821 : f32 to vector<16xf32>
        %mul3A_840 = arith.mulf %get3A_838, %mul3A_839 : vector<16xf32>
        %swap3A_841 = arith.index_cast %add3A_823 : i32 to index
        %swap3A_842 = arith.constant 16 : index
        %swap3A_843 = tpu.vector_load %arg11[%swap3A_841, %swap3A_842] {strides = array<i32>} : memref<1024x32xf32, #tpu.memory_space<vmem>>, vector<1x16xf32>,
        %swap3A_844 = vector.shape_cast %swap3A_843 : vector<1x16xf32> to vector<16xf32>
        %swap3A_845 = vector.shape_cast %mul3A_840 : vector<16xf32> to vector<1x16xf32>
        tpu.vector_store %arg11[%swap3A_841, %swap3A_842], %swap3A_845 {strides = array<i32>} : memref<1024x32xf32, #tpu.memory_space<vmem>>, vector<1x16xf32>,
      }
      %scan3A_283 = arith.constant 8 : i32
      %dma_start3A_284 = arith.constant 4 : i32
      %dma_start3A_285 = arith.constant 512 : i32
      %dma_start3A_286 = arith.constant 0 : i32
      %dma_start3A_287 = tpu.memref_slice %arg11[%dma_start3A_285, %dma_start3A_286] : memref<1024x32xf32, #tpu.memory_space<vmem>> -> memref<128x32xf32, #tpu.memory_space<vmem>>
      %dma_start3A_288 = arith.constant 0 : i32
      %dma_start3A_289 = tpu.memref_slice %arg9[%dma_start3A_284, %dma_start3A_288] : memref<8x128xi32, #tpu.memory_space<vmem>> -> memref<1x128xi32, #tpu.memory_space<vmem>>
      %dma_start3A_290 = tpu.memref_squeeze %dma_start3A_289 : memref<1x128xi32, #tpu.memory_space<vmem>> -> memref<128xi32, #tpu.memory_space<vmem>>
      %dma_start3A_291 = arith.constant 0 : i32
      %dma_start3A_292 = arith.constant 0 : i32
      %dma_start3A_293 = tpu.memref_slice %arg12[%dma_start3A_291, %dma_start3A_292] : memref<16384x32xf32, #tpu.memory_space<vmem_shared>> -> memref<16384x32xf32, #tpu.memory_space<vmem_shared>>
      tpu.enqueue_indirect_dma source(%dma_start3A_287 : memref<128x32xf32, #tpu.memory_space<vmem>>) target(%dma_start3A_293 : memref<16384x32xf32, #tpu.memory_space<vmem_shared>>) offsets(%dma_start3A_290 : memref<128xi32, #tpu.memory_space<vmem>>) semaphore(%arg14 : memref<!tpu.dma_semaphore, #tpu.memory_space<semaphore_mem>>) {add = true}
      %scan3A_294 = arith.constant 0 : i32
      %scan3A_295 = arith.constant 0 : i32
      %scan3A_296 = arith.constant 8 : i32
      %scan3A_297 = arith.addi %scan3A_295, %scan3A_296 : i32
      %scan3A_298 = arith.constant 1 : i32
      scf.for %scan3A_422 = %scan3A_295 to %scan3A_297 step %scan3A_298  : i32 {
        %mul3A_423 = arith.constant 16 : i32
        %mul3A_424 = arith.muli %scan3A_422, %mul3A_423 : i32
        %get3A = arith.constant 5 : i32
        %get3A_425 = arith.index_cast %get3A : i32 to index
        %get3A_426 = arith.index_cast %mul3A_424 : i32 to index
        %get3A_427 = tpu.vector_load %arg10[%get3A_425, %get3A_426] {strides = array<i32>} : memref<8x128xf32, #tpu.memory_space<vmem>>, vector<1x16xf32>,
        %get3A_428 = vector.shape_cast %get3A_427 : vector<1x16xf32> to vector<16xf32>
        %mul3A_429 = arith.constant 16 : i32
        %mul3A_430 = arith.muli %scan3A_422, %mul3A_429 : i32
        %add3A_431 = arith.constant 640 : i32
        %add3A_432 = arith.addi %add3A_431, %mul3A_430 : i32
        %slice3A = vector.extract_strided_slice %get3A_428 {offsets = [0], sizes = [1], strides = [1]} : vector<16xf32> to vector<1xf32>
        %squeeze3A = vector.extract %slice3A[0] : f32 from vector<1xf32>
        %add3A_433 = arith.constant 0 : i32
        %add3A_434 = arith.addi %add3A_432, %add3A_433 : i32
        %get3A_435 = arith.index_cast %add3A_434 : i32 to index
        %get3A_436 = arith.constant 0 : index
        %get3A_437 = tpu.vector_load %arg11[%get3A_435, %get3A_436] {strides = array<i32>} : memref<1024x32xf32, #tpu.memory_space<vmem>>, vector<1x16xf32>,
        %get3A_438 = vector.shape_cast %get3A_437 : vector<1x16xf32> to vector<16xf32>
        %mul3A_439 = vector.broadcast %squeeze3A : f32 to vector<16xf32>
        %mul3A_440 = arith.mulf %get3A_438, %mul3A_439 : vector<16xf32>
        %swap3A = arith.index_cast %add3A_434 : i32 to index
        %swap3A_441 = arith.constant 0 : index
        %swap3A_442 = tpu.vector_load %arg11[%swap3A, %swap3A_441] {strides = array<i32>} : memref<1024x32xf32, #tpu.memory_space<vmem>>, vector<1x16xf32>,
        %swap3A_443 = vector.shape_cast %swap3A_442 : vector<1x16xf32> to vector<16xf32>
        %swap3A_444 = vector.shape_cast %mul3A_440 : vector<16xf32> to vector<1x16xf32>
        tpu.vector_store %arg11[%swap3A, %swap3A_441], %swap3A_444 {strides = array<i32>} : memref<1024x32xf32, #tpu.memory_space<vmem>>, vector<1x16xf32>,
        %get3A_445 = arith.index_cast %add3A_434 : i32 to index
        %get3A_446 = arith.constant 16 : index
        %get3A_447 = tpu.vector_load %arg11[%get3A_445, %get3A_446] {strides = array<i32>} : memref<1024x32xf32, #tpu.memory_space<vmem>>, vector<1x16xf32>,
        %get3A_448 = vector.shape_cast %get3A_447 : vector<1x16xf32> to vector<16xf32>
        %mul3A_449 = vector.broadcast %squeeze3A : f32 to vector<16xf32>
        %mul3A_450 = arith.mulf %get3A_448, %mul3A_449 : vector<16xf32>
        %swap3A_451 = arith.index_cast %add3A_434 : i32 to index
        %swap3A_452 = arith.constant 16 : index
        %swap3A_453 = tpu.vector_load %arg11[%swap3A_451, %swap3A_452] {strides = array<i32>} : memref<1024x32xf32, #tpu.memory_space<vmem>>, vector<1x16xf32>,
        %swap3A_454 = vector.shape_cast %swap3A_453 : vector<1x16xf32> to vector<16xf32>
        %swap3A_455 = vector.shape_cast %mul3A_450 : vector<16xf32> to vector<1x16xf32>
        tpu.vector_store %arg11[%swap3A_451, %swap3A_452], %swap3A_455 {strides = array<i32>} : memref<1024x32xf32, #tpu.memory_space<vmem>>, vector<1x16xf32>,
        %slice3A_456 = vector.extract_strided_slice %get3A_428 {offsets = [1], sizes = [1], strides = [1]} : vector<16xf32> to vector<1xf32>
        %squeeze3A_457 = vector.extract %slice3A_456[0] : f32 from vector<1xf32>
        %add3A_458 = arith.constant 1 : i32
        %add3A_459 = arith.addi %add3A_432, %add3A_458 : i32
        %get3A_460 = arith.index_cast %add3A_459 : i32 to index
        %get3A_461 = arith.constant 0 : index
        %get3A_462 = tpu.vector_load %arg11[%get3A_460, %get3A_461] {strides = array<i32>} : memref<1024x32xf32, #tpu.memory_space<vmem>>, vector<1x16xf32>,
        %get3A_463 = vector.shape_cast %get3A_462 : vector<1x16xf32> to vector<16xf32>
        %mul3A_464 = vector.broadcast %squeeze3A_457 : f32 to vector<16xf32>
        %mul3A_465 = arith.mulf %get3A_463, %mul3A_464 : vector<16xf32>
        %swap3A_466 = arith.index_cast %add3A_459 : i32 to index
        %swap3A_467 = arith.constant 0 : index
        %swap3A_468 = tpu.vector_load %arg11[%swap3A_466, %swap3A_467] {strides = array<i32>} : memref<1024x32xf32, #tpu.memory_space<vmem>>, vector<1x16xf32>,
        %swap3A_469 = vector.shape_cast %swap3A_468 : vector<1x16xf32> to vector<16xf32>
        %swap3A_470 = vector.shape_cast %mul3A_465 : vector<16xf32> to vector<1x16xf32>
        tpu.vector_store %arg11[%swap3A_466, %swap3A_467], %swap3A_470 {strides = array<i32>} : memref<1024x32xf32, #tpu.memory_space<vmem>>, vector<1x16xf32>,
        %get3A_471 = arith.index_cast %add3A_459 : i32 to index
        %get3A_472 = arith.constant 16 : index
        %get3A_473 = tpu.vector_load %arg11[%get3A_471, %get3A_472] {strides = array<i32>} : memref<1024x32xf32, #tpu.memory_space<vmem>>, vector<1x16xf32>,
        %get3A_474 = vector.shape_cast %get3A_473 : vector<1x16xf32> to vector<16xf32>
        %mul3A_475 = vector.broadcast %squeeze3A_457 : f32 to vector<16xf32>
        %mul3A_476 = arith.mulf %get3A_474, %mul3A_475 : vector<16xf32>
        %swap3A_477 = arith.index_cast %add3A_459 : i32 to index
        %swap3A_478 = arith.constant 16 : index
        %swap3A_479 = tpu.vector_load %arg11[%swap3A_477, %swap3A_478] {strides = array<i32>} : memref<1024x32xf32, #tpu.memory_space<vmem>>, vector<1x16xf32>,
        %swap3A_480 = vector.shape_cast %swap3A_479 : vector<1x16xf32> to vector<16xf32>
        %swap3A_481 = vector.shape_cast %mul3A_476 : vector<16xf32> to vector<1x16xf32>
        tpu.vector_store %arg11[%swap3A_477, %swap3A_478], %swap3A_481 {strides = array<i32>} : memref<1024x32xf32, #tpu.memory_space<vmem>>, vector<1x16xf32>,
        %slice3A_482 = vector.extract_strided_slice %get3A_428 {offsets = [2], sizes = [1], strides = [1]} : vector<16xf32> to vector<1xf32>
        %squeeze3A_483 = vector.extract %slice3A_482[0] : f32 from vector<1xf32>
        %add3A_484 = arith.constant 2 : i32
        %add3A_485 = arith.addi %add3A_432, %add3A_484 : i32
        %get3A_486 = arith.index_cast %add3A_485 : i32 to index
        %get3A_487 = arith.constant 0 : index
        %get3A_488 = tpu.vector_load %arg11[%get3A_486, %get3A_487] {strides = array<i32>} : memref<1024x32xf32, #tpu.memory_space<vmem>>, vector<1x16xf32>,
        %get3A_489 = vector.shape_cast %get3A_488 : vector<1x16xf32> to vector<16xf32>
        %mul3A_490 = vector.broadcast %squeeze3A_483 : f32 to vector<16xf32>
        %mul3A_491 = arith.mulf %get3A_489, %mul3A_490 : vector<16xf32>
        %swap3A_492 = arith.index_cast %add3A_485 : i32 to index
        %swap3A_493 = arith.constant 0 : index
        %swap3A_494 = tpu.vector_load %arg11[%swap3A_492, %swap3A_493] {strides = array<i32>} : memref<1024x32xf32, #tpu.memory_space<vmem>>, vector<1x16xf32>,
        %swap3A_495 = vector.shape_cast %swap3A_494 : vector<1x16xf32> to vector<16xf32>
        %swap3A_496 = vector.shape_cast %mul3A_491 : vector<16xf32> to vector<1x16xf32>
        tpu.vector_store %arg11[%swap3A_492, %swap3A_493], %swap3A_496 {strides = array<i32>} : memref<1024x32xf32, #tpu.memory_space<vmem>>, vector<1x16xf32>,
        %get3A_497 = arith.index_cast %add3A_485 : i32 to index
        %get3A_498 = arith.constant 16 : index
        %get3A_499 = tpu.vector_load %arg11[%get3A_497, %get3A_498] {strides = array<i32>} : memref<1024x32xf32, #tpu.memory_space<vmem>>, vector<1x16xf32>,
        %get3A_500 = vector.shape_cast %get3A_499 : vector<1x16xf32> to vector<16xf32>
        %mul3A_501 = vector.broadcast %squeeze3A_483 : f32 to vector<16xf32>
        %mul3A_502 = arith.mulf %get3A_500, %mul3A_501 : vector<16xf32>
        %swap3A_503 = arith.index_cast %add3A_485 : i32 to index
        %swap3A_504 = arith.constant 16 : index
        %swap3A_505 = tpu.vector_load %arg11[%swap3A_503, %swap3A_504] {strides = array<i32>} : memref<1024x32xf32, #tpu.memory_space<vmem>>, vector<1x16xf32>,
        %swap3A_506 = vector.shape_cast %swap3A_505 : vector<1x16xf32> to vector<16xf32>
        %swap3A_507 = vector.shape_cast %mul3A_502 : vector<16xf32> to vector<1x16xf32>
        tpu.vector_store %arg11[%swap3A_503, %swap3A_504], %swap3A_507 {strides = array<i32>} : memref<1024x32xf32, #tpu.memory_space<vmem>>, vector<1x16xf32>,
        %slice3A_508 = vector.extract_strided_slice %get3A_428 {offsets = [3], sizes = [1], strides = [1]} : vector<16xf32> to vector<1xf32>
        %squeeze3A_509 = vector.extract %slice3A_508[0] : f32 from vector<1xf32>
        %add3A_510 = arith.constant 3 : i32
        %add3A_511 = arith.addi %add3A_432, %add3A_510 : i32
        %get3A_512 = arith.index_cast %add3A_511 : i32 to index
        %get3A_513 = arith.constant 0 : index
        %get3A_514 = tpu.vector_load %arg11[%get3A_512, %get3A_513] {strides = array<i32>} : memref<1024x32xf32, #tpu.memory_space<vmem>>, vector<1x16xf32>,
        %get3A_515 = vector.shape_cast %get3A_514 : vector<1x16xf32> to vector<16xf32>
        %mul3A_516 = vector.broadcast %squeeze3A_509 : f32 to vector<16xf32>
        %mul3A_517 = arith.mulf %get3A_515, %mul3A_516 : vector<16xf32>
        %swap3A_518 = arith.index_cast %add3A_511 : i32 to index
        %swap3A_519 = arith.constant 0 : index
        %swap3A_520 = tpu.vector_load %arg11[%swap3A_518, %swap3A_519] {strides = array<i32>} : memref<1024x32xf32, #tpu.memory_space<vmem>>, vector<1x16xf32>,
        %swap3A_521 = vector.shape_cast %swap3A_520 : vector<1x16xf32> to vector<16xf32>
        %swap3A_522 = vector.shape_cast %mul3A_517 : vector<16xf32> to vector<1x16xf32>
        tpu.vector_store %arg11[%swap3A_518, %swap3A_519], %swap3A_522 {strides = array<i32>} : memref<1024x32xf32, #tpu.memory_space<vmem>>, vector<1x16xf32>,
        %get3A_523 = arith.index_cast %add3A_511 : i32 to index
        %get3A_524 = arith.constant 16 : index
        %get3A_525 = tpu.vector_load %arg11[%get3A_523, %get3A_524] {strides = array<i32>} : memref<1024x32xf32, #tpu.memory_space<vmem>>, vector<1x16xf32>,
        %get3A_526 = vector.shape_cast %get3A_525 : vector<1x16xf32> to vector<16xf32>
        %mul3A_527 = vector.broadcast %squeeze3A_509 : f32 to vector<16xf32>
        %mul3A_528 = arith.mulf %get3A_526, %mul3A_527 : vector<16xf32>
        %swap3A_529 = arith.index_cast %add3A_511 : i32 to index
        %swap3A_530 = arith.constant 16 : index
        %swap3A_531 = tpu.vector_load %arg11[%swap3A_529, %swap3A_530] {strides = array<i32>} : memref<1024x32xf32, #tpu.memory_space<vmem>>, vector<1x16xf32>,
        %swap3A_532 = vector.shape_cast %swap3A_531 : vector<1x16xf32> to vector<16xf32>
        %swap3A_533 = vector.shape_cast %mul3A_528 : vector<16xf32> to vector<1x16xf32>
        tpu.vector_store %arg11[%swap3A_529, %swap3A_530], %swap3A_533 {strides = array<i32>} : memref<1024x32xf32, #tpu.memory_space<vmem>>, vector<1x16xf32>,
        %slice3A_534 = vector.extract_strided_slice %get3A_428 {offsets = [4], sizes = [1], strides = [1]} : vector<16xf32> to vector<1xf32>
        %squeeze3A_535 = vector.extract %slice3A_534[0] : f32 from vector<1xf32>
        %add3A_536 = arith.constant 4 : i32
        %add3A_537 = arith.addi %add3A_432, %add3A_536 : i32
        %get3A_538 = arith.index_cast %add3A_537 : i32 to index
        %get3A_539 = arith.constant 0 : index
        %get3A_540 = tpu.vector_load %arg11[%get3A_538, %get3A_539] {strides = array<i32>} : memref<1024x32xf32, #tpu.memory_space<vmem>>, vector<1x16xf32>,
        %get3A_541 = vector.shape_cast %get3A_540 : vector<1x16xf32> to vector<16xf32>
        %mul3A_542 = vector.broadcast %squeeze3A_535 : f32 to vector<16xf32>
        %mul3A_543 = arith.mulf %get3A_541, %mul3A_542 : vector<16xf32>
        %swap3A_544 = arith.index_cast %add3A_537 : i32 to index
        %swap3A_545 = arith.constant 0 : index
        %swap3A_546 = tpu.vector_load %arg11[%swap3A_544, %swap3A_545] {strides = array<i32>} : memref<1024x32xf32, #tpu.memory_space<vmem>>, vector<1x16xf32>,
        %swap3A_547 = vector.shape_cast %swap3A_546 : vector<1x16xf32> to vector<16xf32>
        %swap3A_548 = vector.shape_cast %mul3A_543 : vector<16xf32> to vector<1x16xf32>
        tpu.vector_store %arg11[%swap3A_544, %swap3A_545], %swap3A_548 {strides = array<i32>} : memref<1024x32xf32, #tpu.memory_space<vmem>>, vector<1x16xf32>,
        %get3A_549 = arith.index_cast %add3A_537 : i32 to index
        %get3A_550 = arith.constant 16 : index
        %get3A_551 = tpu.vector_load %arg11[%get3A_549, %get3A_550] {strides = array<i32>} : memref<1024x32xf32, #tpu.memory_space<vmem>>, vector<1x16xf32>,
        %get3A_552 = vector.shape_cast %get3A_551 : vector<1x16xf32> to vector<16xf32>
        %mul3A_553 = vector.broadcast %squeeze3A_535 : f32 to vector<16xf32>
        %mul3A_554 = arith.mulf %get3A_552, %mul3A_553 : vector<16xf32>
        %swap3A_555 = arith.index_cast %add3A_537 : i32 to index
        %swap3A_556 = arith.constant 16 : index
        %swap3A_557 = tpu.vector_load %arg11[%swap3A_555, %swap3A_556] {strides = array<i32>} : memref<1024x32xf32, #tpu.memory_space<vmem>>, vector<1x16xf32>,
        %swap3A_558 = vector.shape_cast %swap3A_557 : vector<1x16xf32> to vector<16xf32>
        %swap3A_559 = vector.shape_cast %mul3A_554 : vector<16xf32> to vector<1x16xf32>
        tpu.vector_store %arg11[%swap3A_555, %swap3A_556], %swap3A_559 {strides = array<i32>} : memref<1024x32xf32, #tpu.memory_space<vmem>>, vector<1x16xf32>,
        %slice3A_560 = vector.extract_strided_slice %get3A_428 {offsets = [5], sizes = [1], strides = [1]} : vector<16xf32> to vector<1xf32>
        %squeeze3A_561 = vector.extract %slice3A_560[0] : f32 from vector<1xf32>
        %add3A_562 = arith.constant 5 : i32
        %add3A_563 = arith.addi %add3A_432, %add3A_562 : i32
        %get3A_564 = arith.index_cast %add3A_563 : i32 to index
        %get3A_565 = arith.constant 0 : index
        %get3A_566 = tpu.vector_load %arg11[%get3A_564, %get3A_565] {strides = array<i32>} : memref<1024x32xf32, #tpu.memory_space<vmem>>, vector<1x16xf32>,
        %get3A_567 = vector.shape_cast %get3A_566 : vector<1x16xf32> to vector<16xf32>
        %mul3A_568 = vector.broadcast %squeeze3A_561 : f32 to vector<16xf32>
        %mul3A_569 = arith.mulf %get3A_567, %mul3A_568 : vector<16xf32>
        %swap3A_570 = arith.index_cast %add3A_563 : i32 to index
        %swap3A_571 = arith.constant 0 : index
        %swap3A_572 = tpu.vector_load %arg11[%swap3A_570, %swap3A_571] {strides = array<i32>} : memref<1024x32xf32, #tpu.memory_space<vmem>>, vector<1x16xf32>,
        %swap3A_573 = vector.shape_cast %swap3A_572 : vector<1x16xf32> to vector<16xf32>
        %swap3A_574 = vector.shape_cast %mul3A_569 : vector<16xf32> to vector<1x16xf32>
        tpu.vector_store %arg11[%swap3A_570, %swap3A_571], %swap3A_574 {strides = array<i32>} : memref<1024x32xf32, #tpu.memory_space<vmem>>, vector<1x16xf32>,
        %get3A_575 = arith.index_cast %add3A_563 : i32 to index
        %get3A_576 = arith.constant 16 : index
        %get3A_577 = tpu.vector_load %arg11[%get3A_575, %get3A_576] {strides = array<i32>} : memref<1024x32xf32, #tpu.memory_space<vmem>>, vector<1x16xf32>,
        %get3A_578 = vector.shape_cast %get3A_577 : vector<1x16xf32> to vector<16xf32>
        %mul3A_579 = vector.broadcast %squeeze3A_561 : f32 to vector<16xf32>
        %mul3A_580 = arith.mulf %get3A_578, %mul3A_579 : vector<16xf32>
        %swap3A_581 = arith.index_cast %add3A_563 : i32 to index
        %swap3A_582 = arith.constant 16 : index
        %swap3A_583 = tpu.vector_load %arg11[%swap3A_581, %swap3A_582] {strides = array<i32>} : memref<1024x32xf32, #tpu.memory_space<vmem>>, vector<1x16xf32>,
        %swap3A_584 = vector.shape_cast %swap3A_583 : vector<1x16xf32> to vector<16xf32>
        %swap3A_585 = vector.shape_cast %mul3A_580 : vector<16xf32> to vector<1x16xf32>
        tpu.vector_store %arg11[%swap3A_581, %swap3A_582], %swap3A_585 {strides = array<i32>} : memref<1024x32xf32, #tpu.memory_space<vmem>>, vector<1x16xf32>,
        %slice3A_586 = vector.extract_strided_slice %get3A_428 {offsets = [6], sizes = [1], strides = [1]} : vector<16xf32> to vector<1xf32>
        %squeeze3A_587 = vector.extract %slice3A_586[0] : f32 from vector<1xf32>
        %add3A_588 = arith.constant 6 : i32
        %add3A_589 = arith.addi %add3A_432, %add3A_588 : i32
        %get3A_590 = arith.index_cast %add3A_589 : i32 to index
        %get3A_591 = arith.constant 0 : index
        %get3A_592 = tpu.vector_load %arg11[%get3A_590, %get3A_591] {strides = array<i32>} : memref<1024x32xf32, #tpu.memory_space<vmem>>, vector<1x16xf32>,
        %get3A_593 = vector.shape_cast %get3A_592 : vector<1x16xf32> to vector<16xf32>
        %mul3A_594 = vector.broadcast %squeeze3A_587 : f32 to vector<16xf32>
        %mul3A_595 = arith.mulf %get3A_593, %mul3A_594 : vector<16xf32>
        %swap3A_596 = arith.index_cast %add3A_589 : i32 to index
        %swap3A_597 = arith.constant 0 : index
        %swap3A_598 = tpu.vector_load %arg11[%swap3A_596, %swap3A_597] {strides = array<i32>} : memref<1024x32xf32, #tpu.memory_space<vmem>>, vector<1x16xf32>,
        %swap3A_599 = vector.shape_cast %swap3A_598 : vector<1x16xf32> to vector<16xf32>
        %swap3A_600 = vector.shape_cast %mul3A_595 : vector<16xf32> to vector<1x16xf32>
        tpu.vector_store %arg11[%swap3A_596, %swap3A_597], %swap3A_600 {strides = array<i32>} : memref<1024x32xf32, #tpu.memory_space<vmem>>, vector<1x16xf32>,
        %get3A_601 = arith.index_cast %add3A_589 : i32 to index
        %get3A_602 = arith.constant 16 : index
        %get3A_603 = tpu.vector_load %arg11[%get3A_601, %get3A_602] {strides = array<i32>} : memref<1024x32xf32, #tpu.memory_space<vmem>>, vector<1x16xf32>,
        %get3A_604 = vector.shape_cast %get3A_603 : vector<1x16xf32> to vector<16xf32>
        %mul3A_605 = vector.broadcast %squeeze3A_587 : f32 to vector<16xf32>
        %mul3A_606 = arith.mulf %get3A_604, %mul3A_605 : vector<16xf32>
        %swap3A_607 = arith.index_cast %add3A_589 : i32 to index
        %swap3A_608 = arith.constant 16 : index
        %swap3A_609 = tpu.vector_load %arg11[%swap3A_607, %swap3A_608] {strides = array<i32>} : memref<1024x32xf32, #tpu.memory_space<vmem>>, vector<1x16xf32>,
        %swap3A_610 = vector.shape_cast %swap3A_609 : vector<1x16xf32> to vector<16xf32>
        %swap3A_611 = vector.shape_cast %mul3A_606 : vector<16xf32> to vector<1x16xf32>
        tpu.vector_store %arg11[%swap3A_607, %swap3A_608], %swap3A_611 {strides = array<i32>} : memref<1024x32xf32, #tpu.memory_space<vmem>>, vector<1x16xf32>,
        %slice3A_612 = vector.extract_strided_slice %get3A_428 {offsets = [7], sizes = [1], strides = [1]} : vector<16xf32> to vector<1xf32>
        %squeeze3A_613 = vector.extract %slice3A_612[0] : f32 from vector<1xf32>
        %add3A_614 = arith.constant 7 : i32
        %add3A_615 = arith.addi %add3A_432, %add3A_614 : i32
        %get3A_616 = arith.index_cast %add3A_615 : i32 to index
        %get3A_617 = arith.constant 0 : index
        %get3A_618 = tpu.vector_load %arg11[%get3A_616, %get3A_617] {strides = array<i32>} : memref<1024x32xf32, #tpu.memory_space<vmem>>, vector<1x16xf32>,
        %get3A_619 = vector.shape_cast %get3A_618 : vector<1x16xf32> to vector<16xf32>
        %mul3A_620 = vector.broadcast %squeeze3A_613 : f32 to vector<16xf32>
        %mul3A_621 = arith.mulf %get3A_619, %mul3A_620 : vector<16xf32>
        %swap3A_622 = arith.index_cast %add3A_615 : i32 to index
        %swap3A_623 = arith.constant 0 : index
        %swap3A_624 = tpu.vector_load %arg11[%swap3A_622, %swap3A_623] {strides = array<i32>} : memref<1024x32xf32, #tpu.memory_space<vmem>>, vector<1x16xf32>,
        %swap3A_625 = vector.shape_cast %swap3A_624 : vector<1x16xf32> to vector<16xf32>
        %swap3A_626 = vector.shape_cast %mul3A_621 : vector<16xf32> to vector<1x16xf32>
        tpu.vector_store %arg11[%swap3A_622, %swap3A_623], %swap3A_626 {strides = array<i32>} : memref<1024x32xf32, #tpu.memory_space<vmem>>, vector<1x16xf32>,
        %get3A_627 = arith.index_cast %add3A_615 : i32 to index
        %get3A_628 = arith.constant 16 : index
        %get3A_629 = tpu.vector_load %arg11[%get3A_627, %get3A_628] {strides = array<i32>} : memref<1024x32xf32, #tpu.memory_space<vmem>>, vector<1x16xf32>,
        %get3A_630 = vector.shape_cast %get3A_629 : vector<1x16xf32> to vector<16xf32>
        %mul3A_631 = vector.broadcast %squeeze3A_613 : f32 to vector<16xf32>
        %mul3A_632 = arith.mulf %get3A_630, %mul3A_631 : vector<16xf32>
        %swap3A_633 = arith.index_cast %add3A_615 : i32 to index
        %swap3A_634 = arith.constant 16 : index
        %swap3A_635 = tpu.vector_load %arg11[%swap3A_633, %swap3A_634] {strides = array<i32>} : memref<1024x32xf32, #tpu.memory_space<vmem>>, vector<1x16xf32>,
        %swap3A_636 = vector.shape_cast %swap3A_635 : vector<1x16xf32> to vector<16xf32>
        %swap3A_637 = vector.shape_cast %mul3A_632 : vector<16xf32> to vector<1x16xf32>
        tpu.vector_store %arg11[%swap3A_633, %swap3A_634], %swap3A_637 {strides = array<i32>} : memref<1024x32xf32, #tpu.memory_space<vmem>>, vector<1x16xf32>,
        %slice3A_638 = vector.extract_strided_slice %get3A_428 {offsets = [8], sizes = [1], strides = [1]} : vector<16xf32> to vector<1xf32>
        %squeeze3A_639 = vector.extract %slice3A_638[0] : f32 from vector<1xf32>
        %add3A_640 = arith.constant 8 : i32
        %add3A_641 = arith.addi %add3A_432, %add3A_640 : i32
        %get3A_642 = arith.index_cast %add3A_641 : i32 to index
        %get3A_643 = arith.constant 0 : index
        %get3A_644 = tpu.vector_load %arg11[%get3A_642, %get3A_643] {strides = array<i32>} : memref<1024x32xf32, #tpu.memory_space<vmem>>, vector<1x16xf32>,
        %get3A_645 = vector.shape_cast %get3A_644 : vector<1x16xf32> to vector<16xf32>
        %mul3A_646 = vector.broadcast %squeeze3A_639 : f32 to vector<16xf32>
        %mul3A_647 = arith.mulf %get3A_645, %mul3A_646 : vector<16xf32>
        %swap3A_648 = arith.index_cast %add3A_641 : i32 to index
        %swap3A_649 = arith.constant 0 : index
        %swap3A_650 = tpu.vector_load %arg11[%swap3A_648, %swap3A_649] {strides = array<i32>} : memref<1024x32xf32, #tpu.memory_space<vmem>>, vector<1x16xf32>,
        %swap3A_651 = vector.shape_cast %swap3A_650 : vector<1x16xf32> to vector<16xf32>
        %swap3A_652 = vector.shape_cast %mul3A_647 : vector<16xf32> to vector<1x16xf32>
        tpu.vector_store %arg11[%swap3A_648, %swap3A_649], %swap3A_652 {strides = array<i32>} : memref<1024x32xf32, #tpu.memory_space<vmem>>, vector<1x16xf32>,
        %get3A_653 = arith.index_cast %add3A_641 : i32 to index
        %get3A_654 = arith.constant 16 : index
        %get3A_655 = tpu.vector_load %arg11[%get3A_653, %get3A_654] {strides = array<i32>} : memref<1024x32xf32, #tpu.memory_space<vmem>>, vector<1x16xf32>,
        %get3A_656 = vector.shape_cast %get3A_655 : vector<1x16xf32> to vector<16xf32>
        %mul3A_657 = vector.broadcast %squeeze3A_639 : f32 to vector<16xf32>
        %mul3A_658 = arith.mulf %get3A_656, %mul3A_657 : vector<16xf32>
        %swap3A_659 = arith.index_cast %add3A_641 : i32 to index
        %swap3A_660 = arith.constant 16 : index
        %swap3A_661 = tpu.vector_load %arg11[%swap3A_659, %swap3A_660] {strides = array<i32>} : memref<1024x32xf32, #tpu.memory_space<vmem>>, vector<1x16xf32>,
        %swap3A_662 = vector.shape_cast %swap3A_661 : vector<1x16xf32> to vector<16xf32>
        %swap3A_663 = vector.shape_cast %mul3A_658 : vector<16xf32> to vector<1x16xf32>
        tpu.vector_store %arg11[%swap3A_659, %swap3A_660], %swap3A_663 {strides = array<i32>} : memref<1024x32xf32, #tpu.memory_space<vmem>>, vector<1x16xf32>,
        %slice3A_664 = vector.extract_strided_slice %get3A_428 {offsets = [9], sizes = [1], strides = [1]} : vector<16xf32> to vector<1xf32>
        %squeeze3A_665 = vector.extract %slice3A_664[0] : f32 from vector<1xf32>
        %add3A_666 = arith.constant 9 : i32
        %add3A_667 = arith.addi %add3A_432, %add3A_666 : i32
        %get3A_668 = arith.index_cast %add3A_667 : i32 to index
        %get3A_669 = arith.constant 0 : index
        %get3A_670 = tpu.vector_load %arg11[%get3A_668, %get3A_669] {strides = array<i32>} : memref<1024x32xf32, #tpu.memory_space<vmem>>, vector<1x16xf32>,
        %get3A_671 = vector.shape_cast %get3A_670 : vector<1x16xf32> to vector<16xf32>
        %mul3A_672 = vector.broadcast %squeeze3A_665 : f32 to vector<16xf32>
        %mul3A_673 = arith.mulf %get3A_671, %mul3A_672 : vector<16xf32>
        %swap3A_674 = arith.index_cast %add3A_667 : i32 to index
        %swap3A_675 = arith.constant 0 : index
        %swap3A_676 = tpu.vector_load %arg11[%swap3A_674, %swap3A_675] {strides = array<i32>} : memref<1024x32xf32, #tpu.memory_space<vmem>>, vector<1x16xf32>,
        %swap3A_677 = vector.shape_cast %swap3A_676 : vector<1x16xf32> to vector<16xf32>
        %swap3A_678 = vector.shape_cast %mul3A_673 : vector<16xf32> to vector<1x16xf32>
        tpu.vector_store %arg11[%swap3A_674, %swap3A_675], %swap3A_678 {strides = array<i32>} : memref<1024x32xf32, #tpu.memory_space<vmem>>, vector<1x16xf32>,
        %get3A_679 = arith.index_cast %add3A_667 : i32 to index
        %get3A_680 = arith.constant 16 : index
        %get3A_681 = tpu.vector_load %arg11[%get3A_679, %get3A_680] {strides = array<i32>} : memref<1024x32xf32, #tpu.memory_space<vmem>>, vector<1x16xf32>,
        %get3A_682 = vector.shape_cast %get3A_681 : vector<1x16xf32> to vector<16xf32>
        %mul3A_683 = vector.broadcast %squeeze3A_665 : f32 to vector<16xf32>
        %mul3A_684 = arith.mulf %get3A_682, %mul3A_683 : vector<16xf32>
        %swap3A_685 = arith.index_cast %add3A_667 : i32 to index
        %swap3A_686 = arith.constant 16 : index
        %swap3A_687 = tpu.vector_load %arg11[%swap3A_685, %swap3A_686] {strides = array<i32>} : memref<1024x32xf32, #tpu.memory_space<vmem>>, vector<1x16xf32>,
        %swap3A_688 = vector.shape_cast %swap3A_687 : vector<1x16xf32> to vector<16xf32>
        %swap3A_689 = vector.shape_cast %mul3A_684 : vector<16xf32> to vector<1x16xf32>
        tpu.vector_store %arg11[%swap3A_685, %swap3A_686], %swap3A_689 {strides = array<i32>} : memref<1024x32xf32, #tpu.memory_space<vmem>>, vector<1x16xf32>,
        %slice3A_690 = vector.extract_strided_slice %get3A_428 {offsets = [10], sizes = [1], strides = [1]} : vector<16xf32> to vector<1xf32>
        %squeeze3A_691 = vector.extract %slice3A_690[0] : f32 from vector<1xf32>
        %add3A_692 = arith.constant 10 : i32
        %add3A_693 = arith.addi %add3A_432, %add3A_692 : i32
        %get3A_694 = arith.index_cast %add3A_693 : i32 to index
        %get3A_695 = arith.constant 0 : index
        %get3A_696 = tpu.vector_load %arg11[%get3A_694, %get3A_695] {strides = array<i32>} : memref<1024x32xf32, #tpu.memory_space<vmem>>, vector<1x16xf32>,
        %get3A_697 = vector.shape_cast %get3A_696 : vector<1x16xf32> to vector<16xf32>
        %mul3A_698 = vector.broadcast %squeeze3A_691 : f32 to vector<16xf32>
        %mul3A_699 = arith.mulf %get3A_697, %mul3A_698 : vector<16xf32>
        %swap3A_700 = arith.index_cast %add3A_693 : i32 to index
        %swap3A_701 = arith.constant 0 : index
        %swap3A_702 = tpu.vector_load %arg11[%swap3A_700, %swap3A_701] {strides = array<i32>} : memref<1024x32xf32, #tpu.memory_space<vmem>>, vector<1x16xf32>,
        %swap3A_703 = vector.shape_cast %swap3A_702 : vector<1x16xf32> to vector<16xf32>
        %swap3A_704 = vector.shape_cast %mul3A_699 : vector<16xf32> to vector<1x16xf32>
        tpu.vector_store %arg11[%swap3A_700, %swap3A_701], %swap3A_704 {strides = array<i32>} : memref<1024x32xf32, #tpu.memory_space<vmem>>, vector<1x16xf32>,
        %get3A_705 = arith.index_cast %add3A_693 : i32 to index
        %get3A_706 = arith.constant 16 : index
        %get3A_707 = tpu.vector_load %arg11[%get3A_705, %get3A_706] {strides = array<i32>} : memref<1024x32xf32, #tpu.memory_space<vmem>>, vector<1x16xf32>,
        %get3A_708 = vector.shape_cast %get3A_707 : vector<1x16xf32> to vector<16xf32>
        %mul3A_709 = vector.broadcast %squeeze3A_691 : f32 to vector<16xf32>
        %mul3A_710 = arith.mulf %get3A_708, %mul3A_709 : vector<16xf32>
        %swap3A_711 = arith.index_cast %add3A_693 : i32 to index
        %swap3A_712 = arith.constant 16 : index
        %swap3A_713 = tpu.vector_load %arg11[%swap3A_711, %swap3A_712] {strides = array<i32>} : memref<1024x32xf32, #tpu.memory_space<vmem>>, vector<1x16xf32>,
        %swap3A_714 = vector.shape_cast %swap3A_713 : vector<1x16xf32> to vector<16xf32>
        %swap3A_715 = vector.shape_cast %mul3A_710 : vector<16xf32> to vector<1x16xf32>
        tpu.vector_store %arg11[%swap3A_711, %swap3A_712], %swap3A_715 {strides = array<i32>} : memref<1024x32xf32, #tpu.memory_space<vmem>>, vector<1x16xf32>,
        %slice3A_716 = vector.extract_strided_slice %get3A_428 {offsets = [11], sizes = [1], strides = [1]} : vector<16xf32> to vector<1xf32>
        %squeeze3A_717 = vector.extract %slice3A_716[0] : f32 from vector<1xf32>
        %add3A_718 = arith.constant 11 : i32
        %add3A_719 = arith.addi %add3A_432, %add3A_718 : i32
        %get3A_720 = arith.index_cast %add3A_719 : i32 to index
        %get3A_721 = arith.constant 0 : index
        %get3A_722 = tpu.vector_load %arg11[%get3A_720, %get3A_721] {strides = array<i32>} : memref<1024x32xf32, #tpu.memory_space<vmem>>, vector<1x16xf32>,
        %get3A_723 = vector.shape_cast %get3A_722 : vector<1x16xf32> to vector<16xf32>
        %mul3A_724 = vector.broadcast %squeeze3A_717 : f32 to vector<16xf32>
        %mul3A_725 = arith.mulf %get3A_723, %mul3A_724 : vector<16xf32>
        %swap3A_726 = arith.index_cast %add3A_719 : i32 to index
        %swap3A_727 = arith.constant 0 : index
        %swap3A_728 = tpu.vector_load %arg11[%swap3A_726, %swap3A_727] {strides = array<i32>} : memref<1024x32xf32, #tpu.memory_space<vmem>>, vector<1x16xf32>,
        %swap3A_729 = vector.shape_cast %swap3A_728 : vector<1x16xf32> to vector<16xf32>
        %swap3A_730 = vector.shape_cast %mul3A_725 : vector<16xf32> to vector<1x16xf32>
        tpu.vector_store %arg11[%swap3A_726, %swap3A_727], %swap3A_730 {strides = array<i32>} : memref<1024x32xf32, #tpu.memory_space<vmem>>, vector<1x16xf32>,
        %get3A_731 = arith.index_cast %add3A_719 : i32 to index
        %get3A_732 = arith.constant 16 : index
        %get3A_733 = tpu.vector_load %arg11[%get3A_731, %get3A_732] {strides = array<i32>} : memref<1024x32xf32, #tpu.memory_space<vmem>>, vector<1x16xf32>,
        %get3A_734 = vector.shape_cast %get3A_733 : vector<1x16xf32> to vector<16xf32>
        %mul3A_735 = vector.broadcast %squeeze3A_717 : f32 to vector<16xf32>
        %mul3A_736 = arith.mulf %get3A_734, %mul3A_735 : vector<16xf32>
        %swap3A_737 = arith.index_cast %add3A_719 : i32 to index
        %swap3A_738 = arith.constant 16 : index
        %swap3A_739 = tpu.vector_load %arg11[%swap3A_737, %swap3A_738] {strides = array<i32>} : memref<1024x32xf32, #tpu.memory_space<vmem>>, vector<1x16xf32>,
        %swap3A_740 = vector.shape_cast %swap3A_739 : vector<1x16xf32> to vector<16xf32>
        %swap3A_741 = vector.shape_cast %mul3A_736 : vector<16xf32> to vector<1x16xf32>
        tpu.vector_store %arg11[%swap3A_737, %swap3A_738], %swap3A_741 {strides = array<i32>} : memref<1024x32xf32, #tpu.memory_space<vmem>>, vector<1x16xf32>,
        %slice3A_742 = vector.extract_strided_slice %get3A_428 {offsets = [12], sizes = [1], strides = [1]} : vector<16xf32> to vector<1xf32>
        %squeeze3A_743 = vector.extract %slice3A_742[0] : f32 from vector<1xf32>
        %add3A_744 = arith.constant 12 : i32
        %add3A_745 = arith.addi %add3A_432, %add3A_744 : i32
        %get3A_746 = arith.index_cast %add3A_745 : i32 to index
        %get3A_747 = arith.constant 0 : index
        %get3A_748 = tpu.vector_load %arg11[%get3A_746, %get3A_747] {strides = array<i32>} : memref<1024x32xf32, #tpu.memory_space<vmem>>, vector<1x16xf32>,
        %get3A_749 = vector.shape_cast %get3A_748 : vector<1x16xf32> to vector<16xf32>
        %mul3A_750 = vector.broadcast %squeeze3A_743 : f32 to vector<16xf32>
        %mul3A_751 = arith.mulf %get3A_749, %mul3A_750 : vector<16xf32>
        %swap3A_752 = arith.index_cast %add3A_745 : i32 to index
        %swap3A_753 = arith.constant 0 : index
        %swap3A_754 = tpu.vector_load %arg11[%swap3A_752, %swap3A_753] {strides = array<i32>} : memref<1024x32xf32, #tpu.memory_space<vmem>>, vector<1x16xf32>,
        %swap3A_755 = vector.shape_cast %swap3A_754 : vector<1x16xf32> to vector<16xf32>
        %swap3A_756 = vector.shape_cast %mul3A_751 : vector<16xf32> to vector<1x16xf32>
        tpu.vector_store %arg11[%swap3A_752, %swap3A_753], %swap3A_756 {strides = array<i32>} : memref<1024x32xf32, #tpu.memory_space<vmem>>, vector<1x16xf32>,
        %get3A_757 = arith.index_cast %add3A_745 : i32 to index
        %get3A_758 = arith.constant 16 : index
        %get3A_759 = tpu.vector_load %arg11[%get3A_757, %get3A_758] {strides = array<i32>} : memref<1024x32xf32, #tpu.memory_space<vmem>>, vector<1x16xf32>,
        %get3A_760 = vector.shape_cast %get3A_759 : vector<1x16xf32> to vector<16xf32>
        %mul3A_761 = vector.broadcast %squeeze3A_743 : f32 to vector<16xf32>
        %mul3A_762 = arith.mulf %get3A_760, %mul3A_761 : vector<16xf32>
        %swap3A_763 = arith.index_cast %add3A_745 : i32 to index
        %swap3A_764 = arith.constant 16 : index
        %swap3A_765 = tpu.vector_load %arg11[%swap3A_763, %swap3A_764] {strides = array<i32>} : memref<1024x32xf32, #tpu.memory_space<vmem>>, vector<1x16xf32>,
        %swap3A_766 = vector.shape_cast %swap3A_765 : vector<1x16xf32> to vector<16xf32>
        %swap3A_767 = vector.shape_cast %mul3A_762 : vector<16xf32> to vector<1x16xf32>
        tpu.vector_store %arg11[%swap3A_763, %swap3A_764], %swap3A_767 {strides = array<i32>} : memref<1024x32xf32, #tpu.memory_space<vmem>>, vector<1x16xf32>,
        %slice3A_768 = vector.extract_strided_slice %get3A_428 {offsets = [13], sizes = [1], strides = [1]} : vector<16xf32> to vector<1xf32>
        %squeeze3A_769 = vector.extract %slice3A_768[0] : f32 from vector<1xf32>
        %add3A_770 = arith.constant 13 : i32
        %add3A_771 = arith.addi %add3A_432, %add3A_770 : i32
        %get3A_772 = arith.index_cast %add3A_771 : i32 to index
        %get3A_773 = arith.constant 0 : index
        %get3A_774 = tpu.vector_load %arg11[%get3A_772, %get3A_773] {strides = array<i32>} : memref<1024x32xf32, #tpu.memory_space<vmem>>, vector<1x16xf32>,
        %get3A_775 = vector.shape_cast %get3A_774 : vector<1x16xf32> to vector<16xf32>
        %mul3A_776 = vector.broadcast %squeeze3A_769 : f32 to vector<16xf32>
        %mul3A_777 = arith.mulf %get3A_775, %mul3A_776 : vector<16xf32>
        %swap3A_778 = arith.index_cast %add3A_771 : i32 to index
        %swap3A_779 = arith.constant 0 : index
        %swap3A_780 = tpu.vector_load %arg11[%swap3A_778, %swap3A_779] {strides = array<i32>} : memref<1024x32xf32, #tpu.memory_space<vmem>>, vector<1x16xf32>,
        %swap3A_781 = vector.shape_cast %swap3A_780 : vector<1x16xf32> to vector<16xf32>
        %swap3A_782 = vector.shape_cast %mul3A_777 : vector<16xf32> to vector<1x16xf32>
        tpu.vector_store %arg11[%swap3A_778, %swap3A_779], %swap3A_782 {strides = array<i32>} : memref<1024x32xf32, #tpu.memory_space<vmem>>, vector<1x16xf32>,
        %get3A_783 = arith.index_cast %add3A_771 : i32 to index
        %get3A_784 = arith.constant 16 : index
        %get3A_785 = tpu.vector_load %arg11[%get3A_783, %get3A_784] {strides = array<i32>} : memref<1024x32xf32, #tpu.memory_space<vmem>>, vector<1x16xf32>,
        %get3A_786 = vector.shape_cast %get3A_785 : vector<1x16xf32> to vector<16xf32>
        %mul3A_787 = vector.broadcast %squeeze3A_769 : f32 to vector<16xf32>
        %mul3A_788 = arith.mulf %get3A_786, %mul3A_787 : vector<16xf32>
        %swap3A_789 = arith.index_cast %add3A_771 : i32 to index
        %swap3A_790 = arith.constant 16 : index
        %swap3A_791 = tpu.vector_load %arg11[%swap3A_789, %swap3A_790] {strides = array<i32>} : memref<1024x32xf32, #tpu.memory_space<vmem>>, vector<1x16xf32>,
        %swap3A_792 = vector.shape_cast %swap3A_791 : vector<1x16xf32> to vector<16xf32>
        %swap3A_793 = vector.shape_cast %mul3A_788 : vector<16xf32> to vector<1x16xf32>
        tpu.vector_store %arg11[%swap3A_789, %swap3A_790], %swap3A_793 {strides = array<i32>} : memref<1024x32xf32, #tpu.memory_space<vmem>>, vector<1x16xf32>,
        %slice3A_794 = vector.extract_strided_slice %get3A_428 {offsets = [14], sizes = [1], strides = [1]} : vector<16xf32> to vector<1xf32>
        %squeeze3A_795 = vector.extract %slice3A_794[0] : f32 from vector<1xf32>
        %add3A_796 = arith.constant 14 : i32
        %add3A_797 = arith.addi %add3A_432, %add3A_796 : i32
        %get3A_798 = arith.index_cast %add3A_797 : i32 to index
        %get3A_799 = arith.constant 0 : index
        %get3A_800 = tpu.vector_load %arg11[%get3A_798, %get3A_799] {strides = array<i32>} : memref<1024x32xf32, #tpu.memory_space<vmem>>, vector<1x16xf32>,
        %get3A_801 = vector.shape_cast %get3A_800 : vector<1x16xf32> to vector<16xf32>
        %mul3A_802 = vector.broadcast %squeeze3A_795 : f32 to vector<16xf32>
        %mul3A_803 = arith.mulf %get3A_801, %mul3A_802 : vector<16xf32>
        %swap3A_804 = arith.index_cast %add3A_797 : i32 to index
        %swap3A_805 = arith.constant 0 : index
        %swap3A_806 = tpu.vector_load %arg11[%swap3A_804, %swap3A_805] {strides = array<i32>} : memref<1024x32xf32, #tpu.memory_space<vmem>>, vector<1x16xf32>,
        %swap3A_807 = vector.shape_cast %swap3A_806 : vector<1x16xf32> to vector<16xf32>
        %swap3A_808 = vector.shape_cast %mul3A_803 : vector<16xf32> to vector<1x16xf32>
        tpu.vector_store %arg11[%swap3A_804, %swap3A_805], %swap3A_808 {strides = array<i32>} : memref<1024x32xf32, #tpu.memory_space<vmem>>, vector<1x16xf32>,
        %get3A_809 = arith.index_cast %add3A_797 : i32 to index
        %get3A_810 = arith.constant 16 : index
        %get3A_811 = tpu.vector_load %arg11[%get3A_809, %get3A_810] {strides = array<i32>} : memref<1024x32xf32, #tpu.memory_space<vmem>>, vector<1x16xf32>,
        %get3A_812 = vector.shape_cast %get3A_811 : vector<1x16xf32> to vector<16xf32>
        %mul3A_813 = vector.broadcast %squeeze3A_795 : f32 to vector<16xf32>
        %mul3A_814 = arith.mulf %get3A_812, %mul3A_813 : vector<16xf32>
        %swap3A_815 = arith.index_cast %add3A_797 : i32 to index
        %swap3A_816 = arith.constant 16 : index
        %swap3A_817 = tpu.vector_load %arg11[%swap3A_815, %swap3A_816] {strides = array<i32>} : memref<1024x32xf32, #tpu.memory_space<vmem>>, vector<1x16xf32>,
        %swap3A_818 = vector.shape_cast %swap3A_817 : vector<1x16xf32> to vector<16xf32>
        %swap3A_819 = vector.shape_cast %mul3A_814 : vector<16xf32> to vector<1x16xf32>
        tpu.vector_store %arg11[%swap3A_815, %swap3A_816], %swap3A_819 {strides = array<i32>} : memref<1024x32xf32, #tpu.memory_space<vmem>>, vector<1x16xf32>,
        %slice3A_820 = vector.extract_strided_slice %get3A_428 {offsets = [15], sizes = [1], strides = [1]} : vector<16xf32> to vector<1xf32>
        %squeeze3A_821 = vector.extract %slice3A_820[0] : f32 from vector<1xf32>
        %add3A_822 = arith.constant 15 : i32
        %add3A_823 = arith.addi %add3A_432, %add3A_822 : i32
        %get3A_824 = arith.index_cast %add3A_823 : i32 to index
        %get3A_825 = arith.constant 0 : index
        %get3A_826 = tpu.vector_load %arg11[%get3A_824, %get3A_825] {strides = array<i32>} : memref<1024x32xf32, #tpu.memory_space<vmem>>, vector<1x16xf32>,
        %get3A_827 = vector.shape_cast %get3A_826 : vector<1x16xf32> to vector<16xf32>
        %mul3A_828 = vector.broadcast %squeeze3A_821 : f32 to vector<16xf32>
        %mul3A_829 = arith.mulf %get3A_827, %mul3A_828 : vector<16xf32>
        %swap3A_830 = arith.index_cast %add3A_823 : i32 to index
        %swap3A_831 = arith.constant 0 : index
        %swap3A_832 = tpu.vector_load %arg11[%swap3A_830, %swap3A_831] {strides = array<i32>} : memref<1024x32xf32, #tpu.memory_space<vmem>>, vector<1x16xf32>,
        %swap3A_833 = vector.shape_cast %swap3A_832 : vector<1x16xf32> to vector<16xf32>
        %swap3A_834 = vector.shape_cast %mul3A_829 : vector<16xf32> to vector<1x16xf32>
        tpu.vector_store %arg11[%swap3A_830, %swap3A_831], %swap3A_834 {strides = array<i32>} : memref<1024x32xf32, #tpu.memory_space<vmem>>, vector<1x16xf32>,
        %get3A_835 = arith.index_cast %add3A_823 : i32 to index
        %get3A_836 = arith.constant 16 : index
        %get3A_837 = tpu.vector_load %arg11[%get3A_835, %get3A_836] {strides = array<i32>} : memref<1024x32xf32, #tpu.memory_space<vmem>>, vector<1x16xf32>,
        %get3A_838 = vector.shape_cast %get3A_837 : vector<1x16xf32> to vector<16xf32>
        %mul3A_839 = vector.broadcast %squeeze3A_821 : f32 to vector<16xf32>
        %mul3A_840 = arith.mulf %get3A_838, %mul3A_839 : vector<16xf32>
        %swap3A_841 = arith.index_cast %add3A_823 : i32 to index
        %swap3A_842 = arith.constant 16 : index
        %swap3A_843 = tpu.vector_load %arg11[%swap3A_841, %swap3A_842] {strides = array<i32>} : memref<1024x32xf32, #tpu.memory_space<vmem>>, vector<1x16xf32>,
        %swap3A_844 = vector.shape_cast %swap3A_843 : vector<1x16xf32> to vector<16xf32>
        %swap3A_845 = vector.shape_cast %mul3A_840 : vector<16xf32> to vector<1x16xf32>
        tpu.vector_store %arg11[%swap3A_841, %swap3A_842], %swap3A_845 {strides = array<i32>} : memref<1024x32xf32, #tpu.memory_space<vmem>>, vector<1x16xf32>,
      }
      %scan3A_299 = arith.constant 8 : i32
      %dma_start3A_300 = arith.constant 5 : i32
      %dma_start3A_301 = arith.constant 640 : i32
      %dma_start3A_302 = arith.constant 0 : i32
      %dma_start3A_303 = tpu.memref_slice %arg11[%dma_start3A_301, %dma_start3A_302] : memref<1024x32xf32, #tpu.memory_space<vmem>> -> memref<128x32xf32, #tpu.memory_space<vmem>>
      %dma_start3A_304 = arith.constant 0 : i32
      %dma_start3A_305 = tpu.memref_slice %arg9[%dma_start3A_300, %dma_start3A_304] : memref<8x128xi32, #tpu.memory_space<vmem>> -> memref<1x128xi32, #tpu.memory_space<vmem>>
      %dma_start3A_306 = tpu.memref_squeeze %dma_start3A_305 : memref<1x128xi32, #tpu.memory_space<vmem>> -> memref<128xi32, #tpu.memory_space<vmem>>
      %dma_start3A_307 = arith.constant 0 : i32
      %dma_start3A_308 = arith.constant 0 : i32
      %dma_start3A_309 = tpu.memref_slice %arg12[%dma_start3A_307, %dma_start3A_308] : memref<16384x32xf32, #tpu.memory_space<vmem_shared>> -> memref<16384x32xf32, #tpu.memory_space<vmem_shared>>
      tpu.enqueue_indirect_dma source(%dma_start3A_303 : memref<128x32xf32, #tpu.memory_space<vmem>>) target(%dma_start3A_309 : memref<16384x32xf32, #tpu.memory_space<vmem_shared>>) offsets(%dma_start3A_306 : memref<128xi32, #tpu.memory_space<vmem>>) semaphore(%arg14 : memref<!tpu.dma_semaphore, #tpu.memory_space<semaphore_mem>>) {add = true}
      %scan3A_310 = arith.constant 0 : i32
      %scan3A_311 = arith.constant 0 : i32
      %scan3A_312 = arith.constant 8 : i32
      %scan3A_313 = arith.addi %scan3A_311, %scan3A_312 : i32
      %scan3A_314 = arith.constant 1 : i32
      scf.for %scan3A_422 = %scan3A_311 to %scan3A_313 step %scan3A_314  : i32 {
        %mul3A_423 = arith.constant 16 : i32
        %mul3A_424 = arith.muli %scan3A_422, %mul3A_423 : i32
        %get3A = arith.constant 6 : i32
        %get3A_425 = arith.index_cast %get3A : i32 to index
        %get3A_426 = arith.index_cast %mul3A_424 : i32 to index
        %get3A_427 = tpu.vector_load %arg10[%get3A_425, %get3A_426] {strides = array<i32>} : memref<8x128xf32, #tpu.memory_space<vmem>>, vector<1x16xf32>,
        %get3A_428 = vector.shape_cast %get3A_427 : vector<1x16xf32> to vector<16xf32>
        %mul3A_429 = arith.constant 16 : i32
        %mul3A_430 = arith.muli %scan3A_422, %mul3A_429 : i32
        %add3A_431 = arith.constant 768 : i32
        %add3A_432 = arith.addi %add3A_431, %mul3A_430 : i32
        %slice3A = vector.extract_strided_slice %get3A_428 {offsets = [0], sizes = [1], strides = [1]} : vector<16xf32> to vector<1xf32>
        %squeeze3A = vector.extract %slice3A[0] : f32 from vector<1xf32>
        %add3A_433 = arith.constant 0 : i32
        %add3A_434 = arith.addi %add3A_432, %add3A_433 : i32
        %get3A_435 = arith.index_cast %add3A_434 : i32 to index
        %get3A_436 = arith.constant 0 : index
        %get3A_437 = tpu.vector_load %arg11[%get3A_435, %get3A_436] {strides = array<i32>} : memref<1024x32xf32, #tpu.memory_space<vmem>>, vector<1x16xf32>,
        %get3A_438 = vector.shape_cast %get3A_437 : vector<1x16xf32> to vector<16xf32>
        %mul3A_439 = vector.broadcast %squeeze3A : f32 to vector<16xf32>
        %mul3A_440 = arith.mulf %get3A_438, %mul3A_439 : vector<16xf32>
        %swap3A = arith.index_cast %add3A_434 : i32 to index
        %swap3A_441 = arith.constant 0 : index
        %swap3A_442 = tpu.vector_load %arg11[%swap3A, %swap3A_441] {strides = array<i32>} : memref<1024x32xf32, #tpu.memory_space<vmem>>, vector<1x16xf32>,
        %swap3A_443 = vector.shape_cast %swap3A_442 : vector<1x16xf32> to vector<16xf32>
        %swap3A_444 = vector.shape_cast %mul3A_440 : vector<16xf32> to vector<1x16xf32>
        tpu.vector_store %arg11[%swap3A, %swap3A_441], %swap3A_444 {strides = array<i32>} : memref<1024x32xf32, #tpu.memory_space<vmem>>, vector<1x16xf32>,
        %get3A_445 = arith.index_cast %add3A_434 : i32 to index
        %get3A_446 = arith.constant 16 : index
        %get3A_447 = tpu.vector_load %arg11[%get3A_445, %get3A_446] {strides = array<i32>} : memref<1024x32xf32, #tpu.memory_space<vmem>>, vector<1x16xf32>,
        %get3A_448 = vector.shape_cast %get3A_447 : vector<1x16xf32> to vector<16xf32>
        %mul3A_449 = vector.broadcast %squeeze3A : f32 to vector<16xf32>
        %mul3A_450 = arith.mulf %get3A_448, %mul3A_449 : vector<16xf32>
        %swap3A_451 = arith.index_cast %add3A_434 : i32 to index
        %swap3A_452 = arith.constant 16 : index
        %swap3A_453 = tpu.vector_load %arg11[%swap3A_451, %swap3A_452] {strides = array<i32>} : memref<1024x32xf32, #tpu.memory_space<vmem>>, vector<1x16xf32>,
        %swap3A_454 = vector.shape_cast %swap3A_453 : vector<1x16xf32> to vector<16xf32>
        %swap3A_455 = vector.shape_cast %mul3A_450 : vector<16xf32> to vector<1x16xf32>
        tpu.vector_store %arg11[%swap3A_451, %swap3A_452], %swap3A_455 {strides = array<i32>} : memref<1024x32xf32, #tpu.memory_space<vmem>>, vector<1x16xf32>,
        %slice3A_456 = vector.extract_strided_slice %get3A_428 {offsets = [1], sizes = [1], strides = [1]} : vector<16xf32> to vector<1xf32>
        %squeeze3A_457 = vector.extract %slice3A_456[0] : f32 from vector<1xf32>
        %add3A_458 = arith.constant 1 : i32
        %add3A_459 = arith.addi %add3A_432, %add3A_458 : i32
        %get3A_460 = arith.index_cast %add3A_459 : i32 to index
        %get3A_461 = arith.constant 0 : index
        %get3A_462 = tpu.vector_load %arg11[%get3A_460, %get3A_461] {strides = array<i32>} : memref<1024x32xf32, #tpu.memory_space<vmem>>, vector<1x16xf32>,
        %get3A_463 = vector.shape_cast %get3A_462 : vector<1x16xf32> to vector<16xf32>
        %mul3A_464 = vector.broadcast %squeeze3A_457 : f32 to vector<16xf32>
        %mul3A_465 = arith.mulf %get3A_463, %mul3A_464 : vector<16xf32>
        %swap3A_466 = arith.index_cast %add3A_459 : i32 to index
        %swap3A_467 = arith.constant 0 : index
        %swap3A_468 = tpu.vector_load %arg11[%swap3A_466, %swap3A_467] {strides = array<i32>} : memref<1024x32xf32, #tpu.memory_space<vmem>>, vector<1x16xf32>,
        %swap3A_469 = vector.shape_cast %swap3A_468 : vector<1x16xf32> to vector<16xf32>
        %swap3A_470 = vector.shape_cast %mul3A_465 : vector<16xf32> to vector<1x16xf32>
        tpu.vector_store %arg11[%swap3A_466, %swap3A_467], %swap3A_470 {strides = array<i32>} : memref<1024x32xf32, #tpu.memory_space<vmem>>, vector<1x16xf32>,
        %get3A_471 = arith.index_cast %add3A_459 : i32 to index
        %get3A_472 = arith.constant 16 : index
        %get3A_473 = tpu.vector_load %arg11[%get3A_471, %get3A_472] {strides = array<i32>} : memref<1024x32xf32, #tpu.memory_space<vmem>>, vector<1x16xf32>,
        %get3A_474 = vector.shape_cast %get3A_473 : vector<1x16xf32> to vector<16xf32>
        %mul3A_475 = vector.broadcast %squeeze3A_457 : f32 to vector<16xf32>
        %mul3A_476 = arith.mulf %get3A_474, %mul3A_475 : vector<16xf32>
        %swap3A_477 = arith.index_cast %add3A_459 : i32 to index
        %swap3A_478 = arith.constant 16 : index
        %swap3A_479 = tpu.vector_load %arg11[%swap3A_477, %swap3A_478] {strides = array<i32>} : memref<1024x32xf32, #tpu.memory_space<vmem>>, vector<1x16xf32>,
        %swap3A_480 = vector.shape_cast %swap3A_479 : vector<1x16xf32> to vector<16xf32>
        %swap3A_481 = vector.shape_cast %mul3A_476 : vector<16xf32> to vector<1x16xf32>
        tpu.vector_store %arg11[%swap3A_477, %swap3A_478], %swap3A_481 {strides = array<i32>} : memref<1024x32xf32, #tpu.memory_space<vmem>>, vector<1x16xf32>,
        %slice3A_482 = vector.extract_strided_slice %get3A_428 {offsets = [2], sizes = [1], strides = [1]} : vector<16xf32> to vector<1xf32>
        %squeeze3A_483 = vector.extract %slice3A_482[0] : f32 from vector<1xf32>
        %add3A_484 = arith.constant 2 : i32
        %add3A_485 = arith.addi %add3A_432, %add3A_484 : i32
        %get3A_486 = arith.index_cast %add3A_485 : i32 to index
        %get3A_487 = arith.constant 0 : index
        %get3A_488 = tpu.vector_load %arg11[%get3A_486, %get3A_487] {strides = array<i32>} : memref<1024x32xf32, #tpu.memory_space<vmem>>, vector<1x16xf32>,
        %get3A_489 = vector.shape_cast %get3A_488 : vector<1x16xf32> to vector<16xf32>
        %mul3A_490 = vector.broadcast %squeeze3A_483 : f32 to vector<16xf32>
        %mul3A_491 = arith.mulf %get3A_489, %mul3A_490 : vector<16xf32>
        %swap3A_492 = arith.index_cast %add3A_485 : i32 to index
        %swap3A_493 = arith.constant 0 : index
        %swap3A_494 = tpu.vector_load %arg11[%swap3A_492, %swap3A_493] {strides = array<i32>} : memref<1024x32xf32, #tpu.memory_space<vmem>>, vector<1x16xf32>,
        %swap3A_495 = vector.shape_cast %swap3A_494 : vector<1x16xf32> to vector<16xf32>
        %swap3A_496 = vector.shape_cast %mul3A_491 : vector<16xf32> to vector<1x16xf32>
        tpu.vector_store %arg11[%swap3A_492, %swap3A_493], %swap3A_496 {strides = array<i32>} : memref<1024x32xf32, #tpu.memory_space<vmem>>, vector<1x16xf32>,
        %get3A_497 = arith.index_cast %add3A_485 : i32 to index
        %get3A_498 = arith.constant 16 : index
        %get3A_499 = tpu.vector_load %arg11[%get3A_497, %get3A_498] {strides = array<i32>} : memref<1024x32xf32, #tpu.memory_space<vmem>>, vector<1x16xf32>,
        %get3A_500 = vector.shape_cast %get3A_499 : vector<1x16xf32> to vector<16xf32>
        %mul3A_501 = vector.broadcast %squeeze3A_483 : f32 to vector<16xf32>
        %mul3A_502 = arith.mulf %get3A_500, %mul3A_501 : vector<16xf32>
        %swap3A_503 = arith.index_cast %add3A_485 : i32 to index
        %swap3A_504 = arith.constant 16 : index
        %swap3A_505 = tpu.vector_load %arg11[%swap3A_503, %swap3A_504] {strides = array<i32>} : memref<1024x32xf32, #tpu.memory_space<vmem>>, vector<1x16xf32>,
        %swap3A_506 = vector.shape_cast %swap3A_505 : vector<1x16xf32> to vector<16xf32>
        %swap3A_507 = vector.shape_cast %mul3A_502 : vector<16xf32> to vector<1x16xf32>
        tpu.vector_store %arg11[%swap3A_503, %swap3A_504], %swap3A_507 {strides = array<i32>} : memref<1024x32xf32, #tpu.memory_space<vmem>>, vector<1x16xf32>,
        %slice3A_508 = vector.extract_strided_slice %get3A_428 {offsets = [3], sizes = [1], strides = [1]} : vector<16xf32> to vector<1xf32>
        %squeeze3A_509 = vector.extract %slice3A_508[0] : f32 from vector<1xf32>
        %add3A_510 = arith.constant 3 : i32
        %add3A_511 = arith.addi %add3A_432, %add3A_510 : i32
        %get3A_512 = arith.index_cast %add3A_511 : i32 to index
        %get3A_513 = arith.constant 0 : index
        %get3A_514 = tpu.vector_load %arg11[%get3A_512, %get3A_513] {strides = array<i32>} : memref<1024x32xf32, #tpu.memory_space<vmem>>, vector<1x16xf32>,
        %get3A_515 = vector.shape_cast %get3A_514 : vector<1x16xf32> to vector<16xf32>
        %mul3A_516 = vector.broadcast %squeeze3A_509 : f32 to vector<16xf32>
        %mul3A_517 = arith.mulf %get3A_515, %mul3A_516 : vector<16xf32>
        %swap3A_518 = arith.index_cast %add3A_511 : i32 to index
        %swap3A_519 = arith.constant 0 : index
        %swap3A_520 = tpu.vector_load %arg11[%swap3A_518, %swap3A_519] {strides = array<i32>} : memref<1024x32xf32, #tpu.memory_space<vmem>>, vector<1x16xf32>,
        %swap3A_521 = vector.shape_cast %swap3A_520 : vector<1x16xf32> to vector<16xf32>
        %swap3A_522 = vector.shape_cast %mul3A_517 : vector<16xf32> to vector<1x16xf32>
        tpu.vector_store %arg11[%swap3A_518, %swap3A_519], %swap3A_522 {strides = array<i32>} : memref<1024x32xf32, #tpu.memory_space<vmem>>, vector<1x16xf32>,
        %get3A_523 = arith.index_cast %add3A_511 : i32 to index
        %get3A_524 = arith.constant 16 : index
        %get3A_525 = tpu.vector_load %arg11[%get3A_523, %get3A_524] {strides = array<i32>} : memref<1024x32xf32, #tpu.memory_space<vmem>>, vector<1x16xf32>,
        %get3A_526 = vector.shape_cast %get3A_525 : vector<1x16xf32> to vector<16xf32>
        %mul3A_527 = vector.broadcast %squeeze3A_509 : f32 to vector<16xf32>
        %mul3A_528 = arith.mulf %get3A_526, %mul3A_527 : vector<16xf32>
        %swap3A_529 = arith.index_cast %add3A_511 : i32 to index
        %swap3A_530 = arith.constant 16 : index
        %swap3A_531 = tpu.vector_load %arg11[%swap3A_529, %swap3A_530] {strides = array<i32>} : memref<1024x32xf32, #tpu.memory_space<vmem>>, vector<1x16xf32>,
        %swap3A_532 = vector.shape_cast %swap3A_531 : vector<1x16xf32> to vector<16xf32>
        %swap3A_533 = vector.shape_cast %mul3A_528 : vector<16xf32> to vector<1x16xf32>
        tpu.vector_store %arg11[%swap3A_529, %swap3A_530], %swap3A_533 {strides = array<i32>} : memref<1024x32xf32, #tpu.memory_space<vmem>>, vector<1x16xf32>,
        %slice3A_534 = vector.extract_strided_slice %get3A_428 {offsets = [4], sizes = [1], strides = [1]} : vector<16xf32> to vector<1xf32>
        %squeeze3A_535 = vector.extract %slice3A_534[0] : f32 from vector<1xf32>
        %add3A_536 = arith.constant 4 : i32
        %add3A_537 = arith.addi %add3A_432, %add3A_536 : i32
        %get3A_538 = arith.index_cast %add3A_537 : i32 to index
        %get3A_539 = arith.constant 0 : index
        %get3A_540 = tpu.vector_load %arg11[%get3A_538, %get3A_539] {strides = array<i32>} : memref<1024x32xf32, #tpu.memory_space<vmem>>, vector<1x16xf32>,
        %get3A_541 = vector.shape_cast %get3A_540 : vector<1x16xf32> to vector<16xf32>
        %mul3A_542 = vector.broadcast %squeeze3A_535 : f32 to vector<16xf32>
        %mul3A_543 = arith.mulf %get3A_541, %mul3A_542 : vector<16xf32>
        %swap3A_544 = arith.index_cast %add3A_537 : i32 to index
        %swap3A_545 = arith.constant 0 : index
        %swap3A_546 = tpu.vector_load %arg11[%swap3A_544, %swap3A_545] {strides = array<i32>} : memref<1024x32xf32, #tpu.memory_space<vmem>>, vector<1x16xf32>,
        %swap3A_547 = vector.shape_cast %swap3A_546 : vector<1x16xf32> to vector<16xf32>
        %swap3A_548 = vector.shape_cast %mul3A_543 : vector<16xf32> to vector<1x16xf32>
        tpu.vector_store %arg11[%swap3A_544, %swap3A_545], %swap3A_548 {strides = array<i32>} : memref<1024x32xf32, #tpu.memory_space<vmem>>, vector<1x16xf32>,
        %get3A_549 = arith.index_cast %add3A_537 : i32 to index
        %get3A_550 = arith.constant 16 : index
        %get3A_551 = tpu.vector_load %arg11[%get3A_549, %get3A_550] {strides = array<i32>} : memref<1024x32xf32, #tpu.memory_space<vmem>>, vector<1x16xf32>,
        %get3A_552 = vector.shape_cast %get3A_551 : vector<1x16xf32> to vector<16xf32>
        %mul3A_553 = vector.broadcast %squeeze3A_535 : f32 to vector<16xf32>
        %mul3A_554 = arith.mulf %get3A_552, %mul3A_553 : vector<16xf32>
        %swap3A_555 = arith.index_cast %add3A_537 : i32 to index
        %swap3A_556 = arith.constant 16 : index
        %swap3A_557 = tpu.vector_load %arg11[%swap3A_555, %swap3A_556] {strides = array<i32>} : memref<1024x32xf32, #tpu.memory_space<vmem>>, vector<1x16xf32>,
        %swap3A_558 = vector.shape_cast %swap3A_557 : vector<1x16xf32> to vector<16xf32>
        %swap3A_559 = vector.shape_cast %mul3A_554 : vector<16xf32> to vector<1x16xf32>
        tpu.vector_store %arg11[%swap3A_555, %swap3A_556], %swap3A_559 {strides = array<i32>} : memref<1024x32xf32, #tpu.memory_space<vmem>>, vector<1x16xf32>,
        %slice3A_560 = vector.extract_strided_slice %get3A_428 {offsets = [5], sizes = [1], strides = [1]} : vector<16xf32> to vector<1xf32>
        %squeeze3A_561 = vector.extract %slice3A_560[0] : f32 from vector<1xf32>
        %add3A_562 = arith.constant 5 : i32
        %add3A_563 = arith.addi %add3A_432, %add3A_562 : i32
        %get3A_564 = arith.index_cast %add3A_563 : i32 to index
        %get3A_565 = arith.constant 0 : index
        %get3A_566 = tpu.vector_load %arg11[%get3A_564, %get3A_565] {strides = array<i32>} : memref<1024x32xf32, #tpu.memory_space<vmem>>, vector<1x16xf32>,
        %get3A_567 = vector.shape_cast %get3A_566 : vector<1x16xf32> to vector<16xf32>
        %mul3A_568 = vector.broadcast %squeeze3A_561 : f32 to vector<16xf32>
        %mul3A_569 = arith.mulf %get3A_567, %mul3A_568 : vector<16xf32>
        %swap3A_570 = arith.index_cast %add3A_563 : i32 to index
        %swap3A_571 = arith.constant 0 : index
        %swap3A_572 = tpu.vector_load %arg11[%swap3A_570, %swap3A_571] {strides = array<i32>} : memref<1024x32xf32, #tpu.memory_space<vmem>>, vector<1x16xf32>,
        %swap3A_573 = vector.shape_cast %swap3A_572 : vector<1x16xf32> to vector<16xf32>
        %swap3A_574 = vector.shape_cast %mul3A_569 : vector<16xf32> to vector<1x16xf32>
        tpu.vector_store %arg11[%swap3A_570, %swap3A_571], %swap3A_574 {strides = array<i32>} : memref<1024x32xf32, #tpu.memory_space<vmem>>, vector<1x16xf32>,
        %get3A_575 = arith.index_cast %add3A_563 : i32 to index
        %get3A_576 = arith.constant 16 : index
        %get3A_577 = tpu.vector_load %arg11[%get3A_575, %get3A_576] {strides = array<i32>} : memref<1024x32xf32, #tpu.memory_space<vmem>>, vector<1x16xf32>,
        %get3A_578 = vector.shape_cast %get3A_577 : vector<1x16xf32> to vector<16xf32>
        %mul3A_579 = vector.broadcast %squeeze3A_561 : f32 to vector<16xf32>
        %mul3A_580 = arith.mulf %get3A_578, %mul3A_579 : vector<16xf32>
        %swap3A_581 = arith.index_cast %add3A_563 : i32 to index
        %swap3A_582 = arith.constant 16 : index
        %swap3A_583 = tpu.vector_load %arg11[%swap3A_581, %swap3A_582] {strides = array<i32>} : memref<1024x32xf32, #tpu.memory_space<vmem>>, vector<1x16xf32>,
        %swap3A_584 = vector.shape_cast %swap3A_583 : vector<1x16xf32> to vector<16xf32>
        %swap3A_585 = vector.shape_cast %mul3A_580 : vector<16xf32> to vector<1x16xf32>
        tpu.vector_store %arg11[%swap3A_581, %swap3A_582], %swap3A_585 {strides = array<i32>} : memref<1024x32xf32, #tpu.memory_space<vmem>>, vector<1x16xf32>,
        %slice3A_586 = vector.extract_strided_slice %get3A_428 {offsets = [6], sizes = [1], strides = [1]} : vector<16xf32> to vector<1xf32>
        %squeeze3A_587 = vector.extract %slice3A_586[0] : f32 from vector<1xf32>
        %add3A_588 = arith.constant 6 : i32
        %add3A_589 = arith.addi %add3A_432, %add3A_588 : i32
        %get3A_590 = arith.index_cast %add3A_589 : i32 to index
        %get3A_591 = arith.constant 0 : index
        %get3A_592 = tpu.vector_load %arg11[%get3A_590, %get3A_591] {strides = array<i32>} : memref<1024x32xf32, #tpu.memory_space<vmem>>, vector<1x16xf32>,
        %get3A_593 = vector.shape_cast %get3A_592 : vector<1x16xf32> to vector<16xf32>
        %mul3A_594 = vector.broadcast %squeeze3A_587 : f32 to vector<16xf32>
        %mul3A_595 = arith.mulf %get3A_593, %mul3A_594 : vector<16xf32>
        %swap3A_596 = arith.index_cast %add3A_589 : i32 to index
        %swap3A_597 = arith.constant 0 : index
        %swap3A_598 = tpu.vector_load %arg11[%swap3A_596, %swap3A_597] {strides = array<i32>} : memref<1024x32xf32, #tpu.memory_space<vmem>>, vector<1x16xf32>,
        %swap3A_599 = vector.shape_cast %swap3A_598 : vector<1x16xf32> to vector<16xf32>
        %swap3A_600 = vector.shape_cast %mul3A_595 : vector<16xf32> to vector<1x16xf32>
        tpu.vector_store %arg11[%swap3A_596, %swap3A_597], %swap3A_600 {strides = array<i32>} : memref<1024x32xf32, #tpu.memory_space<vmem>>, vector<1x16xf32>,
        %get3A_601 = arith.index_cast %add3A_589 : i32 to index
        %get3A_602 = arith.constant 16 : index
        %get3A_603 = tpu.vector_load %arg11[%get3A_601, %get3A_602] {strides = array<i32>} : memref<1024x32xf32, #tpu.memory_space<vmem>>, vector<1x16xf32>,
        %get3A_604 = vector.shape_cast %get3A_603 : vector<1x16xf32> to vector<16xf32>
        %mul3A_605 = vector.broadcast %squeeze3A_587 : f32 to vector<16xf32>
        %mul3A_606 = arith.mulf %get3A_604, %mul3A_605 : vector<16xf32>
        %swap3A_607 = arith.index_cast %add3A_589 : i32 to index
        %swap3A_608 = arith.constant 16 : index
        %swap3A_609 = tpu.vector_load %arg11[%swap3A_607, %swap3A_608] {strides = array<i32>} : memref<1024x32xf32, #tpu.memory_space<vmem>>, vector<1x16xf32>,
        %swap3A_610 = vector.shape_cast %swap3A_609 : vector<1x16xf32> to vector<16xf32>
        %swap3A_611 = vector.shape_cast %mul3A_606 : vector<16xf32> to vector<1x16xf32>
        tpu.vector_store %arg11[%swap3A_607, %swap3A_608], %swap3A_611 {strides = array<i32>} : memref<1024x32xf32, #tpu.memory_space<vmem>>, vector<1x16xf32>,
        %slice3A_612 = vector.extract_strided_slice %get3A_428 {offsets = [7], sizes = [1], strides = [1]} : vector<16xf32> to vector<1xf32>
        %squeeze3A_613 = vector.extract %slice3A_612[0] : f32 from vector<1xf32>
        %add3A_614 = arith.constant 7 : i32
        %add3A_615 = arith.addi %add3A_432, %add3A_614 : i32
        %get3A_616 = arith.index_cast %add3A_615 : i32 to index
        %get3A_617 = arith.constant 0 : index
        %get3A_618 = tpu.vector_load %arg11[%get3A_616, %get3A_617] {strides = array<i32>} : memref<1024x32xf32, #tpu.memory_space<vmem>>, vector<1x16xf32>,
        %get3A_619 = vector.shape_cast %get3A_618 : vector<1x16xf32> to vector<16xf32>
        %mul3A_620 = vector.broadcast %squeeze3A_613 : f32 to vector<16xf32>
        %mul3A_621 = arith.mulf %get3A_619, %mul3A_620 : vector<16xf32>
        %swap3A_622 = arith.index_cast %add3A_615 : i32 to index
        %swap3A_623 = arith.constant 0 : index
        %swap3A_624 = tpu.vector_load %arg11[%swap3A_622, %swap3A_623] {strides = array<i32>} : memref<1024x32xf32, #tpu.memory_space<vmem>>, vector<1x16xf32>,
        %swap3A_625 = vector.shape_cast %swap3A_624 : vector<1x16xf32> to vector<16xf32>
        %swap3A_626 = vector.shape_cast %mul3A_621 : vector<16xf32> to vector<1x16xf32>
        tpu.vector_store %arg11[%swap3A_622, %swap3A_623], %swap3A_626 {strides = array<i32>} : memref<1024x32xf32, #tpu.memory_space<vmem>>, vector<1x16xf32>,
        %get3A_627 = arith.index_cast %add3A_615 : i32 to index
        %get3A_628 = arith.constant 16 : index
        %get3A_629 = tpu.vector_load %arg11[%get3A_627, %get3A_628] {strides = array<i32>} : memref<1024x32xf32, #tpu.memory_space<vmem>>, vector<1x16xf32>,
        %get3A_630 = vector.shape_cast %get3A_629 : vector<1x16xf32> to vector<16xf32>
        %mul3A_631 = vector.broadcast %squeeze3A_613 : f32 to vector<16xf32>
        %mul3A_632 = arith.mulf %get3A_630, %mul3A_631 : vector<16xf32>
        %swap3A_633 = arith.index_cast %add3A_615 : i32 to index
        %swap3A_634 = arith.constant 16 : index
        %swap3A_635 = tpu.vector_load %arg11[%swap3A_633, %swap3A_634] {strides = array<i32>} : memref<1024x32xf32, #tpu.memory_space<vmem>>, vector<1x16xf32>,
        %swap3A_636 = vector.shape_cast %swap3A_635 : vector<1x16xf32> to vector<16xf32>
        %swap3A_637 = vector.shape_cast %mul3A_632 : vector<16xf32> to vector<1x16xf32>
        tpu.vector_store %arg11[%swap3A_633, %swap3A_634], %swap3A_637 {strides = array<i32>} : memref<1024x32xf32, #tpu.memory_space<vmem>>, vector<1x16xf32>,
        %slice3A_638 = vector.extract_strided_slice %get3A_428 {offsets = [8], sizes = [1], strides = [1]} : vector<16xf32> to vector<1xf32>
        %squeeze3A_639 = vector.extract %slice3A_638[0] : f32 from vector<1xf32>
        %add3A_640 = arith.constant 8 : i32
        %add3A_641 = arith.addi %add3A_432, %add3A_640 : i32
        %get3A_642 = arith.index_cast %add3A_641 : i32 to index
        %get3A_643 = arith.constant 0 : index
        %get3A_644 = tpu.vector_load %arg11[%get3A_642, %get3A_643] {strides = array<i32>} : memref<1024x32xf32, #tpu.memory_space<vmem>>, vector<1x16xf32>,
        %get3A_645 = vector.shape_cast %get3A_644 : vector<1x16xf32> to vector<16xf32>
        %mul3A_646 = vector.broadcast %squeeze3A_639 : f32 to vector<16xf32>
        %mul3A_647 = arith.mulf %get3A_645, %mul3A_646 : vector<16xf32>
        %swap3A_648 = arith.index_cast %add3A_641 : i32 to index
        %swap3A_649 = arith.constant 0 : index
        %swap3A_650 = tpu.vector_load %arg11[%swap3A_648, %swap3A_649] {strides = array<i32>} : memref<1024x32xf32, #tpu.memory_space<vmem>>, vector<1x16xf32>,
        %swap3A_651 = vector.shape_cast %swap3A_650 : vector<1x16xf32> to vector<16xf32>
        %swap3A_652 = vector.shape_cast %mul3A_647 : vector<16xf32> to vector<1x16xf32>
        tpu.vector_store %arg11[%swap3A_648, %swap3A_649], %swap3A_652 {strides = array<i32>} : memref<1024x32xf32, #tpu.memory_space<vmem>>, vector<1x16xf32>,
        %get3A_653 = arith.index_cast %add3A_641 : i32 to index
        %get3A_654 = arith.constant 16 : index
        %get3A_655 = tpu.vector_load %arg11[%get3A_653, %get3A_654] {strides = array<i32>} : memref<1024x32xf32, #tpu.memory_space<vmem>>, vector<1x16xf32>,
        %get3A_656 = vector.shape_cast %get3A_655 : vector<1x16xf32> to vector<16xf32>
        %mul3A_657 = vector.broadcast %squeeze3A_639 : f32 to vector<16xf32>
        %mul3A_658 = arith.mulf %get3A_656, %mul3A_657 : vector<16xf32>
        %swap3A_659 = arith.index_cast %add3A_641 : i32 to index
        %swap3A_660 = arith.constant 16 : index
        %swap3A_661 = tpu.vector_load %arg11[%swap3A_659, %swap3A_660] {strides = array<i32>} : memref<1024x32xf32, #tpu.memory_space<vmem>>, vector<1x16xf32>,
        %swap3A_662 = vector.shape_cast %swap3A_661 : vector<1x16xf32> to vector<16xf32>
        %swap3A_663 = vector.shape_cast %mul3A_658 : vector<16xf32> to vector<1x16xf32>
        tpu.vector_store %arg11[%swap3A_659, %swap3A_660], %swap3A_663 {strides = array<i32>} : memref<1024x32xf32, #tpu.memory_space<vmem>>, vector<1x16xf32>,
        %slice3A_664 = vector.extract_strided_slice %get3A_428 {offsets = [9], sizes = [1], strides = [1]} : vector<16xf32> to vector<1xf32>
        %squeeze3A_665 = vector.extract %slice3A_664[0] : f32 from vector<1xf32>
        %add3A_666 = arith.constant 9 : i32
        %add3A_667 = arith.addi %add3A_432, %add3A_666 : i32
        %get3A_668 = arith.index_cast %add3A_667 : i32 to index
        %get3A_669 = arith.constant 0 : index
        %get3A_670 = tpu.vector_load %arg11[%get3A_668, %get3A_669] {strides = array<i32>} : memref<1024x32xf32, #tpu.memory_space<vmem>>, vector<1x16xf32>,
        %get3A_671 = vector.shape_cast %get3A_670 : vector<1x16xf32> to vector<16xf32>
        %mul3A_672 = vector.broadcast %squeeze3A_665 : f32 to vector<16xf32>
        %mul3A_673 = arith.mulf %get3A_671, %mul3A_672 : vector<16xf32>
        %swap3A_674 = arith.index_cast %add3A_667 : i32 to index
        %swap3A_675 = arith.constant 0 : index
        %swap3A_676 = tpu.vector_load %arg11[%swap3A_674, %swap3A_675] {strides = array<i32>} : memref<1024x32xf32, #tpu.memory_space<vmem>>, vector<1x16xf32>,
        %swap3A_677 = vector.shape_cast %swap3A_676 : vector<1x16xf32> to vector<16xf32>
        %swap3A_678 = vector.shape_cast %mul3A_673 : vector<16xf32> to vector<1x16xf32>
        tpu.vector_store %arg11[%swap3A_674, %swap3A_675], %swap3A_678 {strides = array<i32>} : memref<1024x32xf32, #tpu.memory_space<vmem>>, vector<1x16xf32>,
        %get3A_679 = arith.index_cast %add3A_667 : i32 to index
        %get3A_680 = arith.constant 16 : index
        %get3A_681 = tpu.vector_load %arg11[%get3A_679, %get3A_680] {strides = array<i32>} : memref<1024x32xf32, #tpu.memory_space<vmem>>, vector<1x16xf32>,
        %get3A_682 = vector.shape_cast %get3A_681 : vector<1x16xf32> to vector<16xf32>
        %mul3A_683 = vector.broadcast %squeeze3A_665 : f32 to vector<16xf32>
        %mul3A_684 = arith.mulf %get3A_682, %mul3A_683 : vector<16xf32>
        %swap3A_685 = arith.index_cast %add3A_667 : i32 to index
        %swap3A_686 = arith.constant 16 : index
        %swap3A_687 = tpu.vector_load %arg11[%swap3A_685, %swap3A_686] {strides = array<i32>} : memref<1024x32xf32, #tpu.memory_space<vmem>>, vector<1x16xf32>,
        %swap3A_688 = vector.shape_cast %swap3A_687 : vector<1x16xf32> to vector<16xf32>
        %swap3A_689 = vector.shape_cast %mul3A_684 : vector<16xf32> to vector<1x16xf32>
        tpu.vector_store %arg11[%swap3A_685, %swap3A_686], %swap3A_689 {strides = array<i32>} : memref<1024x32xf32, #tpu.memory_space<vmem>>, vector<1x16xf32>,
        %slice3A_690 = vector.extract_strided_slice %get3A_428 {offsets = [10], sizes = [1], strides = [1]} : vector<16xf32> to vector<1xf32>
        %squeeze3A_691 = vector.extract %slice3A_690[0] : f32 from vector<1xf32>
        %add3A_692 = arith.constant 10 : i32
        %add3A_693 = arith.addi %add3A_432, %add3A_692 : i32
        %get3A_694 = arith.index_cast %add3A_693 : i32 to index
        %get3A_695 = arith.constant 0 : index
        %get3A_696 = tpu.vector_load %arg11[%get3A_694, %get3A_695] {strides = array<i32>} : memref<1024x32xf32, #tpu.memory_space<vmem>>, vector<1x16xf32>,
        %get3A_697 = vector.shape_cast %get3A_696 : vector<1x16xf32> to vector<16xf32>
        %mul3A_698 = vector.broadcast %squeeze3A_691 : f32 to vector<16xf32>
        %mul3A_699 = arith.mulf %get3A_697, %mul3A_698 : vector<16xf32>
        %swap3A_700 = arith.index_cast %add3A_693 : i32 to index
        %swap3A_701 = arith.constant 0 : index
        %swap3A_702 = tpu.vector_load %arg11[%swap3A_700, %swap3A_701] {strides = array<i32>} : memref<1024x32xf32, #tpu.memory_space<vmem>>, vector<1x16xf32>,
        %swap3A_703 = vector.shape_cast %swap3A_702 : vector<1x16xf32> to vector<16xf32>
        %swap3A_704 = vector.shape_cast %mul3A_699 : vector<16xf32> to vector<1x16xf32>
        tpu.vector_store %arg11[%swap3A_700, %swap3A_701], %swap3A_704 {strides = array<i32>} : memref<1024x32xf32, #tpu.memory_space<vmem>>, vector<1x16xf32>,
        %get3A_705 = arith.index_cast %add3A_693 : i32 to index
        %get3A_706 = arith.constant 16 : index
        %get3A_707 = tpu.vector_load %arg11[%get3A_705, %get3A_706] {strides = array<i32>} : memref<1024x32xf32, #tpu.memory_space<vmem>>, vector<1x16xf32>,
        %get3A_708 = vector.shape_cast %get3A_707 : vector<1x16xf32> to vector<16xf32>
        %mul3A_709 = vector.broadcast %squeeze3A_691 : f32 to vector<16xf32>
        %mul3A_710 = arith.mulf %get3A_708, %mul3A_709 : vector<16xf32>
        %swap3A_711 = arith.index_cast %add3A_693 : i32 to index
        %swap3A_712 = arith.constant 16 : index
        %swap3A_713 = tpu.vector_load %arg11[%swap3A_711, %swap3A_712] {strides = array<i32>} : memref<1024x32xf32, #tpu.memory_space<vmem>>, vector<1x16xf32>,
        %swap3A_714 = vector.shape_cast %swap3A_713 : vector<1x16xf32> to vector<16xf32>
        %swap3A_715 = vector.shape_cast %mul3A_710 : vector<16xf32> to vector<1x16xf32>
        tpu.vector_store %arg11[%swap3A_711, %swap3A_712], %swap3A_715 {strides = array<i32>} : memref<1024x32xf32, #tpu.memory_space<vmem>>, vector<1x16xf32>,
        %slice3A_716 = vector.extract_strided_slice %get3A_428 {offsets = [11], sizes = [1], strides = [1]} : vector<16xf32> to vector<1xf32>
        %squeeze3A_717 = vector.extract %slice3A_716[0] : f32 from vector<1xf32>
        %add3A_718 = arith.constant 11 : i32
        %add3A_719 = arith.addi %add3A_432, %add3A_718 : i32
        %get3A_720 = arith.index_cast %add3A_719 : i32 to index
        %get3A_721 = arith.constant 0 : index
        %get3A_722 = tpu.vector_load %arg11[%get3A_720, %get3A_721] {strides = array<i32>} : memref<1024x32xf32, #tpu.memory_space<vmem>>, vector<1x16xf32>,
        %get3A_723 = vector.shape_cast %get3A_722 : vector<1x16xf32> to vector<16xf32>
        %mul3A_724 = vector.broadcast %squeeze3A_717 : f32 to vector<16xf32>
        %mul3A_725 = arith.mulf %get3A_723, %mul3A_724 : vector<16xf32>
        %swap3A_726 = arith.index_cast %add3A_719 : i32 to index
        %swap3A_727 = arith.constant 0 : index
        %swap3A_728 = tpu.vector_load %arg11[%swap3A_726, %swap3A_727] {strides = array<i32>} : memref<1024x32xf32, #tpu.memory_space<vmem>>, vector<1x16xf32>,
        %swap3A_729 = vector.shape_cast %swap3A_728 : vector<1x16xf32> to vector<16xf32>
        %swap3A_730 = vector.shape_cast %mul3A_725 : vector<16xf32> to vector<1x16xf32>
        tpu.vector_store %arg11[%swap3A_726, %swap3A_727], %swap3A_730 {strides = array<i32>} : memref<1024x32xf32, #tpu.memory_space<vmem>>, vector<1x16xf32>,
        %get3A_731 = arith.index_cast %add3A_719 : i32 to index
        %get3A_732 = arith.constant 16 : index
        %get3A_733 = tpu.vector_load %arg11[%get3A_731, %get3A_732] {strides = array<i32>} : memref<1024x32xf32, #tpu.memory_space<vmem>>, vector<1x16xf32>,
        %get3A_734 = vector.shape_cast %get3A_733 : vector<1x16xf32> to vector<16xf32>
        %mul3A_735 = vector.broadcast %squeeze3A_717 : f32 to vector<16xf32>
        %mul3A_736 = arith.mulf %get3A_734, %mul3A_735 : vector<16xf32>
        %swap3A_737 = arith.index_cast %add3A_719 : i32 to index
        %swap3A_738 = arith.constant 16 : index
        %swap3A_739 = tpu.vector_load %arg11[%swap3A_737, %swap3A_738] {strides = array<i32>} : memref<1024x32xf32, #tpu.memory_space<vmem>>, vector<1x16xf32>,
        %swap3A_740 = vector.shape_cast %swap3A_739 : vector<1x16xf32> to vector<16xf32>
        %swap3A_741 = vector.shape_cast %mul3A_736 : vector<16xf32> to vector<1x16xf32>
        tpu.vector_store %arg11[%swap3A_737, %swap3A_738], %swap3A_741 {strides = array<i32>} : memref<1024x32xf32, #tpu.memory_space<vmem>>, vector<1x16xf32>,
        %slice3A_742 = vector.extract_strided_slice %get3A_428 {offsets = [12], sizes = [1], strides = [1]} : vector<16xf32> to vector<1xf32>
        %squeeze3A_743 = vector.extract %slice3A_742[0] : f32 from vector<1xf32>
        %add3A_744 = arith.constant 12 : i32
        %add3A_745 = arith.addi %add3A_432, %add3A_744 : i32
        %get3A_746 = arith.index_cast %add3A_745 : i32 to index
        %get3A_747 = arith.constant 0 : index
        %get3A_748 = tpu.vector_load %arg11[%get3A_746, %get3A_747] {strides = array<i32>} : memref<1024x32xf32, #tpu.memory_space<vmem>>, vector<1x16xf32>,
        %get3A_749 = vector.shape_cast %get3A_748 : vector<1x16xf32> to vector<16xf32>
        %mul3A_750 = vector.broadcast %squeeze3A_743 : f32 to vector<16xf32>
        %mul3A_751 = arith.mulf %get3A_749, %mul3A_750 : vector<16xf32>
        %swap3A_752 = arith.index_cast %add3A_745 : i32 to index
        %swap3A_753 = arith.constant 0 : index
        %swap3A_754 = tpu.vector_load %arg11[%swap3A_752, %swap3A_753] {strides = array<i32>} : memref<1024x32xf32, #tpu.memory_space<vmem>>, vector<1x16xf32>,
        %swap3A_755 = vector.shape_cast %swap3A_754 : vector<1x16xf32> to vector<16xf32>
        %swap3A_756 = vector.shape_cast %mul3A_751 : vector<16xf32> to vector<1x16xf32>
        tpu.vector_store %arg11[%swap3A_752, %swap3A_753], %swap3A_756 {strides = array<i32>} : memref<1024x32xf32, #tpu.memory_space<vmem>>, vector<1x16xf32>,
        %get3A_757 = arith.index_cast %add3A_745 : i32 to index
        %get3A_758 = arith.constant 16 : index
        %get3A_759 = tpu.vector_load %arg11[%get3A_757, %get3A_758] {strides = array<i32>} : memref<1024x32xf32, #tpu.memory_space<vmem>>, vector<1x16xf32>,
        %get3A_760 = vector.shape_cast %get3A_759 : vector<1x16xf32> to vector<16xf32>
        %mul3A_761 = vector.broadcast %squeeze3A_743 : f32 to vector<16xf32>
        %mul3A_762 = arith.mulf %get3A_760, %mul3A_761 : vector<16xf32>
        %swap3A_763 = arith.index_cast %add3A_745 : i32 to index
        %swap3A_764 = arith.constant 16 : index
        %swap3A_765 = tpu.vector_load %arg11[%swap3A_763, %swap3A_764] {strides = array<i32>} : memref<1024x32xf32, #tpu.memory_space<vmem>>, vector<1x16xf32>,
        %swap3A_766 = vector.shape_cast %swap3A_765 : vector<1x16xf32> to vector<16xf32>
        %swap3A_767 = vector.shape_cast %mul3A_762 : vector<16xf32> to vector<1x16xf32>
        tpu.vector_store %arg11[%swap3A_763, %swap3A_764], %swap3A_767 {strides = array<i32>} : memref<1024x32xf32, #tpu.memory_space<vmem>>, vector<1x16xf32>,
        %slice3A_768 = vector.extract_strided_slice %get3A_428 {offsets = [13], sizes = [1], strides = [1]} : vector<16xf32> to vector<1xf32>
        %squeeze3A_769 = vector.extract %slice3A_768[0] : f32 from vector<1xf32>
        %add3A_770 = arith.constant 13 : i32
        %add3A_771 = arith.addi %add3A_432, %add3A_770 : i32
        %get3A_772 = arith.index_cast %add3A_771 : i32 to index
        %get3A_773 = arith.constant 0 : index
        %get3A_774 = tpu.vector_load %arg11[%get3A_772, %get3A_773] {strides = array<i32>} : memref<1024x32xf32, #tpu.memory_space<vmem>>, vector<1x16xf32>,
        %get3A_775 = vector.shape_cast %get3A_774 : vector<1x16xf32> to vector<16xf32>
        %mul3A_776 = vector.broadcast %squeeze3A_769 : f32 to vector<16xf32>
        %mul3A_777 = arith.mulf %get3A_775, %mul3A_776 : vector<16xf32>
        %swap3A_778 = arith.index_cast %add3A_771 : i32 to index
        %swap3A_779 = arith.constant 0 : index
        %swap3A_780 = tpu.vector_load %arg11[%swap3A_778, %swap3A_779] {strides = array<i32>} : memref<1024x32xf32, #tpu.memory_space<vmem>>, vector<1x16xf32>,
        %swap3A_781 = vector.shape_cast %swap3A_780 : vector<1x16xf32> to vector<16xf32>
        %swap3A_782 = vector.shape_cast %mul3A_777 : vector<16xf32> to vector<1x16xf32>
        tpu.vector_store %arg11[%swap3A_778, %swap3A_779], %swap3A_782 {strides = array<i32>} : memref<1024x32xf32, #tpu.memory_space<vmem>>, vector<1x16xf32>,
        %get3A_783 = arith.index_cast %add3A_771 : i32 to index
        %get3A_784 = arith.constant 16 : index
        %get3A_785 = tpu.vector_load %arg11[%get3A_783, %get3A_784] {strides = array<i32>} : memref<1024x32xf32, #tpu.memory_space<vmem>>, vector<1x16xf32>,
        %get3A_786 = vector.shape_cast %get3A_785 : vector<1x16xf32> to vector<16xf32>
        %mul3A_787 = vector.broadcast %squeeze3A_769 : f32 to vector<16xf32>
        %mul3A_788 = arith.mulf %get3A_786, %mul3A_787 : vector<16xf32>
        %swap3A_789 = arith.index_cast %add3A_771 : i32 to index
        %swap3A_790 = arith.constant 16 : index
        %swap3A_791 = tpu.vector_load %arg11[%swap3A_789, %swap3A_790] {strides = array<i32>} : memref<1024x32xf32, #tpu.memory_space<vmem>>, vector<1x16xf32>,
        %swap3A_792 = vector.shape_cast %swap3A_791 : vector<1x16xf32> to vector<16xf32>
        %swap3A_793 = vector.shape_cast %mul3A_788 : vector<16xf32> to vector<1x16xf32>
        tpu.vector_store %arg11[%swap3A_789, %swap3A_790], %swap3A_793 {strides = array<i32>} : memref<1024x32xf32, #tpu.memory_space<vmem>>, vector<1x16xf32>,
        %slice3A_794 = vector.extract_strided_slice %get3A_428 {offsets = [14], sizes = [1], strides = [1]} : vector<16xf32> to vector<1xf32>
        %squeeze3A_795 = vector.extract %slice3A_794[0] : f32 from vector<1xf32>
        %add3A_796 = arith.constant 14 : i32
        %add3A_797 = arith.addi %add3A_432, %add3A_796 : i32
        %get3A_798 = arith.index_cast %add3A_797 : i32 to index
        %get3A_799 = arith.constant 0 : index
        %get3A_800 = tpu.vector_load %arg11[%get3A_798, %get3A_799] {strides = array<i32>} : memref<1024x32xf32, #tpu.memory_space<vmem>>, vector<1x16xf32>,
        %get3A_801 = vector.shape_cast %get3A_800 : vector<1x16xf32> to vector<16xf32>
        %mul3A_802 = vector.broadcast %squeeze3A_795 : f32 to vector<16xf32>
        %mul3A_803 = arith.mulf %get3A_801, %mul3A_802 : vector<16xf32>
        %swap3A_804 = arith.index_cast %add3A_797 : i32 to index
        %swap3A_805 = arith.constant 0 : index
        %swap3A_806 = tpu.vector_load %arg11[%swap3A_804, %swap3A_805] {strides = array<i32>} : memref<1024x32xf32, #tpu.memory_space<vmem>>, vector<1x16xf32>,
        %swap3A_807 = vector.shape_cast %swap3A_806 : vector<1x16xf32> to vector<16xf32>
        %swap3A_808 = vector.shape_cast %mul3A_803 : vector<16xf32> to vector<1x16xf32>
        tpu.vector_store %arg11[%swap3A_804, %swap3A_805], %swap3A_808 {strides = array<i32>} : memref<1024x32xf32, #tpu.memory_space<vmem>>, vector<1x16xf32>,
        %get3A_809 = arith.index_cast %add3A_797 : i32 to index
        %get3A_810 = arith.constant 16 : index
        %get3A_811 = tpu.vector_load %arg11[%get3A_809, %get3A_810] {strides = array<i32>} : memref<1024x32xf32, #tpu.memory_space<vmem>>, vector<1x16xf32>,
        %get3A_812 = vector.shape_cast %get3A_811 : vector<1x16xf32> to vector<16xf32>
        %mul3A_813 = vector.broadcast %squeeze3A_795 : f32 to vector<16xf32>
        %mul3A_814 = arith.mulf %get3A_812, %mul3A_813 : vector<16xf32>
        %swap3A_815 = arith.index_cast %add3A_797 : i32 to index
        %swap3A_816 = arith.constant 16 : index
        %swap3A_817 = tpu.vector_load %arg11[%swap3A_815, %swap3A_816] {strides = array<i32>} : memref<1024x32xf32, #tpu.memory_space<vmem>>, vector<1x16xf32>,
        %swap3A_818 = vector.shape_cast %swap3A_817 : vector<1x16xf32> to vector<16xf32>
        %swap3A_819 = vector.shape_cast %mul3A_814 : vector<16xf32> to vector<1x16xf32>
        tpu.vector_store %arg11[%swap3A_815, %swap3A_816], %swap3A_819 {strides = array<i32>} : memref<1024x32xf32, #tpu.memory_space<vmem>>, vector<1x16xf32>,
        %slice3A_820 = vector.extract_strided_slice %get3A_428 {offsets = [15], sizes = [1], strides = [1]} : vector<16xf32> to vector<1xf32>
        %squeeze3A_821 = vector.extract %slice3A_820[0] : f32 from vector<1xf32>
        %add3A_822 = arith.constant 15 : i32
        %add3A_823 = arith.addi %add3A_432, %add3A_822 : i32
        %get3A_824 = arith.index_cast %add3A_823 : i32 to index
        %get3A_825 = arith.constant 0 : index
        %get3A_826 = tpu.vector_load %arg11[%get3A_824, %get3A_825] {strides = array<i32>} : memref<1024x32xf32, #tpu.memory_space<vmem>>, vector<1x16xf32>,
        %get3A_827 = vector.shape_cast %get3A_826 : vector<1x16xf32> to vector<16xf32>
        %mul3A_828 = vector.broadcast %squeeze3A_821 : f32 to vector<16xf32>
        %mul3A_829 = arith.mulf %get3A_827, %mul3A_828 : vector<16xf32>
        %swap3A_830 = arith.index_cast %add3A_823 : i32 to index
        %swap3A_831 = arith.constant 0 : index
        %swap3A_832 = tpu.vector_load %arg11[%swap3A_830, %swap3A_831] {strides = array<i32>} : memref<1024x32xf32, #tpu.memory_space<vmem>>, vector<1x16xf32>,
        %swap3A_833 = vector.shape_cast %swap3A_832 : vector<1x16xf32> to vector<16xf32>
        %swap3A_834 = vector.shape_cast %mul3A_829 : vector<16xf32> to vector<1x16xf32>
        tpu.vector_store %arg11[%swap3A_830, %swap3A_831], %swap3A_834 {strides = array<i32>} : memref<1024x32xf32, #tpu.memory_space<vmem>>, vector<1x16xf32>,
        %get3A_835 = arith.index_cast %add3A_823 : i32 to index
        %get3A_836 = arith.constant 16 : index
        %get3A_837 = tpu.vector_load %arg11[%get3A_835, %get3A_836] {strides = array<i32>} : memref<1024x32xf32, #tpu.memory_space<vmem>>, vector<1x16xf32>,
        %get3A_838 = vector.shape_cast %get3A_837 : vector<1x16xf32> to vector<16xf32>
        %mul3A_839 = vector.broadcast %squeeze3A_821 : f32 to vector<16xf32>
        %mul3A_840 = arith.mulf %get3A_838, %mul3A_839 : vector<16xf32>
        %swap3A_841 = arith.index_cast %add3A_823 : i32 to index
        %swap3A_842 = arith.constant 16 : index
        %swap3A_843 = tpu.vector_load %arg11[%swap3A_841, %swap3A_842] {strides = array<i32>} : memref<1024x32xf32, #tpu.memory_space<vmem>>, vector<1x16xf32>,
        %swap3A_844 = vector.shape_cast %swap3A_843 : vector<1x16xf32> to vector<16xf32>
        %swap3A_845 = vector.shape_cast %mul3A_840 : vector<16xf32> to vector<1x16xf32>
        tpu.vector_store %arg11[%swap3A_841, %swap3A_842], %swap3A_845 {strides = array<i32>} : memref<1024x32xf32, #tpu.memory_space<vmem>>, vector<1x16xf32>,
      }
      %scan3A_315 = arith.constant 8 : i32
      %dma_start3A_316 = arith.constant 6 : i32
      %dma_start3A_317 = arith.constant 768 : i32
      %dma_start3A_318 = arith.constant 0 : i32
      %dma_start3A_319 = tpu.memref_slice %arg11[%dma_start3A_317, %dma_start3A_318] : memref<1024x32xf32, #tpu.memory_space<vmem>> -> memref<128x32xf32, #tpu.memory_space<vmem>>
      %dma_start3A_320 = arith.constant 0 : i32
      %dma_start3A_321 = tpu.memref_slice %arg9[%dma_start3A_316, %dma_start3A_320] : memref<8x128xi32, #tpu.memory_space<vmem>> -> memref<1x128xi32, #tpu.memory_space<vmem>>
      %dma_start3A_322 = tpu.memref_squeeze %dma_start3A_321 : memref<1x128xi32, #tpu.memory_space<vmem>> -> memref<128xi32, #tpu.memory_space<vmem>>
      %dma_start3A_323 = arith.constant 0 : i32
      %dma_start3A_324 = arith.constant 0 : i32
      %dma_start3A_325 = tpu.memref_slice %arg12[%dma_start3A_323, %dma_start3A_324] : memref<16384x32xf32, #tpu.memory_space<vmem_shared>> -> memref<16384x32xf32, #tpu.memory_space<vmem_shared>>
      tpu.enqueue_indirect_dma source(%dma_start3A_319 : memref<128x32xf32, #tpu.memory_space<vmem>>) target(%dma_start3A_325 : memref<16384x32xf32, #tpu.memory_space<vmem_shared>>) offsets(%dma_start3A_322 : memref<128xi32, #tpu.memory_space<vmem>>) semaphore(%arg14 : memref<!tpu.dma_semaphore, #tpu.memory_space<semaphore_mem>>) {add = true}
      %scan3A_326 = arith.constant 0 : i32
      %scan3A_327 = arith.constant 0 : i32
      %scan3A_328 = arith.constant 8 : i32
      %scan3A_329 = arith.addi %scan3A_327, %scan3A_328 : i32
      %scan3A_330 = arith.constant 1 : i32
      scf.for %scan3A_422 = %scan3A_327 to %scan3A_329 step %scan3A_330  : i32 {
        %mul3A_423 = arith.constant 16 : i32
        %mul3A_424 = arith.muli %scan3A_422, %mul3A_423 : i32
        %get3A = arith.constant 7 : i32
        %get3A_425 = arith.index_cast %get3A : i32 to index
        %get3A_426 = arith.index_cast %mul3A_424 : i32 to index
        %get3A_427 = tpu.vector_load %arg10[%get3A_425, %get3A_426] {strides = array<i32>} : memref<8x128xf32, #tpu.memory_space<vmem>>, vector<1x16xf32>,
        %get3A_428 = vector.shape_cast %get3A_427 : vector<1x16xf32> to vector<16xf32>
        %mul3A_429 = arith.constant 16 : i32
        %mul3A_430 = arith.muli %scan3A_422, %mul3A_429 : i32
        %add3A_431 = arith.constant 896 : i32
        %add3A_432 = arith.addi %add3A_431, %mul3A_430 : i32
        %slice3A = vector.extract_strided_slice %get3A_428 {offsets = [0], sizes = [1], strides = [1]} : vector<16xf32> to vector<1xf32>
        %squeeze3A = vector.extract %slice3A[0] : f32 from vector<1xf32>
        %add3A_433 = arith.constant 0 : i32
        %add3A_434 = arith.addi %add3A_432, %add3A_433 : i32
        %get3A_435 = arith.index_cast %add3A_434 : i32 to index
        %get3A_436 = arith.constant 0 : index
        %get3A_437 = tpu.vector_load %arg11[%get3A_435, %get3A_436] {strides = array<i32>} : memref<1024x32xf32, #tpu.memory_space<vmem>>, vector<1x16xf32>,
        %get3A_438 = vector.shape_cast %get3A_437 : vector<1x16xf32> to vector<16xf32>
        %mul3A_439 = vector.broadcast %squeeze3A : f32 to vector<16xf32>
        %mul3A_440 = arith.mulf %get3A_438, %mul3A_439 : vector<16xf32>
        %swap3A = arith.index_cast %add3A_434 : i32 to index
        %swap3A_441 = arith.constant 0 : index
        %swap3A_442 = tpu.vector_load %arg11[%swap3A, %swap3A_441] {strides = array<i32>} : memref<1024x32xf32, #tpu.memory_space<vmem>>, vector<1x16xf32>,
        %swap3A_443 = vector.shape_cast %swap3A_442 : vector<1x16xf32> to vector<16xf32>
        %swap3A_444 = vector.shape_cast %mul3A_440 : vector<16xf32> to vector<1x16xf32>
        tpu.vector_store %arg11[%swap3A, %swap3A_441], %swap3A_444 {strides = array<i32>} : memref<1024x32xf32, #tpu.memory_space<vmem>>, vector<1x16xf32>,
        %get3A_445 = arith.index_cast %add3A_434 : i32 to index
        %get3A_446 = arith.constant 16 : index
        %get3A_447 = tpu.vector_load %arg11[%get3A_445, %get3A_446] {strides = array<i32>} : memref<1024x32xf32, #tpu.memory_space<vmem>>, vector<1x16xf32>,
        %get3A_448 = vector.shape_cast %get3A_447 : vector<1x16xf32> to vector<16xf32>
        %mul3A_449 = vector.broadcast %squeeze3A : f32 to vector<16xf32>
        %mul3A_450 = arith.mulf %get3A_448, %mul3A_449 : vector<16xf32>
        %swap3A_451 = arith.index_cast %add3A_434 : i32 to index
        %swap3A_452 = arith.constant 16 : index
        %swap3A_453 = tpu.vector_load %arg11[%swap3A_451, %swap3A_452] {strides = array<i32>} : memref<1024x32xf32, #tpu.memory_space<vmem>>, vector<1x16xf32>,
        %swap3A_454 = vector.shape_cast %swap3A_453 : vector<1x16xf32> to vector<16xf32>
        %swap3A_455 = vector.shape_cast %mul3A_450 : vector<16xf32> to vector<1x16xf32>
        tpu.vector_store %arg11[%swap3A_451, %swap3A_452], %swap3A_455 {strides = array<i32>} : memref<1024x32xf32, #tpu.memory_space<vmem>>, vector<1x16xf32>,
        %slice3A_456 = vector.extract_strided_slice %get3A_428 {offsets = [1], sizes = [1], strides = [1]} : vector<16xf32> to vector<1xf32>
        %squeeze3A_457 = vector.extract %slice3A_456[0] : f32 from vector<1xf32>
        %add3A_458 = arith.constant 1 : i32
        %add3A_459 = arith.addi %add3A_432, %add3A_458 : i32
        %get3A_460 = arith.index_cast %add3A_459 : i32 to index
        %get3A_461 = arith.constant 0 : index
        %get3A_462 = tpu.vector_load %arg11[%get3A_460, %get3A_461] {strides = array<i32>} : memref<1024x32xf32, #tpu.memory_space<vmem>>, vector<1x16xf32>,
        %get3A_463 = vector.shape_cast %get3A_462 : vector<1x16xf32> to vector<16xf32>
        %mul3A_464 = vector.broadcast %squeeze3A_457 : f32 to vector<16xf32>
        %mul3A_465 = arith.mulf %get3A_463, %mul3A_464 : vector<16xf32>
        %swap3A_466 = arith.index_cast %add3A_459 : i32 to index
        %swap3A_467 = arith.constant 0 : index
        %swap3A_468 = tpu.vector_load %arg11[%swap3A_466, %swap3A_467] {strides = array<i32>} : memref<1024x32xf32, #tpu.memory_space<vmem>>, vector<1x16xf32>,
        %swap3A_469 = vector.shape_cast %swap3A_468 : vector<1x16xf32> to vector<16xf32>
        %swap3A_470 = vector.shape_cast %mul3A_465 : vector<16xf32> to vector<1x16xf32>
        tpu.vector_store %arg11[%swap3A_466, %swap3A_467], %swap3A_470 {strides = array<i32>} : memref<1024x32xf32, #tpu.memory_space<vmem>>, vector<1x16xf32>,
        %get3A_471 = arith.index_cast %add3A_459 : i32 to index
        %get3A_472 = arith.constant 16 : index
        %get3A_473 = tpu.vector_load %arg11[%get3A_471, %get3A_472] {strides = array<i32>} : memref<1024x32xf32, #tpu.memory_space<vmem>>, vector<1x16xf32>,
        %get3A_474 = vector.shape_cast %get3A_473 : vector<1x16xf32> to vector<16xf32>
        %mul3A_475 = vector.broadcast %squeeze3A_457 : f32 to vector<16xf32>
        %mul3A_476 = arith.mulf %get3A_474, %mul3A_475 : vector<16xf32>
        %swap3A_477 = arith.index_cast %add3A_459 : i32 to index
        %swap3A_478 = arith.constant 16 : index
        %swap3A_479 = tpu.vector_load %arg11[%swap3A_477, %swap3A_478] {strides = array<i32>} : memref<1024x32xf32, #tpu.memory_space<vmem>>, vector<1x16xf32>,
        %swap3A_480 = vector.shape_cast %swap3A_479 : vector<1x16xf32> to vector<16xf32>
        %swap3A_481 = vector.shape_cast %mul3A_476 : vector<16xf32> to vector<1x16xf32>
        tpu.vector_store %arg11[%swap3A_477, %swap3A_478], %swap3A_481 {strides = array<i32>} : memref<1024x32xf32, #tpu.memory_space<vmem>>, vector<1x16xf32>,
        %slice3A_482 = vector.extract_strided_slice %get3A_428 {offsets = [2], sizes = [1], strides = [1]} : vector<16xf32> to vector<1xf32>
        %squeeze3A_483 = vector.extract %slice3A_482[0] : f32 from vector<1xf32>
        %add3A_484 = arith.constant 2 : i32
        %add3A_485 = arith.addi %add3A_432, %add3A_484 : i32
        %get3A_486 = arith.index_cast %add3A_485 : i32 to index
        %get3A_487 = arith.constant 0 : index
        %get3A_488 = tpu.vector_load %arg11[%get3A_486, %get3A_487] {strides = array<i32>} : memref<1024x32xf32, #tpu.memory_space<vmem>>, vector<1x16xf32>,
        %get3A_489 = vector.shape_cast %get3A_488 : vector<1x16xf32> to vector<16xf32>
        %mul3A_490 = vector.broadcast %squeeze3A_483 : f32 to vector<16xf32>
        %mul3A_491 = arith.mulf %get3A_489, %mul3A_490 : vector<16xf32>
        %swap3A_492 = arith.index_cast %add3A_485 : i32 to index
        %swap3A_493 = arith.constant 0 : index
        %swap3A_494 = tpu.vector_load %arg11[%swap3A_492, %swap3A_493] {strides = array<i32>} : memref<1024x32xf32, #tpu.memory_space<vmem>>, vector<1x16xf32>,
        %swap3A_495 = vector.shape_cast %swap3A_494 : vector<1x16xf32> to vector<16xf32>
        %swap3A_496 = vector.shape_cast %mul3A_491 : vector<16xf32> to vector<1x16xf32>
        tpu.vector_store %arg11[%swap3A_492, %swap3A_493], %swap3A_496 {strides = array<i32>} : memref<1024x32xf32, #tpu.memory_space<vmem>>, vector<1x16xf32>,
        %get3A_497 = arith.index_cast %add3A_485 : i32 to index
        %get3A_498 = arith.constant 16 : index
        %get3A_499 = tpu.vector_load %arg11[%get3A_497, %get3A_498] {strides = array<i32>} : memref<1024x32xf32, #tpu.memory_space<vmem>>, vector<1x16xf32>,
        %get3A_500 = vector.shape_cast %get3A_499 : vector<1x16xf32> to vector<16xf32>
        %mul3A_501 = vector.broadcast %squeeze3A_483 : f32 to vector<16xf32>
        %mul3A_502 = arith.mulf %get3A_500, %mul3A_501 : vector<16xf32>
        %swap3A_503 = arith.index_cast %add3A_485 : i32 to index
        %swap3A_504 = arith.constant 16 : index
        %swap3A_505 = tpu.vector_load %arg11[%swap3A_503, %swap3A_504] {strides = array<i32>} : memref<1024x32xf32, #tpu.memory_space<vmem>>, vector<1x16xf32>,
        %swap3A_506 = vector.shape_cast %swap3A_505 : vector<1x16xf32> to vector<16xf32>
        %swap3A_507 = vector.shape_cast %mul3A_502 : vector<16xf32> to vector<1x16xf32>
        tpu.vector_store %arg11[%swap3A_503, %swap3A_504], %swap3A_507 {strides = array<i32>} : memref<1024x32xf32, #tpu.memory_space<vmem>>, vector<1x16xf32>,
        %slice3A_508 = vector.extract_strided_slice %get3A_428 {offsets = [3], sizes = [1], strides = [1]} : vector<16xf32> to vector<1xf32>
        %squeeze3A_509 = vector.extract %slice3A_508[0] : f32 from vector<1xf32>
        %add3A_510 = arith.constant 3 : i32
        %add3A_511 = arith.addi %add3A_432, %add3A_510 : i32
        %get3A_512 = arith.index_cast %add3A_511 : i32 to index
        %get3A_513 = arith.constant 0 : index
        %get3A_514 = tpu.vector_load %arg11[%get3A_512, %get3A_513] {strides = array<i32>} : memref<1024x32xf32, #tpu.memory_space<vmem>>, vector<1x16xf32>,
        %get3A_515 = vector.shape_cast %get3A_514 : vector<1x16xf32> to vector<16xf32>
        %mul3A_516 = vector.broadcast %squeeze3A_509 : f32 to vector<16xf32>
        %mul3A_517 = arith.mulf %get3A_515, %mul3A_516 : vector<16xf32>
        %swap3A_518 = arith.index_cast %add3A_511 : i32 to index
        %swap3A_519 = arith.constant 0 : index
        %swap3A_520 = tpu.vector_load %arg11[%swap3A_518, %swap3A_519] {strides = array<i32>} : memref<1024x32xf32, #tpu.memory_space<vmem>>, vector<1x16xf32>,
        %swap3A_521 = vector.shape_cast %swap3A_520 : vector<1x16xf32> to vector<16xf32>
        %swap3A_522 = vector.shape_cast %mul3A_517 : vector<16xf32> to vector<1x16xf32>
        tpu.vector_store %arg11[%swap3A_518, %swap3A_519], %swap3A_522 {strides = array<i32>} : memref<1024x32xf32, #tpu.memory_space<vmem>>, vector<1x16xf32>,
        %get3A_523 = arith.index_cast %add3A_511 : i32 to index
        %get3A_524 = arith.constant 16 : index
        %get3A_525 = tpu.vector_load %arg11[%get3A_523, %get3A_524] {strides = array<i32>} : memref<1024x32xf32, #tpu.memory_space<vmem>>, vector<1x16xf32>,
        %get3A_526 = vector.shape_cast %get3A_525 : vector<1x16xf32> to vector<16xf32>
        %mul3A_527 = vector.broadcast %squeeze3A_509 : f32 to vector<16xf32>
        %mul3A_528 = arith.mulf %get3A_526, %mul3A_527 : vector<16xf32>
        %swap3A_529 = arith.index_cast %add3A_511 : i32 to index
        %swap3A_530 = arith.constant 16 : index
        %swap3A_531 = tpu.vector_load %arg11[%swap3A_529, %swap3A_530] {strides = array<i32>} : memref<1024x32xf32, #tpu.memory_space<vmem>>, vector<1x16xf32>,
        %swap3A_532 = vector.shape_cast %swap3A_531 : vector<1x16xf32> to vector<16xf32>
        %swap3A_533 = vector.shape_cast %mul3A_528 : vector<16xf32> to vector<1x16xf32>
        tpu.vector_store %arg11[%swap3A_529, %swap3A_530], %swap3A_533 {strides = array<i32>} : memref<1024x32xf32, #tpu.memory_space<vmem>>, vector<1x16xf32>,
        %slice3A_534 = vector.extract_strided_slice %get3A_428 {offsets = [4], sizes = [1], strides = [1]} : vector<16xf32> to vector<1xf32>
        %squeeze3A_535 = vector.extract %slice3A_534[0] : f32 from vector<1xf32>
        %add3A_536 = arith.constant 4 : i32
        %add3A_537 = arith.addi %add3A_432, %add3A_536 : i32
        %get3A_538 = arith.index_cast %add3A_537 : i32 to index
        %get3A_539 = arith.constant 0 : index
        %get3A_540 = tpu.vector_load %arg11[%get3A_538, %get3A_539] {strides = array<i32>} : memref<1024x32xf32, #tpu.memory_space<vmem>>, vector<1x16xf32>,
        %get3A_541 = vector.shape_cast %get3A_540 : vector<1x16xf32> to vector<16xf32>
        %mul3A_542 = vector.broadcast %squeeze3A_535 : f32 to vector<16xf32>
        %mul3A_543 = arith.mulf %get3A_541, %mul3A_542 : vector<16xf32>
        %swap3A_544 = arith.index_cast %add3A_537 : i32 to index
        %swap3A_545 = arith.constant 0 : index
        %swap3A_546 = tpu.vector_load %arg11[%swap3A_544, %swap3A_545] {strides = array<i32>} : memref<1024x32xf32, #tpu.memory_space<vmem>>, vector<1x16xf32>,
        %swap3A_547 = vector.shape_cast %swap3A_546 : vector<1x16xf32> to vector<16xf32>
        %swap3A_548 = vector.shape_cast %mul3A_543 : vector<16xf32> to vector<1x16xf32>
        tpu.vector_store %arg11[%swap3A_544, %swap3A_545], %swap3A_548 {strides = array<i32>} : memref<1024x32xf32, #tpu.memory_space<vmem>>, vector<1x16xf32>,
        %get3A_549 = arith.index_cast %add3A_537 : i32 to index
        %get3A_550 = arith.constant 16 : index
        %get3A_551 = tpu.vector_load %arg11[%get3A_549, %get3A_550] {strides = array<i32>} : memref<1024x32xf32, #tpu.memory_space<vmem>>, vector<1x16xf32>,
        %get3A_552 = vector.shape_cast %get3A_551 : vector<1x16xf32> to vector<16xf32>
        %mul3A_553 = vector.broadcast %squeeze3A_535 : f32 to vector<16xf32>
        %mul3A_554 = arith.mulf %get3A_552, %mul3A_553 : vector<16xf32>
        %swap3A_555 = arith.index_cast %add3A_537 : i32 to index
        %swap3A_556 = arith.constant 16 : index
        %swap3A_557 = tpu.vector_load %arg11[%swap3A_555, %swap3A_556] {strides = array<i32>} : memref<1024x32xf32, #tpu.memory_space<vmem>>, vector<1x16xf32>,
        %swap3A_558 = vector.shape_cast %swap3A_557 : vector<1x16xf32> to vector<16xf32>
        %swap3A_559 = vector.shape_cast %mul3A_554 : vector<16xf32> to vector<1x16xf32>
        tpu.vector_store %arg11[%swap3A_555, %swap3A_556], %swap3A_559 {strides = array<i32>} : memref<1024x32xf32, #tpu.memory_space<vmem>>, vector<1x16xf32>,
        %slice3A_560 = vector.extract_strided_slice %get3A_428 {offsets = [5], sizes = [1], strides = [1]} : vector<16xf32> to vector<1xf32>
        %squeeze3A_561 = vector.extract %slice3A_560[0] : f32 from vector<1xf32>
        %add3A_562 = arith.constant 5 : i32
        %add3A_563 = arith.addi %add3A_432, %add3A_562 : i32
        %get3A_564 = arith.index_cast %add3A_563 : i32 to index
        %get3A_565 = arith.constant 0 : index
        %get3A_566 = tpu.vector_load %arg11[%get3A_564, %get3A_565] {strides = array<i32>} : memref<1024x32xf32, #tpu.memory_space<vmem>>, vector<1x16xf32>,
        %get3A_567 = vector.shape_cast %get3A_566 : vector<1x16xf32> to vector<16xf32>
        %mul3A_568 = vector.broadcast %squeeze3A_561 : f32 to vector<16xf32>
        %mul3A_569 = arith.mulf %get3A_567, %mul3A_568 : vector<16xf32>
        %swap3A_570 = arith.index_cast %add3A_563 : i32 to index
        %swap3A_571 = arith.constant 0 : index
        %swap3A_572 = tpu.vector_load %arg11[%swap3A_570, %swap3A_571] {strides = array<i32>} : memref<1024x32xf32, #tpu.memory_space<vmem>>, vector<1x16xf32>,
        %swap3A_573 = vector.shape_cast %swap3A_572 : vector<1x16xf32> to vector<16xf32>
        %swap3A_574 = vector.shape_cast %mul3A_569 : vector<16xf32> to vector<1x16xf32>
        tpu.vector_store %arg11[%swap3A_570, %swap3A_571], %swap3A_574 {strides = array<i32>} : memref<1024x32xf32, #tpu.memory_space<vmem>>, vector<1x16xf32>,
        %get3A_575 = arith.index_cast %add3A_563 : i32 to index
        %get3A_576 = arith.constant 16 : index
        %get3A_577 = tpu.vector_load %arg11[%get3A_575, %get3A_576] {strides = array<i32>} : memref<1024x32xf32, #tpu.memory_space<vmem>>, vector<1x16xf32>,
        %get3A_578 = vector.shape_cast %get3A_577 : vector<1x16xf32> to vector<16xf32>
        %mul3A_579 = vector.broadcast %squeeze3A_561 : f32 to vector<16xf32>
        %mul3A_580 = arith.mulf %get3A_578, %mul3A_579 : vector<16xf32>
        %swap3A_581 = arith.index_cast %add3A_563 : i32 to index
        %swap3A_582 = arith.constant 16 : index
        %swap3A_583 = tpu.vector_load %arg11[%swap3A_581, %swap3A_582] {strides = array<i32>} : memref<1024x32xf32, #tpu.memory_space<vmem>>, vector<1x16xf32>,
        %swap3A_584 = vector.shape_cast %swap3A_583 : vector<1x16xf32> to vector<16xf32>
        %swap3A_585 = vector.shape_cast %mul3A_580 : vector<16xf32> to vector<1x16xf32>
        tpu.vector_store %arg11[%swap3A_581, %swap3A_582], %swap3A_585 {strides = array<i32>} : memref<1024x32xf32, #tpu.memory_space<vmem>>, vector<1x16xf32>,
        %slice3A_586 = vector.extract_strided_slice %get3A_428 {offsets = [6], sizes = [1], strides = [1]} : vector<16xf32> to vector<1xf32>
        %squeeze3A_587 = vector.extract %slice3A_586[0] : f32 from vector<1xf32>
        %add3A_588 = arith.constant 6 : i32
        %add3A_589 = arith.addi %add3A_432, %add3A_588 : i32
        %get3A_590 = arith.index_cast %add3A_589 : i32 to index
        %get3A_591 = arith.constant 0 : index
        %get3A_592 = tpu.vector_load %arg11[%get3A_590, %get3A_591] {strides = array<i32>} : memref<1024x32xf32, #tpu.memory_space<vmem>>, vector<1x16xf32>,
        %get3A_593 = vector.shape_cast %get3A_592 : vector<1x16xf32> to vector<16xf32>
        %mul3A_594 = vector.broadcast %squeeze3A_587 : f32 to vector<16xf32>
        %mul3A_595 = arith.mulf %get3A_593, %mul3A_594 : vector<16xf32>
        %swap3A_596 = arith.index_cast %add3A_589 : i32 to index
        %swap3A_597 = arith.constant 0 : index
        %swap3A_598 = tpu.vector_load %arg11[%swap3A_596, %swap3A_597] {strides = array<i32>} : memref<1024x32xf32, #tpu.memory_space<vmem>>, vector<1x16xf32>,
        %swap3A_599 = vector.shape_cast %swap3A_598 : vector<1x16xf32> to vector<16xf32>
        %swap3A_600 = vector.shape_cast %mul3A_595 : vector<16xf32> to vector<1x16xf32>
        tpu.vector_store %arg11[%swap3A_596, %swap3A_597], %swap3A_600 {strides = array<i32>} : memref<1024x32xf32, #tpu.memory_space<vmem>>, vector<1x16xf32>,
        %get3A_601 = arith.index_cast %add3A_589 : i32 to index
        %get3A_602 = arith.constant 16 : index
        %get3A_603 = tpu.vector_load %arg11[%get3A_601, %get3A_602] {strides = array<i32>} : memref<1024x32xf32, #tpu.memory_space<vmem>>, vector<1x16xf32>,
        %get3A_604 = vector.shape_cast %get3A_603 : vector<1x16xf32> to vector<16xf32>
        %mul3A_605 = vector.broadcast %squeeze3A_587 : f32 to vector<16xf32>
        %mul3A_606 = arith.mulf %get3A_604, %mul3A_605 : vector<16xf32>
        %swap3A_607 = arith.index_cast %add3A_589 : i32 to index
        %swap3A_608 = arith.constant 16 : index
        %swap3A_609 = tpu.vector_load %arg11[%swap3A_607, %swap3A_608] {strides = array<i32>} : memref<1024x32xf32, #tpu.memory_space<vmem>>, vector<1x16xf32>,
        %swap3A_610 = vector.shape_cast %swap3A_609 : vector<1x16xf32> to vector<16xf32>
        %swap3A_611 = vector.shape_cast %mul3A_606 : vector<16xf32> to vector<1x16xf32>
        tpu.vector_store %arg11[%swap3A_607, %swap3A_608], %swap3A_611 {strides = array<i32>} : memref<1024x32xf32, #tpu.memory_space<vmem>>, vector<1x16xf32>,
        %slice3A_612 = vector.extract_strided_slice %get3A_428 {offsets = [7], sizes = [1], strides = [1]} : vector<16xf32> to vector<1xf32>
        %squeeze3A_613 = vector.extract %slice3A_612[0] : f32 from vector<1xf32>
        %add3A_614 = arith.constant 7 : i32
        %add3A_615 = arith.addi %add3A_432, %add3A_614 : i32
        %get3A_616 = arith.index_cast %add3A_615 : i32 to index
        %get3A_617 = arith.constant 0 : index
        %get3A_618 = tpu.vector_load %arg11[%get3A_616, %get3A_617] {strides = array<i32>} : memref<1024x32xf32, #tpu.memory_space<vmem>>, vector<1x16xf32>,
        %get3A_619 = vector.shape_cast %get3A_618 : vector<1x16xf32> to vector<16xf32>
        %mul3A_620 = vector.broadcast %squeeze3A_613 : f32 to vector<16xf32>
        %mul3A_621 = arith.mulf %get3A_619, %mul3A_620 : vector<16xf32>
        %swap3A_622 = arith.index_cast %add3A_615 : i32 to index
        %swap3A_623 = arith.constant 0 : index
        %swap3A_624 = tpu.vector_load %arg11[%swap3A_622, %swap3A_623] {strides = array<i32>} : memref<1024x32xf32, #tpu.memory_space<vmem>>, vector<1x16xf32>,
        %swap3A_625 = vector.shape_cast %swap3A_624 : vector<1x16xf32> to vector<16xf32>
        %swap3A_626 = vector.shape_cast %mul3A_621 : vector<16xf32> to vector<1x16xf32>
        tpu.vector_store %arg11[%swap3A_622, %swap3A_623], %swap3A_626 {strides = array<i32>} : memref<1024x32xf32, #tpu.memory_space<vmem>>, vector<1x16xf32>,
        %get3A_627 = arith.index_cast %add3A_615 : i32 to index
        %get3A_628 = arith.constant 16 : index
        %get3A_629 = tpu.vector_load %arg11[%get3A_627, %get3A_628] {strides = array<i32>} : memref<1024x32xf32, #tpu.memory_space<vmem>>, vector<1x16xf32>,
        %get3A_630 = vector.shape_cast %get3A_629 : vector<1x16xf32> to vector<16xf32>
        %mul3A_631 = vector.broadcast %squeeze3A_613 : f32 to vector<16xf32>
        %mul3A_632 = arith.mulf %get3A_630, %mul3A_631 : vector<16xf32>
        %swap3A_633 = arith.index_cast %add3A_615 : i32 to index
        %swap3A_634 = arith.constant 16 : index
        %swap3A_635 = tpu.vector_load %arg11[%swap3A_633, %swap3A_634] {strides = array<i32>} : memref<1024x32xf32, #tpu.memory_space<vmem>>, vector<1x16xf32>,
        %swap3A_636 = vector.shape_cast %swap3A_635 : vector<1x16xf32> to vector<16xf32>
        %swap3A_637 = vector.shape_cast %mul3A_632 : vector<16xf32> to vector<1x16xf32>
        tpu.vector_store %arg11[%swap3A_633, %swap3A_634], %swap3A_637 {strides = array<i32>} : memref<1024x32xf32, #tpu.memory_space<vmem>>, vector<1x16xf32>,
        %slice3A_638 = vector.extract_strided_slice %get3A_428 {offsets = [8], sizes = [1], strides = [1]} : vector<16xf32> to vector<1xf32>
        %squeeze3A_639 = vector.extract %slice3A_638[0] : f32 from vector<1xf32>
        %add3A_640 = arith.constant 8 : i32
        %add3A_641 = arith.addi %add3A_432, %add3A_640 : i32
        %get3A_642 = arith.index_cast %add3A_641 : i32 to index
        %get3A_643 = arith.constant 0 : index
        %get3A_644 = tpu.vector_load %arg11[%get3A_642, %get3A_643] {strides = array<i32>} : memref<1024x32xf32, #tpu.memory_space<vmem>>, vector<1x16xf32>,
        %get3A_645 = vector.shape_cast %get3A_644 : vector<1x16xf32> to vector<16xf32>
        %mul3A_646 = vector.broadcast %squeeze3A_639 : f32 to vector<16xf32>
        %mul3A_647 = arith.mulf %get3A_645, %mul3A_646 : vector<16xf32>
        %swap3A_648 = arith.index_cast %add3A_641 : i32 to index
        %swap3A_649 = arith.constant 0 : index
        %swap3A_650 = tpu.vector_load %arg11[%swap3A_648, %swap3A_649] {strides = array<i32>} : memref<1024x32xf32, #tpu.memory_space<vmem>>, vector<1x16xf32>,
        %swap3A_651 = vector.shape_cast %swap3A_650 : vector<1x16xf32> to vector<16xf32>
        %swap3A_652 = vector.shape_cast %mul3A_647 : vector<16xf32> to vector<1x16xf32>
        tpu.vector_store %arg11[%swap3A_648, %swap3A_649], %swap3A_652 {strides = array<i32>} : memref<1024x32xf32, #tpu.memory_space<vmem>>, vector<1x16xf32>,
        %get3A_653 = arith.index_cast %add3A_641 : i32 to index
        %get3A_654 = arith.constant 16 : index
        %get3A_655 = tpu.vector_load %arg11[%get3A_653, %get3A_654] {strides = array<i32>} : memref<1024x32xf32, #tpu.memory_space<vmem>>, vector<1x16xf32>,
        %get3A_656 = vector.shape_cast %get3A_655 : vector<1x16xf32> to vector<16xf32>
        %mul3A_657 = vector.broadcast %squeeze3A_639 : f32 to vector<16xf32>
        %mul3A_658 = arith.mulf %get3A_656, %mul3A_657 : vector<16xf32>
        %swap3A_659 = arith.index_cast %add3A_641 : i32 to index
        %swap3A_660 = arith.constant 16 : index
        %swap3A_661 = tpu.vector_load %arg11[%swap3A_659, %swap3A_660] {strides = array<i32>} : memref<1024x32xf32, #tpu.memory_space<vmem>>, vector<1x16xf32>,
        %swap3A_662 = vector.shape_cast %swap3A_661 : vector<1x16xf32> to vector<16xf32>
        %swap3A_663 = vector.shape_cast %mul3A_658 : vector<16xf32> to vector<1x16xf32>
        tpu.vector_store %arg11[%swap3A_659, %swap3A_660], %swap3A_663 {strides = array<i32>} : memref<1024x32xf32, #tpu.memory_space<vmem>>, vector<1x16xf32>,
        %slice3A_664 = vector.extract_strided_slice %get3A_428 {offsets = [9], sizes = [1], strides = [1]} : vector<16xf32> to vector<1xf32>
        %squeeze3A_665 = vector.extract %slice3A_664[0] : f32 from vector<1xf32>
        %add3A_666 = arith.constant 9 : i32
        %add3A_667 = arith.addi %add3A_432, %add3A_666 : i32
        %get3A_668 = arith.index_cast %add3A_667 : i32 to index
        %get3A_669 = arith.constant 0 : index
        %get3A_670 = tpu.vector_load %arg11[%get3A_668, %get3A_669] {strides = array<i32>} : memref<1024x32xf32, #tpu.memory_space<vmem>>, vector<1x16xf32>,
        %get3A_671 = vector.shape_cast %get3A_670 : vector<1x16xf32> to vector<16xf32>
        %mul3A_672 = vector.broadcast %squeeze3A_665 : f32 to vector<16xf32>
        %mul3A_673 = arith.mulf %get3A_671, %mul3A_672 : vector<16xf32>
        %swap3A_674 = arith.index_cast %add3A_667 : i32 to index
        %swap3A_675 = arith.constant 0 : index
        %swap3A_676 = tpu.vector_load %arg11[%swap3A_674, %swap3A_675] {strides = array<i32>} : memref<1024x32xf32, #tpu.memory_space<vmem>>, vector<1x16xf32>,
        %swap3A_677 = vector.shape_cast %swap3A_676 : vector<1x16xf32> to vector<16xf32>
        %swap3A_678 = vector.shape_cast %mul3A_673 : vector<16xf32> to vector<1x16xf32>
        tpu.vector_store %arg11[%swap3A_674, %swap3A_675], %swap3A_678 {strides = array<i32>} : memref<1024x32xf32, #tpu.memory_space<vmem>>, vector<1x16xf32>,
        %get3A_679 = arith.index_cast %add3A_667 : i32 to index
        %get3A_680 = arith.constant 16 : index
        %get3A_681 = tpu.vector_load %arg11[%get3A_679, %get3A_680] {strides = array<i32>} : memref<1024x32xf32, #tpu.memory_space<vmem>>, vector<1x16xf32>,
        %get3A_682 = vector.shape_cast %get3A_681 : vector<1x16xf32> to vector<16xf32>
        %mul3A_683 = vector.broadcast %squeeze3A_665 : f32 to vector<16xf32>
        %mul3A_684 = arith.mulf %get3A_682, %mul3A_683 : vector<16xf32>
        %swap3A_685 = arith.index_cast %add3A_667 : i32 to index
        %swap3A_686 = arith.constant 16 : index
        %swap3A_687 = tpu.vector_load %arg11[%swap3A_685, %swap3A_686] {strides = array<i32>} : memref<1024x32xf32, #tpu.memory_space<vmem>>, vector<1x16xf32>,
        %swap3A_688 = vector.shape_cast %swap3A_687 : vector<1x16xf32> to vector<16xf32>
        %swap3A_689 = vector.shape_cast %mul3A_684 : vector<16xf32> to vector<1x16xf32>
        tpu.vector_store %arg11[%swap3A_685, %swap3A_686], %swap3A_689 {strides = array<i32>} : memref<1024x32xf32, #tpu.memory_space<vmem>>, vector<1x16xf32>,
        %slice3A_690 = vector.extract_strided_slice %get3A_428 {offsets = [10], sizes = [1], strides = [1]} : vector<16xf32> to vector<1xf32>
        %squeeze3A_691 = vector.extract %slice3A_690[0] : f32 from vector<1xf32>
        %add3A_692 = arith.constant 10 : i32
        %add3A_693 = arith.addi %add3A_432, %add3A_692 : i32
        %get3A_694 = arith.index_cast %add3A_693 : i32 to index
        %get3A_695 = arith.constant 0 : index
        %get3A_696 = tpu.vector_load %arg11[%get3A_694, %get3A_695] {strides = array<i32>} : memref<1024x32xf32, #tpu.memory_space<vmem>>, vector<1x16xf32>,
        %get3A_697 = vector.shape_cast %get3A_696 : vector<1x16xf32> to vector<16xf32>
        %mul3A_698 = vector.broadcast %squeeze3A_691 : f32 to vector<16xf32>
        %mul3A_699 = arith.mulf %get3A_697, %mul3A_698 : vector<16xf32>
        %swap3A_700 = arith.index_cast %add3A_693 : i32 to index
        %swap3A_701 = arith.constant 0 : index
        %swap3A_702 = tpu.vector_load %arg11[%swap3A_700, %swap3A_701] {strides = array<i32>} : memref<1024x32xf32, #tpu.memory_space<vmem>>, vector<1x16xf32>,
        %swap3A_703 = vector.shape_cast %swap3A_702 : vector<1x16xf32> to vector<16xf32>
        %swap3A_704 = vector.shape_cast %mul3A_699 : vector<16xf32> to vector<1x16xf32>
        tpu.vector_store %arg11[%swap3A_700, %swap3A_701], %swap3A_704 {strides = array<i32>} : memref<1024x32xf32, #tpu.memory_space<vmem>>, vector<1x16xf32>,
        %get3A_705 = arith.index_cast %add3A_693 : i32 to index
        %get3A_706 = arith.constant 16 : index
        %get3A_707 = tpu.vector_load %arg11[%get3A_705, %get3A_706] {strides = array<i32>} : memref<1024x32xf32, #tpu.memory_space<vmem>>, vector<1x16xf32>,
        %get3A_708 = vector.shape_cast %get3A_707 : vector<1x16xf32> to vector<16xf32>
        %mul3A_709 = vector.broadcast %squeeze3A_691 : f32 to vector<16xf32>
        %mul3A_710 = arith.mulf %get3A_708, %mul3A_709 : vector<16xf32>
        %swap3A_711 = arith.index_cast %add3A_693 : i32 to index
        %swap3A_712 = arith.constant 16 : index
        %swap3A_713 = tpu.vector_load %arg11[%swap3A_711, %swap3A_712] {strides = array<i32>} : memref<1024x32xf32, #tpu.memory_space<vmem>>, vector<1x16xf32>,
        %swap3A_714 = vector.shape_cast %swap3A_713 : vector<1x16xf32> to vector<16xf32>
        %swap3A_715 = vector.shape_cast %mul3A_710 : vector<16xf32> to vector<1x16xf32>
        tpu.vector_store %arg11[%swap3A_711, %swap3A_712], %swap3A_715 {strides = array<i32>} : memref<1024x32xf32, #tpu.memory_space<vmem>>, vector<1x16xf32>,
        %slice3A_716 = vector.extract_strided_slice %get3A_428 {offsets = [11], sizes = [1], strides = [1]} : vector<16xf32> to vector<1xf32>
        %squeeze3A_717 = vector.extract %slice3A_716[0] : f32 from vector<1xf32>
        %add3A_718 = arith.constant 11 : i32
        %add3A_719 = arith.addi %add3A_432, %add3A_718 : i32
        %get3A_720 = arith.index_cast %add3A_719 : i32 to index
        %get3A_721 = arith.constant 0 : index
        %get3A_722 = tpu.vector_load %arg11[%get3A_720, %get3A_721] {strides = array<i32>} : memref<1024x32xf32, #tpu.memory_space<vmem>>, vector<1x16xf32>,
        %get3A_723 = vector.shape_cast %get3A_722 : vector<1x16xf32> to vector<16xf32>
        %mul3A_724 = vector.broadcast %squeeze3A_717 : f32 to vector<16xf32>
        %mul3A_725 = arith.mulf %get3A_723, %mul3A_724 : vector<16xf32>
        %swap3A_726 = arith.index_cast %add3A_719 : i32 to index
        %swap3A_727 = arith.constant 0 : index
        %swap3A_728 = tpu.vector_load %arg11[%swap3A_726, %swap3A_727] {strides = array<i32>} : memref<1024x32xf32, #tpu.memory_space<vmem>>, vector<1x16xf32>,
        %swap3A_729 = vector.shape_cast %swap3A_728 : vector<1x16xf32> to vector<16xf32>
        %swap3A_730 = vector.shape_cast %mul3A_725 : vector<16xf32> to vector<1x16xf32>
        tpu.vector_store %arg11[%swap3A_726, %swap3A_727], %swap3A_730 {strides = array<i32>} : memref<1024x32xf32, #tpu.memory_space<vmem>>, vector<1x16xf32>,
        %get3A_731 = arith.index_cast %add3A_719 : i32 to index
        %get3A_732 = arith.constant 16 : index
        %get3A_733 = tpu.vector_load %arg11[%get3A_731, %get3A_732] {strides = array<i32>} : memref<1024x32xf32, #tpu.memory_space<vmem>>, vector<1x16xf32>,
        %get3A_734 = vector.shape_cast %get3A_733 : vector<1x16xf32> to vector<16xf32>
        %mul3A_735 = vector.broadcast %squeeze3A_717 : f32 to vector<16xf32>
        %mul3A_736 = arith.mulf %get3A_734, %mul3A_735 : vector<16xf32>
        %swap3A_737 = arith.index_cast %add3A_719 : i32 to index
        %swap3A_738 = arith.constant 16 : index
        %swap3A_739 = tpu.vector_load %arg11[%swap3A_737, %swap3A_738] {strides = array<i32>} : memref<1024x32xf32, #tpu.memory_space<vmem>>, vector<1x16xf32>,
        %swap3A_740 = vector.shape_cast %swap3A_739 : vector<1x16xf32> to vector<16xf32>
        %swap3A_741 = vector.shape_cast %mul3A_736 : vector<16xf32> to vector<1x16xf32>
        tpu.vector_store %arg11[%swap3A_737, %swap3A_738], %swap3A_741 {strides = array<i32>} : memref<1024x32xf32, #tpu.memory_space<vmem>>, vector<1x16xf32>,
        %slice3A_742 = vector.extract_strided_slice %get3A_428 {offsets = [12], sizes = [1], strides = [1]} : vector<16xf32> to vector<1xf32>
        %squeeze3A_743 = vector.extract %slice3A_742[0] : f32 from vector<1xf32>
        %add3A_744 = arith.constant 12 : i32
        %add3A_745 = arith.addi %add3A_432, %add3A_744 : i32
        %get3A_746 = arith.index_cast %add3A_745 : i32 to index
        %get3A_747 = arith.constant 0 : index
        %get3A_748 = tpu.vector_load %arg11[%get3A_746, %get3A_747] {strides = array<i32>} : memref<1024x32xf32, #tpu.memory_space<vmem>>, vector<1x16xf32>,
        %get3A_749 = vector.shape_cast %get3A_748 : vector<1x16xf32> to vector<16xf32>
        %mul3A_750 = vector.broadcast %squeeze3A_743 : f32 to vector<16xf32>
        %mul3A_751 = arith.mulf %get3A_749, %mul3A_750 : vector<16xf32>
        %swap3A_752 = arith.index_cast %add3A_745 : i32 to index
        %swap3A_753 = arith.constant 0 : index
        %swap3A_754 = tpu.vector_load %arg11[%swap3A_752, %swap3A_753] {strides = array<i32>} : memref<1024x32xf32, #tpu.memory_space<vmem>>, vector<1x16xf32>,
        %swap3A_755 = vector.shape_cast %swap3A_754 : vector<1x16xf32> to vector<16xf32>
        %swap3A_756 = vector.shape_cast %mul3A_751 : vector<16xf32> to vector<1x16xf32>
        tpu.vector_store %arg11[%swap3A_752, %swap3A_753], %swap3A_756 {strides = array<i32>} : memref<1024x32xf32, #tpu.memory_space<vmem>>, vector<1x16xf32>,
        %get3A_757 = arith.index_cast %add3A_745 : i32 to index
        %get3A_758 = arith.constant 16 : index
        %get3A_759 = tpu.vector_load %arg11[%get3A_757, %get3A_758] {strides = array<i32>} : memref<1024x32xf32, #tpu.memory_space<vmem>>, vector<1x16xf32>,
        %get3A_760 = vector.shape_cast %get3A_759 : vector<1x16xf32> to vector<16xf32>
        %mul3A_761 = vector.broadcast %squeeze3A_743 : f32 to vector<16xf32>
        %mul3A_762 = arith.mulf %get3A_760, %mul3A_761 : vector<16xf32>
        %swap3A_763 = arith.index_cast %add3A_745 : i32 to index
        %swap3A_764 = arith.constant 16 : index
        %swap3A_765 = tpu.vector_load %arg11[%swap3A_763, %swap3A_764] {strides = array<i32>} : memref<1024x32xf32, #tpu.memory_space<vmem>>, vector<1x16xf32>,
        %swap3A_766 = vector.shape_cast %swap3A_765 : vector<1x16xf32> to vector<16xf32>
        %swap3A_767 = vector.shape_cast %mul3A_762 : vector<16xf32> to vector<1x16xf32>
        tpu.vector_store %arg11[%swap3A_763, %swap3A_764], %swap3A_767 {strides = array<i32>} : memref<1024x32xf32, #tpu.memory_space<vmem>>, vector<1x16xf32>,
        %slice3A_768 = vector.extract_strided_slice %get3A_428 {offsets = [13], sizes = [1], strides = [1]} : vector<16xf32> to vector<1xf32>
        %squeeze3A_769 = vector.extract %slice3A_768[0] : f32 from vector<1xf32>
        %add3A_770 = arith.constant 13 : i32
        %add3A_771 = arith.addi %add3A_432, %add3A_770 : i32
        %get3A_772 = arith.index_cast %add3A_771 : i32 to index
        %get3A_773 = arith.constant 0 : index
        %get3A_774 = tpu.vector_load %arg11[%get3A_772, %get3A_773] {strides = array<i32>} : memref<1024x32xf32, #tpu.memory_space<vmem>>, vector<1x16xf32>,
        %get3A_775 = vector.shape_cast %get3A_774 : vector<1x16xf32> to vector<16xf32>
        %mul3A_776 = vector.broadcast %squeeze3A_769 : f32 to vector<16xf32>
        %mul3A_777 = arith.mulf %get3A_775, %mul3A_776 : vector<16xf32>
        %swap3A_778 = arith.index_cast %add3A_771 : i32 to index
        %swap3A_779 = arith.constant 0 : index
        %swap3A_780 = tpu.vector_load %arg11[%swap3A_778, %swap3A_779] {strides = array<i32>} : memref<1024x32xf32, #tpu.memory_space<vmem>>, vector<1x16xf32>,
        %swap3A_781 = vector.shape_cast %swap3A_780 : vector<1x16xf32> to vector<16xf32>
        %swap3A_782 = vector.shape_cast %mul3A_777 : vector<16xf32> to vector<1x16xf32>
        tpu.vector_store %arg11[%swap3A_778, %swap3A_779], %swap3A_782 {strides = array<i32>} : memref<1024x32xf32, #tpu.memory_space<vmem>>, vector<1x16xf32>,
        %get3A_783 = arith.index_cast %add3A_771 : i32 to index
        %get3A_784 = arith.constant 16 : index
        %get3A_785 = tpu.vector_load %arg11[%get3A_783, %get3A_784] {strides = array<i32>} : memref<1024x32xf32, #tpu.memory_space<vmem>>, vector<1x16xf32>,
        %get3A_786 = vector.shape_cast %get3A_785 : vector<1x16xf32> to vector<16xf32>
        %mul3A_787 = vector.broadcast %squeeze3A_769 : f32 to vector<16xf32>
        %mul3A_788 = arith.mulf %get3A_786, %mul3A_787 : vector<16xf32>
        %swap3A_789 = arith.index_cast %add3A_771 : i32 to index
        %swap3A_790 = arith.constant 16 : index
        %swap3A_791 = tpu.vector_load %arg11[%swap3A_789, %swap3A_790] {strides = array<i32>} : memref<1024x32xf32, #tpu.memory_space<vmem>>, vector<1x16xf32>,
        %swap3A_792 = vector.shape_cast %swap3A_791 : vector<1x16xf32> to vector<16xf32>
        %swap3A_793 = vector.shape_cast %mul3A_788 : vector<16xf32> to vector<1x16xf32>
        tpu.vector_store %arg11[%swap3A_789, %swap3A_790], %swap3A_793 {strides = array<i32>} : memref<1024x32xf32, #tpu.memory_space<vmem>>, vector<1x16xf32>,
        %slice3A_794 = vector.extract_strided_slice %get3A_428 {offsets = [14], sizes = [1], strides = [1]} : vector<16xf32> to vector<1xf32>
        %squeeze3A_795 = vector.extract %slice3A_794[0] : f32 from vector<1xf32>
        %add3A_796 = arith.constant 14 : i32
        %add3A_797 = arith.addi %add3A_432, %add3A_796 : i32
        %get3A_798 = arith.index_cast %add3A_797 : i32 to index
        %get3A_799 = arith.constant 0 : index
        %get3A_800 = tpu.vector_load %arg11[%get3A_798, %get3A_799] {strides = array<i32>} : memref<1024x32xf32, #tpu.memory_space<vmem>>, vector<1x16xf32>,
        %get3A_801 = vector.shape_cast %get3A_800 : vector<1x16xf32> to vector<16xf32>
        %mul3A_802 = vector.broadcast %squeeze3A_795 : f32 to vector<16xf32>
        %mul3A_803 = arith.mulf %get3A_801, %mul3A_802 : vector<16xf32>
        %swap3A_804 = arith.index_cast %add3A_797 : i32 to index
        %swap3A_805 = arith.constant 0 : index
        %swap3A_806 = tpu.vector_load %arg11[%swap3A_804, %swap3A_805] {strides = array<i32>} : memref<1024x32xf32, #tpu.memory_space<vmem>>, vector<1x16xf32>,
        %swap3A_807 = vector.shape_cast %swap3A_806 : vector<1x16xf32> to vector<16xf32>
        %swap3A_808 = vector.shape_cast %mul3A_803 : vector<16xf32> to vector<1x16xf32>
        tpu.vector_store %arg11[%swap3A_804, %swap3A_805], %swap3A_808 {strides = array<i32>} : memref<1024x32xf32, #tpu.memory_space<vmem>>, vector<1x16xf32>,
        %get3A_809 = arith.index_cast %add3A_797 : i32 to index
        %get3A_810 = arith.constant 16 : index
        %get3A_811 = tpu.vector_load %arg11[%get3A_809, %get3A_810] {strides = array<i32>} : memref<1024x32xf32, #tpu.memory_space<vmem>>, vector<1x16xf32>,
        %get3A_812 = vector.shape_cast %get3A_811 : vector<1x16xf32> to vector<16xf32>
        %mul3A_813 = vector.broadcast %squeeze3A_795 : f32 to vector<16xf32>
        %mul3A_814 = arith.mulf %get3A_812, %mul3A_813 : vector<16xf32>
        %swap3A_815 = arith.index_cast %add3A_797 : i32 to index
        %swap3A_816 = arith.constant 16 : index
        %swap3A_817 = tpu.vector_load %arg11[%swap3A_815, %swap3A_816] {strides = array<i32>} : memref<1024x32xf32, #tpu.memory_space<vmem>>, vector<1x16xf32>,
        %swap3A_818 = vector.shape_cast %swap3A_817 : vector<1x16xf32> to vector<16xf32>
        %swap3A_819 = vector.shape_cast %mul3A_814 : vector<16xf32> to vector<1x16xf32>
        tpu.vector_store %arg11[%swap3A_815, %swap3A_816], %swap3A_819 {strides = array<i32>} : memref<1024x32xf32, #tpu.memory_space<vmem>>, vector<1x16xf32>,
        %slice3A_820 = vector.extract_strided_slice %get3A_428 {offsets = [15], sizes = [1], strides = [1]} : vector<16xf32> to vector<1xf32>
        %squeeze3A_821 = vector.extract %slice3A_820[0] : f32 from vector<1xf32>
        %add3A_822 = arith.constant 15 : i32
        %add3A_823 = arith.addi %add3A_432, %add3A_822 : i32
        %get3A_824 = arith.index_cast %add3A_823 : i32 to index
        %get3A_825 = arith.constant 0 : index
        %get3A_826 = tpu.vector_load %arg11[%get3A_824, %get3A_825] {strides = array<i32>} : memref<1024x32xf32, #tpu.memory_space<vmem>>, vector<1x16xf32>,
        %get3A_827 = vector.shape_cast %get3A_826 : vector<1x16xf32> to vector<16xf32>
        %mul3A_828 = vector.broadcast %squeeze3A_821 : f32 to vector<16xf32>
        %mul3A_829 = arith.mulf %get3A_827, %mul3A_828 : vector<16xf32>
        %swap3A_830 = arith.index_cast %add3A_823 : i32 to index
        %swap3A_831 = arith.constant 0 : index
        %swap3A_832 = tpu.vector_load %arg11[%swap3A_830, %swap3A_831] {strides = array<i32>} : memref<1024x32xf32, #tpu.memory_space<vmem>>, vector<1x16xf32>,
        %swap3A_833 = vector.shape_cast %swap3A_832 : vector<1x16xf32> to vector<16xf32>
        %swap3A_834 = vector.shape_cast %mul3A_829 : vector<16xf32> to vector<1x16xf32>
        tpu.vector_store %arg11[%swap3A_830, %swap3A_831], %swap3A_834 {strides = array<i32>} : memref<1024x32xf32, #tpu.memory_space<vmem>>, vector<1x16xf32>,
        %get3A_835 = arith.index_cast %add3A_823 : i32 to index
        %get3A_836 = arith.constant 16 : index
        %get3A_837 = tpu.vector_load %arg11[%get3A_835, %get3A_836] {strides = array<i32>} : memref<1024x32xf32, #tpu.memory_space<vmem>>, vector<1x16xf32>,
        %get3A_838 = vector.shape_cast %get3A_837 : vector<1x16xf32> to vector<16xf32>
        %mul3A_839 = vector.broadcast %squeeze3A_821 : f32 to vector<16xf32>
        %mul3A_840 = arith.mulf %get3A_838, %mul3A_839 : vector<16xf32>
        %swap3A_841 = arith.index_cast %add3A_823 : i32 to index
        %swap3A_842 = arith.constant 16 : index
        %swap3A_843 = tpu.vector_load %arg11[%swap3A_841, %swap3A_842] {strides = array<i32>} : memref<1024x32xf32, #tpu.memory_space<vmem>>, vector<1x16xf32>,
        %swap3A_844 = vector.shape_cast %swap3A_843 : vector<1x16xf32> to vector<16xf32>
        %swap3A_845 = vector.shape_cast %mul3A_840 : vector<16xf32> to vector<1x16xf32>
        tpu.vector_store %arg11[%swap3A_841, %swap3A_842], %swap3A_845 {strides = array<i32>} : memref<1024x32xf32, #tpu.memory_space<vmem>>, vector<1x16xf32>,
      }
      %scan3A_331 = arith.constant 8 : i32
      %dma_start3A_332 = arith.constant 7 : i32
      %dma_start3A_333 = arith.constant 896 : i32
      %dma_start3A_334 = arith.constant 0 : i32
      %dma_start3A_335 = tpu.memref_slice %arg11[%dma_start3A_333, %dma_start3A_334] : memref<1024x32xf32, #tpu.memory_space<vmem>> -> memref<128x32xf32, #tpu.memory_space<vmem>>
      %dma_start3A_336 = arith.constant 0 : i32
      %dma_start3A_337 = tpu.memref_slice %arg9[%dma_start3A_332, %dma_start3A_336] : memref<8x128xi32, #tpu.memory_space<vmem>> -> memref<1x128xi32, #tpu.memory_space<vmem>>
      %dma_start3A_338 = tpu.memref_squeeze %dma_start3A_337 : memref<1x128xi32, #tpu.memory_space<vmem>> -> memref<128xi32, #tpu.memory_space<vmem>>
      %dma_start3A_339 = arith.constant 0 : i32
      %dma_start3A_340 = arith.constant 0 : i32
      %dma_start3A_341 = tpu.memref_slice %arg12[%dma_start3A_339, %dma_start3A_340] : memref<16384x32xf32, #tpu.memory_space<vmem_shared>> -> memref<16384x32xf32, #tpu.memory_space<vmem_shared>>
      tpu.enqueue_indirect_dma source(%dma_start3A_335 : memref<128x32xf32, #tpu.memory_space<vmem>>) target(%dma_start3A_341 : memref<16384x32xf32, #tpu.memory_space<vmem_shared>>) offsets(%dma_start3A_338 : memref<128xi32, #tpu.memory_space<vmem>>) semaphore(%arg14 : memref<!tpu.dma_semaphore, #tpu.memory_space<semaphore_mem>>) {add = true}
      %dma_wait3A_342 = arith.constant 0 : i32
      %dma_wait3A_343 = arith.constant 0 : i32
      %dma_wait3A_344 = arith.constant 0 : i32
      %dma_wait3A_345 = tpu.memref_slice %arg11[%dma_wait3A_343, %dma_wait3A_344] : memref<1024x32xf32, #tpu.memory_space<vmem>> -> memref<128x32xf32, #tpu.memory_space<vmem>>
      %dma_wait3A_346 = arith.constant 0 : i32
      %dma_wait3A_347 = tpu.memref_slice %arg9[%dma_wait3A_342, %dma_wait3A_346] : memref<8x128xi32, #tpu.memory_space<vmem>> -> memref<1x128xi32, #tpu.memory_space<vmem>>
      %dma_wait3A_348 = tpu.memref_squeeze %dma_wait3A_347 : memref<1x128xi32, #tpu.memory_space<vmem>> -> memref<128xi32, #tpu.memory_space<vmem>>
      %dma_wait3A_349 = arith.constant 0 : i32
      %dma_wait3A_350 = arith.constant 0 : i32
      %dma_wait3A_351 = tpu.memref_slice %arg12[%dma_wait3A_349, %dma_wait3A_350] : memref<16384x32xf32, #tpu.memory_space<vmem_shared>> -> memref<16384x32xf32, #tpu.memory_space<vmem_shared>>
      tpu.wait_indirect_dma semaphore(%arg14 : memref<!tpu.dma_semaphore, #tpu.memory_space<semaphore_mem>>) src(%dma_wait3A_345 : memref<128x32xf32, #tpu.memory_space<vmem>>) dst(%dma_wait3A_351 : memref<16384x32xf32, #tpu.memory_space<vmem_shared>>)
      %dma_wait3A_352 = arith.constant 1 : i32
      %dma_wait3A_353 = arith.constant 128 : i32
      %dma_wait3A_354 = arith.constant 0 : i32
      %dma_wait3A_355 = tpu.memref_slice %arg11[%dma_wait3A_353, %dma_wait3A_354] : memref<1024x32xf32, #tpu.memory_space<vmem>> -> memref<128x32xf32, #tpu.memory_space<vmem>>
      %dma_wait3A_356 = arith.constant 0 : i32
      %dma_wait3A_357 = tpu.memref_slice %arg9[%dma_wait3A_352, %dma_wait3A_356] : memref<8x128xi32, #tpu.memory_space<vmem>> -> memref<1x128xi32, #tpu.memory_space<vmem>>
      %dma_wait3A_358 = tpu.memref_squeeze %dma_wait3A_357 : memref<1x128xi32, #tpu.memory_space<vmem>> -> memref<128xi32, #tpu.memory_space<vmem>>
      %dma_wait3A_359 = arith.constant 0 : i32
      %dma_wait3A_360 = arith.constant 0 : i32
      %dma_wait3A_361 = tpu.memref_slice %arg12[%dma_wait3A_359, %dma_wait3A_360] : memref<16384x32xf32, #tpu.memory_space<vmem_shared>> -> memref<16384x32xf32, #tpu.memory_space<vmem_shared>>
      tpu.wait_indirect_dma semaphore(%arg14 : memref<!tpu.dma_semaphore, #tpu.memory_space<semaphore_mem>>) src(%dma_wait3A_355 : memref<128x32xf32, #tpu.memory_space<vmem>>) dst(%dma_wait3A_361 : memref<16384x32xf32, #tpu.memory_space<vmem_shared>>)
      %dma_wait3A_362 = arith.constant 2 : i32
      %dma_wait3A_363 = arith.constant 256 : i32
      %dma_wait3A_364 = arith.constant 0 : i32
      %dma_wait3A_365 = tpu.memref_slice %arg11[%dma_wait3A_363, %dma_wait3A_364] : memref<1024x32xf32, #tpu.memory_space<vmem>> -> memref<128x32xf32, #tpu.memory_space<vmem>>
      %dma_wait3A_366 = arith.constant 0 : i32
      %dma_wait3A_367 = tpu.memref_slice %arg9[%dma_wait3A_362, %dma_wait3A_366] : memref<8x128xi32, #tpu.memory_space<vmem>> -> memref<1x128xi32, #tpu.memory_space<vmem>>
      %dma_wait3A_368 = tpu.memref_squeeze %dma_wait3A_367 : memref<1x128xi32, #tpu.memory_space<vmem>> -> memref<128xi32, #tpu.memory_space<vmem>>
      %dma_wait3A_369 = arith.constant 0 : i32
      %dma_wait3A_370 = arith.constant 0 : i32
      %dma_wait3A_371 = tpu.memref_slice %arg12[%dma_wait3A_369, %dma_wait3A_370] : memref<16384x32xf32, #tpu.memory_space<vmem_shared>> -> memref<16384x32xf32, #tpu.memory_space<vmem_shared>>
      tpu.wait_indirect_dma semaphore(%arg14 : memref<!tpu.dma_semaphore, #tpu.memory_space<semaphore_mem>>) src(%dma_wait3A_365 : memref<128x32xf32, #tpu.memory_space<vmem>>) dst(%dma_wait3A_371 : memref<16384x32xf32, #tpu.memory_space<vmem_shared>>)
      %dma_wait3A_372 = arith.constant 3 : i32
      %dma_wait3A_373 = arith.constant 384 : i32
      %dma_wait3A_374 = arith.constant 0 : i32
      %dma_wait3A_375 = tpu.memref_slice %arg11[%dma_wait3A_373, %dma_wait3A_374] : memref<1024x32xf32, #tpu.memory_space<vmem>> -> memref<128x32xf32, #tpu.memory_space<vmem>>
      %dma_wait3A_376 = arith.constant 0 : i32
      %dma_wait3A_377 = tpu.memref_slice %arg9[%dma_wait3A_372, %dma_wait3A_376] : memref<8x128xi32, #tpu.memory_space<vmem>> -> memref<1x128xi32, #tpu.memory_space<vmem>>
      %dma_wait3A_378 = tpu.memref_squeeze %dma_wait3A_377 : memref<1x128xi32, #tpu.memory_space<vmem>> -> memref<128xi32, #tpu.memory_space<vmem>>
      %dma_wait3A_379 = arith.constant 0 : i32
      %dma_wait3A_380 = arith.constant 0 : i32
      %dma_wait3A_381 = tpu.memref_slice %arg12[%dma_wait3A_379, %dma_wait3A_380] : memref<16384x32xf32, #tpu.memory_space<vmem_shared>> -> memref<16384x32xf32, #tpu.memory_space<vmem_shared>>
      tpu.wait_indirect_dma semaphore(%arg14 : memref<!tpu.dma_semaphore, #tpu.memory_space<semaphore_mem>>) src(%dma_wait3A_375 : memref<128x32xf32, #tpu.memory_space<vmem>>) dst(%dma_wait3A_381 : memref<16384x32xf32, #tpu.memory_space<vmem_shared>>)
      %dma_wait3A_382 = arith.constant 4 : i32
      %dma_wait3A_383 = arith.constant 512 : i32
      %dma_wait3A_384 = arith.constant 0 : i32
      %dma_wait3A_385 = tpu.memref_slice %arg11[%dma_wait3A_383, %dma_wait3A_384] : memref<1024x32xf32, #tpu.memory_space<vmem>> -> memref<128x32xf32, #tpu.memory_space<vmem>>
      %dma_wait3A_386 = arith.constant 0 : i32
      %dma_wait3A_387 = tpu.memref_slice %arg9[%dma_wait3A_382, %dma_wait3A_386] : memref<8x128xi32, #tpu.memory_space<vmem>> -> memref<1x128xi32, #tpu.memory_space<vmem>>
      %dma_wait3A_388 = tpu.memref_squeeze %dma_wait3A_387 : memref<1x128xi32, #tpu.memory_space<vmem>> -> memref<128xi32, #tpu.memory_space<vmem>>
      %dma_wait3A_389 = arith.constant 0 : i32
      %dma_wait3A_390 = arith.constant 0 : i32
      %dma_wait3A_391 = tpu.memref_slice %arg12[%dma_wait3A_389, %dma_wait3A_390] : memref<16384x32xf32, #tpu.memory_space<vmem_shared>> -> memref<16384x32xf32, #tpu.memory_space<vmem_shared>>
      tpu.wait_indirect_dma semaphore(%arg14 : memref<!tpu.dma_semaphore, #tpu.memory_space<semaphore_mem>>) src(%dma_wait3A_385 : memref<128x32xf32, #tpu.memory_space<vmem>>) dst(%dma_wait3A_391 : memref<16384x32xf32, #tpu.memory_space<vmem_shared>>)
      %dma_wait3A_392 = arith.constant 5 : i32
      %dma_wait3A_393 = arith.constant 640 : i32
      %dma_wait3A_394 = arith.constant 0 : i32
      %dma_wait3A_395 = tpu.memref_slice %arg11[%dma_wait3A_393, %dma_wait3A_394] : memref<1024x32xf32, #tpu.memory_space<vmem>> -> memref<128x32xf32, #tpu.memory_space<vmem>>
      %dma_wait3A_396 = arith.constant 0 : i32
      %dma_wait3A_397 = tpu.memref_slice %arg9[%dma_wait3A_392, %dma_wait3A_396] : memref<8x128xi32, #tpu.memory_space<vmem>> -> memref<1x128xi32, #tpu.memory_space<vmem>>
      %dma_wait3A_398 = tpu.memref_squeeze %dma_wait3A_397 : memref<1x128xi32, #tpu.memory_space<vmem>> -> memref<128xi32, #tpu.memory_space<vmem>>
      %dma_wait3A_399 = arith.constant 0 : i32
      %dma_wait3A_400 = arith.constant 0 : i32
      %dma_wait3A_401 = tpu.memref_slice %arg12[%dma_wait3A_399, %dma_wait3A_400] : memref<16384x32xf32, #tpu.memory_space<vmem_shared>> -> memref<16384x32xf32, #tpu.memory_space<vmem_shared>>
      tpu.wait_indirect_dma semaphore(%arg14 : memref<!tpu.dma_semaphore, #tpu.memory_space<semaphore_mem>>) src(%dma_wait3A_395 : memref<128x32xf32, #tpu.memory_space<vmem>>) dst(%dma_wait3A_401 : memref<16384x32xf32, #tpu.memory_space<vmem_shared>>)
      %dma_wait3A_402 = arith.constant 6 : i32
      %dma_wait3A_403 = arith.constant 768 : i32
      %dma_wait3A_404 = arith.constant 0 : i32
      %dma_wait3A_405 = tpu.memref_slice %arg11[%dma_wait3A_403, %dma_wait3A_404] : memref<1024x32xf32, #tpu.memory_space<vmem>> -> memref<128x32xf32, #tpu.memory_space<vmem>>
      %dma_wait3A_406 = arith.constant 0 : i32
      %dma_wait3A_407 = tpu.memref_slice %arg9[%dma_wait3A_402, %dma_wait3A_406] : memref<8x128xi32, #tpu.memory_space<vmem>> -> memref<1x128xi32, #tpu.memory_space<vmem>>
      %dma_wait3A_408 = tpu.memref_squeeze %dma_wait3A_407 : memref<1x128xi32, #tpu.memory_space<vmem>> -> memref<128xi32, #tpu.memory_space<vmem>>
      %dma_wait3A_409 = arith.constant 0 : i32
      %dma_wait3A_410 = arith.constant 0 : i32
      %dma_wait3A_411 = tpu.memref_slice %arg12[%dma_wait3A_409, %dma_wait3A_410] : memref<16384x32xf32, #tpu.memory_space<vmem_shared>> -> memref<16384x32xf32, #tpu.memory_space<vmem_shared>>
      tpu.wait_indirect_dma semaphore(%arg14 : memref<!tpu.dma_semaphore, #tpu.memory_space<semaphore_mem>>) src(%dma_wait3A_405 : memref<128x32xf32, #tpu.memory_space<vmem>>) dst(%dma_wait3A_411 : memref<16384x32xf32, #tpu.memory_space<vmem_shared>>)
      %dma_wait3A_412 = arith.constant 7 : i32
      %dma_wait3A_413 = arith.constant 896 : i32
      %dma_wait3A_414 = arith.constant 0 : i32
      %dma_wait3A_415 = tpu.memref_slice %arg11[%dma_wait3A_413, %dma_wait3A_414] : memref<1024x32xf32, #tpu.memory_space<vmem>> -> memref<128x32xf32, #tpu.memory_space<vmem>>
      %dma_wait3A_416 = arith.constant 0 : i32
      %dma_wait3A_417 = tpu.memref_slice %arg9[%dma_wait3A_412, %dma_wait3A_416] : memref<8x128xi32, #tpu.memory_space<vmem>> -> memref<1x128xi32, #tpu.memory_space<vmem>>
      %dma_wait3A_418 = tpu.memref_squeeze %dma_wait3A_417 : memref<1x128xi32, #tpu.memory_space<vmem>> -> memref<128xi32, #tpu.memory_space<vmem>>
      %dma_wait3A_419 = arith.constant 0 : i32
      %dma_wait3A_420 = arith.constant 0 : i32
      %dma_wait3A_421 = tpu.memref_slice %arg12[%dma_wait3A_419, %dma_wait3A_420] : memref<16384x32xf32, #tpu.memory_space<vmem_shared>> -> memref<16384x32xf32, #tpu.memory_space<vmem_shared>>
      tpu.wait_indirect_dma semaphore(%arg14 : memref<!tpu.dma_semaphore, #tpu.memory_space<semaphore_mem>>) src(%dma_wait3A_415 : memref<128x32xf32, #tpu.memory_space<vmem>>) dst(%dma_wait3A_421 : memref<16384x32xf32, #tpu.memory_space<vmem_shared>>)
    }
    %scan3A_14 = arith.constant 17 : i32
    %dma_wait3A = arith.constant 0 : i32
    %dma_wait3A_15 = arith.constant 0 : i32
    %dma_wait3A_16 = tpu.memref_slice %arg3[%arg0, %dma_wait3A, %dma_wait3A_15] : memref<2x2176x128xi32, #tpu.memory_space<hbm>> -> memref<1x8x128xi32, #tpu.memory_space<hbm>>
    %dma_wait3A_17 = tpu.memref_squeeze %dma_wait3A_16 : memref<1x8x128xi32, #tpu.memory_space<hbm>> -> memref<8x128xi32, #tpu.memory_space<hbm>>
    %dma_wait3A_18 = arith.constant 0 : i32
    %dma_wait3A_19 = arith.constant 0 : i32
    %dma_wait3A_20 = tpu.memref_slice %arg3[%arg0, %dma_wait3A_18, %dma_wait3A_19] : memref<2x2176x128xi32, #tpu.memory_space<hbm>> -> memref<1x8x128xi32, #tpu.memory_space<hbm>>
    %dma_wait3A_21 = tpu.memref_squeeze %dma_wait3A_20 : memref<1x8x128xi32, #tpu.memory_space<hbm>> -> memref<8x128xi32, #tpu.memory_space<hbm>>
    tpu.wait_dma2 semaphore(%arg15 : memref<!tpu.dma_semaphore, #tpu.memory_space<semaphore_mem>>) src(%dma_wait3A_21 : memref<8x128xi32, #tpu.memory_space<hbm>>) dst(%arg8 : memref<8x128xi32, #tpu.memory_space<vmem>>)
    %barrier3A_22 = arith.constant 0 : index
    tpu.barrier barrier_id(%barrier3A_22)
    %mul3A_23 = arith.constant 1024 : i32
    %mul3A_24 = arith.muli %arg1, %mul3A_23 : i32
    %mul3A_25 = arith.constant 1024 : i32
    %mul3A_26 = arith.muli %arg1, %mul3A_25 : i32
    "tpu.region"() ({
      %run_scoped3A = tpu.sem_alloc : memref<!tpu.dma_semaphore, #tpu.memory_space<semaphore_mem>>
      %dma_start3A_27 = arith.constant 0 : i32
      %dma_start3A_28 = tpu.memref_slice %arg7[%arg0, %mul3A_26, %dma_start3A_27] : memref<2x16384x32xf32, #tpu.memory_space<hbm>> -> memref<1x1024x32xf32, #tpu.memory_space<hbm>>
      %dma_start3A_29 = tpu.memref_squeeze %dma_start3A_28 : memref<1x1024x32xf32, #tpu.memory_space<hbm>> -> memref<1024x32xf32, #tpu.memory_space<hbm>>
      %dma_start3A_30 = arith.constant 0 : i32
      %dma_start3A_31 = tpu.memref_slice %arg12[%mul3A_24, %dma_start3A_30] : memref<16384x32xf32, #tpu.memory_space<vmem_shared>> -> memref<1024x32xf32, #tpu.memory_space<vmem_shared>>
      tpu.enqueue_dma source(%dma_start3A_31 : memref<1024x32xf32, #tpu.memory_space<vmem_shared>>) target(%dma_start3A_29 : memref<1024x32xf32, #tpu.memory_space<hbm>>) target_semaphore(%run_scoped3A : memref<!tpu.dma_semaphore, #tpu.memory_space<semaphore_mem>>)
      %dma_wait3A_32 = arith.constant 0 : i32
      %dma_wait3A_33 = tpu.memref_slice %arg7[%arg0, %mul3A_26, %dma_wait3A_32] : memref<2x16384x32xf32, #tpu.memory_space<hbm>> -> memref<1x1024x32xf32, #tpu.memory_space<hbm>>
      %dma_wait3A_34 = tpu.memref_squeeze %dma_wait3A_33 : memref<1x1024x32xf32, #tpu.memory_space<hbm>> -> memref<1024x32xf32, #tpu.memory_space<hbm>>
      %dma_wait3A_35 = arith.constant 0 : i32
      %dma_wait3A_36 = tpu.memref_slice %arg12[%mul3A_24, %dma_wait3A_35] : memref<16384x32xf32, #tpu.memory_space<vmem_shared>> -> memref<1024x32xf32, #tpu.memory_space<vmem_shared>>
      tpu.wait_dma2 semaphore(%run_scoped3A : memref<!tpu.dma_semaphore, #tpu.memory_space<semaphore_mem>>) src(%dma_wait3A_36 : memref<1024x32xf32, #tpu.memory_space<vmem_shared>>) dst(%dma_wait3A_34 : memref<1024x32xf32, #tpu.memory_space<hbm>>)
      tpu.yield
    }) : () -> ()
    return
  }
}

</mosaic_0001>

<sc_bundles>
// kernel: _sparse_matmul.3.cloned.1.call-start
scs
__scs_entry_jumppad:
0x0: {  	(pc) =	sbr.rel $0x88, $3  }
0x1: {  	(tag) =	ssettag $0x0;
	lr =	simm.s32 $0x1  }
0x2: {  	[smem:$0x3F9C] =	sst lr;
	_ =	strace $0xD0000000  }
0x3: {  	_ = 	snop  }
0x4: {  	_ = 	snop  }
0x5: {  	_ = 	snop  }
0x6: {  	_ = 	snop  }
0x7: {  	_ = 	snop  }
__scs_overlays_trampoline_lowered:
0x8: {  	[smem:$0x3FAB] =	sst s0  }
0x9: {  	[smem:$0x3FAC] =	sst s1  }
0xa: {  	[smem:$0x3FAD] =	sst s2  }
0xb: {  	[smem:$0x3FAE] =	sst s3  }
0xc: {  	[smem:$0x3FAF] =	sst s4  }
0xd: {  	[smem:$0x3FB0] =	sst s5  }
0xe: {  	[smem:$0x3FB1] =	sst s6  }
0xf: {  	[smem:$0x3FB2] =	sst s7  }
0x10: {  	[smem:$0x3FB3] =	sst s8  }
0x11: {  	[smem:$0x3FB4] =	sst s9;
	s0 =	simm.s32 @!p0 $0x0  }
0x12: {  	s1 =	sld [smem:$0x3F9A];
	s0 =	simm.s32 @p0 $0x1  }
0x13: {  	[smem:$0x3FB5] =	sst s0;
	s0 =	simm.s32 @!p1 $0x0  }
0x14: {  	s2 =	sld [smem:$0x3F99];
	s0 =	simm.s32 @p1 $0x1  }
0x15: {  	[smem:$0x3FB6] =	sst s0;
	s0 =	simm.s32 @!p2 $0x0  }
0x16: {  	s3 =	sld [smem:$0x3FDB];
	s0 =	simm.s32 @p2 $0x1  }
0x17: {  	s4 =	simm.s32 $0x1BF5;
	[smem:$0x3FB8] =	sst s0  }
0x18: {  	s0 =	sld [smem:$0x3F9B];
	_ =	swait.ge [sflag:s4], $0x0  }
0x19: {  	s7 =	sld [smem:$0x3F9C]  }
0x1a: {  	s8 =	sadd.s32 $0xFFFFE003, lr  }
0x1b: {  	s9 =	sadd.s32 $0xFFFFFEF7, lr;
	s5 =	simm.s32 $0xFFFFFFFF;
	p2 =	slt.u32 s8, $0xFFFFF086  }
0x1c: {  	p1 =	slt.u32 s9, $0xF7A;
	s5 =	simm.s32 @!p2 $0x0  }
0x1d: {  	s5 =	simm.s32 @p1 $0x1;
	p0 =	seq.s32 s7, s2  }
0x1e: {  	s7 =	smul.u32 @!p0 $0xF7A, s2;
	p2 =	seq.s32 @!p0 s5, $0x0  }
0x1f: {  	s9 =	smul.u32 $0xF7A, s1;
	s8 =	simm.s32 @!p0 $0x1BF5;
	p2 =	por !p2, p0  }
0x20: {  	[sflag:s8] =	ssyncset.s32 @!p0 $0xFFFFF086;
	s6 =	sadd.s32 @!p0 s3, s7;
	s7 =	simm.s32 @!p0 $0x108  }
0x21: {  	s3 =	sadd.s32 s3, s9;
	s6 =	sadd.s32 @!p0 $0x88, s6;
	s7 =	simm.s32 @p2 $0x1082  }
0x22: {  	[simem:s7], [sflag:s8] =	dma.local @!p0 [hbm:s6], $0xF7A  }
0x23: {  	s9 =	sor.u32 $0xD0000000, s2;
	s6 =	simm.s32 $0x108;
	_ =	swait.ge @!p0 [sflag:s8], $0x0  }
0x24: {  	s3 =	sadd.s32 $0x88, s3;
	s6 =	simm.s32 @!p1 $0x1082;
	[sflag:s4] =	ssyncset.s32 $0xFFFFF086  }
0x25: {  	[simem:s6], [sflag:s4] =	dma.local [hbm:s3], $0xF7A  }
0x26: {  	[smem:$0x3F9C] =	sst s1;
	(tag) =	ssettag s2;
	_ =	strace s9  }
0x27: {  	s1 =	sld [smem:$0x3FAC]  }
0x28: {  	s2 =	sld [smem:$0x3FAD]  }
0x29: {  	s4 =	sld [smem:$0x3FAF]  }
0x2a: {  	p0 =	seq.s32 s5, $0x0;
	s5 =	sld [smem:$0x3FB0]  }
0x2b: {  	s6 =	sld [smem:$0x3FB1]  }
0x2c: {  	s7 =	sld [smem:$0x3FB2]  }
0x2d: {  	s3 =	simm.s32 $0x108;
	s8 =	sld [smem:$0x3FB3]  }
0x2e: {  	s3 =	simm.s32 @!p0 $0x1082;
	s9 =	sld [smem:$0x3FB4]  }
0x2f: {  	lr =	sadd.s32 s0, s3;
	s0 =	sld [smem:$0x3FAB]  }
0x30: {  	s3 =	sld [smem:$0x3FAE]  }
0x31: {  	[smem:$0x3FB7] =	sst s10  }
0x32: {  	s10 =	sld [smem:$0x3FB5];
	_ =	sdelay $0x3  }
0x33: {  	p0 =	seq.s32 s10, $0x1;
	s10 =	sld [smem:$0x3FB7];
	_ =	sdelay $0x3  }
0x34: {  	[smem:$0x3FB7] =	sst s10  }
0x35: {  	s10 =	sld [smem:$0x3FB6];
	_ =	sdelay $0x3  }
0x36: {  	p1 =	seq.s32 s10, $0x1;
	s10 =	sld [smem:$0x3FB7];
	_ =	sdelay $0x3  }
0x37: {  	[smem:$0x3FB7] =	sst s10  }
0x38: {  	s10 =	sld [smem:$0x3FB8]  }
0x39: {  	_ = 	snop;
	(pc) =	sbr.ind lr, $3  }
0x3a: {  	_ = 	snop  }
0x3b: {  	_ = 	snop  }
0x3c: {  	p2 =	seq.s32 s10, $0x1;
	s10 =	sld [smem:$0x3FB7]  }
0x3d: {  	_ =	shalt  }
0x3e: {  	_ =	shalt  }
0x3f: {  	_ =	shalt  }
0x40: {  	_ =	shalt  }
0x41: {  	_ =	shalt  }
0x42: {  	_ =	shalt  }
0x43: {  	_ =	shalt  }
0x44: {  	_ =	shalt  }
0x45: {  	_ =	shalt  }
0x46: {  	_ =	shalt  }
0x47: {  	_ =	shalt  }
0x48: {  	_ =	shalt  }
0x49: {  	_ =	shalt  }
0x4a: {  	_ =	shalt  }
0x4b: {  	_ =	shalt  }
0x4c: {  	_ =	shalt  }
0x4d: {  	_ =	shalt  }
0x4e: {  	_ =	shalt  }
0x4f: {  	_ =	shalt  }
0x50: {  	_ =	shalt  }
0x51: {  	_ =	shalt  }
0x52: {  	_ =	shalt  }
0x53: {  	_ =	shalt  }
0x54: {  	_ =	shalt  }
0x55: {  	_ =	shalt  }
0x56: {  	_ =	shalt  }
0x57: {  	_ =	shalt  }
0x58: {  	_ =	shalt  }
0x59: {  	_ =	shalt  }
0x5a: {  	_ =	shalt  }
0x5b: {  	_ =	shalt  }
0x5c: {  	_ =	shalt  }
0x5d: {  	_ =	shalt  }
0x5e: {  	_ =	shalt  }
0x5f: {  	_ =	shalt  }
0x60: {  	_ =	shalt  }
0x61: {  	_ =	shalt  }
0x62: {  	_ =	shalt  }
0x63: {  	_ =	shalt  }
0x64: {  	_ =	shalt  }
0x65: {  	_ =	shalt  }
0x66: {  	_ =	shalt  }
0x67: {  	_ =	shalt  }
0x68: {  	_ =	shalt  }
0x69: {  	_ =	shalt  }
0x6a: {  	_ =	shalt  }
0x6b: {  	_ =	shalt  }
0x6c: {  	_ =	shalt  }
0x6d: {  	_ =	shalt  }
0x6e: {  	_ =	shalt  }
0x6f: {  	_ =	shalt  }
0x70: {  	_ =	shalt  }
0x71: {  	_ =	shalt  }
0x72: {  	_ =	shalt  }
0x73: {  	_ =	shalt  }
0x74: {  	_ =	shalt  }
0x75: {  	_ =	shalt  }
0x76: {  	_ =	shalt  }
0x77: {  	_ =	shalt  }
0x78: {  	_ =	shalt  }
0x79: {  	_ =	shalt  }
0x7a: {  	_ =	shalt  }
0x7b: {  	_ =	shalt  }
0x7c: {  	_ =	shalt  }
0x7d: {  	_ =	shalt  }
0x7e: {  	_ =	shalt  }
0x7f: {  	_ =	shalt  }
0x80: {  	_ =	shalt  }
0x81: {  	_ =	shalt  }
0x82: {  	_ =	shalt  }
0x83: {  	_ =	shalt  }
0x84: {  	_ =	shalt  }
0x85: {  	_ =	shalt  }
0x86: {  	_ =	shalt  }
0x87: {  	_ =	shalt  }
.Lfunc_end0:
.L_simem_size_0:
called_computation_lowered:
.L_overlay_start_0:
0x88: {  	s2 =	sld [smem:$0x3FD9]  }
0x89: {  	s3 =	sld [smem:$0x3FFE];
	_ =	sdelay $0x1  }
0x8a: {  	s1 =	srdreg.scid  }
0x8b: {  	s0 =	sand.u32 $0x1, s1  }
0x8c: {  	s17 =	sshll.u32 s0, $0xA;
	s2 =	sadd.s32 s3, s2  }
0x8d: {  	s2 =	sadd.s32 s2, s17  }
0x8e: {  	[smem:$0x3FC3] =	sst s2  }
0x8f: {  	_ = 	snop  }
0x90: {  	s2 =	sld [smem:$0x3FC8]  }
0x91: {  	s18 =	sld [smem:$0x3FC7]  }
0x92: {  	s4 =	sld [smem:$0x3FC6]  }
0x93: {  	s5 =	sld [smem:$0x3FD0];
	(tm) =	ssettm $0x1  }
0x94: {  	s6 =	sld [smem:$0x3FFB];
	_ =	sdelay $0x3  }
0x95: {  	_ =	strace s6  }
0x96: {  	s6 =	sld [smem:$0x3FFC];
	_ =	sdelay $0x3  }
0x97: {  	_ =	strace s6  }
0x98: {  	s6 =	sld [smem:$0x3FFD];
	_ =	sdelay $0x3  }
0x99: {  	_ =	strace s6  }
0x9a: {  	_ =	strace $0x8FFFFFFF  }
0x9b: {  	s19 =	sld [smem:$0x3FDB];
	_ =	sdelay $0x1  }
0x9c: {  	s7 =	simm.s32 $_scs_section_size  }
0x9d: {  	s8 =	simm.s32 $_size__tile_overlayer_lowered;
	s9 =	simm.s32 $_tile_overlayer_lowered  }
0x9e: {  	s22 =	simm.s32 $0x1BFF;
	s21 =	sshll.u32 s9, $0x1;
	s6 =	sadd.s32 s7, s19  }
0x9f: {  	s10 =	simm.s32 $0x0;
	s20 =	sshll.u32 s8, $0x1;
	s8 =	sadd.s32 s21, s6  }
0xa0: {  	[timem:s10], [sflag:s22] =	dma.local [hbm:s8], s20  }
0xa1: {  	_ =	swait.ge [sflag:s22], s20  }
0xa2: {  	s7 =	ssub.s32 $0x0, s20;
	[sflag:s22] =	ssyncset.done $0x0  }
0xa3: {  	[sflag:s22] =	ssyncadd.s32 s7;
	_ =	sdelay $0x1  }
0xa4: {  	s23 =	simm.s32 $0x1B8B  }
0xa5: {  	_ =	swait.ge [sflag:s23], $0x1  }
0xa6: {  	[sflag:s23] =	ssyncset.done $0x0  }
0xa7: {  	s25 =	simm.s32 $0x1B8E;
	s24 =	sld [smem:$0x3FFE];
	[sflag:s23] =	ssyncadd.s32 $0xFFFFFFFF  }
0xa8: {  	s26 =	simm.s32 $execute0_lowered;
	[smem:$0x3FD2] =	sst s25  }
0xa9: {  	s8 =	sshll.u32 s26, $0x1;
	_ =	strace $0x80000046;
	[dreg:$0x1] =	wrdreg $0xFFFFFFFF  }
0xaa: {  	s28 =	simm.s32 $_size_execute0_lowered;
	s6 =	sadd.s32 s6, s8;
	[dreg:$0x0] =	wrdreg $0x0  }
0xab: {  	s8 =	sshll.u32 s28, $0x1;
	[dreg:$0x2] =	wrdreg s6  }
0xac: {  	[dreg:$0x3] =	wrdreg s8  }
0xad: {  	[dreg:$0x4] =	wrdreg $0xC0  }
0xae: {  	_ =	task [dreg:s10], $0x5FFFF  }
0xaf: {  	[dreg:$0x1] =	wrdreg $0xFFFFFFFF  }
0xb0: {  	[dreg:$0x0] =	wrdreg $0x60  }
0xb1: {  	[dreg:$0x2] =	wrdreg s5  }
0xb2: {  	[dreg:$0x3] =	wrdreg s2  }
0xb3: {  	[dreg:$0x4] =	wrdreg s18  }
0xb4: {  	[dreg:$0x5] =	wrdreg s4  }
0xb5: {  	[dreg:$0x6] =	wrdreg s24  }
0xb6: {  	[dreg:$0x7] =	wrdreg $0x8C000  }
0xb7: {  	[dreg:$0x8] =	wrdreg $0x9  }
0xb8: {  	_ =	task.clear_ibuf [dreg:s10], $0x9FFFF;
	_ =	strace $0x90000046  }
0xb9: {  	s29 =	simm.s32 $0x9;
	_ =	strace $0x80000048  }
0xba: {  	_ =	swait.ge [sflag:s29], $0x1  }
0xbb: {  	[sflag:s29] =	ssyncadd.s32 $0xFFFFFFFF  }
0xbc: {  	_ =	strace $0x90000048  }
0xbd: {  	_ =	sfence  }
0xbe: {  	s30 =	sld [smem:$0x0];
	_ =	sdelay $0x2  }
0xbf: {  	s31 =	sshll.u32 s1, $0xD;
	s1 =	sshrl.u32 s1, $0x2  }
0xc0: {  	s3 =	sand.u32 $0x4000, s31;
	s1 =	sadd.s32 s1, s30  }
0xc1: {  	s0 =	sor.u32 s3, s0;
	s1 =	sshll.u32 s1, $0x11  }
0xc2: {  	s0 =	sor.u32 s1, s0  }
0xc3: {  	s0 =	sadd.s32 $0x8F2B, s0  }
0xc4: {  	[sflag:s0] =	ssyncadd.remote.s32 $0x1  }
0xc5: {  	_ =	sfence.sel $0xFFFF  }
0xc6: {  	[dreg:$0x0] =	wrdreg $0xFFFFFFFF;
	(pc) =	sbr.abs _section_cstart, $3  }
0xc7: {  	[dreg:$0x1] =	wrdreg $0xFFFFFFFF  }
0xc8: {  	_ =	task.clear_ibuf [dreg:s10], $0x2FFFF;
	_ =	strace $0x9FFFFFFF  }
0xc9: {  	(tm) =	ssettm $0x7FFFFFFF  }
tec
execute0_lowered:
.L_overlay_start_1:
0x0: {  	(tag) =	ssettag $0x1  }
0x1: {  	s1 =	rddreg [dreg:$0x0]  }
0x2: {  	s10 =	rddreg [dreg:$0x1]  }
0x3: {  	s0 =	rddreg [dreg:$0x4]  }
0x4: {  	s5 =	rddreg [dreg:$0x5]  }
0x5: {  	s2 =	simm.s32 $0x0;
	s21 =	srdreg.scid;
	s11 =	stileid.u32  }
0x6: {  	s16 =	simm.s32 $0x4;
	s17 =	simm.s32 $0x400;
	s19 =	simm.s32 $0x3  }
0x7: {  	s20 =	simm.s32 $0x80;
	s29 =	simm.s32 $0x4C00;
	s31 =	simm.s32 $0x5C00  }
0x8: {  	s12 =	simm.s32 $0x1;
	s13 =	simm.s32 $0x480;
	s14 =	simm.s32 $0x500  }
0x9: {  	s15 =	simm.s32 $0x600;
	s18 =	simm.s32 $0x2;
	s28 =	simm.s32 $0x0  }
0xa: {  	[smem:$0x7FF] =	sst s2;
	s2 =	sand.u32 $0x1, s21;
	s3 =	sshll.u32 s11, $0xC  }
0xb: {  	s4 =	sshll.u32 s11, $0xF;
	s8 =	smul.u32 $0x4400, s11;
	s24 =	sshll.u32 s11, $0x6  }
0xc: {  	s21 =	simm.s32 $0xC00;
	s11 =	simm.s32 $0x580;
	_ =	strace $0x80000047  }
0xd: {  	s6 =	sshll.u32 s2, $0x13;
	s7 =	ssub.s32 $0x2, s2;
	s2 =	smul.u32 $0x44000, s2  }
0xe: {  	s3 =	sadd.s32 s3, s0;
	s23 =	sor.u32 $0x1C04, s24;
	s24 =	simm.s32 $0x2C00  }
0xf: {  	s6 =	sor.u32 s4, s6;
	s9 =	sshrl.u32 s7, $0x1;
	s4 =	sadd.s32 s4, s5  }
0x10: {  	s25 =	sadd.s32 $0x600, s3;
	s3 =	simm.s32 $0x680;
	[dreg:$0x8] =	wrdreg s23  }
0x11: {  	s6 =	sshrl.u32 s6, $0x3;
	s22 =	ssub.s32 s7, s9;
	s9 =	sadd.s32 s8, s2  }
0x12: {  	[dreg:$0x7] =	wrdreg s25;
	s7 =	smov.u32 s10;
	s25 =	sshrl.u32 s4, $0x3  }
0x13: {  	s4 =	simm.s32 $0x700;
	s0 =	sadd.s32 s6, s0;
	s26 =	sshrl.u32 s9, $0x3  }
0x14: {  	s30 =	smax.u32 s22, $0x1;
	s22 =	simm.s32 $0x1C00;
	[dreg:$0xc] =	wrdreg s25  }
0x15: {  	s6 =	simm.s32 $0x6C00;
	s2 =	sadd.s32 s10, s26;
	[dreg:$0xb] =	wrdreg s30  }
0x16: {  	s0 =	sadd.s32 $0x10600, s0;
	s26 =	simm.s32 $0x3C00;
	[dreg:$0x9] =	wrdreg s2  }
0x17: {  	s10 =	simm.s32 $0x7C00;
	[dreg:$0xa] =	wrdreg s0;
	s2 =	simm.s32 $0x780  }
.LBB2_1:
0x18: {  	[dreg:$0xd] =	wrdreg s28  }
0x19: {  	s0 =	rddreg [dreg:$0x7]  }
0x1a: {  	[spmem:s25], [sflag:s23] =	dma.local [hbm:s0], $0x1000  }
0x1b: {  	_ =	swait.ge [sflag:s16], $0x1000  }
0x1c: {  	[sflag:s16] =	ssyncset.done $0x0  }
0x1d: {  	[sflag:s16] =	ssyncadd.s32 $0xFFFFF000  }
0x1e: {  	[bflag:$0x0] =	sbarrier.arrive $0xFFFF  }
0x1f: {  	s28 =	simm.s32 $0x0;
	s23 =	simm.s32 $0x0;
	s30 =	rddreg [dreg:$0x9]  }
0x20: {  	[tilespmem:s28], [sflag:$0x3] =	stream.linear.gather [hbm4b:s30+s28], $0x400, $0x38;
	[tilespmem:$0x10C00] =	vst v63  }
.LBB2_2:
0x21: {  	s0 =	sshll.u32 s23, $0xA  }
0x22: {  	s0 =	sadd.s32 s8, s0  }
0x23: {  	s25 =	rddreg [dreg:$0x2];
	s0 =	sshrl.u32 s0, $0x3  }
0x24: {  	s28 =	simm.s32 $0x0;
	s25 =	sadd.s32 s25, s0  }
0x25: {  	[tilespmem:s17], [sflag:$0x4] =	stream.linear.gather [hbm4b:s25+s28], $0x400, $0x38;
	[tilespmem:$0x10C00] =	vst v63  }
0x26: {  	_ =	swait.ge [sflag:s16], $0x400  }
0x27: {  	[sflag:s16] =	ssyncset.done $0x0  }
0x28: {  	[sflag:s16] =	ssyncadd.s32 $0xFFFFFC00  }
0x29: {  	s25 =	rddreg [dreg:$0x3]  }
0x2a: {  	s0 =	sadd.s32 s25, s0;
	s25 =	simm.s32 $0x800  }
0x2b: {  	[tilespmem:s25], [sflag:$0x4] =	stream.linear.gather [hbm4b:s0+s28], $0x400, $0x38;
	[tilespmem:$0x10C00] =	vst v63  }
0x2c: {  	_ =	swait.ge [sflag:s16], $0x400  }
0x2d: {  	[sflag:s16] =	ssyncset.done $0x0  }
0x2e: {  	[sflag:s16] =	ssyncadd.s32 $0xFFFFFC00  }
0x2f: {  	_ =	swait.ge [sflag:s19], $0x400  }
0x30: {  	[sflag:s19] =	ssyncset.done $0x0  }
0x31: {  	[sflag:s19] =	ssyncadd.s32 $0xFFFFFC00  }
0x32: {  	[tilespmem:s21], [sflag:$0x1] =	stream.indirect.gather [hbm4b:s1+s20], $0x20, s28, s20, $0xb8;
	[tilespmem:$0x10C00] =	vst v63  }
0x33: {  	_ = 	snop  }
0x34: {  	[tilespmem:s22], [sflag:$0x1] =	stream.indirect.gather [hbm4b:s1+s20], $0x20, s20, s20, $0xb8;
	[tilespmem:$0x10C00] =	vst v63  }
0x35: {  	s25 =	simm.s32 $0x100  }
0x36: {  	[tilespmem:s24], [sflag:$0x1] =	stream.indirect.gather [hbm4b:s1+s20], $0x20, s25, s20, $0xb8;
	[tilespmem:$0x10C00] =	vst v63  }
0x37: {  	s25 =	simm.s32 $0x180  }
0x38: {  	[tilespmem:s26], [sflag:$0x1] =	stream.indirect.gather [hbm4b:s1+s20], $0x20, s25, s20, $0xb8;
	[tilespmem:$0x10C00] =	vst v63  }
0x39: {  	s25 =	simm.s32 $0x200  }
0x3a: {  	[tilespmem:s29], [sflag:$0x1] =	stream.indirect.gather [hbm4b:s1+s20], $0x20, s25, s20, $0xb8;
	[tilespmem:$0x10C00] =	vst v63  }
0x3b: {  	s25 =	simm.s32 $0x280  }
0x3c: {  	[tilespmem:s31], [sflag:$0x1] =	stream.indirect.gather [hbm4b:s1+s20], $0x20, s25, s20, $0xb8;
	[tilespmem:$0x10C00] =	vst v63  }
0x3d: {  	s25 =	simm.s32 $0x300  }
0x3e: {  	[tilespmem:s6], [sflag:$0x1] =	stream.indirect.gather [hbm4b:s1+s20], $0x20, s25, s20, $0xb8;
	[tilespmem:$0x10C00] =	vst v63  }
0x3f: {  	s25 =	simm.s32 $0x380  }
0x40: {  	[tilespmem:s10], [sflag:$0x1] =	stream.indirect.gather [hbm4b:s1+s20], $0x20, s25, s20, $0xb8;
	[tilespmem:$0x10C00] =	vst v63  }
0x41: {  	_ =	swait.ge [sflag:s12], $0x1000  }
0x42: {  	[sflag:s12] =	ssyncset.done $0x0  }
0x43: {  	[sflag:s12] =	ssyncadd.s32 $0xFFFFF000  }
0x44: {  	_ =	swait.ge [sflag:s12], $0x1000  }
0x45: {  	[sflag:s12] =	ssyncset.done $0x0  }
0x46: {  	[sflag:s12] =	ssyncadd.s32 $0xFFFFF000  }
0x47: {  	_ =	swait.ge [sflag:s12], $0x1000  }
0x48: {  	[sflag:s12] =	ssyncset.done $0x0  }
0x49: {  	[sflag:s12] =	ssyncadd.s32 $0xFFFFF000  }
0x4a: {  	_ =	swait.ge [sflag:s12], $0x1000  }
0x4b: {  	[sflag:s12] =	ssyncset.done $0x0  }
0x4c: {  	[sflag:s12] =	ssyncadd.s32 $0xFFFFF000  }
0x4d: {  	_ =	swait.ge [sflag:s12], $0x1000  }
0x4e: {  	[sflag:s12] =	ssyncset.done $0x0  }
0x4f: {  	[sflag:s12] =	ssyncadd.s32 $0xFFFFF000  }
0x50: {  	_ =	swait.ge [sflag:s12], $0x1000  }
0x51: {  	[sflag:s12] =	ssyncset.done $0x0  }
0x52: {  	[sflag:s12] =	ssyncadd.s32 $0xFFFFF000  }
0x53: {  	s23 =	sadd.s32 $0x1, s23;
	_ =	swait.ge [sflag:s12], $0x1000  }
0x54: {  	s25 =	smin.u32 s23, $0x10;
	[sflag:s12] =	ssyncset.done $0x0  }
0x55: {  	s0 =	sshll.u32 s25, $0xA;
	[sflag:s12] =	ssyncadd.s32 $0xFFFFF000  }
0x56: {  	s0 =	sadd.s32 s0, s9;
	_ =	swait.ge [sflag:s12], $0x1000  }
0x57: {  	s0 =	sshrl.u32 s0, $0x3;
	[sflag:s12] =	ssyncset.done $0x0  }
0x58: {  	s25 =	simm.s32 $0xD00;
	s0 =	sadd.s32 s7, s0;
	[sflag:s12] =	ssyncadd.s32 $0xFFFFF000  }
0x59: {  	[tilespmem:s28], [sflag:$0x3] =	stream.linear.gather [hbm4b:s0+s28], $0x400, $0x38;
	[tilespmem:$0x10C00] =	vst v63  }
0x5a: {  	v5 =	vld [tilespmem:s25+$0xFFFFFFA0]  }
0x5b: {  	v3 =	vld [tilespmem:s25+$0xFFFFFFF0]  }
0x5c: {  	v0 =	vld [tilespmem:s25+$0xFFFFFF60]  }
0x5d: {  	v6 =	vld [tilespmem:s25+$0xFFFFFFD0]  }
0x5e: {  	v7 =	vld [tilespmem:s25+$0x80]  }
0x5f: {  	v10 =	vld [tilespmem:s25+$0xFFFFFF10]  }
0x60: {  	v14 =	vld [tilespmem:s25+$0xE0]  }
0x61: {  	v9 =	vld [tilespmem:s25+$0xFFFFFF40]  }
0x62: {  	s0 =	simm.s32 $0x0;
	v1 =	vld [tilespmem:s25+$0xFFFFFF90]  }
0x63: {  	v2 =	vld [tilespmem:s0+$0x800]  }
0x64: {  	v8 =	vld [tilespmem:s25+$0xFFFFFFC0]  }
0x65: {  	v11 =	vld [tilespmem:s25+$0xFFFFFF00]  }
0x66: {  	v12 =	vld [tilespmem:s25+$0xD0]  }
0x67: {  	v21 =	vld [tilespmem:s25+$0xC0]  }
0x68: {  	v19 =	vld [tilespmem:s25+$0x90];
	v17 =	vbroadcast v2, $0x0;
	v4 =	vbroadcast v2, $0xF  }
0x69: {  	v20 =	vld [tilespmem:s25+$0xFFFFFF50];
	v18 =	vbroadcast v2, $0x2;
	v16 =	vbroadcast v2, $0xE  }
0x6a: {  	v15 =	vld [tilespmem:s25+$0xB0];
	v13 =	vbroadcast v2, $0xC;
	v23 =	vmul.f32 v17, v11  }
0x6b: {  	s30 =	simm.s32 $0xD00;
	s28 =	simm.s32 $0x40;
	v11 =	vbroadcast v2, $0xD;
	v22 =	vmul.f32 v9, v18;
	v9 =	vld [tilespmem:s25+$0x60]  }
.LBB2_3:
0x6c: {  	p0 =	sne.s32 s28, $0x1C0  }
0x6d: {  	[tilespmem:s25+$0xFFFFFF00] =	vst v23;
	v23 =	vld [tilespmem:s25+$0xFFFFFFB0];
	v21 =	vmul.f32 v21, v16;
	v14 =	vmul.f32 v14, v4;
	s30 =	sadd.s32 $0x200, s30;
	s0 =	smov.u32 s28;
	s28 =	sadd.s32 $0x40, s28  }
0x6e: {  	[tilespmem:s25+$0xFFFFFF40] =	vst v22;
	v22 =	vbroadcast v2, $0xA;
	v19 =	vmul.f32 v19, v13;
	v24 =	vld [tilespmem:s25+$0xA0]  }
0x6f: {  	v10 =	vmul.f32 v10, v17;
	v17 =	vmul.f32 v20, v18;
	v18 =	vld [tilespmem:s25+$0x70];
	[tilespmem:s25+$0xE0] =	vst v14  }
0x70: {  	v14 =	vbroadcast v2, $0x5;
	v20 =	vld [tilespmem:s25+$0xFFFFFFE0];
	v15 =	vmul.f32 v15, v11;
	[tilespmem:s25+$0xC0] =	vst v21  }
0x71: {  	v12 =	vmul.f32 v12, v16;
	[tilespmem:s25+$0xFFFFFF10] =	vst v10;
	v10 =	vbroadcast v2, $0x6;
	v21 =	vld [tilespmem:s25+$0x40]  }
0x72: {  	v25 =	vbroadcast v2, $0xB;
	v5 =	vmul.f32 v5, v14;
	v16 =	vld [tilespmem:s25+$0xFFFFFF20];
	[tilespmem:s25+$0x90] =	vst v19  }
0x73: {  	v19 =	vbroadcast v2, $0x9;
	[tilespmem:s25+$0xFFFFFF50] =	vst v17;
	v17 =	vld [tilespmem:s25+$0x20];
	v11 =	vmul.f32 v24, v11  }
0x74: {  	v14 =	vmul.f32 v23, v14;
	v23 =	vld [tilespmem:s25+$0x50];
	v18 =	vmul.f32 v18, v25;
	[tilespmem:s25+$0xD0] =	vst v12  }
0x75: {  	v7 =	vmul.f32 v7, v13;
	v12 =	vbroadcast v2, $0x7;
	v24 =	vld [tilespmem:s25+$0x30];
	[tilespmem:s25+$0xA0] =	vst v11  }
0x76: {  	v8 =	vmul.f32 v8, v10;
	v11 =	vbroadcast v2, $0x3;
	v13 =	vld [tilespmem:s25+$0x0];
	[tilespmem:s25+$0x70] =	vst v18  }
0x77: {  	v9 =	vmul.f32 v9, v25;
	v6 =	vmul.f32 v6, v10;
	v10 =	vld [tilespmem:s25+$0x10];
	[tilespmem:s25+$0x80] =	vst v7  }
0x78: {  	v18 =	vbroadcast v2, $0x8;
	v21 =	vmul.f32 v21, v22;
	v7 =	vld [tilespmem:s25+$0xFFFFFF30];
	[tilespmem:s25+$0xB0] =	vst v15  }
0x79: {  	v15 =	vbroadcast v2, $0x1;
	v25 =	vld [tilespmem:s25+$0xFFFFFF70];
	[tilespmem:s25+$0xFFFFFFD0] =	vst v6;
	v22 =	vmul.f32 v23, v22  }
0x7a: {  	v3 =	vmul.f32 v3, v12;
	v6 =	vmul.f32 v20, v12;
	[tilespmem:s25+$0xFFFFFFC0] =	vst v8;
	v8 =	vld [tilespmem:s25+$0xF0]  }
0x7b: {  	v20 =	vmul.f32 v24, v19;
	v12 =	vld [tilespmem:s25+$0xFFFFFF80];
	[tilespmem:s25+$0xFFFFFFA0] =	vst v5;
	v13 =	vmul.f32 v13, v18  }
0x7c: {  	v5 =	vld [tilespmem:s30+$0xFFFFFFA0];
	[tilespmem:s25+$0xFFFFFFF0] =	vst v3;
	v18 =	vmul.f32 v10, v18;
	v10 =	vmul.f32 v17, v19  }
0x7d: {  	v3 =	vmul.f32 v16, v15;
	v15 =	vmul.f32 v7, v15;
	[tilespmem:s25+$0x60] =	vst v9  }
0x7e: {  	v0 =	vmul.f32 v0, v11;
	v7 =	vmul.f32 v25, v11;
	[tilespmem:s25+$0xFFFFFFB0] =	vst v14  }
0x7f: {  	v2 =	vbroadcast v2, $0x4;
	[tilespmem:s25+$0xFFFFFF20] =	vst v3;
	v3 =	vmul.f32 v8, v4  }
0x80: {  	[tilespmem:s25+$0xFFFFFF60] =	vst v0  }
0x81: {  	v4 =	vmul.f32 v12, v2;
	v0 =	vmul.f32 v1, v2;
	[tilespmem:s25+$0x40] =	vst v21  }
0x82: {  	[tilespmem:s25+$0xFFFFFFE0] =	vst v6  }
0x83: {  	[tilespmem:s25+$0xF0] =	vst v3  }
0x84: {  	[tilespmem:s25+$0xFFFFFF90] =	vst v0  }
0x85: {  	v3 =	vld [tilespmem:s30+$0xFFFFFFF0];
	[tilespmem:s25+$0xFFFFFF70] =	vst v7  }
0x86: {  	v0 =	vld [tilespmem:s30+$0xFFFFFF60];
	[tilespmem:s25+$0x20] =	vst v10  }
0x87: {  	v6 =	vld [tilespmem:s30+$0xFFFFFFD0];
	[tilespmem:s25+$0x30] =	vst v20  }
0x88: {  	v7 =	vld [tilespmem:s30+$0x80];
	[tilespmem:s25+$0xFFFFFF80] =	vst v4  }
0x89: {  	v10 =	vld [tilespmem:s30+$0xFFFFFF10];
	[tilespmem:s25+$0x50] =	vst v22  }
0x8a: {  	v14 =	vld [tilespmem:s30+$0xE0];
	[tilespmem:s25+$0x0] =	vst v13  }
0x8b: {  	v9 =	vld [tilespmem:s30+$0xFFFFFF40];
	[tilespmem:s25+$0xFFFFFF30] =	vst v15  }
0x8c: {  	s0 =	sshra.s32 s0, $0x2;
	v1 =	vld [tilespmem:s30+$0xFFFFFF90];
	[tilespmem:s25+$0x10] =	vst v18;
	s25 =	smov.u32 s30  }
0x8d: {  	v2 =	vld [tilespmem:s0+$0x800]  }
0x8e: {  	v8 =	vld [tilespmem:s30+$0xFFFFFFC0]  }
0x8f: {  	v11 =	vld [tilespmem:s30+$0xFFFFFF00]  }
0x90: {  	v12 =	vld [tilespmem:s30+$0xD0]  }
.Ltmp0:
0x91: {  	v21 =	vld [tilespmem:s30+$0xC0];
	(pc) =	sbr.rel @p0 .LBB2_3-.Ltmp0, $4  }
0x92: {  	v17 =	vbroadcast v2, $0x0;
	v19 =	vld [tilespmem:s30+$0x90];
	v4 =	vbroadcast v2, $0xF  }
0x93: {  	v18 =	vbroadcast v2, $0x2;
	v16 =	vbroadcast v2, $0xE;
	v20 =	vld [tilespmem:s30+$0xFFFFFF50]  }
0x94: {  	v23 =	vmul.f32 v17, v11;
	v11 =	vbroadcast v2, $0xD;
	v15 =	vld [tilespmem:s30+$0xB0]  }
0x95: {  	v13 =	vbroadcast v2, $0xC;
	v22 =	vmul.f32 v9, v18;
	v9 =	vld [tilespmem:s30+$0x60]  }
0x96: {  	[tilespmem:s25+$0xFFFFFF00] =	vst v23;
	v14 =	vmul.f32 v14, v4  }
0x97: {  	v21 =	vmul.f32 v21, v16;
	[tilespmem:s25+$0xFFFFFF40] =	vst v22  }
0x98: {  	v10 =	vmul.f32 v10, v17;
	[tilespmem:s25+$0xE0] =	vst v14  }
0x99: {  	v17 =	vld [tilespmem:s25+$0x70];
	v7 =	vmul.f32 v7, v13;
	[tilespmem:s25+$0xC0] =	vst v21  }
0x9a: {  	v14 =	vmul.f32 v19, v13;
	v18 =	vmul.f32 v20, v18;
	[tilespmem:s25+$0xFFFFFF10] =	vst v10  }
0x9b: {  	v22 =	vld [tilespmem:s25+$0xA0];
	v10 =	vmul.f32 v12, v16;
	v16 =	vbroadcast v2, $0xB;
	[tilespmem:s25+$0x80] =	vst v7  }
0x9c: {  	[tilespmem:s25+$0x90] =	vst v14  }
0x9d: {  	v7 =	vbroadcast v2, $0x7;
	[tilespmem:s25+$0xFFFFFF50] =	vst v18;
	v9 =	vmul.f32 v9, v16  }
0x9e: {  	[tilespmem:s25+$0xD0] =	vst v10;
	v17 =	vmul.f32 v17, v16  }
0x9f: {  	v12 =	vld [tilespmem:s25+$0xFFFFFF20];
	v3 =	vmul.f32 v3, v7;
	[tilespmem:s25+$0x60] =	vst v9  }
0xa0: {  	v10 =	vbroadcast v2, $0x6;
	v18 =	vmul.f32 v22, v11;
	[tilespmem:s25+$0x70] =	vst v17  }
0xa1: {  	v14 =	vld [tilespmem:s25+$0xFFFFFFE0];
	v11 =	vmul.f32 v15, v11;
	[tilespmem:s25+$0xFFFFFFF0] =	vst v3  }
0xa2: {  	v19 =	vld [tilespmem:s25+$0xFFFFFFB0];
	v16 =	vbroadcast v2, $0x1;
	v6 =	vmul.f32 v6, v10;
	[tilespmem:s25+$0xA0] =	vst v18  }
0xa3: {  	v15 =	vbroadcast v2, $0x5;
	v8 =	vmul.f32 v8, v10;
	[tilespmem:s25+$0xB0] =	vst v11  }
0xa4: {  	v12 =	vmul.f32 v12, v16;
	[tilespmem:s25+$0xFFFFFFD0] =	vst v6  }
0xa5: {  	v20 =	vld [tilespmem:s25+$0x40];
	v5 =	vmul.f32 v5, v15;
	[tilespmem:s25+$0xFFFFFFC0] =	vst v8  }
0xa6: {  	v18 =	vld [tilespmem:s25+$0xF0];
	[tilespmem:s25+$0xFFFFFF20] =	vst v12;
	v7 =	vmul.f32 v14, v7;
	v12 =	vbroadcast v2, $0x4  }
0xa7: {  	v11 =	vld [tilespmem:s25+$0xFFFFFF70];
	[tilespmem:s25+$0xFFFFFFA0] =	vst v5;
	v5 =	vmul.f32 v19, v15;
	v15 =	vbroadcast v2, $0x3  }
0xa8: {  	v13 =	vld [tilespmem:s25+$0x20];
	v3 =	vbroadcast v2, $0xA;
	v1 =	vmul.f32 v1, v12;
	[tilespmem:s25+$0xFFFFFFE0] =	vst v7  }
0xa9: {  	v17 =	vld [tilespmem:s25+$0x30];
	v0 =	vmul.f32 v0, v15;
	[tilespmem:s25+$0xFFFFFFB0] =	vst v5  }
0xaa: {  	v6 =	vld [tilespmem:s25+$0xFFFFFF80];
	v5 =	vmul.f32 v20, v3;
	[tilespmem:s25+$0xFFFFFF90] =	vst v1  }
0xab: {  	v21 =	vld [tilespmem:s25+$0x50];
	[tilespmem:s25+$0xFFFFFF60] =	vst v0;
	v0 =	vmul.f32 v18, v4;
	v4 =	vbroadcast v2, $0x9  }
0xac: {  	v10 =	vld [tilespmem:s25+$0x0];
	[tilespmem:s25+$0x40] =	vst v5;
	v5 =	vmul.f32 v11, v15  }
0xad: {  	v9 =	vld [tilespmem:s25+$0xFFFFFF30];
	[tilespmem:s25+$0xF0] =	vst v0;
	v0 =	vmul.f32 v13, v4  }
0xae: {  	v8 =	vld [tilespmem:s25+$0x10];
	v1 =	vmul.f32 v17, v4;
	[tilespmem:s25+$0xFFFFFF70] =	vst v5  }
0xaf: {  	v2 =	vbroadcast v2, $0x8;
	v4 =	vmul.f32 v6, v12;
	[tilespmem:s25+$0x20] =	vst v0  }
0xb0: {  	v0 =	vmul.f32 v21, v3;
	[tilespmem:s25+$0x30] =	vst v1  }
0xb1: {  	v1 =	vmul.f32 v10, v2;
	[tilespmem:s25+$0xFFFFFF80] =	vst v4  }
0xb2: {  	v3 =	vmul.f32 v9, v16;
	[tilespmem:s25+$0x50] =	vst v0  }
0xb3: {  	v0 =	vmul.f32 v8, v2;
	[tilespmem:s25+$0x0] =	vst v1  }
0xb4: {  	[tilespmem:s25+$0xFFFFFF30] =	vst v3  }
0xb5: {  	[tilespmem:s25+$0x10] =	vst v0;
	s25 =	simm.s32 $0x1DF0  }
0xb6: {  	[spmem:s5] =	stream.indirect.scatter.add.f32 [tilespmem:s21], [sflag:$0x2], $0x20, s17, s20, $0xb8;
	[tilespmem:$0x10C00] =	vst v63  }
0xb7: {  	v5 =	vld [tilespmem:s25+$0xFFFFFEB0]  }
0xb8: {  	v10 =	vld [tilespmem:s25+$0xFFFFFFF0]  }
0xb9: {  	v0 =	vld [tilespmem:s25+$0xFFFFFE70]  }
0xba: {  	v3 =	vld [tilespmem:s25+$0xFFFFFF00]  }
0xbb: {  	v6 =	vld [tilespmem:s25+$0xFFFFFEE0]  }
0xbc: {  	v7 =	vld [tilespmem:s25+$0xFFFFFF90]  }
0xbd: {  	v11 =	vld [tilespmem:s25+$0xFFFFFE20]  }
0xbe: {  	v9 =	vld [tilespmem:s25+$0xFFFFFE50]  }
0xbf: {  	s0 =	simm.s32 $0x0;
	v1 =	vld [tilespmem:s25+$0xFFFFFEA0]  }
0xc0: {  	v2 =	vld [tilespmem:s0+$0x880]  }
0xc1: {  	v8 =	vld [tilespmem:s25+$0xFFFFFED0]  }
0xc2: {  	v12 =	vld [tilespmem:s25+$0xFFFFFE10]  }
0xc3: {  	v13 =	vld [tilespmem:s25+$0xFFFFFFE0]  }
0xc4: {  	v21 =	vld [tilespmem:s25+$0xFFFFFFD0]  }
0xc5: {  	v19 =	vld [tilespmem:s25+$0xFFFFFFA0];
	v17 =	vbroadcast v2, $0x0;
	v4 =	vbroadcast v2, $0xF  }
0xc6: {  	v20 =	vld [tilespmem:s25+$0xFFFFFE60];
	v18 =	vbroadcast v2, $0x2;
	v16 =	vbroadcast v2, $0xE  }
0xc7: {  	v15 =	vld [tilespmem:s25+$0xFFFFFFC0];
	v14 =	vbroadcast v2, $0xC;
	v23 =	vmul.f32 v17, v12  }
0xc8: {  	s28 =	simm.s32 $0x40;
	s30 =	simm.s32 $0x1DF0;
	v12 =	vbroadcast v2, $0xD;
	v22 =	vmul.f32 v9, v18;
	v9 =	vld [tilespmem:s25+$0xFFFFFF70]  }
.LBB2_5:
0xc9: {  	p0 =	sne.s32 s28, $0x1C0  }
0xca: {  	[tilespmem:s25+$0xFFFFFE10] =	vst v23;
	v23 =	vld [tilespmem:s25+$0xFFFFFEC0];
	v21 =	vmul.f32 v21, v16;
	v10 =	vmul.f32 v10, v4;
	s30 =	sadd.s32 $0x200, s30;
	s0 =	smov.u32 s28;
	s28 =	sadd.s32 $0x40, s28  }
0xcb: {  	[tilespmem:s25+$0xFFFFFE50] =	vst v22;
	v22 =	vbroadcast v2, $0xA;
	v19 =	vmul.f32 v19, v14;
	v24 =	vld [tilespmem:s25+$0xFFFFFFB0]  }
0xcc: {  	v11 =	vmul.f32 v11, v17;
	v17 =	vmul.f32 v20, v18;
	v18 =	vld [tilespmem:s25+$0xFFFFFF80];
	[tilespmem:s25+$0xFFFFFFF0] =	vst v10  }
0xcd: {  	v10 =	vbroadcast v2, $0x5;
	v20 =	vld [tilespmem:s25+$0xFFFFFEF0];
	v15 =	vmul.f32 v15, v12;
	[tilespmem:s25+$0xFFFFFFD0] =	vst v21  }
0xce: {  	v13 =	vmul.f32 v13, v16;
	[tilespmem:s25+$0xFFFFFE20] =	vst v11;
	v11 =	vbroadcast v2, $0x6;
	v21 =	vld [tilespmem:s25+$0xFFFFFF50]  }
0xcf: {  	v25 =	vbroadcast v2, $0xB;
	v5 =	vmul.f32 v5, v10;
	v16 =	vld [tilespmem:s25+$0xFFFFFE30];
	[tilespmem:s25+$0xFFFFFFA0] =	vst v19  }
0xd0: {  	v19 =	vbroadcast v2, $0x9;
	[tilespmem:s25+$0xFFFFFE60] =	vst v17;
	v17 =	vld [tilespmem:s25+$0xFFFFFF30];
	v12 =	vmul.f32 v24, v12  }
0xd1: {  	v10 =	vmul.f32 v23, v10;
	v23 =	vld [tilespmem:s25+$0xFFFFFF60];
	v18 =	vmul.f32 v18, v25;
	[tilespmem:s25+$0xFFFFFFE0] =	vst v13  }
0xd2: {  	v7 =	vmul.f32 v7, v14;
	v13 =	vbroadcast v2, $0x7;
	v24 =	vld [tilespmem:s25+$0xFFFFFF40];
	[tilespmem:s25+$0xFFFFFFB0] =	vst v12  }
0xd3: {  	v8 =	vmul.f32 v8, v11;
	v12 =	vbroadcast v2, $0x3;
	v14 =	vld [tilespmem:s25+$0xFFFFFF10];
	[tilespmem:s25+$0xFFFFFF80] =	vst v18  }
0xd4: {  	v9 =	vmul.f32 v9, v25;
	v6 =	vmul.f32 v6, v11;
	v11 =	vld [tilespmem:s25+$0xFFFFFF20];
	[tilespmem:s25+$0xFFFFFF90] =	vst v7  }
0xd5: {  	v18 =	vbroadcast v2, $0x8;
	v21 =	vmul.f32 v21, v22;
	v7 =	vld [tilespmem:s25+$0xFFFFFE40];
	[tilespmem:s25+$0xFFFFFFC0] =	vst v15  }
0xd6: {  	v15 =	vbroadcast v2, $0x1;
	v25 =	vld [tilespmem:s25+$0xFFFFFE80];
	[tilespmem:s25+$0xFFFFFEE0] =	vst v6;
	v22 =	vmul.f32 v23, v22  }
0xd7: {  	v3 =	vmul.f32 v3, v13;
	v6 =	vmul.f32 v20, v13;
	[tilespmem:s25+$0xFFFFFED0] =	vst v8;
	v8 =	vld [tilespmem:s25+$0x0]  }
0xd8: {  	v20 =	vmul.f32 v24, v19;
	v13 =	vld [tilespmem:s25+$0xFFFFFE90];
	[tilespmem:s25+$0xFFFFFEB0] =	vst v5;
	v14 =	vmul.f32 v14, v18  }
0xd9: {  	v5 =	vld [tilespmem:s30+$0xFFFFFEB0];
	[tilespmem:s25+$0xFFFFFF00] =	vst v3;
	v18 =	vmul.f32 v11, v18;
	v3 =	vmul.f32 v17, v19  }
0xda: {  	v11 =	vmul.f32 v16, v15;
	v15 =	vmul.f32 v7, v15;
	[tilespmem:s25+$0xFFFFFF70] =	vst v9  }
0xdb: {  	v0 =	vmul.f32 v0, v12;
	v7 =	vmul.f32 v25, v12;
	[tilespmem:s25+$0xFFFFFEC0] =	vst v10  }
0xdc: {  	v2 =	vbroadcast v2, $0x4;
	[tilespmem:s25+$0xFFFFFE30] =	vst v11;
	v4 =	vmul.f32 v8, v4  }
0xdd: {  	[tilespmem:s25+$0xFFFFFE70] =	vst v0  }
0xde: {  	v8 =	vmul.f32 v13, v2;
	v0 =	vmul.f32 v1, v2;
	[tilespmem:s25+$0xFFFFFF50] =	vst v21  }
0xdf: {  	[tilespmem:s25+$0xFFFFFEF0] =	vst v6  }
0xe0: {  	[tilespmem:s25+$0x0] =	vst v4  }
0xe1: {  	[tilespmem:s25+$0xFFFFFEA0] =	vst v0  }
0xe2: {  	v10 =	vld [tilespmem:s30+$0xFFFFFFF0];
	[tilespmem:s25+$0xFFFFFE80] =	vst v7  }
0xe3: {  	v0 =	vld [tilespmem:s30+$0xFFFFFE70];
	[tilespmem:s25+$0xFFFFFF30] =	vst v3  }
0xe4: {  	v3 =	vld [tilespmem:s30+$0xFFFFFF00];
	[tilespmem:s25+$0xFFFFFF40] =	vst v20  }
0xe5: {  	v6 =	vld [tilespmem:s30+$0xFFFFFEE0];
	[tilespmem:s25+$0xFFFFFE90] =	vst v8  }
0xe6: {  	v7 =	vld [tilespmem:s30+$0xFFFFFF90];
	[tilespmem:s25+$0xFFFFFF60] =	vst v22  }
0xe7: {  	v11 =	vld [tilespmem:s30+$0xFFFFFE20];
	[tilespmem:s25+$0xFFFFFF10] =	vst v14  }
0xe8: {  	v9 =	vld [tilespmem:s30+$0xFFFFFE50];
	[tilespmem:s25+$0xFFFFFE40] =	vst v15  }
0xe9: {  	s0 =	sshra.s32 s0, $0x2;
	v1 =	vld [tilespmem:s30+$0xFFFFFEA0];
	[tilespmem:s25+$0xFFFFFF20] =	vst v18;
	s25 =	smov.u32 s30  }
0xea: {  	v2 =	vld [tilespmem:s0+$0x880]  }
0xeb: {  	v8 =	vld [tilespmem:s30+$0xFFFFFED0]  }
0xec: {  	v12 =	vld [tilespmem:s30+$0xFFFFFE10]  }
0xed: {  	v13 =	vld [tilespmem:s30+$0xFFFFFFE0]  }
.Ltmp1:
0xee: {  	v21 =	vld [tilespmem:s30+$0xFFFFFFD0];
	(pc) =	sbr.rel @p0 .LBB2_5-.Ltmp1, $4  }
0xef: {  	v17 =	vbroadcast v2, $0x0;
	v19 =	vld [tilespmem:s30+$0xFFFFFFA0];
	v4 =	vbroadcast v2, $0xF  }
0xf0: {  	v18 =	vbroadcast v2, $0x2;
	v16 =	vbroadcast v2, $0xE;
	v20 =	vld [tilespmem:s30+$0xFFFFFE60]  }
0xf1: {  	v23 =	vmul.f32 v17, v12;
	v12 =	vbroadcast v2, $0xD;
	v15 =	vld [tilespmem:s30+$0xFFFFFFC0]  }
0xf2: {  	v14 =	vbroadcast v2, $0xC;
	v22 =	vmul.f32 v9, v18;
	v9 =	vld [tilespmem:s30+$0xFFFFFF70]  }
0xf3: {  	[tilespmem:s25+$0xFFFFFE10] =	vst v23;
	v10 =	vmul.f32 v10, v4  }
0xf4: {  	v21 =	vmul.f32 v21, v16;
	[tilespmem:s25+$0xFFFFFE50] =	vst v22  }
0xf5: {  	v11 =	vmul.f32 v11, v17;
	[tilespmem:s25+$0xFFFFFFF0] =	vst v10  }
0xf6: {  	v17 =	vld [tilespmem:s25+$0xFFFFFF80];
	v7 =	vmul.f32 v7, v14;
	[tilespmem:s25+$0xFFFFFFD0] =	vst v21  }
0xf7: {  	v10 =	vmul.f32 v19, v14;
	v18 =	vmul.f32 v20, v18;
	[tilespmem:s25+$0xFFFFFE20] =	vst v11  }
0xf8: {  	v22 =	vld [tilespmem:s25+$0xFFFFFFB0];
	v11 =	vmul.f32 v13, v16;
	v16 =	vbroadcast v2, $0xB;
	[tilespmem:s25+$0xFFFFFF90] =	vst v7  }
0xf9: {  	[tilespmem:s25+$0xFFFFFFA0] =	vst v10  }
0xfa: {  	v7 =	vbroadcast v2, $0x7;
	[tilespmem:s25+$0xFFFFFE60] =	vst v18;
	v9 =	vmul.f32 v9, v16  }
0xfb: {  	[tilespmem:s25+$0xFFFFFFE0] =	vst v11;
	v17 =	vmul.f32 v17, v16  }
0xfc: {  	v13 =	vld [tilespmem:s25+$0xFFFFFE30];
	v3 =	vmul.f32 v3, v7;
	[tilespmem:s25+$0xFFFFFF70] =	vst v9  }
0xfd: {  	v11 =	vbroadcast v2, $0x6;
	v18 =	vmul.f32 v22, v12;
	[tilespmem:s25+$0xFFFFFF80] =	vst v17  }
0xfe: {  	v10 =	vld [tilespmem:s25+$0xFFFFFEF0];
	v12 =	vmul.f32 v15, v12;
	[tilespmem:s25+$0xFFFFFF00] =	vst v3  }
0xff: {  	v19 =	vld [tilespmem:s25+$0xFFFFFEC0];
	v16 =	vbroadcast v2, $0x1;
	v6 =	vmul.f32 v6, v11;
	[tilespmem:s25+$0xFFFFFFB0] =	vst v18  }
0x100: {  	v15 =	vbroadcast v2, $0x5;
	v8 =	vmul.f32 v8, v11;
	[tilespmem:s25+$0xFFFFFFC0] =	vst v12  }
0x101: {  	v13 =	vmul.f32 v13, v16;
	[tilespmem:s25+$0xFFFFFEE0] =	vst v6  }
0x102: {  	v20 =	vld [tilespmem:s25+$0xFFFFFF50];
	v5 =	vmul.f32 v5, v15;
	[tilespmem:s25+$0xFFFFFED0] =	vst v8  }
0x103: {  	v18 =	vld [tilespmem:s25+$0x0];
	[tilespmem:s25+$0xFFFFFE30] =	vst v13;
	v7 =	vmul.f32 v10, v7;
	v10 =	vbroadcast v2, $0x4  }
0x104: {  	v12 =	vld [tilespmem:s25+$0xFFFFFE80];
	[tilespmem:s25+$0xFFFFFEB0] =	vst v5;
	v5 =	vmul.f32 v19, v15;
	v15 =	vbroadcast v2, $0x3  }
0x105: {  	v14 =	vld [tilespmem:s25+$0xFFFFFF30];
	v3 =	vbroadcast v2, $0xA;
	v1 =	vmul.f32 v1, v10;
	[tilespmem:s25+$0xFFFFFEF0] =	vst v7  }
0x106: {  	v17 =	vld [tilespmem:s25+$0xFFFFFF40];
	v0 =	vmul.f32 v0, v15;
	[tilespmem:s25+$0xFFFFFEC0] =	vst v5  }
0x107: {  	v6 =	vld [tilespmem:s25+$0xFFFFFE90];
	v5 =	vmul.f32 v20, v3;
	[tilespmem:s25+$0xFFFFFEA0] =	vst v1  }
0x108: {  	v21 =	vld [tilespmem:s25+$0xFFFFFF60];
	[tilespmem:s25+$0xFFFFFE70] =	vst v0;
	v0 =	vmul.f32 v18, v4;
	v4 =	vbroadcast v2, $0x9  }
0x109: {  	v11 =	vld [tilespmem:s25+$0xFFFFFF10];
	[tilespmem:s25+$0xFFFFFF50] =	vst v5;
	v5 =	vmul.f32 v12, v15  }
0x10a: {  	v9 =	vld [tilespmem:s25+$0xFFFFFE40];
	[tilespmem:s25+$0x0] =	vst v0;
	v0 =	vmul.f32 v14, v4  }
0x10b: {  	v8 =	vld [tilespmem:s25+$0xFFFFFF20];
	v1 =	vmul.f32 v17, v4;
	[tilespmem:s25+$0xFFFFFE80] =	vst v5  }
0x10c: {  	v2 =	vbroadcast v2, $0x8;
	v4 =	vmul.f32 v6, v10;
	[tilespmem:s25+$0xFFFFFF30] =	vst v0  }
0x10d: {  	v0 =	vmul.f32 v21, v3;
	[tilespmem:s25+$0xFFFFFF40] =	vst v1  }
0x10e: {  	v1 =	vmul.f32 v11, v2;
	[tilespmem:s25+$0xFFFFFE90] =	vst v4  }
0x10f: {  	v3 =	vmul.f32 v9, v16;
	[tilespmem:s25+$0xFFFFFF60] =	vst v0  }
0x110: {  	v0 =	vmul.f32 v8, v2;
	[tilespmem:s25+$0xFFFFFF10] =	vst v1  }
0x111: {  	[tilespmem:s25+$0xFFFFFE40] =	vst v3  }
0x112: {  	[tilespmem:s25+$0xFFFFFF20] =	vst v0;
	s25 =	simm.s32 $0x2DF0  }
0x113: {  	[spmem:s5] =	stream.indirect.scatter.add.f32 [tilespmem:s22], [sflag:$0x2], $0x20, s13, s20, $0xb8;
	[tilespmem:$0x10C00] =	vst v63  }
0x114: {  	v5 =	vld [tilespmem:s25+$0xFFFFFEB0]  }
0x115: {  	v10 =	vld [tilespmem:s25+$0xFFFFFFF0]  }
0x116: {  	v0 =	vld [tilespmem:s25+$0xFFFFFE70]  }
0x117: {  	v3 =	vld [tilespmem:s25+$0xFFFFFF00]  }
0x118: {  	v6 =	vld [tilespmem:s25+$0xFFFFFEE0]  }
0x119: {  	v7 =	vld [tilespmem:s25+$0xFFFFFF90]  }
0x11a: {  	v11 =	vld [tilespmem:s25+$0xFFFFFE20]  }
0x11b: {  	v9 =	vld [tilespmem:s25+$0xFFFFFE50]  }
0x11c: {  	s0 =	simm.s32 $0x0;
	v1 =	vld [tilespmem:s25+$0xFFFFFEA0]  }
0x11d: {  	v2 =	vld [tilespmem:s0+$0x900]  }
0x11e: {  	v8 =	vld [tilespmem:s25+$0xFFFFFED0]  }
0x11f: {  	v12 =	vld [tilespmem:s25+$0xFFFFFE10]  }
0x120: {  	v13 =	vld [tilespmem:s25+$0xFFFFFFE0]  }
0x121: {  	v21 =	vld [tilespmem:s25+$0xFFFFFFD0]  }
0x122: {  	v19 =	vld [tilespmem:s25+$0xFFFFFFA0];
	v17 =	vbroadcast v2, $0x0;
	v4 =	vbroadcast v2, $0xF  }
0x123: {  	v20 =	vld [tilespmem:s25+$0xFFFFFE60];
	v18 =	vbroadcast v2, $0x2;
	v16 =	vbroadcast v2, $0xE  }
0x124: {  	v15 =	vld [tilespmem:s25+$0xFFFFFFC0];
	v14 =	vbroadcast v2, $0xC;
	v23 =	vmul.f32 v17, v12  }
0x125: {  	s28 =	simm.s32 $0x40;
	s30 =	simm.s32 $0x2DF0;
	v12 =	vbroadcast v2, $0xD;
	v22 =	vmul.f32 v9, v18;
	v9 =	vld [tilespmem:s25+$0xFFFFFF70]  }
.LBB2_7:
0x126: {  	p0 =	sne.s32 s28, $0x1C0  }
0x127: {  	[tilespmem:s25+$0xFFFFFE10] =	vst v23;
	v23 =	vld [tilespmem:s25+$0xFFFFFEC0];
	v21 =	vmul.f32 v21, v16;
	v10 =	vmul.f32 v10, v4;
	s30 =	sadd.s32 $0x200, s30;
	s0 =	smov.u32 s28;
	s28 =	sadd.s32 $0x40, s28  }
0x128: {  	[tilespmem:s25+$0xFFFFFE50] =	vst v22;
	v22 =	vbroadcast v2, $0xA;
	v19 =	vmul.f32 v19, v14;
	v24 =	vld [tilespmem:s25+$0xFFFFFFB0]  }
0x129: {  	v11 =	vmul.f32 v11, v17;
	v17 =	vmul.f32 v20, v18;
	v18 =	vld [tilespmem:s25+$0xFFFFFF80];
	[tilespmem:s25+$0xFFFFFFF0] =	vst v10  }
0x12a: {  	v10 =	vbroadcast v2, $0x5;
	v20 =	vld [tilespmem:s25+$0xFFFFFEF0];
	v15 =	vmul.f32 v15, v12;
	[tilespmem:s25+$0xFFFFFFD0] =	vst v21  }
0x12b: {  	v13 =	vmul.f32 v13, v16;
	[tilespmem:s25+$0xFFFFFE20] =	vst v11;
	v11 =	vbroadcast v2, $0x6;
	v21 =	vld [tilespmem:s25+$0xFFFFFF50]  }
0x12c: {  	v25 =	vbroadcast v2, $0xB;
	v5 =	vmul.f32 v5, v10;
	v16 =	vld [tilespmem:s25+$0xFFFFFE30];
	[tilespmem:s25+$0xFFFFFFA0] =	vst v19  }
0x12d: {  	v19 =	vbroadcast v2, $0x9;
	[tilespmem:s25+$0xFFFFFE60] =	vst v17;
	v17 =	vld [tilespmem:s25+$0xFFFFFF30];
	v12 =	vmul.f32 v24, v12  }
0x12e: {  	v10 =	vmul.f32 v23, v10;
	v23 =	vld [tilespmem:s25+$0xFFFFFF60];
	v18 =	vmul.f32 v18, v25;
	[tilespmem:s25+$0xFFFFFFE0] =	vst v13  }
0x12f: {  	v7 =	vmul.f32 v7, v14;
	v13 =	vbroadcast v2, $0x7;
	v24 =	vld [tilespmem:s25+$0xFFFFFF40];
	[tilespmem:s25+$0xFFFFFFB0] =	vst v12  }
0x130: {  	v8 =	vmul.f32 v8, v11;
	v12 =	vbroadcast v2, $0x3;
	v14 =	vld [tilespmem:s25+$0xFFFFFF10];
	[tilespmem:s25+$0xFFFFFF80] =	vst v18  }
0x131: {  	v9 =	vmul.f32 v9, v25;
	v6 =	vmul.f32 v6, v11;
	v11 =	vld [tilespmem:s25+$0xFFFFFF20];
	[tilespmem:s25+$0xFFFFFF90] =	vst v7  }
0x132: {  	v18 =	vbroadcast v2, $0x8;
	v21 =	vmul.f32 v21, v22;
	v7 =	vld [tilespmem:s25+$0xFFFFFE40];
	[tilespmem:s25+$0xFFFFFFC0] =	vst v15  }
0x133: {  	v15 =	vbroadcast v2, $0x1;
	v25 =	vld [tilespmem:s25+$0xFFFFFE80];
	[tilespmem:s25+$0xFFFFFEE0] =	vst v6;
	v22 =	vmul.f32 v23, v22  }
0x134: {  	v3 =	vmul.f32 v3, v13;
	v6 =	vmul.f32 v20, v13;
	[tilespmem:s25+$0xFFFFFED0] =	vst v8;
	v8 =	vld [tilespmem:s25+$0x0]  }
0x135: {  	v20 =	vmul.f32 v24, v19;
	v13 =	vld [tilespmem:s25+$0xFFFFFE90];
	[tilespmem:s25+$0xFFFFFEB0] =	vst v5;
	v14 =	vmul.f32 v14, v18  }
0x136: {  	v5 =	vld [tilespmem:s30+$0xFFFFFEB0];
	[tilespmem:s25+$0xFFFFFF00] =	vst v3;
	v18 =	vmul.f32 v11, v18;
	v3 =	vmul.f32 v17, v19  }
0x137: {  	v11 =	vmul.f32 v16, v15;
	v15 =	vmul.f32 v7, v15;
	[tilespmem:s25+$0xFFFFFF70] =	vst v9  }
0x138: {  	v0 =	vmul.f32 v0, v12;
	v7 =	vmul.f32 v25, v12;
	[tilespmem:s25+$0xFFFFFEC0] =	vst v10  }
0x139: {  	v2 =	vbroadcast v2, $0x4;
	[tilespmem:s25+$0xFFFFFE30] =	vst v11;
	v4 =	vmul.f32 v8, v4  }
0x13a: {  	[tilespmem:s25+$0xFFFFFE70] =	vst v0  }
0x13b: {  	v8 =	vmul.f32 v13, v2;
	v0 =	vmul.f32 v1, v2;
	[tilespmem:s25+$0xFFFFFF50] =	vst v21  }
0x13c: {  	[tilespmem:s25+$0xFFFFFEF0] =	vst v6  }
0x13d: {  	[tilespmem:s25+$0x0] =	vst v4  }
0x13e: {  	[tilespmem:s25+$0xFFFFFEA0] =	vst v0  }
0x13f: {  	v10 =	vld [tilespmem:s30+$0xFFFFFFF0];
	[tilespmem:s25+$0xFFFFFE80] =	vst v7  }
0x140: {  	v0 =	vld [tilespmem:s30+$0xFFFFFE70];
	[tilespmem:s25+$0xFFFFFF30] =	vst v3  }
0x141: {  	v3 =	vld [tilespmem:s30+$0xFFFFFF00];
	[tilespmem:s25+$0xFFFFFF40] =	vst v20  }
0x142: {  	v6 =	vld [tilespmem:s30+$0xFFFFFEE0];
	[tilespmem:s25+$0xFFFFFE90] =	vst v8  }
0x143: {  	v7 =	vld [tilespmem:s30+$0xFFFFFF90];
	[tilespmem:s25+$0xFFFFFF60] =	vst v22  }
0x144: {  	v11 =	vld [tilespmem:s30+$0xFFFFFE20];
	[tilespmem:s25+$0xFFFFFF10] =	vst v14  }
0x145: {  	v9 =	vld [tilespmem:s30+$0xFFFFFE50];
	[tilespmem:s25+$0xFFFFFE40] =	vst v15  }
0x146: {  	s0 =	sshra.s32 s0, $0x2;
	v1 =	vld [tilespmem:s30+$0xFFFFFEA0];
	[tilespmem:s25+$0xFFFFFF20] =	vst v18;
	s25 =	smov.u32 s30  }
0x147: {  	v2 =	vld [tilespmem:s0+$0x900]  }
0x148: {  	v8 =	vld [tilespmem:s30+$0xFFFFFED0]  }
0x149: {  	v12 =	vld [tilespmem:s30+$0xFFFFFE10]  }
0x14a: {  	v13 =	vld [tilespmem:s30+$0xFFFFFFE0]  }
.Ltmp2:
0x14b: {  	v21 =	vld [tilespmem:s30+$0xFFFFFFD0];
	(pc) =	sbr.rel @p0 .LBB2_7-.Ltmp2, $4  }
0x14c: {  	v17 =	vbroadcast v2, $0x0;
	v19 =	vld [tilespmem:s30+$0xFFFFFFA0];
	v4 =	vbroadcast v2, $0xF  }
0x14d: {  	v18 =	vbroadcast v2, $0x2;
	v16 =	vbroadcast v2, $0xE;
	v20 =	vld [tilespmem:s30+$0xFFFFFE60]  }
0x14e: {  	v23 =	vmul.f32 v17, v12;
	v12 =	vbroadcast v2, $0xD;
	v15 =	vld [tilespmem:s30+$0xFFFFFFC0]  }
0x14f: {  	v14 =	vbroadcast v2, $0xC;
	v22 =	vmul.f32 v9, v18;
	v9 =	vld [tilespmem:s30+$0xFFFFFF70]  }
0x150: {  	[tilespmem:s25+$0xFFFFFE10] =	vst v23;
	v10 =	vmul.f32 v10, v4  }
0x151: {  	v21 =	vmul.f32 v21, v16;
	[tilespmem:s25+$0xFFFFFE50] =	vst v22  }
0x152: {  	v11 =	vmul.f32 v11, v17;
	[tilespmem:s25+$0xFFFFFFF0] =	vst v10  }
0x153: {  	v17 =	vld [tilespmem:s25+$0xFFFFFF80];
	v7 =	vmul.f32 v7, v14;
	[tilespmem:s25+$0xFFFFFFD0] =	vst v21  }
0x154: {  	v10 =	vmul.f32 v19, v14;
	v18 =	vmul.f32 v20, v18;
	[tilespmem:s25+$0xFFFFFE20] =	vst v11  }
0x155: {  	v22 =	vld [tilespmem:s25+$0xFFFFFFB0];
	v11 =	vmul.f32 v13, v16;
	v16 =	vbroadcast v2, $0xB;
	[tilespmem:s25+$0xFFFFFF90] =	vst v7  }
0x156: {  	[tilespmem:s25+$0xFFFFFFA0] =	vst v10  }
0x157: {  	v7 =	vbroadcast v2, $0x7;
	[tilespmem:s25+$0xFFFFFE60] =	vst v18;
	v9 =	vmul.f32 v9, v16  }
0x158: {  	[tilespmem:s25+$0xFFFFFFE0] =	vst v11;
	v17 =	vmul.f32 v17, v16  }
0x159: {  	v13 =	vld [tilespmem:s25+$0xFFFFFE30];
	v3 =	vmul.f32 v3, v7;
	[tilespmem:s25+$0xFFFFFF70] =	vst v9  }
0x15a: {  	v11 =	vbroadcast v2, $0x6;
	v18 =	vmul.f32 v22, v12;
	[tilespmem:s25+$0xFFFFFF80] =	vst v17  }
0x15b: {  	v10 =	vld [tilespmem:s25+$0xFFFFFEF0];
	v12 =	vmul.f32 v15, v12;
	[tilespmem:s25+$0xFFFFFF00] =	vst v3  }
0x15c: {  	v19 =	vld [tilespmem:s25+$0xFFFFFEC0];
	v16 =	vbroadcast v2, $0x1;
	v6 =	vmul.f32 v6, v11;
	[tilespmem:s25+$0xFFFFFFB0] =	vst v18  }
0x15d: {  	v15 =	vbroadcast v2, $0x5;
	v8 =	vmul.f32 v8, v11;
	[tilespmem:s25+$0xFFFFFFC0] =	vst v12  }
0x15e: {  	v13 =	vmul.f32 v13, v16;
	[tilespmem:s25+$0xFFFFFEE0] =	vst v6  }
0x15f: {  	v20 =	vld [tilespmem:s25+$0xFFFFFF50];
	v5 =	vmul.f32 v5, v15;
	[tilespmem:s25+$0xFFFFFED0] =	vst v8  }
0x160: {  	v18 =	vld [tilespmem:s25+$0x0];
	[tilespmem:s25+$0xFFFFFE30] =	vst v13;
	v7 =	vmul.f32 v10, v7;
	v10 =	vbroadcast v2, $0x4  }
0x161: {  	v12 =	vld [tilespmem:s25+$0xFFFFFE80];
	[tilespmem:s25+$0xFFFFFEB0] =	vst v5;
	v5 =	vmul.f32 v19, v15;
	v15 =	vbroadcast v2, $0x3  }
0x162: {  	v14 =	vld [tilespmem:s25+$0xFFFFFF30];
	v3 =	vbroadcast v2, $0xA;
	v1 =	vmul.f32 v1, v10;
	[tilespmem:s25+$0xFFFFFEF0] =	vst v7  }
0x163: {  	v17 =	vld [tilespmem:s25+$0xFFFFFF40];
	v0 =	vmul.f32 v0, v15;
	[tilespmem:s25+$0xFFFFFEC0] =	vst v5  }
0x164: {  	v6 =	vld [tilespmem:s25+$0xFFFFFE90];
	v5 =	vmul.f32 v20, v3;
	[tilespmem:s25+$0xFFFFFEA0] =	vst v1  }
0x165: {  	v21 =	vld [tilespmem:s25+$0xFFFFFF60];
	[tilespmem:s25+$0xFFFFFE70] =	vst v0;
	v0 =	vmul.f32 v18, v4;
	v4 =	vbroadcast v2, $0x9  }
0x166: {  	v11 =	vld [tilespmem:s25+$0xFFFFFF10];
	[tilespmem:s25+$0xFFFFFF50] =	vst v5;
	v5 =	vmul.f32 v12, v15  }
0x167: {  	v9 =	vld [tilespmem:s25+$0xFFFFFE40];
	[tilespmem:s25+$0x0] =	vst v0;
	v0 =	vmul.f32 v14, v4  }
0x168: {  	v8 =	vld [tilespmem:s25+$0xFFFFFF20];
	v1 =	vmul.f32 v17, v4;
	[tilespmem:s25+$0xFFFFFE80] =	vst v5  }
0x169: {  	v2 =	vbroadcast v2, $0x8;
	v4 =	vmul.f32 v6, v10;
	[tilespmem:s25+$0xFFFFFF30] =	vst v0  }
0x16a: {  	v0 =	vmul.f32 v21, v3;
	[tilespmem:s25+$0xFFFFFF40] =	vst v1  }
0x16b: {  	v1 =	vmul.f32 v11, v2;
	[tilespmem:s25+$0xFFFFFE90] =	vst v4  }
0x16c: {  	v3 =	vmul.f32 v9, v16;
	[tilespmem:s25+$0xFFFFFF60] =	vst v0  }
0x16d: {  	v0 =	vmul.f32 v8, v2;
	[tilespmem:s25+$0xFFFFFF10] =	vst v1  }
0x16e: {  	[tilespmem:s25+$0xFFFFFE40] =	vst v3  }
0x16f: {  	[tilespmem:s25+$0xFFFFFF20] =	vst v0;
	s25 =	simm.s32 $0x3DF0  }
0x170: {  	[spmem:s5] =	stream.indirect.scatter.add.f32 [tilespmem:s24], [sflag:$0x2], $0x20, s14, s20, $0xb8;
	[tilespmem:$0x10C00] =	vst v63  }
0x171: {  	v5 =	vld [tilespmem:s25+$0xFFFFFEB0]  }
0x172: {  	v10 =	vld [tilespmem:s25+$0xFFFFFFF0]  }
0x173: {  	v0 =	vld [tilespmem:s25+$0xFFFFFE70]  }
0x174: {  	v3 =	vld [tilespmem:s25+$0xFFFFFF00]  }
0x175: {  	v6 =	vld [tilespmem:s25+$0xFFFFFEE0]  }
0x176: {  	v7 =	vld [tilespmem:s25+$0xFFFFFF90]  }
0x177: {  	v11 =	vld [tilespmem:s25+$0xFFFFFE20]  }
0x178: {  	v9 =	vld [tilespmem:s25+$0xFFFFFE50]  }
0x179: {  	s0 =	simm.s32 $0x0;
	v1 =	vld [tilespmem:s25+$0xFFFFFEA0]  }
0x17a: {  	v2 =	vld [tilespmem:s0+$0x980]  }
0x17b: {  	v8 =	vld [tilespmem:s25+$0xFFFFFED0]  }
0x17c: {  	v12 =	vld [tilespmem:s25+$0xFFFFFE10]  }
0x17d: {  	v13 =	vld [tilespmem:s25+$0xFFFFFFE0]  }
0x17e: {  	v21 =	vld [tilespmem:s25+$0xFFFFFFD0]  }
0x17f: {  	v19 =	vld [tilespmem:s25+$0xFFFFFFA0];
	v17 =	vbroadcast v2, $0x0;
	v4 =	vbroadcast v2, $0xF  }
0x180: {  	v20 =	vld [tilespmem:s25+$0xFFFFFE60];
	v18 =	vbroadcast v2, $0x2;
	v16 =	vbroadcast v2, $0xE  }
0x181: {  	v15 =	vld [tilespmem:s25+$0xFFFFFFC0];
	v14 =	vbroadcast v2, $0xC;
	v23 =	vmul.f32 v17, v12  }
0x182: {  	s28 =	simm.s32 $0x40;
	s30 =	simm.s32 $0x3DF0;
	v12 =	vbroadcast v2, $0xD;
	v22 =	vmul.f32 v9, v18;
	v9 =	vld [tilespmem:s25+$0xFFFFFF70]  }
.LBB2_9:
0x183: {  	p0 =	sne.s32 s28, $0x1C0  }
0x184: {  	[tilespmem:s25+$0xFFFFFE10] =	vst v23;
	v23 =	vld [tilespmem:s25+$0xFFFFFEC0];
	v21 =	vmul.f32 v21, v16;
	v10 =	vmul.f32 v10, v4;
	s30 =	sadd.s32 $0x200, s30;
	s0 =	smov.u32 s28;
	s28 =	sadd.s32 $0x40, s28  }
0x185: {  	[tilespmem:s25+$0xFFFFFE50] =	vst v22;
	v22 =	vbroadcast v2, $0xA;
	v19 =	vmul.f32 v19, v14;
	v24 =	vld [tilespmem:s25+$0xFFFFFFB0]  }
0x186: {  	v11 =	vmul.f32 v11, v17;
	v17 =	vmul.f32 v20, v18;
	v18 =	vld [tilespmem:s25+$0xFFFFFF80];
	[tilespmem:s25+$0xFFFFFFF0] =	vst v10  }
0x187: {  	v10 =	vbroadcast v2, $0x5;
	v20 =	vld [tilespmem:s25+$0xFFFFFEF0];
	v15 =	vmul.f32 v15, v12;
	[tilespmem:s25+$0xFFFFFFD0] =	vst v21  }
0x188: {  	v13 =	vmul.f32 v13, v16;
	[tilespmem:s25+$0xFFFFFE20] =	vst v11;
	v11 =	vbroadcast v2, $0x6;
	v21 =	vld [tilespmem:s25+$0xFFFFFF50]  }
0x189: {  	v25 =	vbroadcast v2, $0xB;
	v5 =	vmul.f32 v5, v10;
	v16 =	vld [tilespmem:s25+$0xFFFFFE30];
	[tilespmem:s25+$0xFFFFFFA0] =	vst v19  }
0x18a: {  	v19 =	vbroadcast v2, $0x9;
	[tilespmem:s25+$0xFFFFFE60] =	vst v17;
	v17 =	vld [tilespmem:s25+$0xFFFFFF30];
	v12 =	vmul.f32 v24, v12  }
0x18b: {  	v10 =	vmul.f32 v23, v10;
	v23 =	vld [tilespmem:s25+$0xFFFFFF60];
	v18 =	vmul.f32 v18, v25;
	[tilespmem:s25+$0xFFFFFFE0] =	vst v13  }
0x18c: {  	v7 =	vmul.f32 v7, v14;
	v13 =	vbroadcast v2, $0x7;
	v24 =	vld [tilespmem:s25+$0xFFFFFF40];
	[tilespmem:s25+$0xFFFFFFB0] =	vst v12  }
0x18d: {  	v8 =	vmul.f32 v8, v11;
	v12 =	vbroadcast v2, $0x3;
	v14 =	vld [tilespmem:s25+$0xFFFFFF10];
	[tilespmem:s25+$0xFFFFFF80] =	vst v18  }
0x18e: {  	v9 =	vmul.f32 v9, v25;
	v6 =	vmul.f32 v6, v11;
	v11 =	vld [tilespmem:s25+$0xFFFFFF20];
	[tilespmem:s25+$0xFFFFFF90] =	vst v7  }
0x18f: {  	v18 =	vbroadcast v2, $0x8;
	v21 =	vmul.f32 v21, v22;
	v7 =	vld [tilespmem:s25+$0xFFFFFE40];
	[tilespmem:s25+$0xFFFFFFC0] =	vst v15  }
0x190: {  	v15 =	vbroadcast v2, $0x1;
	v25 =	vld [tilespmem:s25+$0xFFFFFE80];
	[tilespmem:s25+$0xFFFFFEE0] =	vst v6;
	v22 =	vmul.f32 v23, v22  }
0x191: {  	v3 =	vmul.f32 v3, v13;
	v6 =	vmul.f32 v20, v13;
	[tilespmem:s25+$0xFFFFFED0] =	vst v8;
	v8 =	vld [tilespmem:s25+$0x0]  }
0x192: {  	v20 =	vmul.f32 v24, v19;
	v13 =	vld [tilespmem:s25+$0xFFFFFE90];
	[tilespmem:s25+$0xFFFFFEB0] =	vst v5;
	v14 =	vmul.f32 v14, v18  }
0x193: {  	v5 =	vld [tilespmem:s30+$0xFFFFFEB0];
	[tilespmem:s25+$0xFFFFFF00] =	vst v3;
	v18 =	vmul.f32 v11, v18;
	v3 =	vmul.f32 v17, v19  }
0x194: {  	v11 =	vmul.f32 v16, v15;
	v15 =	vmul.f32 v7, v15;
	[tilespmem:s25+$0xFFFFFF70] =	vst v9  }
0x195: {  	v0 =	vmul.f32 v0, v12;
	v7 =	vmul.f32 v25, v12;
	[tilespmem:s25+$0xFFFFFEC0] =	vst v10  }
0x196: {  	v2 =	vbroadcast v2, $0x4;
	[tilespmem:s25+$0xFFFFFE30] =	vst v11;
	v4 =	vmul.f32 v8, v4  }
0x197: {  	[tilespmem:s25+$0xFFFFFE70] =	vst v0  }
0x198: {  	v8 =	vmul.f32 v13, v2;
	v0 =	vmul.f32 v1, v2;
	[tilespmem:s25+$0xFFFFFF50] =	vst v21  }
0x199: {  	[tilespmem:s25+$0xFFFFFEF0] =	vst v6  }
0x19a: {  	[tilespmem:s25+$0x0] =	vst v4  }
0x19b: {  	[tilespmem:s25+$0xFFFFFEA0] =	vst v0  }
0x19c: {  	v10 =	vld [tilespmem:s30+$0xFFFFFFF0];
	[tilespmem:s25+$0xFFFFFE80] =	vst v7  }
0x19d: {  	v0 =	vld [tilespmem:s30+$0xFFFFFE70];
	[tilespmem:s25+$0xFFFFFF30] =	vst v3  }
0x19e: {  	v3 =	vld [tilespmem:s30+$0xFFFFFF00];
	[tilespmem:s25+$0xFFFFFF40] =	vst v20  }
0x19f: {  	v6 =	vld [tilespmem:s30+$0xFFFFFEE0];
	[tilespmem:s25+$0xFFFFFE90] =	vst v8  }
0x1a0: {  	v7 =	vld [tilespmem:s30+$0xFFFFFF90];
	[tilespmem:s25+$0xFFFFFF60] =	vst v22  }
0x1a1: {  	v11 =	vld [tilespmem:s30+$0xFFFFFE20];
	[tilespmem:s25+$0xFFFFFF10] =	vst v14  }
0x1a2: {  	v9 =	vld [tilespmem:s30+$0xFFFFFE50];
	[tilespmem:s25+$0xFFFFFE40] =	vst v15  }
0x1a3: {  	s0 =	sshra.s32 s0, $0x2;
	v1 =	vld [tilespmem:s30+$0xFFFFFEA0];
	[tilespmem:s25+$0xFFFFFF20] =	vst v18;
	s25 =	smov.u32 s30  }
0x1a4: {  	v2 =	vld [tilespmem:s0+$0x980]  }
0x1a5: {  	v8 =	vld [tilespmem:s30+$0xFFFFFED0]  }
0x1a6: {  	v12 =	vld [tilespmem:s30+$0xFFFFFE10]  }
0x1a7: {  	v13 =	vld [tilespmem:s30+$0xFFFFFFE0]  }
.Ltmp3:
0x1a8: {  	v21 =	vld [tilespmem:s30+$0xFFFFFFD0];
	(pc) =	sbr.rel @p0 .LBB2_9-.Ltmp3, $4  }
0x1a9: {  	v17 =	vbroadcast v2, $0x0;
	v19 =	vld [tilespmem:s30+$0xFFFFFFA0];
	v4 =	vbroadcast v2, $0xF  }
0x1aa: {  	v18 =	vbroadcast v2, $0x2;
	v16 =	vbroadcast v2, $0xE;
	v20 =	vld [tilespmem:s30+$0xFFFFFE60]  }
0x1ab: {  	v23 =	vmul.f32 v17, v12;
	v12 =	vbroadcast v2, $0xD;
	v15 =	vld [tilespmem:s30+$0xFFFFFFC0]  }
0x1ac: {  	v14 =	vbroadcast v2, $0xC;
	v22 =	vmul.f32 v9, v18;
	v9 =	vld [tilespmem:s30+$0xFFFFFF70]  }
0x1ad: {  	[tilespmem:s25+$0xFFFFFE10] =	vst v23;
	v10 =	vmul.f32 v10, v4  }
0x1ae: {  	v21 =	vmul.f32 v21, v16;
	[tilespmem:s25+$0xFFFFFE50] =	vst v22  }
0x1af: {  	v11 =	vmul.f32 v11, v17;
	[tilespmem:s25+$0xFFFFFFF0] =	vst v10  }
0x1b0: {  	v7 =	vmul.f32 v7, v14;
	[tilespmem:s25+$0xFFFFFFD0] =	vst v21  }
0x1b1: {  	v10 =	vmul.f32 v19, v14;
	[tilespmem:s25+$0xFFFFFE20] =	vst v11  }
0x1b2: {  	v58 =	vbroadcast v2, $0x5;
	v18 =	vmul.f32 v20, v18;
	[tilespmem:s25+$0xFFFFFF90] =	vst v7  }
0x1b3: {  	v48 =	vld [tilespmem:s25+$0xFFFFFFB0];
	v62 =	vbroadcast v2, $0x3;
	v11 =	vmul.f32 v13, v16;
	[tilespmem:s25+$0xFFFFFFA0] =	vst v10  }
0x1b4: {  	v49 =	vld [tilespmem:s25+$0xFFFFFF80];
	v5 =	vmul.f32 v5, v58;
	[tilespmem:s25+$0xFFFFFE60] =	vst v18  }
0x1b5: {  	v52 =	vbroadcast v2, $0xB;
	v0 =	vmul.f32 v0, v62;
	[tilespmem:s25+$0xFFFFFFE0] =	vst v11  }
0x1b6: {  	v50 =	vld [tilespmem:s25+$0xFFFFFEC0];
	v56 =	vmul.f32 v15, v12;
	[tilespmem:s25+$0xFFFFFEB0] =	vst v5  }
0x1b7: {  	v51 =	vld [tilespmem:s25+$0xFFFFFE30];
	v9 =	vmul.f32 v9, v52;
	[tilespmem:s25+$0xFFFFFE70] =	vst v0  }
0x1b8: {  	v63 =	vld [tilespmem:s25+$0x0];
	v7 =	vbroadcast v2, $0x7;
	v53 =	vmul.f32 v48, v12;
	[tilespmem:s25+$0xFFFFFFC0] =	vst v56  }
0x1b9: {  	v17 =	vmul.f32 v49, v52;
	[tilespmem:s25+$0xFFFFFF70] =	vst v9  }
0x1ba: {  	v61 =	vbroadcast v2, $0x1;
	v3 =	vmul.f32 v3, v7;
	[tilespmem:s25+$0xFFFFFFB0] =	vst v53  }
0x1bb: {  	v57 =	vld [tilespmem:s25+$0xFFFFFF30];
	v5 =	vmul.f32 v50, v58;
	[tilespmem:s25+$0xFFFFFF80] =	vst v17  }
0x1bc: {  	v54 =	vld [tilespmem:s25+$0xFFFFFF50];
	v11 =	vbroadcast v2, $0x6;
	v13 =	vmul.f32 v51, v61;
	[tilespmem:s25+$0xFFFFFF00] =	vst v3  }
0x1bd: {  	v10 =	vld [tilespmem:s25+$0xFFFFFEF0];
	v0 =	vmul.f32 v63, v4;
	[tilespmem:s25+$0xFFFFFEC0] =	vst v5  }
0x1be: {  	v55 =	vld [tilespmem:s25+$0xFFFFFF60];
	v4 =	vbroadcast v2, $0x9;
	v6 =	vmul.f32 v6, v11;
	[tilespmem:s25+$0xFFFFFE30] =	vst v13  }
0x1bf: {  	v8 =	vmul.f32 v8, v11;
	v3 =	vbroadcast v2, $0xA;
	[tilespmem:s25+$0x0] =	vst v0  }
0x1c0: {  	v60 =	vld [tilespmem:s25+$0xFFFFFE80];
	v0 =	vmul.f32 v57, v4;
	[tilespmem:s25+$0xFFFFFEE0] =	vst v6  }
0x1c1: {  	v9 =	vld [tilespmem:s25+$0xFFFFFE40];
	[tilespmem:s25+$0xFFFFFED0] =	vst v8;
	v5 =	vmul.f32 v54, v3  }
0x1c2: {  	v59 =	vld [tilespmem:s25+$0xFFFFFF40];
	v7 =	vmul.f32 v10, v7;
	v10 =	vbroadcast v2, $0x4;
	[tilespmem:s25+$0xFFFFFF30] =	vst v0  }
0x1c3: {  	v6 =	vld [tilespmem:s25+$0xFFFFFE90];
	v0 =	vmul.f32 v55, v3;
	[tilespmem:s25+$0xFFFFFF50] =	vst v5  }
0x1c4: {  	v8 =	vld [tilespmem:s25+$0xFFFFFF20];
	v1 =	vmul.f32 v1, v10;
	[tilespmem:s25+$0xFFFFFEF0] =	vst v7  }
0x1c5: {  	v11 =	vld [tilespmem:s25+$0xFFFFFF10];
	v5 =	vmul.f32 v60, v62;
	[tilespmem:s25+$0xFFFFFF60] =	vst v0  }
0x1c6: {  	v3 =	vmul.f32 v9, v61;
	[tilespmem:s25+$0xFFFFFEA0] =	vst v1  }
0x1c7: {  	v2 =	vbroadcast v2, $0x8;
	v1 =	vmul.f32 v59, v4;
	[tilespmem:s25+$0xFFFFFE80] =	vst v5  }
0x1c8: {  	v4 =	vmul.f32 v6, v10;
	[tilespmem:s25+$0xFFFFFE40] =	vst v3  }
0x1c9: {  	v0 =	vmul.f32 v8, v2;
	[tilespmem:s25+$0xFFFFFF40] =	vst v1  }
0x1ca: {  	v1 =	vmul.f32 v11, v2;
	[tilespmem:s25+$0xFFFFFE90] =	vst v4  }
0x1cb: {  	[tilespmem:s25+$0xFFFFFF20] =	vst v0  }
0x1cc: {  	[tilespmem:s25+$0xFFFFFF10] =	vst v1;
	s25 =	simm.s32 $0x0  }
0x1cd: {  	[spmem:s5] =	stream.indirect.scatter.add.f32 [tilespmem:s26], [sflag:$0x2], $0x20, s11, s20, $0xb8;
	[tilespmem:$0x10C00] =	vst v63  }
0x1ce: {  	v6 =	vld [tilespmem:s25+$0x4DB0]  }
0x1cf: {  	v8 =	vld [tilespmem:s25+$0x4CF0]  }
0x1d0: {  	v2 =	vld [tilespmem:s25+$0x4D80]  }
0x1d1: {  	v9 =	vld [tilespmem:s25+$0x4CE0]  }
0x1d2: {  	v1 =	vld [tilespmem:s25+$0x4CB0]  }
0x1d3: {  	v7 =	vld [tilespmem:s25+$0x4C70]  }
0x1d4: {  	v0 =	vld [tilespmem:s25+$0x4CC0]  }
0x1d5: {  	s28 =	simm.s32 $0xA00;
	v3 =	vld [tilespmem:s25+$0x4C40]  }
0x1d6: {  	v5 =	vld [tilespmem:s28+$0x0]  }
0x1d7: {  	s30 =	simm.s32 $0x800;
	v4 =	vld [tilespmem:s25+$0x4DD0]  }
.LBB2_11:
0x1d8: {  	p0 =	sne.s32 s30, $0x3800  }
0x1d9: {  	v10 =	vld [tilespmem:s25+$0x4D60];
	s28 =	sadd.s32 $0x10, s28;
	s0 =	smov.u32 s30;
	s30 =	sadd.s32 $0x800, s30  }
0x1da: {  	v11 =	vld [tilespmem:s25+$0x4DA0]  }
0x1db: {  	v12 =	vld [tilespmem:s25+$0x4D70]  }
0x1dc: {  	v13 =	vld [tilespmem:s25+$0x4C60];
	v14 =	vbroadcast v5, $0x7  }
0x1dd: {  	v16 =	vbroadcast v5, $0xB;
	v17 =	vbroadcast v5, $0xD;
	v15 =	vld [tilespmem:s25+$0x4D40]  }
0x1de: {  	v9 =	vmul.f32 v9, v14;
	v8 =	vmul.f32 v8, v14;
	v14 =	vld [tilespmem:s25+$0x4D30]  }
0x1df: {  	v18 =	vbroadcast v5, $0x3;
	v19 =	vld [tilespmem:s25+$0x4D20];
	v11 =	vmul.f32 v11, v17  }
0x1e0: {  	v10 =	vmul.f32 v10, v16;
	[tilespmem:s25+$0x4CF0] =	vst v8;
	v8 =	vld [tilespmem:s25+$0x4D50];
	v12 =	vmul.f32 v12, v16  }
0x1e1: {  	v16 =	vld [tilespmem:s25+$0x4C20];
	v13 =	vmul.f32 v13, v18;
	[tilespmem:s25+$0x4CE0] =	vst v9;
	v9 =	vbroadcast v5, $0x9  }
0x1e2: {  	v7 =	vmul.f32 v7, v18;
	v6 =	vmul.f32 v6, v17;
	v18 =	vld [tilespmem:s25+$0x4D00];
	[tilespmem:s25+$0x4D70] =	vst v12  }
0x1e3: {  	[tilespmem:s25+$0x4C60] =	vst v13;
	v12 =	vld [tilespmem:s25+$0x4D10];
	v13 =	vmul.f32 v14, v9;
	v14 =	vbroadcast v5, $0xA  }
0x1e4: {  	[tilespmem:s25+$0x4C70] =	vst v7;
	v7 =	vld [tilespmem:s25+$0x4CA0];
	v9 =	vmul.f32 v19, v9  }
0x1e5: {  	v19 =	vbroadcast v5, $0x8;
	v17 =	vld [tilespmem:s25+$0x4C30];
	[tilespmem:s25+$0x4D30] =	vst v13;
	v8 =	vmul.f32 v8, v14  }
0x1e6: {  	v13 =	vbroadcast v5, $0x0;
	v20 =	vld [tilespmem:s25+$0x4CD0];
	[tilespmem:s25+$0x4D20] =	vst v9;
	v9 =	vmul.f32 v15, v14  }
0x1e7: {  	v15 =	vbroadcast v5, $0x5;
	v14 =	vld [tilespmem:s25+$0x4C90];
	v18 =	vmul.f32 v18, v19;
	[tilespmem:s25+$0x4D50] =	vst v8  }
0x1e8: {  	v8 =	vbroadcast v5, $0x1;
	v21 =	vld [tilespmem:s25+$0x4C80];
	v12 =	vmul.f32 v12, v19;
	[tilespmem:s25+$0x4D40] =	vst v9  }
0x1e9: {  	v9 =	vbroadcast v5, $0x6;
	v7 =	vmul.f32 v7, v15;
	[tilespmem:s25+$0x4D00] =	vst v18;
	v18 =	vld [tilespmem:s25+$0x4D90]  }
0x1ea: {  	v19 =	vbroadcast v5, $0x4;
	v17 =	vmul.f32 v17, v8;
	[tilespmem:s25+$0x4D10] =	vst v12;
	v12 =	vld [tilespmem:s25+$0x4DC0]  }
0x1eb: {  	v16 =	vmul.f32 v16, v8;
	[tilespmem:s25+$0x4CA0] =	vst v7;
	v7 =	vmul.f32 v20, v9;
	v8 =	vld [tilespmem:s25+$0x4DE0]  }
0x1ec: {  	[tilespmem:s25+$0x4C30] =	vst v17;
	v14 =	vmul.f32 v14, v19;
	v17 =	vbroadcast v5, $0xC;
	v20 =	vld [tilespmem:s25+$0x4DF0]  }
0x1ed: {  	v22 =	vld [tilespmem:s25+$0x4C50];
	v19 =	vmul.f32 v21, v19;
	[tilespmem:s25+$0x4CD0] =	vst v7;
	v7 =	vbroadcast v5, $0xE  }
0x1ee: {  	[tilespmem:s25+$0x4C90] =	vst v14;
	v14 =	vmul.f32 v18, v17;
	v18 =	vbroadcast v5, $0xF  }
0x1ef: {  	v21 =	vld [tilespmem:s25+$0x4C00];
	[tilespmem:s25+$0x4DB0] =	vst v6;
	v6 =	vmul.f32 v12, v7;
	v4 =	vmul.f32 v4, v7  }
0x1f0: {  	v5 =	vbroadcast v5, $0x2;
	v7 =	vld [tilespmem:s25+$0x4C10];
	[tilespmem:s25+$0x4D90] =	vst v14;
	v8 =	vmul.f32 v8, v18  }
0x1f1: {  	v2 =	vmul.f32 v2, v17;
	[tilespmem:s25+$0x4DC0] =	vst v6;
	v12 =	vmul.f32 v20, v18  }
0x1f2: {  	v3 =	vmul.f32 v3, v5;
	v5 =	vmul.f32 v22, v5;
	[tilespmem:s25+$0x4DE0] =	vst v8  }
0x1f3: {  	v1 =	vmul.f32 v1, v15;
	v0 =	vmul.f32 v0, v9;
	[tilespmem:s25+$0x4D80] =	vst v2  }
0x1f4: {  	v2 =	vmul.f32 v13, v21;
	[tilespmem:s25+$0x4C50] =	vst v5  }
0x1f5: {  	v5 =	vmul.f32 v7, v13;
	[tilespmem:s25+$0x4CB0] =	vst v1  }
0x1f6: {  	[tilespmem:s25+$0x4C00] =	vst v2  }
0x1f7: {  	s0 =	sshra.s32 s0, $0x2;
	[tilespmem:s25+$0x4C80] =	vst v19  }
0x1f8: {  	v6 =	vld [tilespmem:s0+$0x4DB0];
	[tilespmem:s25+$0x4DF0] =	vst v12  }
0x1f9: {  	v8 =	vld [tilespmem:s0+$0x4CF0];
	[tilespmem:s25+$0x4C40] =	vst v3  }
0x1fa: {  	v2 =	vld [tilespmem:s0+$0x4D80];
	[tilespmem:s25+$0x4C20] =	vst v16  }
0x1fb: {  	v9 =	vld [tilespmem:s0+$0x4CE0];
	[tilespmem:s25+$0x4CC0] =	vst v0  }
0x1fc: {  	v1 =	vld [tilespmem:s0+$0x4CB0];
	[tilespmem:s25+$0x4DD0] =	vst v4  }
.Ltmp4:
0x1fd: {  	v7 =	vld [tilespmem:s0+$0x4C70];
	[tilespmem:s25+$0x4D60] =	vst v10;
	(pc) =	sbr.rel @p0 .LBB2_11-.Ltmp4, $4  }
0x1fe: {  	v0 =	vld [tilespmem:s0+$0x4CC0];
	[tilespmem:s25+$0x4DA0] =	vst v11  }
0x1ff: {  	v3 =	vld [tilespmem:s0+$0x4C40];
	[tilespmem:s25+$0x4C10] =	vst v5;
	s25 =	smov.u32 s0  }
0x200: {  	v5 =	vld [tilespmem:s28+$0x0]  }
0x201: {  	v4 =	vld [tilespmem:s25+$0x4DD0]  }
0x202: {  	_ =	sdelay $0x2  }
0x203: {  	v49 =	vld [tilespmem:s25+$0x4D50];
	v14 =	vbroadcast v5, $0x7  }
0x204: {  	v15 =	vld [tilespmem:s25+$0x4D40]  }
0x205: {  	v18 =	vbroadcast v5, $0x3;
	v8 =	vmul.f32 v8, v14  }
0x206: {  	v60 =	vld [tilespmem:s25+$0x4DE0];
	v20 =	vbroadcast v5, $0xA;
	v9 =	vmul.f32 v9, v14  }
0x207: {  	v13 =	vld [tilespmem:s25+$0x4C60];
	v7 =	vmul.f32 v7, v18;
	[tilespmem:s25+$0x4CF0] =	vst v8  }
0x208: {  	v22 =	vbroadcast v5, $0xD;
	v14 =	vmul.f32 v49, v20;
	[tilespmem:s25+$0x4CE0] =	vst v9  }
0x209: {  	v11 =	vld [tilespmem:s25+$0x4DA0];
	v25 =	vbroadcast v5, $0xF;
	v15 =	vmul.f32 v15, v20;
	[tilespmem:s25+$0x4C70] =	vst v7  }
0x20a: {  	v53 =	vld [tilespmem:s25+$0x4C30];
	v6 =	vmul.f32 v6, v22;
	[tilespmem:s25+$0x4D50] =	vst v14  }
0x20b: {  	v16 =	vld [tilespmem:s25+$0x4D30];
	v56 =	vbroadcast v5, $0x5;
	v20 =	vmul.f32 v60, v25;
	[tilespmem:s25+$0x4D40] =	vst v15  }
0x20c: {  	v17 =	vld [tilespmem:s25+$0x4D20];
	v59 =	vbroadcast v5, $0x6;
	v9 =	vmul.f32 v13, v18;
	[tilespmem:s25+$0x4DB0] =	vst v6  }
0x20d: {  	v61 =	vld [tilespmem:s25+$0x4DF0];
	v58 =	vbroadcast v5, $0x1;
	v1 =	vmul.f32 v1, v56;
	[tilespmem:s25+$0x4DE0] =	vst v20  }
0x20e: {  	v12 =	vld [tilespmem:s25+$0x4D70];
	v0 =	vmul.f32 v0, v59;
	[tilespmem:s25+$0x4C60] =	vst v9;
	v9 =	vbroadcast v5, $0x9  }
0x20f: {  	v50 =	vld [tilespmem:s25+$0x4D00];
	v18 =	vmul.f32 v53, v58;
	[tilespmem:s25+$0x4CB0] =	vst v1  }
0x210: {  	v51 =	vld [tilespmem:s25+$0x4D10];
	[tilespmem:s25+$0x4CC0] =	vst v0;
	v7 =	vmul.f32 v16, v9  }
0x211: {  	[tilespmem:s25+$0x4C30] =	vst v18;
	v9 =	vmul.f32 v17, v9  }
0x212: {  	v8 =	vbroadcast v5, $0xB;
	v1 =	vmul.f32 v61, v25;
	[tilespmem:s25+$0x4D30] =	vst v7;
	v7 =	vld [tilespmem:s25+$0x4CD0]  }
0x213: {  	v52 =	vld [tilespmem:s25+$0x4CA0];
	v0 =	vmul.f32 v11, v22;
	[tilespmem:s25+$0x4D20] =	vst v9;
	v9 =	vbroadcast v5, $0x8  }
0x214: {  	v54 =	vld [tilespmem:s25+$0x4C90];
	v62 =	vbroadcast v5, $0xE;
	v12 =	vmul.f32 v12, v8;
	[tilespmem:s25+$0x4DF0] =	vst v1  }
0x215: {  	[tilespmem:s25+$0x4DA0] =	vst v0;
	v13 =	vmul.f32 v50, v9;
	v9 =	vmul.f32 v51, v9  }
0x216: {  	v57 =	vld [tilespmem:s25+$0x4D90];
	v1 =	vmul.f32 v4, v62;
	[tilespmem:s25+$0x4D70] =	vst v12  }
0x217: {  	v21 =	vbroadcast v5, $0x4;
	[tilespmem:s25+$0x4D10] =	vst v9;
	v9 =	vld [tilespmem:s25+$0x4DC0];
	v7 =	vmul.f32 v7, v59  }
0x218: {  	v16 =	vmul.f32 v52, v56;
	[tilespmem:s25+$0x4DD0] =	vst v1  }
0x219: {  	v23 =	vld [tilespmem:s25+$0x4C50];
	v17 =	vmul.f32 v54, v21;
	[tilespmem:s25+$0x4CD0] =	vst v7;
	v7 =	vbroadcast v5, $0xC  }
0x21a: {  	v24 =	vld [tilespmem:s25+$0x4C00];
	[tilespmem:s25+$0x4CA0] =	vst v16  }
0x21b: {  	v55 =	vld [tilespmem:s25+$0x4C80];
	[tilespmem:s25+$0x4C90] =	vst v17;
	v12 =	vmul.f32 v57, v7  }
0x21c: {  	v63 =	vbroadcast v5, $0x2;
	[tilespmem:s25+$0x4D00] =	vst v13;
	v6 =	vmul.f32 v9, v62  }
0x21d: {  	v19 =	vld [tilespmem:s25+$0x4C20];
	v5 =	vbroadcast v5, $0x0;
	v2 =	vmul.f32 v2, v7;
	[tilespmem:s25+$0x4D90] =	vst v12  }
0x21e: {  	v9 =	vld [tilespmem:s25+$0x4C10];
	[tilespmem:s25+$0x4DC0] =	vst v6;
	v6 =	vmul.f32 v23, v63  }
0x21f: {  	v10 =	vld [tilespmem:s25+$0x4D60];
	[tilespmem:s25+$0x4D80] =	vst v2;
	v2 =	vmul.f32 v5, v24  }
0x220: {  	[tilespmem:s25+$0x4C50] =	vst v6;
	v6 =	vmul.f32 v55, v21  }
0x221: {  	[tilespmem:s25+$0x4C00] =	vst v2;
	v2 =	vmul.f32 v3, v63  }
0x222: {  	v3 =	vmul.f32 v19, v58;
	[tilespmem:s25+$0x4C80] =	vst v6  }
0x223: {  	v1 =	vmul.f32 v9, v5;
	[tilespmem:s25+$0x4C40] =	vst v2  }
0x224: {  	[tilespmem:s25+$0x4C20] =	vst v3;
	v2 =	vmul.f32 v10, v8  }
0x225: {  	[tilespmem:s25+$0x4C10] =	vst v1  }
0x226: {  	[tilespmem:s25+$0x4D60] =	vst v2;
	s25 =	simm.s32 $0x0  }
0x227: {  	[spmem:s5] =	stream.indirect.scatter.add.f32 [tilespmem:s29], [sflag:$0x2], $0x20, s15, s20, $0xb8;
	[tilespmem:$0x10C00] =	vst v63  }
0x228: {  	v6 =	vld [tilespmem:s25+$0x5DB0]  }
0x229: {  	v8 =	vld [tilespmem:s25+$0x5CF0]  }
0x22a: {  	v2 =	vld [tilespmem:s25+$0x5D80]  }
0x22b: {  	v9 =	vld [tilespmem:s25+$0x5CE0]  }
0x22c: {  	v1 =	vld [tilespmem:s25+$0x5CB0]  }
0x22d: {  	v7 =	vld [tilespmem:s25+$0x5C70]  }
0x22e: {  	v0 =	vld [tilespmem:s25+$0x5CC0]  }
0x22f: {  	s28 =	simm.s32 $0xA80;
	v3 =	vld [tilespmem:s25+$0x5C40]  }
0x230: {  	v5 =	vld [tilespmem:s28+$0x0]  }
0x231: {  	s30 =	simm.s32 $0x800;
	v4 =	vld [tilespmem:s25+$0x5DD0]  }
.LBB2_13:
0x232: {  	p0 =	sne.s32 s30, $0x3800  }
0x233: {  	v10 =	vld [tilespmem:s25+$0x5D60];
	s28 =	sadd.s32 $0x10, s28;
	s0 =	smov.u32 s30;
	s30 =	sadd.s32 $0x800, s30  }
0x234: {  	v11 =	vld [tilespmem:s25+$0x5DA0]  }
0x235: {  	v12 =	vld [tilespmem:s25+$0x5D70]  }
0x236: {  	v13 =	vld [tilespmem:s25+$0x5C60];
	v14 =	vbroadcast v5, $0x7  }
0x237: {  	v16 =	vbroadcast v5, $0xB;
	v17 =	vbroadcast v5, $0xD;
	v15 =	vld [tilespmem:s25+$0x5D40]  }
0x238: {  	v9 =	vmul.f32 v9, v14;
	v8 =	vmul.f32 v8, v14;
	v14 =	vld [tilespmem:s25+$0x5D30]  }
0x239: {  	v18 =	vbroadcast v5, $0x3;
	v19 =	vld [tilespmem:s25+$0x5D20];
	v11 =	vmul.f32 v11, v17  }
0x23a: {  	v10 =	vmul.f32 v10, v16;
	[tilespmem:s25+$0x5CF0] =	vst v8;
	v8 =	vld [tilespmem:s25+$0x5D50];
	v12 =	vmul.f32 v12, v16  }
0x23b: {  	v16 =	vld [tilespmem:s25+$0x5C20];
	v13 =	vmul.f32 v13, v18;
	[tilespmem:s25+$0x5CE0] =	vst v9;
	v9 =	vbroadcast v5, $0x9  }
0x23c: {  	v7 =	vmul.f32 v7, v18;
	v6 =	vmul.f32 v6, v17;
	v18 =	vld [tilespmem:s25+$0x5D00];
	[tilespmem:s25+$0x5D70] =	vst v12  }
0x23d: {  	[tilespmem:s25+$0x5C60] =	vst v13;
	v12 =	vld [tilespmem:s25+$0x5D10];
	v13 =	vmul.f32 v14, v9;
	v14 =	vbroadcast v5, $0xA  }
0x23e: {  	[tilespmem:s25+$0x5C70] =	vst v7;
	v7 =	vld [tilespmem:s25+$0x5CA0];
	v9 =	vmul.f32 v19, v9  }
0x23f: {  	v19 =	vbroadcast v5, $0x8;
	v17 =	vld [tilespmem:s25+$0x5C30];
	[tilespmem:s25+$0x5D30] =	vst v13;
	v8 =	vmul.f32 v8, v14  }
0x240: {  	v13 =	vbroadcast v5, $0x0;
	v20 =	vld [tilespmem:s25+$0x5CD0];
	[tilespmem:s25+$0x5D20] =	vst v9;
	v9 =	vmul.f32 v15, v14  }
0x241: {  	v15 =	vbroadcast v5, $0x5;
	v14 =	vld [tilespmem:s25+$0x5C90];
	v18 =	vmul.f32 v18, v19;
	[tilespmem:s25+$0x5D50] =	vst v8  }
0x242: {  	v8 =	vbroadcast v5, $0x1;
	v21 =	vld [tilespmem:s25+$0x5C80];
	v12 =	vmul.f32 v12, v19;
	[tilespmem:s25+$0x5D40] =	vst v9  }
0x243: {  	v9 =	vbroadcast v5, $0x6;
	v7 =	vmul.f32 v7, v15;
	[tilespmem:s25+$0x5D00] =	vst v18;
	v18 =	vld [tilespmem:s25+$0x5D90]  }
0x244: {  	v19 =	vbroadcast v5, $0x4;
	v17 =	vmul.f32 v17, v8;
	[tilespmem:s25+$0x5D10] =	vst v12;
	v12 =	vld [tilespmem:s25+$0x5DC0]  }
0x245: {  	v16 =	vmul.f32 v16, v8;
	[tilespmem:s25+$0x5CA0] =	vst v7;
	v7 =	vmul.f32 v20, v9;
	v8 =	vld [tilespmem:s25+$0x5DE0]  }
0x246: {  	[tilespmem:s25+$0x5C30] =	vst v17;
	v14 =	vmul.f32 v14, v19;
	v17 =	vbroadcast v5, $0xC;
	v20 =	vld [tilespmem:s25+$0x5DF0]  }
0x247: {  	v22 =	vld [tilespmem:s25+$0x5C50];
	v19 =	vmul.f32 v21, v19;
	[tilespmem:s25+$0x5CD0] =	vst v7;
	v7 =	vbroadcast v5, $0xE  }
0x248: {  	[tilespmem:s25+$0x5C90] =	vst v14;
	v14 =	vmul.f32 v18, v17;
	v18 =	vbroadcast v5, $0xF  }
0x249: {  	v21 =	vld [tilespmem:s25+$0x5C00];
	[tilespmem:s25+$0x5DB0] =	vst v6;
	v6 =	vmul.f32 v12, v7;
	v4 =	vmul.f32 v4, v7  }
0x24a: {  	v5 =	vbroadcast v5, $0x2;
	v7 =	vld [tilespmem:s25+$0x5C10];
	[tilespmem:s25+$0x5D90] =	vst v14;
	v8 =	vmul.f32 v8, v18  }
0x24b: {  	v2 =	vmul.f32 v2, v17;
	[tilespmem:s25+$0x5DC0] =	vst v6;
	v12 =	vmul.f32 v20, v18  }
0x24c: {  	v3 =	vmul.f32 v3, v5;
	v5 =	vmul.f32 v22, v5;
	[tilespmem:s25+$0x5DE0] =	vst v8  }
0x24d: {  	v1 =	vmul.f32 v1, v15;
	v0 =	vmul.f32 v0, v9;
	[tilespmem:s25+$0x5D80] =	vst v2  }
0x24e: {  	v2 =	vmul.f32 v13, v21;
	[tilespmem:s25+$0x5C50] =	vst v5  }
0x24f: {  	v5 =	vmul.f32 v7, v13;
	[tilespmem:s25+$0x5CB0] =	vst v1  }
0x250: {  	[tilespmem:s25+$0x5C00] =	vst v2  }
0x251: {  	s0 =	sshra.s32 s0, $0x2;
	[tilespmem:s25+$0x5C80] =	vst v19  }
0x252: {  	v6 =	vld [tilespmem:s0+$0x5DB0];
	[tilespmem:s25+$0x5DF0] =	vst v12  }
0x253: {  	v8 =	vld [tilespmem:s0+$0x5CF0];
	[tilespmem:s25+$0x5C40] =	vst v3  }
0x254: {  	v2 =	vld [tilespmem:s0+$0x5D80];
	[tilespmem:s25+$0x5C20] =	vst v16  }
0x255: {  	v9 =	vld [tilespmem:s0+$0x5CE0];
	[tilespmem:s25+$0x5CC0] =	vst v0  }
0x256: {  	v1 =	vld [tilespmem:s0+$0x5CB0];
	[tilespmem:s25+$0x5DD0] =	vst v4  }
.Ltmp5:
0x257: {  	v7 =	vld [tilespmem:s0+$0x5C70];
	[tilespmem:s25+$0x5D60] =	vst v10;
	(pc) =	sbr.rel @p0 .LBB2_13-.Ltmp5, $4  }
0x258: {  	v0 =	vld [tilespmem:s0+$0x5CC0];
	[tilespmem:s25+$0x5DA0] =	vst v11  }
0x259: {  	v3 =	vld [tilespmem:s0+$0x5C40];
	[tilespmem:s25+$0x5C10] =	vst v5;
	s25 =	smov.u32 s0  }
0x25a: {  	v5 =	vld [tilespmem:s28+$0x0]  }
0x25b: {  	v4 =	vld [tilespmem:s25+$0x5DD0]  }
0x25c: {  	_ =	sdelay $0x2  }
0x25d: {  	v49 =	vld [tilespmem:s25+$0x5D50];
	v14 =	vbroadcast v5, $0x7  }
0x25e: {  	v15 =	vld [tilespmem:s25+$0x5D40]  }
0x25f: {  	v18 =	vbroadcast v5, $0x3;
	v8 =	vmul.f32 v8, v14  }
0x260: {  	v60 =	vld [tilespmem:s25+$0x5DE0];
	v20 =	vbroadcast v5, $0xA;
	v9 =	vmul.f32 v9, v14  }
0x261: {  	v13 =	vld [tilespmem:s25+$0x5C60];
	v7 =	vmul.f32 v7, v18;
	[tilespmem:s25+$0x5CF0] =	vst v8  }
0x262: {  	v22 =	vbroadcast v5, $0xD;
	v14 =	vmul.f32 v49, v20;
	[tilespmem:s25+$0x5CE0] =	vst v9  }
0x263: {  	v11 =	vld [tilespmem:s25+$0x5DA0];
	v25 =	vbroadcast v5, $0xF;
	v15 =	vmul.f32 v15, v20;
	[tilespmem:s25+$0x5C70] =	vst v7  }
0x264: {  	v53 =	vld [tilespmem:s25+$0x5C30];
	v6 =	vmul.f32 v6, v22;
	[tilespmem:s25+$0x5D50] =	vst v14  }
0x265: {  	v16 =	vld [tilespmem:s25+$0x5D30];
	v56 =	vbroadcast v5, $0x5;
	v20 =	vmul.f32 v60, v25;
	[tilespmem:s25+$0x5D40] =	vst v15  }
0x266: {  	v17 =	vld [tilespmem:s25+$0x5D20];
	v59 =	vbroadcast v5, $0x6;
	v9 =	vmul.f32 v13, v18;
	[tilespmem:s25+$0x5DB0] =	vst v6  }
0x267: {  	v61 =	vld [tilespmem:s25+$0x5DF0];
	v58 =	vbroadcast v5, $0x1;
	v1 =	vmul.f32 v1, v56;
	[tilespmem:s25+$0x5DE0] =	vst v20  }
0x268: {  	v12 =	vld [tilespmem:s25+$0x5D70];
	v0 =	vmul.f32 v0, v59;
	[tilespmem:s25+$0x5C60] =	vst v9;
	v9 =	vbroadcast v5, $0x9  }
0x269: {  	v50 =	vld [tilespmem:s25+$0x5D00];
	v18 =	vmul.f32 v53, v58;
	[tilespmem:s25+$0x5CB0] =	vst v1  }
0x26a: {  	v51 =	vld [tilespmem:s25+$0x5D10];
	[tilespmem:s25+$0x5CC0] =	vst v0;
	v7 =	vmul.f32 v16, v9  }
0x26b: {  	[tilespmem:s25+$0x5C30] =	vst v18;
	v9 =	vmul.f32 v17, v9  }
0x26c: {  	v8 =	vbroadcast v5, $0xB;
	v1 =	vmul.f32 v61, v25;
	[tilespmem:s25+$0x5D30] =	vst v7;
	v7 =	vld [tilespmem:s25+$0x5CD0]  }
0x26d: {  	v52 =	vld [tilespmem:s25+$0x5CA0];
	v0 =	vmul.f32 v11, v22;
	[tilespmem:s25+$0x5D20] =	vst v9;
	v9 =	vbroadcast v5, $0x8  }
0x26e: {  	v54 =	vld [tilespmem:s25+$0x5C90];
	v62 =	vbroadcast v5, $0xE;
	v12 =	vmul.f32 v12, v8;
	[tilespmem:s25+$0x5DF0] =	vst v1  }
0x26f: {  	[tilespmem:s25+$0x5DA0] =	vst v0;
	v13 =	vmul.f32 v50, v9;
	v9 =	vmul.f32 v51, v9  }
0x270: {  	v57 =	vld [tilespmem:s25+$0x5D90];
	v1 =	vmul.f32 v4, v62;
	[tilespmem:s25+$0x5D70] =	vst v12  }
0x271: {  	v21 =	vbroadcast v5, $0x4;
	[tilespmem:s25+$0x5D10] =	vst v9;
	v9 =	vld [tilespmem:s25+$0x5DC0];
	v7 =	vmul.f32 v7, v59  }
0x272: {  	v16 =	vmul.f32 v52, v56;
	[tilespmem:s25+$0x5DD0] =	vst v1  }
0x273: {  	v23 =	vld [tilespmem:s25+$0x5C50];
	v17 =	vmul.f32 v54, v21;
	[tilespmem:s25+$0x5CD0] =	vst v7;
	v7 =	vbroadcast v5, $0xC  }
0x274: {  	v24 =	vld [tilespmem:s25+$0x5C00];
	[tilespmem:s25+$0x5CA0] =	vst v16  }
0x275: {  	v55 =	vld [tilespmem:s25+$0x5C80];
	[tilespmem:s25+$0x5C90] =	vst v17;
	v12 =	vmul.f32 v57, v7  }
0x276: {  	v63 =	vbroadcast v5, $0x2;
	[tilespmem:s25+$0x5D00] =	vst v13;
	v6 =	vmul.f32 v9, v62  }
0x277: {  	v19 =	vld [tilespmem:s25+$0x5C20];
	v5 =	vbroadcast v5, $0x0;
	v2 =	vmul.f32 v2, v7;
	[tilespmem:s25+$0x5D90] =	vst v12  }
0x278: {  	v9 =	vld [tilespmem:s25+$0x5C10];
	[tilespmem:s25+$0x5DC0] =	vst v6;
	v6 =	vmul.f32 v23, v63  }
0x279: {  	v10 =	vld [tilespmem:s25+$0x5D60];
	[tilespmem:s25+$0x5D80] =	vst v2;
	v2 =	vmul.f32 v5, v24  }
0x27a: {  	[tilespmem:s25+$0x5C50] =	vst v6;
	v6 =	vmul.f32 v55, v21  }
0x27b: {  	[tilespmem:s25+$0x5C00] =	vst v2;
	v2 =	vmul.f32 v3, v63  }
0x27c: {  	v3 =	vmul.f32 v19, v58;
	[tilespmem:s25+$0x5C80] =	vst v6  }
0x27d: {  	v1 =	vmul.f32 v9, v5;
	[tilespmem:s25+$0x5C40] =	vst v2  }
0x27e: {  	[tilespmem:s25+$0x5C20] =	vst v3;
	v2 =	vmul.f32 v10, v8  }
0x27f: {  	[tilespmem:s25+$0x5C10] =	vst v1  }
0x280: {  	[tilespmem:s25+$0x5D60] =	vst v2;
	s25 =	simm.s32 $0x0  }
0x281: {  	[spmem:s5] =	stream.indirect.scatter.add.f32 [tilespmem:s31], [sflag:$0x2], $0x20, s3, s20, $0xb8;
	[tilespmem:$0x10C00] =	vst v63  }
0x282: {  	v6 =	vld [tilespmem:s25+$0x6DB0]  }
0x283: {  	v8 =	vld [tilespmem:s25+$0x6CF0]  }
0x284: {  	v2 =	vld [tilespmem:s25+$0x6D80]  }
0x285: {  	v9 =	vld [tilespmem:s25+$0x6CE0]  }
0x286: {  	v1 =	vld [tilespmem:s25+$0x6CB0]  }
0x287: {  	v7 =	vld [tilespmem:s25+$0x6C70]  }
0x288: {  	v0 =	vld [tilespmem:s25+$0x6CC0]  }
0x289: {  	s28 =	simm.s32 $0xB00;
	v3 =	vld [tilespmem:s25+$0x6C40]  }
0x28a: {  	v5 =	vld [tilespmem:s28+$0x0]  }
0x28b: {  	s30 =	simm.s32 $0x800;
	v4 =	vld [tilespmem:s25+$0x6DD0]  }
.LBB2_15:
0x28c: {  	p0 =	sne.s32 s30, $0x3800  }
0x28d: {  	v10 =	vld [tilespmem:s25+$0x6D60];
	s28 =	sadd.s32 $0x10, s28;
	s0 =	smov.u32 s30;
	s30 =	sadd.s32 $0x800, s30  }
0x28e: {  	v11 =	vld [tilespmem:s25+$0x6DA0]  }
0x28f: {  	v12 =	vld [tilespmem:s25+$0x6D70]  }
0x290: {  	v13 =	vld [tilespmem:s25+$0x6C60];
	v14 =	vbroadcast v5, $0x7  }
0x291: {  	v16 =	vbroadcast v5, $0xB;
	v17 =	vbroadcast v5, $0xD;
	v15 =	vld [tilespmem:s25+$0x6D40]  }
0x292: {  	v9 =	vmul.f32 v9, v14;
	v8 =	vmul.f32 v8, v14;
	v14 =	vld [tilespmem:s25+$0x6D30]  }
0x293: {  	v18 =	vbroadcast v5, $0x3;
	v19 =	vld [tilespmem:s25+$0x6D20];
	v11 =	vmul.f32 v11, v17  }
0x294: {  	v10 =	vmul.f32 v10, v16;
	[tilespmem:s25+$0x6CF0] =	vst v8;
	v8 =	vld [tilespmem:s25+$0x6D50];
	v12 =	vmul.f32 v12, v16  }
0x295: {  	v16 =	vld [tilespmem:s25+$0x6C20];
	v13 =	vmul.f32 v13, v18;
	[tilespmem:s25+$0x6CE0] =	vst v9;
	v9 =	vbroadcast v5, $0x9  }
0x296: {  	v7 =	vmul.f32 v7, v18;
	v6 =	vmul.f32 v6, v17;
	v18 =	vld [tilespmem:s25+$0x6D00];
	[tilespmem:s25+$0x6D70] =	vst v12  }
0x297: {  	[tilespmem:s25+$0x6C60] =	vst v13;
	v12 =	vld [tilespmem:s25+$0x6D10];
	v13 =	vmul.f32 v14, v9;
	v14 =	vbroadcast v5, $0xA  }
0x298: {  	[tilespmem:s25+$0x6C70] =	vst v7;
	v7 =	vld [tilespmem:s25+$0x6CA0];
	v9 =	vmul.f32 v19, v9  }
0x299: {  	v19 =	vbroadcast v5, $0x8;
	v17 =	vld [tilespmem:s25+$0x6C30];
	[tilespmem:s25+$0x6D30] =	vst v13;
	v8 =	vmul.f32 v8, v14  }
0x29a: {  	v13 =	vbroadcast v5, $0x0;
	v20 =	vld [tilespmem:s25+$0x6CD0];
	[tilespmem:s25+$0x6D20] =	vst v9;
	v9 =	vmul.f32 v15, v14  }
0x29b: {  	v15 =	vbroadcast v5, $0x5;
	v14 =	vld [tilespmem:s25+$0x6C90];
	v18 =	vmul.f32 v18, v19;
	[tilespmem:s25+$0x6D50] =	vst v8  }
0x29c: {  	v8 =	vbroadcast v5, $0x1;
	v21 =	vld [tilespmem:s25+$0x6C80];
	v12 =	vmul.f32 v12, v19;
	[tilespmem:s25+$0x6D40] =	vst v9  }
0x29d: {  	v9 =	vbroadcast v5, $0x6;
	v7 =	vmul.f32 v7, v15;
	[tilespmem:s25+$0x6D00] =	vst v18;
	v18 =	vld [tilespmem:s25+$0x6D90]  }
0x29e: {  	v19 =	vbroadcast v5, $0x4;
	v17 =	vmul.f32 v17, v8;
	[tilespmem:s25+$0x6D10] =	vst v12;
	v12 =	vld [tilespmem:s25+$0x6DC0]  }
0x29f: {  	v16 =	vmul.f32 v16, v8;
	[tilespmem:s25+$0x6CA0] =	vst v7;
	v7 =	vmul.f32 v20, v9;
	v8 =	vld [tilespmem:s25+$0x6DE0]  }
0x2a0: {  	[tilespmem:s25+$0x6C30] =	vst v17;
	v14 =	vmul.f32 v14, v19;
	v17 =	vbroadcast v5, $0xC;
	v20 =	vld [tilespmem:s25+$0x6DF0]  }
0x2a1: {  	v22 =	vld [tilespmem:s25+$0x6C50];
	v19 =	vmul.f32 v21, v19;
	[tilespmem:s25+$0x6CD0] =	vst v7;
	v7 =	vbroadcast v5, $0xE  }
0x2a2: {  	[tilespmem:s25+$0x6C90] =	vst v14;
	v14 =	vmul.f32 v18, v17;
	v18 =	vbroadcast v5, $0xF  }
0x2a3: {  	v21 =	vld [tilespmem:s25+$0x6C00];
	[tilespmem:s25+$0x6DB0] =	vst v6;
	v6 =	vmul.f32 v12, v7;
	v4 =	vmul.f32 v4, v7  }
0x2a4: {  	v5 =	vbroadcast v5, $0x2;
	v7 =	vld [tilespmem:s25+$0x6C10];
	[tilespmem:s25+$0x6D90] =	vst v14;
	v8 =	vmul.f32 v8, v18  }
0x2a5: {  	v2 =	vmul.f32 v2, v17;
	[tilespmem:s25+$0x6DC0] =	vst v6;
	v12 =	vmul.f32 v20, v18  }
0x2a6: {  	v3 =	vmul.f32 v3, v5;
	v5 =	vmul.f32 v22, v5;
	[tilespmem:s25+$0x6DE0] =	vst v8  }
0x2a7: {  	v1 =	vmul.f32 v1, v15;
	v0 =	vmul.f32 v0, v9;
	[tilespmem:s25+$0x6D80] =	vst v2  }
0x2a8: {  	v2 =	vmul.f32 v13, v21;
	[tilespmem:s25+$0x6C50] =	vst v5  }
0x2a9: {  	v5 =	vmul.f32 v7, v13;
	[tilespmem:s25+$0x6CB0] =	vst v1  }
0x2aa: {  	[tilespmem:s25+$0x6C00] =	vst v2  }
0x2ab: {  	s0 =	sshra.s32 s0, $0x2;
	[tilespmem:s25+$0x6C80] =	vst v19  }
0x2ac: {  	v6 =	vld [tilespmem:s0+$0x6DB0];
	[tilespmem:s25+$0x6DF0] =	vst v12  }
0x2ad: {  	v8 =	vld [tilespmem:s0+$0x6CF0];
	[tilespmem:s25+$0x6C40] =	vst v3  }
0x2ae: {  	v2 =	vld [tilespmem:s0+$0x6D80];
	[tilespmem:s25+$0x6C20] =	vst v16  }
0x2af: {  	v9 =	vld [tilespmem:s0+$0x6CE0];
	[tilespmem:s25+$0x6CC0] =	vst v0  }
0x2b0: {  	v1 =	vld [tilespmem:s0+$0x6CB0];
	[tilespmem:s25+$0x6DD0] =	vst v4  }
.Ltmp6:
0x2b1: {  	v7 =	vld [tilespmem:s0+$0x6C70];
	[tilespmem:s25+$0x6D60] =	vst v10;
	(pc) =	sbr.rel @p0 .LBB2_15-.Ltmp6, $4  }
0x2b2: {  	v0 =	vld [tilespmem:s0+$0x6CC0];
	[tilespmem:s25+$0x6DA0] =	vst v11  }
0x2b3: {  	v3 =	vld [tilespmem:s0+$0x6C40];
	[tilespmem:s25+$0x6C10] =	vst v5;
	s25 =	smov.u32 s0  }
0x2b4: {  	v5 =	vld [tilespmem:s28+$0x0]  }
0x2b5: {  	v4 =	vld [tilespmem:s25+$0x6DD0]  }
0x2b6: {  	_ =	sdelay $0x2  }
0x2b7: {  	v49 =	vld [tilespmem:s25+$0x6D50];
	v14 =	vbroadcast v5, $0x7  }
0x2b8: {  	v15 =	vld [tilespmem:s25+$0x6D40]  }
0x2b9: {  	v18 =	vbroadcast v5, $0x3;
	v8 =	vmul.f32 v8, v14  }
0x2ba: {  	v60 =	vld [tilespmem:s25+$0x6DE0];
	v20 =	vbroadcast v5, $0xA;
	v9 =	vmul.f32 v9, v14  }
0x2bb: {  	v13 =	vld [tilespmem:s25+$0x6C60];
	v7 =	vmul.f32 v7, v18;
	[tilespmem:s25+$0x6CF0] =	vst v8  }
0x2bc: {  	v22 =	vbroadcast v5, $0xD;
	v14 =	vmul.f32 v49, v20;
	[tilespmem:s25+$0x6CE0] =	vst v9  }
0x2bd: {  	v11 =	vld [tilespmem:s25+$0x6DA0];
	v25 =	vbroadcast v5, $0xF;
	v15 =	vmul.f32 v15, v20;
	[tilespmem:s25+$0x6C70] =	vst v7  }
0x2be: {  	v53 =	vld [tilespmem:s25+$0x6C30];
	v6 =	vmul.f32 v6, v22;
	[tilespmem:s25+$0x6D50] =	vst v14  }
0x2bf: {  	v16 =	vld [tilespmem:s25+$0x6D30];
	v56 =	vbroadcast v5, $0x5;
	v20 =	vmul.f32 v60, v25;
	[tilespmem:s25+$0x6D40] =	vst v15  }
0x2c0: {  	v17 =	vld [tilespmem:s25+$0x6D20];
	v59 =	vbroadcast v5, $0x6;
	v9 =	vmul.f32 v13, v18;
	[tilespmem:s25+$0x6DB0] =	vst v6  }
0x2c1: {  	v61 =	vld [tilespmem:s25+$0x6DF0];
	v58 =	vbroadcast v5, $0x1;
	v1 =	vmul.f32 v1, v56;
	[tilespmem:s25+$0x6DE0] =	vst v20  }
0x2c2: {  	v12 =	vld [tilespmem:s25+$0x6D70];
	v0 =	vmul.f32 v0, v59;
	[tilespmem:s25+$0x6C60] =	vst v9;
	v9 =	vbroadcast v5, $0x9  }
0x2c3: {  	v50 =	vld [tilespmem:s25+$0x6D00];
	v18 =	vmul.f32 v53, v58;
	[tilespmem:s25+$0x6CB0] =	vst v1  }
0x2c4: {  	v51 =	vld [tilespmem:s25+$0x6D10];
	[tilespmem:s25+$0x6CC0] =	vst v0;
	v7 =	vmul.f32 v16, v9  }
0x2c5: {  	[tilespmem:s25+$0x6C30] =	vst v18;
	v9 =	vmul.f32 v17, v9  }
0x2c6: {  	v8 =	vbroadcast v5, $0xB;
	v1 =	vmul.f32 v61, v25;
	[tilespmem:s25+$0x6D30] =	vst v7;
	v7 =	vld [tilespmem:s25+$0x6CD0]  }
0x2c7: {  	v52 =	vld [tilespmem:s25+$0x6CA0];
	v0 =	vmul.f32 v11, v22;
	[tilespmem:s25+$0x6D20] =	vst v9;
	v9 =	vbroadcast v5, $0x8  }
0x2c8: {  	v54 =	vld [tilespmem:s25+$0x6C90];
	v62 =	vbroadcast v5, $0xE;
	v12 =	vmul.f32 v12, v8;
	[tilespmem:s25+$0x6DF0] =	vst v1  }
0x2c9: {  	[tilespmem:s25+$0x6DA0] =	vst v0;
	v13 =	vmul.f32 v50, v9;
	v9 =	vmul.f32 v51, v9  }
0x2ca: {  	v57 =	vld [tilespmem:s25+$0x6D90];
	v1 =	vmul.f32 v4, v62;
	[tilespmem:s25+$0x6D70] =	vst v12  }
0x2cb: {  	v21 =	vbroadcast v5, $0x4;
	[tilespmem:s25+$0x6D10] =	vst v9;
	v9 =	vld [tilespmem:s25+$0x6DC0];
	v7 =	vmul.f32 v7, v59  }
0x2cc: {  	v16 =	vmul.f32 v52, v56;
	[tilespmem:s25+$0x6DD0] =	vst v1  }
0x2cd: {  	v23 =	vld [tilespmem:s25+$0x6C50];
	v17 =	vmul.f32 v54, v21;
	[tilespmem:s25+$0x6CD0] =	vst v7;
	v7 =	vbroadcast v5, $0xC  }
0x2ce: {  	v24 =	vld [tilespmem:s25+$0x6C00];
	[tilespmem:s25+$0x6CA0] =	vst v16  }
0x2cf: {  	v55 =	vld [tilespmem:s25+$0x6C80];
	[tilespmem:s25+$0x6C90] =	vst v17;
	v12 =	vmul.f32 v57, v7  }
0x2d0: {  	v63 =	vbroadcast v5, $0x2;
	[tilespmem:s25+$0x6D00] =	vst v13;
	v6 =	vmul.f32 v9, v62  }
0x2d1: {  	v19 =	vld [tilespmem:s25+$0x6C20];
	v5 =	vbroadcast v5, $0x0;
	v2 =	vmul.f32 v2, v7;
	[tilespmem:s25+$0x6D90] =	vst v12  }
0x2d2: {  	v9 =	vld [tilespmem:s25+$0x6C10];
	[tilespmem:s25+$0x6DC0] =	vst v6;
	v6 =	vmul.f32 v23, v63  }
0x2d3: {  	v10 =	vld [tilespmem:s25+$0x6D60];
	[tilespmem:s25+$0x6D80] =	vst v2;
	v2 =	vmul.f32 v5, v24  }
0x2d4: {  	[tilespmem:s25+$0x6C50] =	vst v6;
	v6 =	vmul.f32 v55, v21  }
0x2d5: {  	[tilespmem:s25+$0x6C00] =	vst v2;
	v2 =	vmul.f32 v3, v63  }
0x2d6: {  	v3 =	vmul.f32 v19, v58;
	[tilespmem:s25+$0x6C80] =	vst v6  }
0x2d7: {  	v1 =	vmul.f32 v9, v5;
	[tilespmem:s25+$0x6C40] =	vst v2  }
0x2d8: {  	[tilespmem:s25+$0x6C20] =	vst v3;
	v2 =	vmul.f32 v10, v8  }
0x2d9: {  	[tilespmem:s25+$0x6C10] =	vst v1  }
0x2da: {  	[tilespmem:s25+$0x6D60] =	vst v2;
	s25 =	simm.s32 $0x0  }
0x2db: {  	[spmem:s5] =	stream.indirect.scatter.add.f32 [tilespmem:s6], [sflag:$0x2], $0x20, s4, s20, $0xb8;
	[tilespmem:$0x10C00] =	vst v63  }
0x2dc: {  	v6 =	vld [tilespmem:s25+$0x7DB0]  }
0x2dd: {  	v8 =	vld [tilespmem:s25+$0x7CF0]  }
0x2de: {  	v2 =	vld [tilespmem:s25+$0x7D80]  }
0x2df: {  	v9 =	vld [tilespmem:s25+$0x7CE0]  }
0x2e0: {  	v1 =	vld [tilespmem:s25+$0x7CB0]  }
0x2e1: {  	v7 =	vld [tilespmem:s25+$0x7C70]  }
0x2e2: {  	v0 =	vld [tilespmem:s25+$0x7CC0]  }
0x2e3: {  	s28 =	simm.s32 $0xB80;
	v3 =	vld [tilespmem:s25+$0x7C40]  }
0x2e4: {  	v5 =	vld [tilespmem:s28+$0x0]  }
0x2e5: {  	s30 =	simm.s32 $0x800;
	v4 =	vld [tilespmem:s25+$0x7DD0]  }
.LBB2_17:
0x2e6: {  	p0 =	sne.s32 s30, $0x3800  }
0x2e7: {  	v10 =	vld [tilespmem:s25+$0x7D60];
	s28 =	sadd.s32 $0x10, s28;
	s0 =	smov.u32 s30;
	s30 =	sadd.s32 $0x800, s30  }
0x2e8: {  	v11 =	vld [tilespmem:s25+$0x7DA0]  }
0x2e9: {  	v12 =	vld [tilespmem:s25+$0x7D70]  }
0x2ea: {  	v13 =	vld [tilespmem:s25+$0x7C60];
	v14 =	vbroadcast v5, $0x7  }
0x2eb: {  	v16 =	vbroadcast v5, $0xB;
	v17 =	vbroadcast v5, $0xD;
	v15 =	vld [tilespmem:s25+$0x7D40]  }
0x2ec: {  	v9 =	vmul.f32 v9, v14;
	v8 =	vmul.f32 v8, v14;
	v14 =	vld [tilespmem:s25+$0x7D30]  }
0x2ed: {  	v18 =	vbroadcast v5, $0x3;
	v19 =	vld [tilespmem:s25+$0x7D20];
	v11 =	vmul.f32 v11, v17  }
0x2ee: {  	v10 =	vmul.f32 v10, v16;
	[tilespmem:s25+$0x7CF0] =	vst v8;
	v8 =	vld [tilespmem:s25+$0x7D50];
	v12 =	vmul.f32 v12, v16  }
0x2ef: {  	v16 =	vld [tilespmem:s25+$0x7C20];
	v13 =	vmul.f32 v13, v18;
	[tilespmem:s25+$0x7CE0] =	vst v9;
	v9 =	vbroadcast v5, $0x9  }
0x2f0: {  	v7 =	vmul.f32 v7, v18;
	v6 =	vmul.f32 v6, v17;
	v18 =	vld [tilespmem:s25+$0x7D00];
	[tilespmem:s25+$0x7D70] =	vst v12  }
0x2f1: {  	[tilespmem:s25+$0x7C60] =	vst v13;
	v12 =	vld [tilespmem:s25+$0x7D10];
	v13 =	vmul.f32 v14, v9;
	v14 =	vbroadcast v5, $0xA  }
0x2f2: {  	[tilespmem:s25+$0x7C70] =	vst v7;
	v7 =	vld [tilespmem:s25+$0x7CA0];
	v9 =	vmul.f32 v19, v9  }
0x2f3: {  	v19 =	vbroadcast v5, $0x8;
	v17 =	vld [tilespmem:s25+$0x7C30];
	[tilespmem:s25+$0x7D30] =	vst v13;
	v8 =	vmul.f32 v8, v14  }
0x2f4: {  	v13 =	vbroadcast v5, $0x0;
	v20 =	vld [tilespmem:s25+$0x7CD0];
	[tilespmem:s25+$0x7D20] =	vst v9;
	v9 =	vmul.f32 v15, v14  }
0x2f5: {  	v15 =	vbroadcast v5, $0x5;
	v14 =	vld [tilespmem:s25+$0x7C90];
	v18 =	vmul.f32 v18, v19;
	[tilespmem:s25+$0x7D50] =	vst v8  }
0x2f6: {  	v8 =	vbroadcast v5, $0x1;
	v21 =	vld [tilespmem:s25+$0x7C80];
	v12 =	vmul.f32 v12, v19;
	[tilespmem:s25+$0x7D40] =	vst v9  }
0x2f7: {  	v9 =	vbroadcast v5, $0x6;
	v7 =	vmul.f32 v7, v15;
	[tilespmem:s25+$0x7D00] =	vst v18;
	v18 =	vld [tilespmem:s25+$0x7D90]  }
0x2f8: {  	v19 =	vbroadcast v5, $0x4;
	v17 =	vmul.f32 v17, v8;
	[tilespmem:s25+$0x7D10] =	vst v12;
	v12 =	vld [tilespmem:s25+$0x7DC0]  }
0x2f9: {  	v16 =	vmul.f32 v16, v8;
	[tilespmem:s25+$0x7CA0] =	vst v7;
	v7 =	vmul.f32 v20, v9;
	v8 =	vld [tilespmem:s25+$0x7DE0]  }
0x2fa: {  	[tilespmem:s25+$0x7C30] =	vst v17;
	v14 =	vmul.f32 v14, v19;
	v17 =	vbroadcast v5, $0xC;
	v20 =	vld [tilespmem:s25+$0x7DF0]  }
0x2fb: {  	v22 =	vld [tilespmem:s25+$0x7C50];
	v19 =	vmul.f32 v21, v19;
	[tilespmem:s25+$0x7CD0] =	vst v7;
	v7 =	vbroadcast v5, $0xE  }
0x2fc: {  	[tilespmem:s25+$0x7C90] =	vst v14;
	v14 =	vmul.f32 v18, v17;
	v18 =	vbroadcast v5, $0xF  }
0x2fd: {  	v21 =	vld [tilespmem:s25+$0x7C00];
	[tilespmem:s25+$0x7DB0] =	vst v6;
	v6 =	vmul.f32 v12, v7;
	v4 =	vmul.f32 v4, v7  }
0x2fe: {  	v5 =	vbroadcast v5, $0x2;
	v7 =	vld [tilespmem:s25+$0x7C10];
	[tilespmem:s25+$0x7D90] =	vst v14;
	v8 =	vmul.f32 v8, v18  }
0x2ff: {  	v2 =	vmul.f32 v2, v17;
	[tilespmem:s25+$0x7DC0] =	vst v6;
	v12 =	vmul.f32 v20, v18  }
0x300: {  	v3 =	vmul.f32 v3, v5;
	v5 =	vmul.f32 v22, v5;
	[tilespmem:s25+$0x7DE0] =	vst v8  }
0x301: {  	v1 =	vmul.f32 v1, v15;
	v0 =	vmul.f32 v0, v9;
	[tilespmem:s25+$0x7D80] =	vst v2  }
0x302: {  	v2 =	vmul.f32 v13, v21;
	[tilespmem:s25+$0x7C50] =	vst v5  }
0x303: {  	v5 =	vmul.f32 v7, v13;
	[tilespmem:s25+$0x7CB0] =	vst v1  }
0x304: {  	[tilespmem:s25+$0x7C00] =	vst v2  }
0x305: {  	s0 =	sshra.s32 s0, $0x2;
	[tilespmem:s25+$0x7C80] =	vst v19  }
0x306: {  	v6 =	vld [tilespmem:s0+$0x7DB0];
	[tilespmem:s25+$0x7DF0] =	vst v12  }
0x307: {  	v8 =	vld [tilespmem:s0+$0x7CF0];
	[tilespmem:s25+$0x7C40] =	vst v3  }
0x308: {  	v2 =	vld [tilespmem:s0+$0x7D80];
	[tilespmem:s25+$0x7C20] =	vst v16  }
0x309: {  	v9 =	vld [tilespmem:s0+$0x7CE0];
	[tilespmem:s25+$0x7CC0] =	vst v0  }
0x30a: {  	v1 =	vld [tilespmem:s0+$0x7CB0];
	[tilespmem:s25+$0x7DD0] =	vst v4  }
.Ltmp7:
0x30b: {  	v7 =	vld [tilespmem:s0+$0x7C70];
	[tilespmem:s25+$0x7D60] =	vst v10;
	(pc) =	sbr.rel @p0 .LBB2_17-.Ltmp7, $4  }
0x30c: {  	v0 =	vld [tilespmem:s0+$0x7CC0];
	[tilespmem:s25+$0x7DA0] =	vst v11  }
0x30d: {  	v3 =	vld [tilespmem:s0+$0x7C40];
	[tilespmem:s25+$0x7C10] =	vst v5;
	s25 =	smov.u32 s0  }
0x30e: {  	v5 =	vld [tilespmem:s28+$0x0]  }
0x30f: {  	v4 =	vld [tilespmem:s25+$0x7DD0]  }
0x310: {  	_ =	sdelay $0x1  }
0x311: {  	v12 =	vld [tilespmem:s25+$0x7D70]  }
0x312: {  	v13 =	vld [tilespmem:s25+$0x7C60];
	v14 =	vbroadcast v5, $0x7;
	_ =	sdelay $0x1  }
0x313: {  	v16 =	vld [tilespmem:s25+$0x7D30];
	v28 =	vbroadcast v5, $0xB;
	v8 =	vmul.f32 v8, v14  }
0x314: {  	v29 =	vld [tilespmem:s25+$0x7D50];
	v18 =	vbroadcast v5, $0x3;
	v9 =	vmul.f32 v9, v14  }
0x315: {  	v15 =	vld [tilespmem:s25+$0x7D40];
	v12 =	vmul.f32 v12, v28;
	[tilespmem:s25+$0x7CF0] =	vst v8  }
0x316: {  	v31 =	vld [tilespmem:s25+$0x7D00];
	v32 =	vbroadcast v5, $0x9;
	v30 =	vmul.f32 v13, v18;
	[tilespmem:s25+$0x7CE0] =	vst v9  }
0x317: {  	v35 =	vld [tilespmem:s25+$0x7CA0];
	v20 =	vbroadcast v5, $0xA;
	v7 =	vmul.f32 v7, v18;
	[tilespmem:s25+$0x7D70] =	vst v12  }
0x318: {  	v36 =	vld [tilespmem:s25+$0x7C30];
	v34 =	vmul.f32 v16, v32;
	[tilespmem:s25+$0x7C60] =	vst v30  }
0x319: {  	v38 =	vbroadcast v5, $0x8;
	v14 =	vmul.f32 v29, v20;
	[tilespmem:s25+$0x7C70] =	vst v7  }
0x31a: {  	v44 =	vld [tilespmem:s25+$0x7DC0];
	v41 =	vbroadcast v5, $0x5;
	v15 =	vmul.f32 v15, v20;
	[tilespmem:s25+$0x7D30] =	vst v34  }
0x31b: {  	v46 =	vld [tilespmem:s25+$0x7DE0];
	v43 =	vbroadcast v5, $0x1;
	v13 =	vmul.f32 v31, v38;
	[tilespmem:s25+$0x7D50] =	vst v14  }
0x31c: {  	v22 =	vbroadcast v5, $0xD;
	v16 =	vmul.f32 v35, v41;
	[tilespmem:s25+$0x7D40] =	vst v15  }
0x31d: {  	v23 =	vld [tilespmem:s25+$0x7C50];
	v49 =	vbroadcast v5, $0xE;
	v18 =	vmul.f32 v36, v43;
	[tilespmem:s25+$0x7D00] =	vst v13  }
0x31e: {  	v25 =	vbroadcast v5, $0xF;
	v6 =	vmul.f32 v6, v22;
	[tilespmem:s25+$0x7CA0] =	vst v16  }
0x31f: {  	v24 =	vld [tilespmem:s25+$0x7C00];
	v48 =	vbroadcast v5, $0xC;
	v50 =	vmul.f32 v44, v49;
	[tilespmem:s25+$0x7C30] =	vst v18  }
0x320: {  	v40 =	vld [tilespmem:s25+$0x7C80];
	v52 =	vbroadcast v5, $0x2;
	v20 =	vmul.f32 v46, v25;
	[tilespmem:s25+$0x7DB0] =	vst v6  }
0x321: {  	v47 =	vld [tilespmem:s25+$0x7DF0];
	v2 =	vmul.f32 v2, v48;
	[tilespmem:s25+$0x7DC0] =	vst v50  }
0x322: {  	v53 =	vbroadcast v5, $0x0;
	v54 =	vmul.f32 v23, v52;
	[tilespmem:s25+$0x7DE0] =	vst v20  }
0x323: {  	v19 =	vld [tilespmem:s25+$0x7C20];
	v21 =	vbroadcast v5, $0x4;
	v1 =	vmul.f32 v1, v41;
	[tilespmem:s25+$0x7D80] =	vst v2  }
0x324: {  	v55 =	vmul.f32 v53, v24;
	[tilespmem:s25+$0x7C50] =	vst v54  }
0x325: {  	v56 =	vmul.f32 v40, v21;
	[tilespmem:s25+$0x7CB0] =	vst v1  }
0x326: {  	v10 =	vld [tilespmem:s25+$0x7D60];
	v57 =	vmul.f32 v47, v25;
	[tilespmem:s25+$0x7C00] =	vst v55  }
0x327: {  	v11 =	vld [tilespmem:s25+$0x7DA0];
	v45 =	vbroadcast v5, $0x6;
	v58 =	vmul.f32 v3, v52;
	[tilespmem:s25+$0x7C80] =	vst v56  }
0x328: {  	v51 =	vld [tilespmem:s25+$0x7C10];
	v59 =	vmul.f32 v19, v43;
	[tilespmem:s25+$0x7DF0] =	vst v57  }
0x329: {  	v17 =	vld [tilespmem:s25+$0x7D20];
	v0 =	vmul.f32 v0, v45;
	[tilespmem:s25+$0x7C40] =	vst v58  }
0x32a: {  	v37 =	vld [tilespmem:s25+$0x7CD0];
	v60 =	vmul.f32 v4, v49;
	[tilespmem:s25+$0x7C20] =	vst v59  }
0x32b: {  	v39 =	vld [tilespmem:s25+$0x7C90];
	v61 =	vmul.f32 v10, v28;
	[tilespmem:s25+$0x7CC0] =	vst v0  }
0x32c: {  	v42 =	vld [tilespmem:s25+$0x7D90];
	v62 =	vmul.f32 v11, v22;
	[tilespmem:s25+$0x7DD0] =	vst v60  }
0x32d: {  	v33 =	vld [tilespmem:s25+$0x7D10];
	v63 =	vmul.f32 v51, v53;
	[tilespmem:s25+$0x7D60] =	vst v61  }
0x32e: {  	v9 =	vmul.f32 v17, v32;
	[tilespmem:s25+$0x7DA0] =	vst v62  }
0x32f: {  	v7 =	vmul.f32 v37, v45;
	[tilespmem:s25+$0x7C10] =	vst v63  }
0x330: {  	v17 =	vmul.f32 v39, v21;
	[tilespmem:s25+$0x7D20] =	vst v9  }
0x331: {  	v12 =	vmul.f32 v42, v48;
	[tilespmem:s25+$0x7CD0] =	vst v7  }
0x332: {  	v9 =	vmul.f32 v33, v38;
	[tilespmem:s25+$0x7C90] =	vst v17  }
0x333: {  	[tilespmem:s25+$0x7D90] =	vst v12  }
0x334: {  	[tilespmem:s25+$0x7D10] =	vst v9  }
0x335: {  	[spmem:s5] =	stream.indirect.scatter.add.f32 [tilespmem:s10], [sflag:$0x2], $0x20, s2, s20, $0xb8;
	[tilespmem:$0x10C00] =	vst v63  }
0x336: {  	_ =	swait.ge [sflag:s18], $0x1000  }
0x337: {  	[sflag:s18] =	ssyncset.done $0x0  }
0x338: {  	[sflag:s18] =	ssyncadd.s32 $0xFFFFF000  }
0x339: {  	_ =	swait.ge [sflag:s18], $0x1000  }
0x33a: {  	[sflag:s18] =	ssyncset.done $0x0  }
0x33b: {  	[sflag:s18] =	ssyncadd.s32 $0xFFFFF000  }
0x33c: {  	_ =	swait.ge [sflag:s18], $0x1000  }
0x33d: {  	[sflag:s18] =	ssyncset.done $0x0  }
0x33e: {  	[sflag:s18] =	ssyncadd.s32 $0xFFFFF000  }
0x33f: {  	_ =	swait.ge [sflag:s18], $0x1000  }
0x340: {  	[sflag:s18] =	ssyncset.done $0x0  }
0x341: {  	[sflag:s18] =	ssyncadd.s32 $0xFFFFF000  }
0x342: {  	_ =	swait.ge [sflag:s18], $0x1000  }
0x343: {  	[sflag:s18] =	ssyncset.done $0x0  }
0x344: {  	[sflag:s18] =	ssyncadd.s32 $0xFFFFF000  }
0x345: {  	_ =	swait.ge [sflag:s18], $0x1000  }
0x346: {  	[sflag:s18] =	ssyncset.done $0x0  }
0x347: {  	[sflag:s18] =	ssyncadd.s32 $0xFFFFF000  }
0x348: {  	p0 =	sne.s32 s23, $0x11;
	_ =	swait.ge [sflag:s18], $0x1000  }
.Ltmp8:
0x349: {  	[sflag:s18] =	ssyncset.done $0x0;
	(pc) =	sbr.rel @p0 .LBB2_2-.Ltmp8, $4  }
0x34a: {  	[sflag:s18] =	ssyncadd.s32 $0xFFFFF000  }
0x34b: {  	_ =	swait.ge [sflag:s18], $0x1000  }
0x34c: {  	[sflag:s18] =	ssyncset.done $0x0  }
0x34d: {  	[sflag:s18] =	ssyncadd.s32 $0xFFFFF000  }
0x34e: {  	_ =	swait.ge [sflag:s19], $0x400  }
0x34f: {  	[sflag:s19] =	ssyncset.done $0x0  }
0x350: {  	[sflag:s19] =	ssyncadd.s32 $0xFFFFFC00  }
0x351: {  	[bflag:$0x0] =	sbarrier.arrive $0xFFFF  }
0x352: {  	s23 =	rddreg [dreg:$0x8]  }
0x353: {  	s0 =	rddreg [dreg:$0xa]  }
0x354: {  	s25 =	rddreg [dreg:$0xc]  }
0x355: {  	[hbm:s0], [sflag:s23] =	dma.local [spmem:s25], $0x1000  }
0x356: {  	_ =	swait.ge [sflag:s16], $0x1000  }
0x357: {  	s28 =	rddreg [dreg:$0xd]  }
0x358: {  	s30 =	rddreg [dreg:$0xb];
	s28 =	sadd.s32 $0x1, s28  }
0x359: {  	p0 =	sne.s32 s28, s30  }
.Ltmp9:
0x35a: {  	_ = 	snop;
	(pc) =	sbr.rel @p0 .LBB2_1-.Ltmp9, $3  }
0x35b: {  	_ =	sdelay $0x1  }
0x35c: {  	[sflag:s16] =	ssyncset.done $0x0  }
0x35d: {  	[sflag:s16] =	ssyncadd.s32 $0xFFFFF000  }
0x35e: {  	_ =	sfence.sel $0x180000  }
0x35f: {  	[bflag:$0x0] =	sbarrier.arrive $0xFFFF  }
0x360: {  	_ =	strace $0x90000047  }
0x361: {  	s0 =	stileid.u32;
	[bflag:$0x2] =	sbarrier.arrive $0xFFFF  }
0x362: {  	p0 =	sne.s32 s0, $0x0;
	s0 =	rddreg [dreg:$0x6]  }
0x363: {  	s0 =	sadd.s32 @!p0 $0x100000, s0  }
0x364: {  	[sflag:s0] =	ssyncadd.tile.s32 @!p0 $0x1;
	_ =	shalt  }
.Lfunc_end2:
_tile_overlayer_lowered:
.L_overlay_start_2:
0x365: {  	(tag) =	ssettag $0x2  }
0x366: {  	s0 =	rddreg [dreg:$0x0];
	s2 =	stileid.u32  }
0x367: {  	s1 =	rddreg [dreg:$0x1];
	p0 =	sne.s32 s2, $0x0  }
0x368: {  	s3 =	rddreg [dreg:$0x2];
	[bflag:$0x3] =	sbarrier.arrive $0xFFFF;
	s2 =	simm.s32 @!p0 $0x1C04  }
0x369: {  	[timem:s3], [sflag:s2] =	dma.local @!p0 [hbm:s0], s1  }
0x36a: {  	s0 =	simm.s32 @!p0 $0x4  }
0x36b: {  	_ =	swait.ge @!p0 [sflag:s0], s1  }
0x36c: {  	s1 =	ssub.s32 @!p0 $0x0, s1;
	[sflag:s0] =	ssyncset.done @!p0 $0x0  }
0x36d: {  	[sflag:s0] =	ssyncadd.s32 @!p0 s1  }
0x36e: {  	[bflag:$0x3] =	sbarrier.arrive $0xFFFF  }
0x36f: {  	_ =	shalt  }

</sc_bundles>
